<compile_context>
chip_gen: v7x
topology: tpu7x:2x2x1
jax: 0.10.2.dev20260603
libtpu: 0.0.44.dev20260713+nightly
codegen_flags: <defaults>
</compile_context>

<pallas_src>
import functools

import jax
import jax.numpy as jnp
import numpy as np
from jax import lax
from jax.experimental import pallas as pl
from jax.experimental.pallas import tpu as pltpu
from jax.experimental.pallas import tpu_sc as plsc

N_PAD = 10240
W = 32
CHUNK = 128
NTILES = 32
NBUF = 8
LAG = NBUF // 2
DEG_W = 8
PACK = 4
N4 = N_PAD // PACK
R4 = 512
GRID = N4 // R4


def _make_sc_deg(e_pad):
    ept = e_pad // NTILES
    nchunks = ept // CHUNK
    rps = N_PAD // 16
    mesh = plsc.VectorSubcoreMesh(core_axis_name="c", subcore_axis_name="s")

    @functools.partial(
        pl.kernel,
        out_type=jax.ShapeDtypeStruct((2, N_PAD, DEG_W), jnp.float32),
        mesh=mesh,
        scratch_types=[
            pltpu.VMEM((nchunks, CHUNK), jnp.int32),
            pltpu.VMEM((CHUNK, DEG_W), jnp.float32),
            pltpu.VMEM_SHARED((N_PAD, DEG_W), jnp.float32),
            [pltpu.SemaphoreType.DMA] * 3,
        ],
        compiler_params=pltpu.CompilerParams(use_tc_tiling_on_sc=False),
    )
    def deg_kernel(ei_hbm, ones_hbm, zeros_hbm, out_hbm, dst_v, ones_v,
                   acc_sh, sems):
        cid = lax.axis_index("c")
        sid = lax.axis_index("s")
        wid = sid * 2 + cid
        stage = [
            pltpu.async_copy(zeros_hbm.at[pl.ds(sid * rps, rps)],
                             acc_sh.at[pl.ds(sid * rps, rps)], sems[0]),
            pltpu.async_copy(ei_hbm.at[1].at[pl.ds(wid * nchunks, nchunks)],
                             dst_v, sems[1]),
            pltpu.async_copy(ones_hbm, ones_v, sems[2]),
        ]
        for s in stage:
            s.wait()
        plsc.subcore_barrier()

        def body(j, carry):
            pltpu.sync_copy(ones_v, acc_sh.at[dst_v.at[j]], add=True)
            return carry

        lax.fori_loop(0, nchunks, body, 0)
        plsc.subcore_barrier()
        pltpu.sync_copy(acc_sh.at[pl.ds(sid * rps, rps)],
                        out_hbm.at[cid].at[pl.ds(sid * rps, rps)])

    return deg_kernel


def _make_sc_agg(e_pad):
    ept = e_pad // NTILES
    nchunks = ept // CHUNK
    nsteps = nchunks // NBUF
    rps = N_PAD // 16
    mesh = plsc.VectorSubcoreMesh(core_axis_name="c", subcore_axis_name="s")

    @functools.partial(
        pl.kernel,
        out_type=jax.ShapeDtypeStruct((2, N_PAD, W), jnp.float32),
        mesh=mesh,
        scratch_types=[
            pltpu.VMEM((nchunks, CHUNK), jnp.int32),
            pltpu.VMEM((nchunks, CHUNK), jnp.int32),
            pltpu.VMEM((NBUF, CHUNK, W), jnp.float32),
            pltpu.VMEM_SHARED((N_PAD, W), jnp.float32),
            pltpu.VMEM_SHARED((N_PAD, W), jnp.float32),
            [pltpu.SemaphoreType.DMA] * NBUF,
            [pltpu.SemaphoreType.DMA] * NBUF,
        ],
        compiler_params=pltpu.CompilerParams(use_tc_tiling_on_sc=False),
    )
    def agg_kernel(ei_hbm, g_hbm, zeros_hbm, out_hbm,
                   src_v, dst_v, rows_v, acc_sh, g_sh, gsems, ssems):
        cid = lax.axis_index("c")
        sid = lax.axis_index("s")
        wid = sid * 2 + cid
        stage = [
            pltpu.async_copy(zeros_hbm.at[pl.ds(sid * rps, rps)],
                             acc_sh.at[pl.ds(sid * rps, rps)], gsems[0]),
            pltpu.async_copy(g_hbm.at[pl.ds(sid * rps, rps)],
                             g_sh.at[pl.ds(sid * rps, rps)], gsems[1]),
            pltpu.async_copy(ei_hbm.at[0].at[pl.ds(wid * nchunks, nchunks)],
                             src_v, gsems[2]),
            pltpu.async_copy(ei_hbm.at[1].at[pl.ds(wid * nchunks, nchunks)],
                             dst_v, gsems[3]),
        ]
        for s in stage:
            s.wait()
        plsc.subcore_barrier()

        def issue_gather(j, b):
            pltpu.async_copy(g_sh.at[src_v.at[j]], rows_v.at[b], gsems[b])

        def wait_gather(j, b):
            pltpu.make_async_copy(
                g_sh.at[src_v.at[j]], rows_v.at[b], gsems[b]).wait()

        def wait_scatter(b):
            pltpu.make_async_copy(rows_v.at[b], acc_sh.at[dst_v.at[0]],
                                  ssems[b]).wait()

        for b in range(LAG):
            issue_gather(b, b)

        def body(t, carry):
            for b in range(NBUF):
                j = t * NBUF + b
                b4 = (b + LAG) % NBUF
                wait_gather(j, b)
                pltpu.async_copy(rows_v.at[b], acc_sh.at[dst_v.at[j]],
                                 ssems[b], add=True)
                if b < LAG:
                    @pl.when(t > 0)
                    def _():
                        wait_scatter(b4)
                    issue_gather(j + LAG, b4)
                else:
                    wait_scatter(b4)

                    @pl.when(t < nsteps - 1)
                    def _():
                        issue_gather(j + LAG, b4)
            return carry

        lax.fori_loop(0, nsteps, body, 0)
        for b in range(LAG, NBUF):
            wait_scatter(b)
        plsc.subcore_barrier()
        pltpu.sync_copy(acc_sh.at[pl.ds(sid * rps, rps)],
                        out_hbm.at[cid].at[pl.ds(sid * rps, rps)])

    return agg_kernel


def _tc1_body(deg_ref, x_ref, w_ref, p_ref, l_ref, g_ref, dis_ref):
    din = deg_ref[0] + deg_ref[1]
    e = jnp.dot(p_ref[...], din, preferred_element_type=jnp.float32)
    rq = lax.broadcasted_iota(jnp.int32, (R4, 1), 0) % PACK
    deg = jnp.zeros((R4, PACK * W), jnp.float32)
    for q in range(PACK):
        lq = l_ref[q * (PACK * W):(q + 1) * (PACK * W)]
        deg += jnp.where(rq == q,
                         jnp.dot(e, lq, preferred_element_type=jnp.float32),
                         0.0)
    dis = lax.rsqrt(deg + 1.0)
    dis_ref[...] = dis
    h = jnp.dot(x_ref[...], w_ref[...], preferred_element_type=jnp.float32)
    g_ref[...] = h * dis


def _l2relu(pre, bd_ref):
    nrmsq = jnp.dot(pre * pre, bd_ref[...], preferred_element_type=jnp.float32)
    nrm = jnp.sqrt(nrmsq)
    return jnp.maximum(pre / jnp.maximum(nrm, 1e-12), 0.0)


def _tc_layer_body(s_ref, g_ref, dis_ref, b_ref, w_ref, bd_ref,
                   out_ref, gn_ref):
    dis = dis_ref[...]
    pre = (s_ref[0] + s_ref[1] + g_ref[...]) * dis + b_ref[...]
    o = _l2relu(pre, bd_ref)
    out_ref[...] = o
    gn_ref[...] = jnp.dot(o, w_ref[...], preferred_element_type=jnp.float32) * dis


def _tc_final_body(s_ref, g_ref, dis_ref, b_ref, o1_ref, o2_ref,
                   wl1_ref, wl2_ref, wl3_ref, bl_ref, bd_ref, out_ref):
    dis = dis_ref[...]
    pre = (s_ref[0] + s_ref[1] + g_ref[...]) * dis + b_ref[...]
    o3 = _l2relu(pre, bd_ref)
    out_ref[...] = (
        jnp.dot(o1_ref[...], wl1_ref[...], preferred_element_type=jnp.float32)
        + jnp.dot(o2_ref[...], wl2_ref[...], preferred_element_type=jnp.float32)
        + jnp.dot(o3, wl3_ref[...], preferred_element_type=jnp.float32)
        + bl_ref[...])


def _node_spec(width):
    return pl.BlockSpec((R4, width), lambda i: (i, 0))


def _part_spec(width):
    return pl.BlockSpec((2, R4, width), lambda i: (0, i, 0))


def _full_spec(shape):
    return pl.BlockSpec(shape, lambda i: tuple(0 for _ in shape))


def kernel(x, edge_index, W1, b1, W2, b2, W3, b3, Wl, bl):
    n, d_in = x.shape
    e = edge_index.shape[1]
    h = W1.shape[1]
    c = Wl.shape[1]
    step = NTILES * CHUNK * NBUF
    e_pad = ((e + step - 1) // step) * step

    ei2 = jnp.pad(edge_index, ((0, 0), (0, e_pad - e)),
                  constant_values=n).reshape(2, e_pad // CHUNK, CHUNK)

    eye4 = np.eye(PACK, dtype=np.float32)
    w1p = jnp.pad(W1, ((0, 0), (0, W - h)))
    w1bd = jnp.kron(eye4, w1p)
    w2p = jnp.pad(W2, ((0, W - h), (0, W - h)))
    w3p = jnp.pad(W3, ((0, W - h), (0, W - h)))
    w2bd = jnp.kron(eye4, w2p)
    w3bd = jnp.kron(eye4, w3p)
    bd128 = jnp.asarray(np.kron(eye4, np.ones((W, W), np.float32)))
    b1p = jnp.tile(jnp.pad(b1, (0, W - h)), PACK).reshape(1, PACK * W)
    b2p = jnp.tile(jnp.pad(b2, (0, W - h)), PACK).reshape(1, PACK * W)
    b3p = jnp.tile(jnp.pad(b3, (0, W - h)), PACK).reshape(1, PACK * W)
    wl1p = jnp.pad(Wl[0:h], ((0, W - h), (0, W - c)))
    wl2p = jnp.pad(Wl[h:2 * h], ((0, W - h), (0, W - c)))
    wl3p = jnp.pad(Wl[2 * h:3 * h], ((0, W - h), (0, W - c)))
    wl1bd = jnp.kron(eye4, wl1p)
    wl2bd = jnp.kron(eye4, wl2p)
    wl3bd = jnp.kron(eye4, wl3p)
    blp = jnp.tile(jnp.pad(bl, (0, W - c)), PACK).reshape(1, PACK * W)

    xp4 = jnp.pad(x, ((0, N_PAD - n), (0, 0))).reshape(N4, PACK * d_in)
    zeros_w = jnp.zeros((N_PAD, W), jnp.float32)
    zeros_d = jnp.zeros((N_PAD, DEG_W), jnp.float32)
    ones_d = jnp.ones((CHUNK, DEG_W), jnp.float32)

    sc_deg = _make_sc_deg(e_pad)
    sc_agg = _make_sc_agg(e_pad)

    pmat = jnp.asarray(np.kron(np.eye(R4 // PACK, dtype=np.float32),
                               np.ones((PACK, 1), np.float32)))
    lm = np.zeros((PACK, PACK * W, PACK * W), np.float32)
    qq, aa, jj = np.meshgrid(np.arange(PACK), np.arange(PACK),
                             np.arange(W), indexing="ij")
    lm[qq, (PACK * qq + aa) * DEG_W, W * aa + jj] = 1.0
    lmats = jnp.asarray(lm.reshape(PACK * PACK * W, PACK * W))

    deg2 = sc_deg(ei2, ones_d, zeros_d)
    deg8 = deg2.reshape(2, N_PAD * DEG_W // 128, 128)

    tc1 = pl.pallas_call(
        _tc1_body,
        grid=(GRID,),
        in_specs=[pl.BlockSpec((2, R4 // PACK, 128), lambda i: (0, i, 0)),
                  _node_spec(PACK * d_in),
                  _full_spec((PACK * d_in, PACK * W)),
                  _full_spec((R4, R4 // PACK)),
                  _full_spec((PACK * PACK * W, PACK * W))],
        out_specs=[_node_spec(PACK * W), _node_spec(PACK * W)],
        out_shape=[jax.ShapeDtypeStruct((N4, PACK * W), jnp.float32),
                   jax.ShapeDtypeStruct((N4, PACK * W), jnp.float32)],
    )
    g1, dis4 = tc1(deg8, xp4, w1bd, pmat, lmats)

    tc_layer = pl.pallas_call(
        _tc_layer_body,
        grid=(GRID,),
        in_specs=[_part_spec(PACK * W), _node_spec(PACK * W),
                  _node_spec(PACK * W), _full_spec((1, PACK * W)),
                  _full_spec((PACK * W, PACK * W)),
                  _full_spec((PACK * W, PACK * W))],
        out_specs=[_node_spec(PACK * W), _node_spec(PACK * W)],
        out_shape=[jax.ShapeDtypeStruct((N4, PACK * W), jnp.float32),
                   jax.ShapeDtypeStruct((N4, PACK * W), jnp.float32)],
    )

    s1 = sc_agg(ei2, g1.reshape(N_PAD, W), zeros_w).reshape(2, N4, PACK * W)
    out1, g2 = tc_layer(s1, g1, dis4, b1p, w2bd, bd128)
    s2 = sc_agg(ei2, g2.reshape(N_PAD, W), zeros_w).reshape(2, N4, PACK * W)
    out2, g3 = tc_layer(s2, g2, dis4, b2p, w3bd, bd128)
    s3 = sc_agg(ei2, g3.reshape(N_PAD, W), zeros_w).reshape(2, N4, PACK * W)

    tc_final = pl.pallas_call(
        _tc_final_body,
        grid=(GRID,),
        in_specs=[_part_spec(PACK * W), _node_spec(PACK * W),
                  _node_spec(PACK * W), _full_spec((1, PACK * W)),
                  _node_spec(PACK * W), _node_spec(PACK * W),
                  _full_spec((PACK * W, PACK * W)),
                  _full_spec((PACK * W, PACK * W)),
                  _full_spec((PACK * W, PACK * W)),
                  _full_spec((1, PACK * W)),
                  _full_spec((PACK * W, PACK * W))],
        out_specs=_node_spec(PACK * W),
        out_shape=jax.ShapeDtypeStruct((N4, PACK * W), jnp.float32),
    )
    logits4 = tc_final(s3, g3, dis4, b3p, out1, out2,
                       wl1bd, wl2bd, wl3bd, blp, bd128)
    return logits4.reshape(N_PAD, W)[:n, :c]

# --- scband reference (transcript-rebuilt; emitter-appended) ---
"""Pipeline reference for scband-node-gcn-1589137899686 (READ-ONLY COPY).

The authoritative reference and input builder live on the scoring server;
editing this copy changes nothing except your own understanding.
"""

import jax, jax.numpy as jnp
import numpy as np

N = 10000
E = 320000
D = 128
H = 20
C = 10


def setup_inputs(seed: int = 0) -> dict:
    key = jax.random.key(seed)
    ks = jax.random.split(key, 12)
    x = jax.random.normal(ks[0], (N, D), dtype=jnp.float32)
    edge_index = jax.random.randint(ks[1], (2, E), 0, N, dtype=jnp.int32)
    # GCNConv weights (applied before aggregation) + bias (added after)
    W1 = jax.random.normal(ks[2], (D, H), dtype=jnp.float32) * (1.0 / np.sqrt(D))
    b1 = jnp.zeros((H,), dtype=jnp.float32)
    W2 = jax.random.normal(ks[3], (H, H), dtype=jnp.float32) * (1.0 / np.sqrt(H))
    b2 = jnp.zeros((H,), dtype=jnp.float32)
    W3 = jax.random.normal(ks[4], (H, H), dtype=jnp.float32) * (1.0 / np.sqrt(H))
    b3 = jnp.zeros((H,), dtype=jnp.float32)
    Wl = jax.random.normal(ks[5], (3 * H, C), dtype=jnp.float32) * (1.0 / np.sqrt(3 * H))
    bl = jnp.zeros((C,), dtype=jnp.float32)
    return {"x": x, "edge_index": edge_index, "W1": W1, "b1": b1, "W2": W2, "b2": b2, "W3": W3, "b3": b3, "Wl": Wl, "bl": bl}


def _gcn_conv(h_in, src, dst, W, b, n_nodes):
    # PyG GCNConv: out = D^-1/2 (A + I) D^-1/2 (X W) + b (self loops already in src/dst)
    h = h_in @ W
    ones = jnp.ones(src.shape[0], dtype=h.dtype)
    deg = jax.ops.segment_sum(ones, dst, num_segments=n_nodes)
    dis = jnp.where(deg > 0, jax.lax.rsqrt(jnp.maximum(deg, 1e-12)), 0.0)
    norm = dis[src] * dis[dst]
    msg = h[src] * norm[:, None]
    out = jax.ops.segment_sum(msg, dst, num_segments=n_nodes)
    return out + b


def _l2_normalize(h):
    # torch.nn.functional.normalize(h, p=2, dim=1), eps=1e-12
    nrm = jnp.sqrt(jnp.sum(h * h, axis=1, keepdims=True))
    return h / jnp.maximum(nrm, 1e-12)


def reference(x, edge_index, W1, b1, W2, b2, W3, b3, Wl, bl):
    n_nodes = x.shape[0]
    loop = jnp.arange(n_nodes, dtype=edge_index.dtype)
    src = jnp.concatenate([edge_index[0], loop])
    dst = jnp.concatenate([edge_index[1], loop])
    out1 = jax.nn.relu(_l2_normalize(_gcn_conv(x, src, dst, W1, b1, n_nodes)))
    out2 = jax.nn.relu(_l2_normalize(_gcn_conv(out1, src, dst, W2, b2, n_nodes)))
    out3 = jax.nn.relu(_l2_normalize(_gcn_conv(out2, src, dst, W3, b3, n_nodes)))
    input_lin = jnp.concatenate([out1, out2, out3], axis=1)
    return input_lin @ Wl + bl

if __name__ == "__main__":
    import jax
    _d = setup_inputs()
    print(jax.jit(kernel)(*tuple(_d.values())))

</pallas_src>

<mosaic_0001>
#map = affine_map<(d0, d1) -> (0, 0, 0)>
#map1 = affine_map<(d0, d1) -> (0, 0)>
module attributes {stable_mosaic.version = 14 : i64} {
  func.func @deg_kernel(%arg0: i32, %arg1: i32, %arg2: memref<2x2560x128xi32, #tpu.memory_space<hbm>>, %arg3: memref<128x8xf32, #tpu.memory_space<hbm>>, %arg4: memref<10240x8xf32, #tpu.memory_space<hbm>>, %arg5: memref<2x10240x8xf32, #tpu.memory_space<hbm>>, %arg6: memref<80x128xi32, #tpu.memory_space<vmem>>, %arg7: memref<128x8xf32, #tpu.memory_space<vmem>>, %arg8: memref<10240x8xf32, #tpu.memory_space<vmem_shared>>, %arg9: memref<!tpu.dma_semaphore, #tpu.memory_space<semaphore_mem>>, %arg10: memref<!tpu.dma_semaphore, #tpu.memory_space<semaphore_mem>>, %arg11: memref<!tpu.dma_semaphore, #tpu.memory_space<semaphore_mem>>) attributes {dimension_semantics = [#tpu.dimension_semantics<core_parallel>, #tpu.dimension_semantics<subcore_parallel>], iteration_bounds = array<i64: 2, 16>, scalar_prefetch = 0 : i64, scratch_operands = 6 : i64, tpu.core_type = #tpu.core_type<sc_vector_subcore>, window_params = [{transform_indices = #map}, {transform_indices = #map1}, {transform_indices = #map1}, {transform_indices = #map}]} {
    %mul3A = arith.constant 2 : i32
    %mul3A_0 = arith.muli %arg1, %mul3A : i32
    %add3A = arith.addi %mul3A_0, %arg0 : i32
    %mul3A_1 = arith.constant 640 : i32
    %mul3A_2 = arith.muli %arg1, %mul3A_1 : i32
    %mul3A_3 = arith.constant 640 : i32
    %mul3A_4 = arith.muli %arg1, %mul3A_3 : i32
    %dma_start3A = arith.constant 0 : i32
    %dma_start3A_5 = tpu.memref_slice %arg8[%mul3A_4, %dma_start3A] : memref<10240x8xf32, #tpu.memory_space<vmem_shared>> -> memref<640x8xf32, #tpu.memory_space<vmem_shared>>
    %dma_start3A_6 = arith.constant 0 : i32
    %dma_start3A_7 = tpu.memref_slice %arg4[%mul3A_2, %dma_start3A_6] : memref<10240x8xf32, #tpu.memory_space<hbm>> -> memref<640x8xf32, #tpu.memory_space<hbm>>
    tpu.enqueue_dma source(%dma_start3A_7 : memref<640x8xf32, #tpu.memory_space<hbm>>) target(%dma_start3A_5 : memref<640x8xf32, #tpu.memory_space<vmem_shared>>) target_semaphore(%arg9 : memref<!tpu.dma_semaphore, #tpu.memory_space<semaphore_mem>>)
    %mul3A_8 = arith.constant 80 : i32
    %mul3A_9 = arith.muli %add3A, %mul3A_8 : i32
    %dma_start3A_10 = arith.constant 1 : i32
    %dma_start3A_11 = arith.constant 0 : i32
    %dma_start3A_12 = arith.constant 0 : i32
    %dma_start3A_13 = tpu.memref_slice %arg2[%dma_start3A_10, %dma_start3A_11, %dma_start3A_12] : memref<2x2560x128xi32, #tpu.memory_space<hbm>> -> memref<1x2560x128xi32, #tpu.memory_space<hbm>>
    %dma_start3A_14 = tpu.memref_squeeze %dma_start3A_13 : memref<1x2560x128xi32, #tpu.memory_space<hbm>> -> memref<2560x128xi32, #tpu.memory_space<hbm>>
    %dma_start3A_15 = arith.constant 0 : i32
    %dma_start3A_16 = tpu.memref_slice %dma_start3A_14[%mul3A_9, %dma_start3A_15] : memref<2560x128xi32, #tpu.memory_space<hbm>> -> memref<80x128xi32, #tpu.memory_space<hbm>>
    %dma_start3A_17 = arith.constant 0 : i32
    %dma_start3A_18 = arith.constant 0 : i32
    %dma_start3A_19 = tpu.memref_slice %arg2[%dma_start3A_10, %dma_start3A_17, %dma_start3A_18] : memref<2x2560x128xi32, #tpu.memory_space<hbm>> -> memref<1x2560x128xi32, #tpu.memory_space<hbm>>
    %dma_start3A_20 = tpu.memref_squeeze %dma_start3A_19 : memref<1x2560x128xi32, #tpu.memory_space<hbm>> -> memref<2560x128xi32, #tpu.memory_space<hbm>>
    %dma_start3A_21 = arith.constant 0 : i32
    %dma_start3A_22 = tpu.memref_slice %dma_start3A_20[%mul3A_9, %dma_start3A_21] : memref<2560x128xi32, #tpu.memory_space<hbm>> -> memref<80x128xi32, #tpu.memory_space<hbm>>
    tpu.enqueue_dma source(%dma_start3A_22 : memref<80x128xi32, #tpu.memory_space<hbm>>) target(%arg6 : memref<80x128xi32, #tpu.memory_space<vmem>>) target_semaphore(%arg10 : memref<!tpu.dma_semaphore, #tpu.memory_space<semaphore_mem>>)
    tpu.enqueue_dma source(%arg3 : memref<128x8xf32, #tpu.memory_space<hbm>>) target(%arg7 : memref<128x8xf32, #tpu.memory_space<vmem>>) target_semaphore(%arg11 : memref<!tpu.dma_semaphore, #tpu.memory_space<semaphore_mem>>)
    %dma_wait3A = arith.constant 0 : i32
    %dma_wait3A_23 = tpu.memref_slice %arg8[%mul3A_4, %dma_wait3A] : memref<10240x8xf32, #tpu.memory_space<vmem_shared>> -> memref<640x8xf32, #tpu.memory_space<vmem_shared>>
    %dma_wait3A_24 = arith.constant 0 : i32
    %dma_wait3A_25 = tpu.memref_slice %arg4[%mul3A_2, %dma_wait3A_24] : memref<10240x8xf32, #tpu.memory_space<hbm>> -> memref<640x8xf32, #tpu.memory_space<hbm>>
    tpu.wait_dma2 semaphore(%arg9 : memref<!tpu.dma_semaphore, #tpu.memory_space<semaphore_mem>>) src(%dma_wait3A_25 : memref<640x8xf32, #tpu.memory_space<hbm>>) dst(%dma_wait3A_23 : memref<640x8xf32, #tpu.memory_space<vmem_shared>>)
    %dma_wait3A_26 = arith.constant 1 : i32
    %dma_wait3A_27 = arith.constant 0 : i32
    %dma_wait3A_28 = arith.constant 0 : i32
    %dma_wait3A_29 = tpu.memref_slice %arg2[%dma_wait3A_26, %dma_wait3A_27, %dma_wait3A_28] : memref<2x2560x128xi32, #tpu.memory_space<hbm>> -> memref<1x2560x128xi32, #tpu.memory_space<hbm>>
    %dma_wait3A_30 = tpu.memref_squeeze %dma_wait3A_29 : memref<1x2560x128xi32, #tpu.memory_space<hbm>> -> memref<2560x128xi32, #tpu.memory_space<hbm>>
    %dma_wait3A_31 = arith.constant 0 : i32
    %dma_wait3A_32 = tpu.memref_slice %dma_wait3A_30[%mul3A_9, %dma_wait3A_31] : memref<2560x128xi32, #tpu.memory_space<hbm>> -> memref<80x128xi32, #tpu.memory_space<hbm>>
    %dma_wait3A_33 = arith.constant 0 : i32
    %dma_wait3A_34 = arith.constant 0 : i32
    %dma_wait3A_35 = tpu.memref_slice %arg2[%dma_wait3A_26, %dma_wait3A_33, %dma_wait3A_34] : memref<2x2560x128xi32, #tpu.memory_space<hbm>> -> memref<1x2560x128xi32, #tpu.memory_space<hbm>>
    %dma_wait3A_36 = tpu.memref_squeeze %dma_wait3A_35 : memref<1x2560x128xi32, #tpu.memory_space<hbm>> -> memref<2560x128xi32, #tpu.memory_space<hbm>>
    %dma_wait3A_37 = arith.constant 0 : i32
    %dma_wait3A_38 = tpu.memref_slice %dma_wait3A_36[%mul3A_9, %dma_wait3A_37] : memref<2560x128xi32, #tpu.memory_space<hbm>> -> memref<80x128xi32, #tpu.memory_space<hbm>>
    tpu.wait_dma2 semaphore(%arg10 : memref<!tpu.dma_semaphore, #tpu.memory_space<semaphore_mem>>) src(%dma_wait3A_38 : memref<80x128xi32, #tpu.memory_space<hbm>>) dst(%arg6 : memref<80x128xi32, #tpu.memory_space<vmem>>)
    tpu.wait_dma2 semaphore(%arg11 : memref<!tpu.dma_semaphore, #tpu.memory_space<semaphore_mem>>) src(%arg3 : memref<128x8xf32, #tpu.memory_space<hbm>>) dst(%arg7 : memref<128x8xf32, #tpu.memory_space<vmem>>)
    %barrier3A = arith.constant 0 : index
    tpu.barrier barrier_id(%barrier3A)
    %scan3A = arith.constant 0 : i32
    %scan3A_39 = arith.constant 0 : i32
    %scan3A_40 = arith.constant 80 : i32
    %scan3A_41 = arith.addi %scan3A_39, %scan3A_40 : i32
    %scan3A_42 = arith.constant 1 : i32
    scf.for %scan3A_49 = %scan3A_39 to %scan3A_41 step %scan3A_42  : i32 {
      "tpu.region"() ({
        %run_scoped3A = tpu.sem_alloc : memref<!tpu.dma_semaphore, #tpu.memory_space<semaphore_mem>>
        %dma_start3A_50 = arith.constant 0 : i32
        %dma_start3A_51 = tpu.memref_slice %arg6[%scan3A_49, %dma_start3A_50] : memref<80x128xi32, #tpu.memory_space<vmem>> -> memref<1x128xi32, #tpu.memory_space<vmem>>
        %dma_start3A_52 = tpu.memref_squeeze %dma_start3A_51 : memref<1x128xi32, #tpu.memory_space<vmem>> -> memref<128xi32, #tpu.memory_space<vmem>>
        %dma_start3A_53 = arith.constant 0 : i32
        %dma_start3A_54 = arith.constant 0 : i32
        %dma_start3A_55 = tpu.memref_slice %arg8[%dma_start3A_53, %dma_start3A_54] : memref<10240x8xf32, #tpu.memory_space<vmem_shared>> -> memref<10240x8xf32, #tpu.memory_space<vmem_shared>>
        tpu.enqueue_indirect_dma source(%arg7 : memref<128x8xf32, #tpu.memory_space<vmem>>) target(%dma_start3A_55 : memref<10240x8xf32, #tpu.memory_space<vmem_shared>>) offsets(%dma_start3A_52 : memref<128xi32, #tpu.memory_space<vmem>>) semaphore(%run_scoped3A : memref<!tpu.dma_semaphore, #tpu.memory_space<semaphore_mem>>) {add = true}
        %dma_wait3A_56 = arith.constant 0 : i32
        %dma_wait3A_57 = tpu.memref_slice %arg6[%scan3A_49, %dma_wait3A_56] : memref<80x128xi32, #tpu.memory_space<vmem>> -> memref<1x128xi32, #tpu.memory_space<vmem>>
        %dma_wait3A_58 = tpu.memref_squeeze %dma_wait3A_57 : memref<1x128xi32, #tpu.memory_space<vmem>> -> memref<128xi32, #tpu.memory_space<vmem>>
        %dma_wait3A_59 = arith.constant 0 : i32
        %dma_wait3A_60 = arith.constant 0 : i32
        %dma_wait3A_61 = tpu.memref_slice %arg8[%dma_wait3A_59, %dma_wait3A_60] : memref<10240x8xf32, #tpu.memory_space<vmem_shared>> -> memref<10240x8xf32, #tpu.memory_space<vmem_shared>>
        tpu.wait_indirect_dma semaphore(%run_scoped3A : memref<!tpu.dma_semaphore, #tpu.memory_space<semaphore_mem>>) src(%arg7 : memref<128x8xf32, #tpu.memory_space<vmem>>) dst(%dma_wait3A_61 : memref<10240x8xf32, #tpu.memory_space<vmem_shared>>)
        tpu.yield
      }) : () -> ()
    }
    %scan3A_43 = arith.constant 80 : i32
    %barrier3A_44 = arith.constant 0 : index
    tpu.barrier barrier_id(%barrier3A_44)
    %mul3A_45 = arith.constant 640 : i32
    %mul3A_46 = arith.muli %arg1, %mul3A_45 : i32
    %mul3A_47 = arith.constant 640 : i32
    %mul3A_48 = arith.muli %arg1, %mul3A_47 : i32
    "tpu.region"() ({
      %run_scoped3A = tpu.sem_alloc : memref<!tpu.dma_semaphore, #tpu.memory_space<semaphore_mem>>
      %dma_start3A_49 = arith.constant 0 : i32
      %dma_start3A_50 = arith.constant 0 : i32
      %dma_start3A_51 = tpu.memref_slice %arg5[%arg0, %dma_start3A_49, %dma_start3A_50] : memref<2x10240x8xf32, #tpu.memory_space<hbm>> -> memref<1x10240x8xf32, #tpu.memory_space<hbm>>
      %dma_start3A_52 = tpu.memref_squeeze %dma_start3A_51 : memref<1x10240x8xf32, #tpu.memory_space<hbm>> -> memref<10240x8xf32, #tpu.memory_space<hbm>>
      %dma_start3A_53 = arith.constant 0 : i32
      %dma_start3A_54 = tpu.memref_slice %dma_start3A_52[%mul3A_48, %dma_start3A_53] : memref<10240x8xf32, #tpu.memory_space<hbm>> -> memref<640x8xf32, #tpu.memory_space<hbm>>
      %dma_start3A_55 = arith.constant 0 : i32
      %dma_start3A_56 = tpu.memref_slice %arg8[%mul3A_46, %dma_start3A_55] : memref<10240x8xf32, #tpu.memory_space<vmem_shared>> -> memref<640x8xf32, #tpu.memory_space<vmem_shared>>
      tpu.enqueue_dma source(%dma_start3A_56 : memref<640x8xf32, #tpu.memory_space<vmem_shared>>) target(%dma_start3A_54 : memref<640x8xf32, #tpu.memory_space<hbm>>) target_semaphore(%run_scoped3A : memref<!tpu.dma_semaphore, #tpu.memory_space<semaphore_mem>>)
      %dma_wait3A_57 = arith.constant 0 : i32
      %dma_wait3A_58 = arith.constant 0 : i32
      %dma_wait3A_59 = tpu.memref_slice %arg5[%arg0, %dma_wait3A_57, %dma_wait3A_58] : memref<2x10240x8xf32, #tpu.memory_space<hbm>> -> memref<1x10240x8xf32, #tpu.memory_space<hbm>>
      %dma_wait3A_60 = tpu.memref_squeeze %dma_wait3A_59 : memref<1x10240x8xf32, #tpu.memory_space<hbm>> -> memref<10240x8xf32, #tpu.memory_space<hbm>>
      %dma_wait3A_61 = arith.constant 0 : i32
      %dma_wait3A_62 = tpu.memref_slice %dma_wait3A_60[%mul3A_48, %dma_wait3A_61] : memref<10240x8xf32, #tpu.memory_space<hbm>> -> memref<640x8xf32, #tpu.memory_space<hbm>>
      %dma_wait3A_63 = arith.constant 0 : i32
      %dma_wait3A_64 = tpu.memref_slice %arg8[%mul3A_46, %dma_wait3A_63] : memref<10240x8xf32, #tpu.memory_space<vmem_shared>> -> memref<640x8xf32, #tpu.memory_space<vmem_shared>>
      tpu.wait_dma2 semaphore(%run_scoped3A : memref<!tpu.dma_semaphore, #tpu.memory_space<semaphore_mem>>) src(%dma_wait3A_64 : memref<640x8xf32, #tpu.memory_space<vmem_shared>>) dst(%dma_wait3A_62 : memref<640x8xf32, #tpu.memory_space<hbm>>)
      tpu.yield
    }) : () -> ()
    return
  }
}

#map = affine_map<(d0, d1) -> (0, 0, 0)>
#map1 = affine_map<(d0, d1) -> (0, 0)>
module attributes {stable_mosaic.version = 14 : i64} {
  func.func @agg_kernel(%arg0: i32, %arg1: i32, %arg2: memref<2x2560x128xi32, #tpu.memory_space<hbm>>, %arg3: memref<10240x32xf32, #tpu.memory_space<hbm>>, %arg4: memref<10240x32xf32, #tpu.memory_space<hbm>>, %arg5: memref<2x10240x32xf32, #tpu.memory_space<hbm>>, %arg6: memref<80x128xi32, #tpu.memory_space<vmem>>, %arg7: memref<80x128xi32, #tpu.memory_space<vmem>>, %arg8: memref<8x128x32xf32, #tpu.memory_space<vmem>>, %arg9: memref<10240x32xf32, #tpu.memory_space<vmem_shared>>, %arg10: memref<10240x32xf32, #tpu.memory_space<vmem_shared>>, %arg11: memref<!tpu.dma_semaphore, #tpu.memory_space<semaphore_mem>>, %arg12: memref<!tpu.dma_semaphore, #tpu.memory_space<semaphore_mem>>, %arg13: memref<!tpu.dma_semaphore, #tpu.memory_space<semaphore_mem>>, %arg14: memref<!tpu.dma_semaphore, #tpu.memory_space<semaphore_mem>>, %arg15: memref<!tpu.dma_semaphore, #tpu.memory_space<semaphore_mem>>, %arg16: memref<!tpu.dma_semaphore, #tpu.memory_space<semaphore_mem>>, %arg17: memref<!tpu.dma_semaphore, #tpu.memory_space<semaphore_mem>>, %arg18: memref<!tpu.dma_semaphore, #tpu.memory_space<semaphore_mem>>, %arg19: memref<!tpu.dma_semaphore, #tpu.memory_space<semaphore_mem>>, %arg20: memref<!tpu.dma_semaphore, #tpu.memory_space<semaphore_mem>>, %arg21: memref<!tpu.dma_semaphore, #tpu.memory_space<semaphore_mem>>, %arg22: memref<!tpu.dma_semaphore, #tpu.memory_space<semaphore_mem>>, %arg23: memref<!tpu.dma_semaphore, #tpu.memory_space<semaphore_mem>>, %arg24: memref<!tpu.dma_semaphore, #tpu.memory_space<semaphore_mem>>, %arg25: memref<!tpu.dma_semaphore, #tpu.memory_space<semaphore_mem>>, %arg26: memref<!tpu.dma_semaphore, #tpu.memory_space<semaphore_mem>>) attributes {dimension_semantics = [#tpu.dimension_semantics<core_parallel>, #tpu.dimension_semantics<subcore_parallel>], iteration_bounds = array<i64: 2, 16>, scalar_prefetch = 0 : i64, scratch_operands = 21 : i64, tpu.core_type = #tpu.core_type<sc_vector_subcore>, window_params = [{transform_indices = #map}, {transform_indices = #map1}, {transform_indices = #map1}, {transform_indices = #map}]} {
    %mul3A = arith.constant 2 : i32
    %mul3A_0 = arith.muli %arg1, %mul3A : i32
    %add3A = arith.addi %mul3A_0, %arg0 : i32
    %mul3A_1 = arith.constant 640 : i32
    %mul3A_2 = arith.muli %arg1, %mul3A_1 : i32
    %mul3A_3 = arith.constant 640 : i32
    %mul3A_4 = arith.muli %arg1, %mul3A_3 : i32
    %dma_start3A = arith.constant 0 : i32
    %dma_start3A_5 = tpu.memref_slice %arg9[%mul3A_4, %dma_start3A] : memref<10240x32xf32, #tpu.memory_space<vmem_shared>> -> memref<640x32xf32, #tpu.memory_space<vmem_shared>>
    %dma_start3A_6 = arith.constant 0 : i32
    %dma_start3A_7 = tpu.memref_slice %arg4[%mul3A_2, %dma_start3A_6] : memref<10240x32xf32, #tpu.memory_space<hbm>> -> memref<640x32xf32, #tpu.memory_space<hbm>>
    tpu.enqueue_dma source(%dma_start3A_7 : memref<640x32xf32, #tpu.memory_space<hbm>>) target(%dma_start3A_5 : memref<640x32xf32, #tpu.memory_space<vmem_shared>>) target_semaphore(%arg11 : memref<!tpu.dma_semaphore, #tpu.memory_space<semaphore_mem>>)
    %mul3A_8 = arith.constant 640 : i32
    %mul3A_9 = arith.muli %arg1, %mul3A_8 : i32
    %mul3A_10 = arith.constant 640 : i32
    %mul3A_11 = arith.muli %arg1, %mul3A_10 : i32
    %dma_start3A_12 = arith.constant 0 : i32
    %dma_start3A_13 = tpu.memref_slice %arg10[%mul3A_11, %dma_start3A_12] : memref<10240x32xf32, #tpu.memory_space<vmem_shared>> -> memref<640x32xf32, #tpu.memory_space<vmem_shared>>
    %dma_start3A_14 = arith.constant 0 : i32
    %dma_start3A_15 = tpu.memref_slice %arg3[%mul3A_9, %dma_start3A_14] : memref<10240x32xf32, #tpu.memory_space<hbm>> -> memref<640x32xf32, #tpu.memory_space<hbm>>
    tpu.enqueue_dma source(%dma_start3A_15 : memref<640x32xf32, #tpu.memory_space<hbm>>) target(%dma_start3A_13 : memref<640x32xf32, #tpu.memory_space<vmem_shared>>) target_semaphore(%arg12 : memref<!tpu.dma_semaphore, #tpu.memory_space<semaphore_mem>>)
    %mul3A_16 = arith.constant 80 : i32
    %mul3A_17 = arith.muli %add3A, %mul3A_16 : i32
    %dma_start3A_18 = arith.constant 0 : i32
    %dma_start3A_19 = arith.constant 0 : i32
    %dma_start3A_20 = arith.constant 0 : i32
    %dma_start3A_21 = tpu.memref_slice %arg2[%dma_start3A_18, %dma_start3A_19, %dma_start3A_20] : memref<2x2560x128xi32, #tpu.memory_space<hbm>> -> memref<1x2560x128xi32, #tpu.memory_space<hbm>>
    %dma_start3A_22 = tpu.memref_squeeze %dma_start3A_21 : memref<1x2560x128xi32, #tpu.memory_space<hbm>> -> memref<2560x128xi32, #tpu.memory_space<hbm>>
    %dma_start3A_23 = arith.constant 0 : i32
    %dma_start3A_24 = tpu.memref_slice %dma_start3A_22[%mul3A_17, %dma_start3A_23] : memref<2560x128xi32, #tpu.memory_space<hbm>> -> memref<80x128xi32, #tpu.memory_space<hbm>>
    %dma_start3A_25 = arith.constant 0 : i32
    %dma_start3A_26 = arith.constant 0 : i32
    %dma_start3A_27 = tpu.memref_slice %arg2[%dma_start3A_18, %dma_start3A_25, %dma_start3A_26] : memref<2x2560x128xi32, #tpu.memory_space<hbm>> -> memref<1x2560x128xi32, #tpu.memory_space<hbm>>
    %dma_start3A_28 = tpu.memref_squeeze %dma_start3A_27 : memref<1x2560x128xi32, #tpu.memory_space<hbm>> -> memref<2560x128xi32, #tpu.memory_space<hbm>>
    %dma_start3A_29 = arith.constant 0 : i32
    %dma_start3A_30 = tpu.memref_slice %dma_start3A_28[%mul3A_17, %dma_start3A_29] : memref<2560x128xi32, #tpu.memory_space<hbm>> -> memref<80x128xi32, #tpu.memory_space<hbm>>
    tpu.enqueue_dma source(%dma_start3A_30 : memref<80x128xi32, #tpu.memory_space<hbm>>) target(%arg6 : memref<80x128xi32, #tpu.memory_space<vmem>>) target_semaphore(%arg13 : memref<!tpu.dma_semaphore, #tpu.memory_space<semaphore_mem>>)
    %mul3A_31 = arith.constant 80 : i32
    %mul3A_32 = arith.muli %add3A, %mul3A_31 : i32
    %dma_start3A_33 = arith.constant 1 : i32
    %dma_start3A_34 = arith.constant 0 : i32
    %dma_start3A_35 = arith.constant 0 : i32
    %dma_start3A_36 = tpu.memref_slice %arg2[%dma_start3A_33, %dma_start3A_34, %dma_start3A_35] : memref<2x2560x128xi32, #tpu.memory_space<hbm>> -> memref<1x2560x128xi32, #tpu.memory_space<hbm>>
    %dma_start3A_37 = tpu.memref_squeeze %dma_start3A_36 : memref<1x2560x128xi32, #tpu.memory_space<hbm>> -> memref<2560x128xi32, #tpu.memory_space<hbm>>
    %dma_start3A_38 = arith.constant 0 : i32
    %dma_start3A_39 = tpu.memref_slice %dma_start3A_37[%mul3A_32, %dma_start3A_38] : memref<2560x128xi32, #tpu.memory_space<hbm>> -> memref<80x128xi32, #tpu.memory_space<hbm>>
    %dma_start3A_40 = arith.constant 0 : i32
    %dma_start3A_41 = arith.constant 0 : i32
    %dma_start3A_42 = tpu.memref_slice %arg2[%dma_start3A_33, %dma_start3A_40, %dma_start3A_41] : memref<2x2560x128xi32, #tpu.memory_space<hbm>> -> memref<1x2560x128xi32, #tpu.memory_space<hbm>>
    %dma_start3A_43 = tpu.memref_squeeze %dma_start3A_42 : memref<1x2560x128xi32, #tpu.memory_space<hbm>> -> memref<2560x128xi32, #tpu.memory_space<hbm>>
    %dma_start3A_44 = arith.constant 0 : i32
    %dma_start3A_45 = tpu.memref_slice %dma_start3A_43[%mul3A_32, %dma_start3A_44] : memref<2560x128xi32, #tpu.memory_space<hbm>> -> memref<80x128xi32, #tpu.memory_space<hbm>>
    tpu.enqueue_dma source(%dma_start3A_45 : memref<80x128xi32, #tpu.memory_space<hbm>>) target(%arg7 : memref<80x128xi32, #tpu.memory_space<vmem>>) target_semaphore(%arg14 : memref<!tpu.dma_semaphore, #tpu.memory_space<semaphore_mem>>)
    %dma_wait3A = arith.constant 0 : i32
    %dma_wait3A_46 = tpu.memref_slice %arg9[%mul3A_4, %dma_wait3A] : memref<10240x32xf32, #tpu.memory_space<vmem_shared>> -> memref<640x32xf32, #tpu.memory_space<vmem_shared>>
    %dma_wait3A_47 = arith.constant 0 : i32
    %dma_wait3A_48 = tpu.memref_slice %arg4[%mul3A_2, %dma_wait3A_47] : memref<10240x32xf32, #tpu.memory_space<hbm>> -> memref<640x32xf32, #tpu.memory_space<hbm>>
    tpu.wait_dma2 semaphore(%arg11 : memref<!tpu.dma_semaphore, #tpu.memory_space<semaphore_mem>>) src(%dma_wait3A_48 : memref<640x32xf32, #tpu.memory_space<hbm>>) dst(%dma_wait3A_46 : memref<640x32xf32, #tpu.memory_space<vmem_shared>>)
    %dma_wait3A_49 = arith.constant 0 : i32
    %dma_wait3A_50 = tpu.memref_slice %arg10[%mul3A_11, %dma_wait3A_49] : memref<10240x32xf32, #tpu.memory_space<vmem_shared>> -> memref<640x32xf32, #tpu.memory_space<vmem_shared>>
    %dma_wait3A_51 = arith.constant 0 : i32
    %dma_wait3A_52 = tpu.memref_slice %arg3[%mul3A_9, %dma_wait3A_51] : memref<10240x32xf32, #tpu.memory_space<hbm>> -> memref<640x32xf32, #tpu.memory_space<hbm>>
    tpu.wait_dma2 semaphore(%arg12 : memref<!tpu.dma_semaphore, #tpu.memory_space<semaphore_mem>>) src(%dma_wait3A_52 : memref<640x32xf32, #tpu.memory_space<hbm>>) dst(%dma_wait3A_50 : memref<640x32xf32, #tpu.memory_space<vmem_shared>>)
    %dma_wait3A_53 = arith.constant 0 : i32
    %dma_wait3A_54 = arith.constant 0 : i32
    %dma_wait3A_55 = arith.constant 0 : i32
    %dma_wait3A_56 = tpu.memref_slice %arg2[%dma_wait3A_53, %dma_wait3A_54, %dma_wait3A_55] : memref<2x2560x128xi32, #tpu.memory_space<hbm>> -> memref<1x2560x128xi32, #tpu.memory_space<hbm>>
    %dma_wait3A_57 = tpu.memref_squeeze %dma_wait3A_56 : memref<1x2560x128xi32, #tpu.memory_space<hbm>> -> memref<2560x128xi32, #tpu.memory_space<hbm>>
    %dma_wait3A_58 = arith.constant 0 : i32
    %dma_wait3A_59 = tpu.memref_slice %dma_wait3A_57[%mul3A_17, %dma_wait3A_58] : memref<2560x128xi32, #tpu.memory_space<hbm>> -> memref<80x128xi32, #tpu.memory_space<hbm>>
    %dma_wait3A_60 = arith.constant 0 : i32
    %dma_wait3A_61 = arith.constant 0 : i32
    %dma_wait3A_62 = tpu.memref_slice %arg2[%dma_wait3A_53, %dma_wait3A_60, %dma_wait3A_61] : memref<2x2560x128xi32, #tpu.memory_space<hbm>> -> memref<1x2560x128xi32, #tpu.memory_space<hbm>>
    %dma_wait3A_63 = tpu.memref_squeeze %dma_wait3A_62 : memref<1x2560x128xi32, #tpu.memory_space<hbm>> -> memref<2560x128xi32, #tpu.memory_space<hbm>>
    %dma_wait3A_64 = arith.constant 0 : i32
    %dma_wait3A_65 = tpu.memref_slice %dma_wait3A_63[%mul3A_17, %dma_wait3A_64] : memref<2560x128xi32, #tpu.memory_space<hbm>> -> memref<80x128xi32, #tpu.memory_space<hbm>>
    tpu.wait_dma2 semaphore(%arg13 : memref<!tpu.dma_semaphore, #tpu.memory_space<semaphore_mem>>) src(%dma_wait3A_65 : memref<80x128xi32, #tpu.memory_space<hbm>>) dst(%arg6 : memref<80x128xi32, #tpu.memory_space<vmem>>)
    %dma_wait3A_66 = arith.constant 1 : i32
    %dma_wait3A_67 = arith.constant 0 : i32
    %dma_wait3A_68 = arith.constant 0 : i32
    %dma_wait3A_69 = tpu.memref_slice %arg2[%dma_wait3A_66, %dma_wait3A_67, %dma_wait3A_68] : memref<2x2560x128xi32, #tpu.memory_space<hbm>> -> memref<1x2560x128xi32, #tpu.memory_space<hbm>>
    %dma_wait3A_70 = tpu.memref_squeeze %dma_wait3A_69 : memref<1x2560x128xi32, #tpu.memory_space<hbm>> -> memref<2560x128xi32, #tpu.memory_space<hbm>>
    %dma_wait3A_71 = arith.constant 0 : i32
    %dma_wait3A_72 = tpu.memref_slice %dma_wait3A_70[%mul3A_32, %dma_wait3A_71] : memref<2560x128xi32, #tpu.memory_space<hbm>> -> memref<80x128xi32, #tpu.memory_space<hbm>>
    %dma_wait3A_73 = arith.constant 0 : i32
    %dma_wait3A_74 = arith.constant 0 : i32
    %dma_wait3A_75 = tpu.memref_slice %arg2[%dma_wait3A_66, %dma_wait3A_73, %dma_wait3A_74] : memref<2x2560x128xi32, #tpu.memory_space<hbm>> -> memref<1x2560x128xi32, #tpu.memory_space<hbm>>
    %dma_wait3A_76 = tpu.memref_squeeze %dma_wait3A_75 : memref<1x2560x128xi32, #tpu.memory_space<hbm>> -> memref<2560x128xi32, #tpu.memory_space<hbm>>
    %dma_wait3A_77 = arith.constant 0 : i32
    %dma_wait3A_78 = tpu.memref_slice %dma_wait3A_76[%mul3A_32, %dma_wait3A_77] : memref<2560x128xi32, #tpu.memory_space<hbm>> -> memref<80x128xi32, #tpu.memory_space<hbm>>
    tpu.wait_dma2 semaphore(%arg14 : memref<!tpu.dma_semaphore, #tpu.memory_space<semaphore_mem>>) src(%dma_wait3A_78 : memref<80x128xi32, #tpu.memory_space<hbm>>) dst(%arg7 : memref<80x128xi32, #tpu.memory_space<vmem>>)
    %barrier3A = arith.constant 0 : index
    tpu.barrier barrier_id(%barrier3A)
    %dma_start3A_79 = arith.constant 0 : i32
    %dma_start3A_80 = arith.constant 0 : i32
    %dma_start3A_81 = arith.constant 0 : i32
    %dma_start3A_82 = arith.constant 0 : i32
    %dma_start3A_83 = tpu.memref_slice %arg8[%dma_start3A_80, %dma_start3A_81, %dma_start3A_82] : memref<8x128x32xf32, #tpu.memory_space<vmem>> -> memref<1x128x32xf32, #tpu.memory_space<vmem>>
    %dma_start3A_84 = tpu.memref_squeeze %dma_start3A_83 : memref<1x128x32xf32, #tpu.memory_space<vmem>> -> memref<128x32xf32, #tpu.memory_space<vmem>>
    %dma_start3A_85 = arith.constant 0 : i32
    %dma_start3A_86 = tpu.memref_slice %arg6[%dma_start3A_79, %dma_start3A_85] : memref<80x128xi32, #tpu.memory_space<vmem>> -> memref<1x128xi32, #tpu.memory_space<vmem>>
    %dma_start3A_87 = tpu.memref_squeeze %dma_start3A_86 : memref<1x128xi32, #tpu.memory_space<vmem>> -> memref<128xi32, #tpu.memory_space<vmem>>
    %dma_start3A_88 = arith.constant 0 : i32
    %dma_start3A_89 = arith.constant 0 : i32
    %dma_start3A_90 = tpu.memref_slice %arg10[%dma_start3A_88, %dma_start3A_89] : memref<10240x32xf32, #tpu.memory_space<vmem_shared>> -> memref<10240x32xf32, #tpu.memory_space<vmem_shared>>
    tpu.enqueue_indirect_dma source(%dma_start3A_90 : memref<10240x32xf32, #tpu.memory_space<vmem_shared>>) target(%dma_start3A_84 : memref<128x32xf32, #tpu.memory_space<vmem>>) offsets(%dma_start3A_87 : memref<128xi32, #tpu.memory_space<vmem>>) semaphore(%arg11 : memref<!tpu.dma_semaphore, #tpu.memory_space<semaphore_mem>>)
    %dma_start3A_91 = arith.constant 1 : i32
    %dma_start3A_92 = arith.constant 1 : i32
    %dma_start3A_93 = arith.constant 0 : i32
    %dma_start3A_94 = arith.constant 0 : i32
    %dma_start3A_95 = tpu.memref_slice %arg8[%dma_start3A_92, %dma_start3A_93, %dma_start3A_94] : memref<8x128x32xf32, #tpu.memory_space<vmem>> -> memref<1x128x32xf32, #tpu.memory_space<vmem>>
    %dma_start3A_96 = tpu.memref_squeeze %dma_start3A_95 : memref<1x128x32xf32, #tpu.memory_space<vmem>> -> memref<128x32xf32, #tpu.memory_space<vmem>>
    %dma_start3A_97 = arith.constant 0 : i32
    %dma_start3A_98 = tpu.memref_slice %arg6[%dma_start3A_91, %dma_start3A_97] : memref<80x128xi32, #tpu.memory_space<vmem>> -> memref<1x128xi32, #tpu.memory_space<vmem>>
    %dma_start3A_99 = tpu.memref_squeeze %dma_start3A_98 : memref<1x128xi32, #tpu.memory_space<vmem>> -> memref<128xi32, #tpu.memory_space<vmem>>
    %dma_start3A_100 = arith.constant 0 : i32
    %dma_start3A_101 = arith.constant 0 : i32
    %dma_start3A_102 = tpu.memref_slice %arg10[%dma_start3A_100, %dma_start3A_101] : memref<10240x32xf32, #tpu.memory_space<vmem_shared>> -> memref<10240x32xf32, #tpu.memory_space<vmem_shared>>
    tpu.enqueue_indirect_dma source(%dma_start3A_102 : memref<10240x32xf32, #tpu.memory_space<vmem_shared>>) target(%dma_start3A_96 : memref<128x32xf32, #tpu.memory_space<vmem>>) offsets(%dma_start3A_99 : memref<128xi32, #tpu.memory_space<vmem>>) semaphore(%arg12 : memref<!tpu.dma_semaphore, #tpu.memory_space<semaphore_mem>>)
    %dma_start3A_103 = arith.constant 2 : i32
    %dma_start3A_104 = arith.constant 2 : i32
    %dma_start3A_105 = arith.constant 0 : i32
    %dma_start3A_106 = arith.constant 0 : i32
    %dma_start3A_107 = tpu.memref_slice %arg8[%dma_start3A_104, %dma_start3A_105, %dma_start3A_106] : memref<8x128x32xf32, #tpu.memory_space<vmem>> -> memref<1x128x32xf32, #tpu.memory_space<vmem>>
    %dma_start3A_108 = tpu.memref_squeeze %dma_start3A_107 : memref<1x128x32xf32, #tpu.memory_space<vmem>> -> memref<128x32xf32, #tpu.memory_space<vmem>>
    %dma_start3A_109 = arith.constant 0 : i32
    %dma_start3A_110 = tpu.memref_slice %arg6[%dma_start3A_103, %dma_start3A_109] : memref<80x128xi32, #tpu.memory_space<vmem>> -> memref<1x128xi32, #tpu.memory_space<vmem>>
    %dma_start3A_111 = tpu.memref_squeeze %dma_start3A_110 : memref<1x128xi32, #tpu.memory_space<vmem>> -> memref<128xi32, #tpu.memory_space<vmem>>
    %dma_start3A_112 = arith.constant 0 : i32
    %dma_start3A_113 = arith.constant 0 : i32
    %dma_start3A_114 = tpu.memref_slice %arg10[%dma_start3A_112, %dma_start3A_113] : memref<10240x32xf32, #tpu.memory_space<vmem_shared>> -> memref<10240x32xf32, #tpu.memory_space<vmem_shared>>
    tpu.enqueue_indirect_dma source(%dma_start3A_114 : memref<10240x32xf32, #tpu.memory_space<vmem_shared>>) target(%dma_start3A_108 : memref<128x32xf32, #tpu.memory_space<vmem>>) offsets(%dma_start3A_111 : memref<128xi32, #tpu.memory_space<vmem>>) semaphore(%arg13 : memref<!tpu.dma_semaphore, #tpu.memory_space<semaphore_mem>>)
    %dma_start3A_115 = arith.constant 3 : i32
    %dma_start3A_116 = arith.constant 3 : i32
    %dma_start3A_117 = arith.constant 0 : i32
    %dma_start3A_118 = arith.constant 0 : i32
    %dma_start3A_119 = tpu.memref_slice %arg8[%dma_start3A_116, %dma_start3A_117, %dma_start3A_118] : memref<8x128x32xf32, #tpu.memory_space<vmem>> -> memref<1x128x32xf32, #tpu.memory_space<vmem>>
    %dma_start3A_120 = tpu.memref_squeeze %dma_start3A_119 : memref<1x128x32xf32, #tpu.memory_space<vmem>> -> memref<128x32xf32, #tpu.memory_space<vmem>>
    %dma_start3A_121 = arith.constant 0 : i32
    %dma_start3A_122 = tpu.memref_slice %arg6[%dma_start3A_115, %dma_start3A_121] : memref<80x128xi32, #tpu.memory_space<vmem>> -> memref<1x128xi32, #tpu.memory_space<vmem>>
    %dma_start3A_123 = tpu.memref_squeeze %dma_start3A_122 : memref<1x128xi32, #tpu.memory_space<vmem>> -> memref<128xi32, #tpu.memory_space<vmem>>
    %dma_start3A_124 = arith.constant 0 : i32
    %dma_start3A_125 = arith.constant 0 : i32
    %dma_start3A_126 = tpu.memref_slice %arg10[%dma_start3A_124, %dma_start3A_125] : memref<10240x32xf32, #tpu.memory_space<vmem_shared>> -> memref<10240x32xf32, #tpu.memory_space<vmem_shared>>
    tpu.enqueue_indirect_dma source(%dma_start3A_126 : memref<10240x32xf32, #tpu.memory_space<vmem_shared>>) target(%dma_start3A_120 : memref<128x32xf32, #tpu.memory_space<vmem>>) offsets(%dma_start3A_123 : memref<128xi32, #tpu.memory_space<vmem>>) semaphore(%arg14 : memref<!tpu.dma_semaphore, #tpu.memory_space<semaphore_mem>>)
    %scan3A = arith.constant 0 : i32
    %scan3A_127 = arith.constant 0 : i32
    %scan3A_128 = arith.constant 10 : i32
    %scan3A_129 = arith.addi %scan3A_127, %scan3A_128 : i32
    %scan3A_130 = arith.constant 1 : i32
    scf.for %scan3A_185 = %scan3A_127 to %scan3A_129 step %scan3A_130  : i32 {
      %mul3A_186 = arith.constant 8 : i32
      %mul3A_187 = arith.muli %scan3A_185, %mul3A_186 : i32
      %add3A_188 = arith.constant 0 : i32
      %add3A_189 = arith.addi %mul3A_187, %add3A_188 : i32
      %dma_wait3A_190 = arith.constant 0 : i32
      %dma_wait3A_191 = arith.constant 0 : i32
      %dma_wait3A_192 = arith.constant 0 : i32
      %dma_wait3A_193 = tpu.memref_slice %arg8[%dma_wait3A_190, %dma_wait3A_191, %dma_wait3A_192] : memref<8x128x32xf32, #tpu.memory_space<vmem>> -> memref<1x128x32xf32, #tpu.memory_space<vmem>>
      %dma_wait3A_194 = tpu.memref_squeeze %dma_wait3A_193 : memref<1x128x32xf32, #tpu.memory_space<vmem>> -> memref<128x32xf32, #tpu.memory_space<vmem>>
      %dma_wait3A_195 = arith.constant 0 : i32
      %dma_wait3A_196 = tpu.memref_slice %arg6[%add3A_189, %dma_wait3A_195] : memref<80x128xi32, #tpu.memory_space<vmem>> -> memref<1x128xi32, #tpu.memory_space<vmem>>
      %dma_wait3A_197 = tpu.memref_squeeze %dma_wait3A_196 : memref<1x128xi32, #tpu.memory_space<vmem>> -> memref<128xi32, #tpu.memory_space<vmem>>
      %dma_wait3A_198 = arith.constant 0 : i32
      %dma_wait3A_199 = arith.constant 0 : i32
      %dma_wait3A_200 = tpu.memref_slice %arg10[%dma_wait3A_198, %dma_wait3A_199] : memref<10240x32xf32, #tpu.memory_space<vmem_shared>> -> memref<10240x32xf32, #tpu.memory_space<vmem_shared>>
      tpu.wait_indirect_dma semaphore(%arg11 : memref<!tpu.dma_semaphore, #tpu.memory_space<semaphore_mem>>) src(%dma_wait3A_200 : memref<10240x32xf32, #tpu.memory_space<vmem_shared>>) dst(%dma_wait3A_194 : memref<128x32xf32, #tpu.memory_space<vmem>>)
      %dma_start3A_201 = arith.constant 0 : i32
      %dma_start3A_202 = arith.constant 0 : i32
      %dma_start3A_203 = arith.constant 0 : i32
      %dma_start3A_204 = tpu.memref_slice %arg8[%dma_start3A_201, %dma_start3A_202, %dma_start3A_203] : memref<8x128x32xf32, #tpu.memory_space<vmem>> -> memref<1x128x32xf32, #tpu.memory_space<vmem>>
      %dma_start3A_205 = tpu.memref_squeeze %dma_start3A_204 : memref<1x128x32xf32, #tpu.memory_space<vmem>> -> memref<128x32xf32, #tpu.memory_space<vmem>>
      %dma_start3A_206 = arith.constant 0 : i32
      %dma_start3A_207 = tpu.memref_slice %arg7[%add3A_189, %dma_start3A_206] : memref<80x128xi32, #tpu.memory_space<vmem>> -> memref<1x128xi32, #tpu.memory_space<vmem>>
      %dma_start3A_208 = tpu.memref_squeeze %dma_start3A_207 : memref<1x128xi32, #tpu.memory_space<vmem>> -> memref<128xi32, #tpu.memory_space<vmem>>
      %dma_start3A_209 = arith.constant 0 : i32
      %dma_start3A_210 = arith.constant 0 : i32
      %dma_start3A_211 = tpu.memref_slice %arg9[%dma_start3A_209, %dma_start3A_210] : memref<10240x32xf32, #tpu.memory_space<vmem_shared>> -> memref<10240x32xf32, #tpu.memory_space<vmem_shared>>
      tpu.enqueue_indirect_dma source(%dma_start3A_205 : memref<128x32xf32, #tpu.memory_space<vmem>>) target(%dma_start3A_211 : memref<10240x32xf32, #tpu.memory_space<vmem_shared>>) offsets(%dma_start3A_208 : memref<128xi32, #tpu.memory_space<vmem>>) semaphore(%arg19 : memref<!tpu.dma_semaphore, #tpu.memory_space<semaphore_mem>>) {add = true}
      %gt3A = arith.constant 0 : i32
      %gt3A_212 = arith.cmpi sgt, %scan3A_185, %gt3A : i32
      %convert_element_type3A = arith.extui %gt3A_212 : i1 to i32
      %cond3A = arith.constant 0 : i32
      %cond3A_213 = arith.cmpi ne, %convert_element_type3A, %cond3A : i32
      scf.if %cond3A_213 {
        %dma_wait3A_530 = arith.constant 4 : i32
        %dma_wait3A_531 = arith.constant 0 : i32
        %dma_wait3A_532 = arith.constant 0 : i32
        %dma_wait3A_533 = arith.constant 0 : i32
        %dma_wait3A_534 = tpu.memref_slice %arg8[%dma_wait3A_530, %dma_wait3A_532, %dma_wait3A_533] : memref<8x128x32xf32, #tpu.memory_space<vmem>> -> memref<1x128x32xf32, #tpu.memory_space<vmem>>
        %dma_wait3A_535 = tpu.memref_squeeze %dma_wait3A_534 : memref<1x128x32xf32, #tpu.memory_space<vmem>> -> memref<128x32xf32, #tpu.memory_space<vmem>>
        %dma_wait3A_536 = arith.constant 0 : i32
        %dma_wait3A_537 = tpu.memref_slice %arg7[%dma_wait3A_531, %dma_wait3A_536] : memref<80x128xi32, #tpu.memory_space<vmem>> -> memref<1x128xi32, #tpu.memory_space<vmem>>
        %dma_wait3A_538 = tpu.memref_squeeze %dma_wait3A_537 : memref<1x128xi32, #tpu.memory_space<vmem>> -> memref<128xi32, #tpu.memory_space<vmem>>
        %dma_wait3A_539 = arith.constant 0 : i32
        %dma_wait3A_540 = arith.constant 0 : i32
        %dma_wait3A_541 = tpu.memref_slice %arg9[%dma_wait3A_539, %dma_wait3A_540] : memref<10240x32xf32, #tpu.memory_space<vmem_shared>> -> memref<10240x32xf32, #tpu.memory_space<vmem_shared>>
        tpu.wait_indirect_dma semaphore(%arg23 : memref<!tpu.dma_semaphore, #tpu.memory_space<semaphore_mem>>) src(%dma_wait3A_535 : memref<128x32xf32, #tpu.memory_space<vmem>>) dst(%dma_wait3A_541 : memref<10240x32xf32, #tpu.memory_space<vmem_shared>>)
      } else {
      }
      %add3A_214 = arith.constant 4 : i32
      %add3A_215 = arith.addi %add3A_189, %add3A_214 : i32
      %dma_start3A_216 = arith.constant 4 : i32
      %dma_start3A_217 = arith.constant 0 : i32
      %dma_start3A_218 = arith.constant 0 : i32
      %dma_start3A_219 = tpu.memref_slice %arg8[%dma_start3A_216, %dma_start3A_217, %dma_start3A_218] : memref<8x128x32xf32, #tpu.memory_space<vmem>> -> memref<1x128x32xf32, #tpu.memory_space<vmem>>
      %dma_start3A_220 = tpu.memref_squeeze %dma_start3A_219 : memref<1x128x32xf32, #tpu.memory_space<vmem>> -> memref<128x32xf32, #tpu.memory_space<vmem>>
      %dma_start3A_221 = arith.constant 0 : i32
      %dma_start3A_222 = tpu.memref_slice %arg6[%add3A_215, %dma_start3A_221] : memref<80x128xi32, #tpu.memory_space<vmem>> -> memref<1x128xi32, #tpu.memory_space<vmem>>
      %dma_start3A_223 = tpu.memref_squeeze %dma_start3A_222 : memref<1x128xi32, #tpu.memory_space<vmem>> -> memref<128xi32, #tpu.memory_space<vmem>>
      %dma_start3A_224 = arith.constant 0 : i32
      %dma_start3A_225 = arith.constant 0 : i32
      %dma_start3A_226 = tpu.memref_slice %arg10[%dma_start3A_224, %dma_start3A_225] : memref<10240x32xf32, #tpu.memory_space<vmem_shared>> -> memref<10240x32xf32, #tpu.memory_space<vmem_shared>>
      tpu.enqueue_indirect_dma source(%dma_start3A_226 : memref<10240x32xf32, #tpu.memory_space<vmem_shared>>) target(%dma_start3A_220 : memref<128x32xf32, #tpu.memory_space<vmem>>) offsets(%dma_start3A_223 : memref<128xi32, #tpu.memory_space<vmem>>) semaphore(%arg15 : memref<!tpu.dma_semaphore, #tpu.memory_space<semaphore_mem>>)
      %mul3A_227 = arith.constant 8 : i32
      %mul3A_228 = arith.muli %scan3A_185, %mul3A_227 : i32
      %add3A_229 = arith.constant 1 : i32
      %add3A_230 = arith.addi %mul3A_228, %add3A_229 : i32
      %dma_wait3A_231 = arith.constant 1 : i32
      %dma_wait3A_232 = arith.constant 0 : i32
      %dma_wait3A_233 = arith.constant 0 : i32
      %dma_wait3A_234 = tpu.memref_slice %arg8[%dma_wait3A_231, %dma_wait3A_232, %dma_wait3A_233] : memref<8x128x32xf32, #tpu.memory_space<vmem>> -> memref<1x128x32xf32, #tpu.memory_space<vmem>>
      %dma_wait3A_235 = tpu.memref_squeeze %dma_wait3A_234 : memref<1x128x32xf32, #tpu.memory_space<vmem>> -> memref<128x32xf32, #tpu.memory_space<vmem>>
      %dma_wait3A_236 = arith.constant 0 : i32
      %dma_wait3A_237 = tpu.memref_slice %arg6[%add3A_230, %dma_wait3A_236] : memref<80x128xi32, #tpu.memory_space<vmem>> -> memref<1x128xi32, #tpu.memory_space<vmem>>
      %dma_wait3A_238 = tpu.memref_squeeze %dma_wait3A_237 : memref<1x128xi32, #tpu.memory_space<vmem>> -> memref<128xi32, #tpu.memory_space<vmem>>
      %dma_wait3A_239 = arith.constant 0 : i32
      %dma_wait3A_240 = arith.constant 0 : i32
      %dma_wait3A_241 = tpu.memref_slice %arg10[%dma_wait3A_239, %dma_wait3A_240] : memref<10240x32xf32, #tpu.memory_space<vmem_shared>> -> memref<10240x32xf32, #tpu.memory_space<vmem_shared>>
      tpu.wait_indirect_dma semaphore(%arg12 : memref<!tpu.dma_semaphore, #tpu.memory_space<semaphore_mem>>) src(%dma_wait3A_241 : memref<10240x32xf32, #tpu.memory_space<vmem_shared>>) dst(%dma_wait3A_235 : memref<128x32xf32, #tpu.memory_space<vmem>>)
      %dma_start3A_242 = arith.constant 1 : i32
      %dma_start3A_243 = arith.constant 0 : i32
      %dma_start3A_244 = arith.constant 0 : i32
      %dma_start3A_245 = tpu.memref_slice %arg8[%dma_start3A_242, %dma_start3A_243, %dma_start3A_244] : memref<8x128x32xf32, #tpu.memory_space<vmem>> -> memref<1x128x32xf32, #tpu.memory_space<vmem>>
      %dma_start3A_246 = tpu.memref_squeeze %dma_start3A_245 : memref<1x128x32xf32, #tpu.memory_space<vmem>> -> memref<128x32xf32, #tpu.memory_space<vmem>>
      %dma_start3A_247 = arith.constant 0 : i32
      %dma_start3A_248 = tpu.memref_slice %arg7[%add3A_230, %dma_start3A_247] : memref<80x128xi32, #tpu.memory_space<vmem>> -> memref<1x128xi32, #tpu.memory_space<vmem>>
      %dma_start3A_249 = tpu.memref_squeeze %dma_start3A_248 : memref<1x128xi32, #tpu.memory_space<vmem>> -> memref<128xi32, #tpu.memory_space<vmem>>
      %dma_start3A_250 = arith.constant 0 : i32
      %dma_start3A_251 = arith.constant 0 : i32
      %dma_start3A_252 = tpu.memref_slice %arg9[%dma_start3A_250, %dma_start3A_251] : memref<10240x32xf32, #tpu.memory_space<vmem_shared>> -> memref<10240x32xf32, #tpu.memory_space<vmem_shared>>
      tpu.enqueue_indirect_dma source(%dma_start3A_246 : memref<128x32xf32, #tpu.memory_space<vmem>>) target(%dma_start3A_252 : memref<10240x32xf32, #tpu.memory_space<vmem_shared>>) offsets(%dma_start3A_249 : memref<128xi32, #tpu.memory_space<vmem>>) semaphore(%arg20 : memref<!tpu.dma_semaphore, #tpu.memory_space<semaphore_mem>>) {add = true}
      %gt3A_253 = arith.constant 0 : i32
      %gt3A_254 = arith.cmpi sgt, %scan3A_185, %gt3A_253 : i32
      %convert_element_type3A_255 = arith.extui %gt3A_254 : i1 to i32
      %cond3A_256 = arith.constant 0 : i32
      %cond3A_257 = arith.cmpi ne, %convert_element_type3A_255, %cond3A_256 : i32
      scf.if %cond3A_257 {
        %dma_wait3A_530 = arith.constant 5 : i32
        %dma_wait3A_531 = arith.constant 0 : i32
        %dma_wait3A_532 = arith.constant 0 : i32
        %dma_wait3A_533 = arith.constant 0 : i32
        %dma_wait3A_534 = tpu.memref_slice %arg8[%dma_wait3A_530, %dma_wait3A_532, %dma_wait3A_533] : memref<8x128x32xf32, #tpu.memory_space<vmem>> -> memref<1x128x32xf32, #tpu.memory_space<vmem>>
        %dma_wait3A_535 = tpu.memref_squeeze %dma_wait3A_534 : memref<1x128x32xf32, #tpu.memory_space<vmem>> -> memref<128x32xf32, #tpu.memory_space<vmem>>
        %dma_wait3A_536 = arith.constant 0 : i32
        %dma_wait3A_537 = tpu.memref_slice %arg7[%dma_wait3A_531, %dma_wait3A_536] : memref<80x128xi32, #tpu.memory_space<vmem>> -> memref<1x128xi32, #tpu.memory_space<vmem>>
        %dma_wait3A_538 = tpu.memref_squeeze %dma_wait3A_537 : memref<1x128xi32, #tpu.memory_space<vmem>> -> memref<128xi32, #tpu.memory_space<vmem>>
        %dma_wait3A_539 = arith.constant 0 : i32
        %dma_wait3A_540 = arith.constant 0 : i32
        %dma_wait3A_541 = tpu.memref_slice %arg9[%dma_wait3A_539, %dma_wait3A_540] : memref<10240x32xf32, #tpu.memory_space<vmem_shared>> -> memref<10240x32xf32, #tpu.memory_space<vmem_shared>>
        tpu.wait_indirect_dma semaphore(%arg24 : memref<!tpu.dma_semaphore, #tpu.memory_space<semaphore_mem>>) src(%dma_wait3A_535 : memref<128x32xf32, #tpu.memory_space<vmem>>) dst(%dma_wait3A_541 : memref<10240x32xf32, #tpu.memory_space<vmem_shared>>)
      } else {
      }
      %add3A_258 = arith.constant 4 : i32
      %add3A_259 = arith.addi %add3A_230, %add3A_258 : i32
      %dma_start3A_260 = arith.constant 5 : i32
      %dma_start3A_261 = arith.constant 0 : i32
      %dma_start3A_262 = arith.constant 0 : i32
      %dma_start3A_263 = tpu.memref_slice %arg8[%dma_start3A_260, %dma_start3A_261, %dma_start3A_262] : memref<8x128x32xf32, #tpu.memory_space<vmem>> -> memref<1x128x32xf32, #tpu.memory_space<vmem>>
      %dma_start3A_264 = tpu.memref_squeeze %dma_start3A_263 : memref<1x128x32xf32, #tpu.memory_space<vmem>> -> memref<128x32xf32, #tpu.memory_space<vmem>>
      %dma_start3A_265 = arith.constant 0 : i32
      %dma_start3A_266 = tpu.memref_slice %arg6[%add3A_259, %dma_start3A_265] : memref<80x128xi32, #tpu.memory_space<vmem>> -> memref<1x128xi32, #tpu.memory_space<vmem>>
      %dma_start3A_267 = tpu.memref_squeeze %dma_start3A_266 : memref<1x128xi32, #tpu.memory_space<vmem>> -> memref<128xi32, #tpu.memory_space<vmem>>
      %dma_start3A_268 = arith.constant 0 : i32
      %dma_start3A_269 = arith.constant 0 : i32
      %dma_start3A_270 = tpu.memref_slice %arg10[%dma_start3A_268, %dma_start3A_269] : memref<10240x32xf32, #tpu.memory_space<vmem_shared>> -> memref<10240x32xf32, #tpu.memory_space<vmem_shared>>
      tpu.enqueue_indirect_dma source(%dma_start3A_270 : memref<10240x32xf32, #tpu.memory_space<vmem_shared>>) target(%dma_start3A_264 : memref<128x32xf32, #tpu.memory_space<vmem>>) offsets(%dma_start3A_267 : memref<128xi32, #tpu.memory_space<vmem>>) semaphore(%arg16 : memref<!tpu.dma_semaphore, #tpu.memory_space<semaphore_mem>>)
      %mul3A_271 = arith.constant 8 : i32
      %mul3A_272 = arith.muli %scan3A_185, %mul3A_271 : i32
      %add3A_273 = arith.constant 2 : i32
      %add3A_274 = arith.addi %mul3A_272, %add3A_273 : i32
      %dma_wait3A_275 = arith.constant 2 : i32
      %dma_wait3A_276 = arith.constant 0 : i32
      %dma_wait3A_277 = arith.constant 0 : i32
      %dma_wait3A_278 = tpu.memref_slice %arg8[%dma_wait3A_275, %dma_wait3A_276, %dma_wait3A_277] : memref<8x128x32xf32, #tpu.memory_space<vmem>> -> memref<1x128x32xf32, #tpu.memory_space<vmem>>
      %dma_wait3A_279 = tpu.memref_squeeze %dma_wait3A_278 : memref<1x128x32xf32, #tpu.memory_space<vmem>> -> memref<128x32xf32, #tpu.memory_space<vmem>>
      %dma_wait3A_280 = arith.constant 0 : i32
      %dma_wait3A_281 = tpu.memref_slice %arg6[%add3A_274, %dma_wait3A_280] : memref<80x128xi32, #tpu.memory_space<vmem>> -> memref<1x128xi32, #tpu.memory_space<vmem>>
      %dma_wait3A_282 = tpu.memref_squeeze %dma_wait3A_281 : memref<1x128xi32, #tpu.memory_space<vmem>> -> memref<128xi32, #tpu.memory_space<vmem>>
      %dma_wait3A_283 = arith.constant 0 : i32
      %dma_wait3A_284 = arith.constant 0 : i32
      %dma_wait3A_285 = tpu.memref_slice %arg10[%dma_wait3A_283, %dma_wait3A_284] : memref<10240x32xf32, #tpu.memory_space<vmem_shared>> -> memref<10240x32xf32, #tpu.memory_space<vmem_shared>>
      tpu.wait_indirect_dma semaphore(%arg13 : memref<!tpu.dma_semaphore, #tpu.memory_space<semaphore_mem>>) src(%dma_wait3A_285 : memref<10240x32xf32, #tpu.memory_space<vmem_shared>>) dst(%dma_wait3A_279 : memref<128x32xf32, #tpu.memory_space<vmem>>)
      %dma_start3A_286 = arith.constant 2 : i32
      %dma_start3A_287 = arith.constant 0 : i32
      %dma_start3A_288 = arith.constant 0 : i32
      %dma_start3A_289 = tpu.memref_slice %arg8[%dma_start3A_286, %dma_start3A_287, %dma_start3A_288] : memref<8x128x32xf32, #tpu.memory_space<vmem>> -> memref<1x128x32xf32, #tpu.memory_space<vmem>>
      %dma_start3A_290 = tpu.memref_squeeze %dma_start3A_289 : memref<1x128x32xf32, #tpu.memory_space<vmem>> -> memref<128x32xf32, #tpu.memory_space<vmem>>
      %dma_start3A_291 = arith.constant 0 : i32
      %dma_start3A_292 = tpu.memref_slice %arg7[%add3A_274, %dma_start3A_291] : memref<80x128xi32, #tpu.memory_space<vmem>> -> memref<1x128xi32, #tpu.memory_space<vmem>>
      %dma_start3A_293 = tpu.memref_squeeze %dma_start3A_292 : memref<1x128xi32, #tpu.memory_space<vmem>> -> memref<128xi32, #tpu.memory_space<vmem>>
      %dma_start3A_294 = arith.constant 0 : i32
      %dma_start3A_295 = arith.constant 0 : i32
      %dma_start3A_296 = tpu.memref_slice %arg9[%dma_start3A_294, %dma_start3A_295] : memref<10240x32xf32, #tpu.memory_space<vmem_shared>> -> memref<10240x32xf32, #tpu.memory_space<vmem_shared>>
      tpu.enqueue_indirect_dma source(%dma_start3A_290 : memref<128x32xf32, #tpu.memory_space<vmem>>) target(%dma_start3A_296 : memref<10240x32xf32, #tpu.memory_space<vmem_shared>>) offsets(%dma_start3A_293 : memref<128xi32, #tpu.memory_space<vmem>>) semaphore(%arg21 : memref<!tpu.dma_semaphore, #tpu.memory_space<semaphore_mem>>) {add = true}
      %gt3A_297 = arith.constant 0 : i32
      %gt3A_298 = arith.cmpi sgt, %scan3A_185, %gt3A_297 : i32
      %convert_element_type3A_299 = arith.extui %gt3A_298 : i1 to i32
      %cond3A_300 = arith.constant 0 : i32
      %cond3A_301 = arith.cmpi ne, %convert_element_type3A_299, %cond3A_300 : i32
      scf.if %cond3A_301 {
        %dma_wait3A_530 = arith.constant 6 : i32
        %dma_wait3A_531 = arith.constant 0 : i32
        %dma_wait3A_532 = arith.constant 0 : i32
        %dma_wait3A_533 = arith.constant 0 : i32
        %dma_wait3A_534 = tpu.memref_slice %arg8[%dma_wait3A_530, %dma_wait3A_532, %dma_wait3A_533] : memref<8x128x32xf32, #tpu.memory_space<vmem>> -> memref<1x128x32xf32, #tpu.memory_space<vmem>>
        %dma_wait3A_535 = tpu.memref_squeeze %dma_wait3A_534 : memref<1x128x32xf32, #tpu.memory_space<vmem>> -> memref<128x32xf32, #tpu.memory_space<vmem>>
        %dma_wait3A_536 = arith.constant 0 : i32
        %dma_wait3A_537 = tpu.memref_slice %arg7[%dma_wait3A_531, %dma_wait3A_536] : memref<80x128xi32, #tpu.memory_space<vmem>> -> memref<1x128xi32, #tpu.memory_space<vmem>>
        %dma_wait3A_538 = tpu.memref_squeeze %dma_wait3A_537 : memref<1x128xi32, #tpu.memory_space<vmem>> -> memref<128xi32, #tpu.memory_space<vmem>>
        %dma_wait3A_539 = arith.constant 0 : i32
        %dma_wait3A_540 = arith.constant 0 : i32
        %dma_wait3A_541 = tpu.memref_slice %arg9[%dma_wait3A_539, %dma_wait3A_540] : memref<10240x32xf32, #tpu.memory_space<vmem_shared>> -> memref<10240x32xf32, #tpu.memory_space<vmem_shared>>
        tpu.wait_indirect_dma semaphore(%arg25 : memref<!tpu.dma_semaphore, #tpu.memory_space<semaphore_mem>>) src(%dma_wait3A_535 : memref<128x32xf32, #tpu.memory_space<vmem>>) dst(%dma_wait3A_541 : memref<10240x32xf32, #tpu.memory_space<vmem_shared>>)
      } else {
      }
      %add3A_302 = arith.constant 4 : i32
      %add3A_303 = arith.addi %add3A_274, %add3A_302 : i32
      %dma_start3A_304 = arith.constant 6 : i32
      %dma_start3A_305 = arith.constant 0 : i32
      %dma_start3A_306 = arith.constant 0 : i32
      %dma_start3A_307 = tpu.memref_slice %arg8[%dma_start3A_304, %dma_start3A_305, %dma_start3A_306] : memref<8x128x32xf32, #tpu.memory_space<vmem>> -> memref<1x128x32xf32, #tpu.memory_space<vmem>>
      %dma_start3A_308 = tpu.memref_squeeze %dma_start3A_307 : memref<1x128x32xf32, #tpu.memory_space<vmem>> -> memref<128x32xf32, #tpu.memory_space<vmem>>
      %dma_start3A_309 = arith.constant 0 : i32
      %dma_start3A_310 = tpu.memref_slice %arg6[%add3A_303, %dma_start3A_309] : memref<80x128xi32, #tpu.memory_space<vmem>> -> memref<1x128xi32, #tpu.memory_space<vmem>>
      %dma_start3A_311 = tpu.memref_squeeze %dma_start3A_310 : memref<1x128xi32, #tpu.memory_space<vmem>> -> memref<128xi32, #tpu.memory_space<vmem>>
      %dma_start3A_312 = arith.constant 0 : i32
      %dma_start3A_313 = arith.constant 0 : i32
      %dma_start3A_314 = tpu.memref_slice %arg10[%dma_start3A_312, %dma_start3A_313] : memref<10240x32xf32, #tpu.memory_space<vmem_shared>> -> memref<10240x32xf32, #tpu.memory_space<vmem_shared>>
      tpu.enqueue_indirect_dma source(%dma_start3A_314 : memref<10240x32xf32, #tpu.memory_space<vmem_shared>>) target(%dma_start3A_308 : memref<128x32xf32, #tpu.memory_space<vmem>>) offsets(%dma_start3A_311 : memref<128xi32, #tpu.memory_space<vmem>>) semaphore(%arg17 : memref<!tpu.dma_semaphore, #tpu.memory_space<semaphore_mem>>)
      %mul3A_315 = arith.constant 8 : i32
      %mul3A_316 = arith.muli %scan3A_185, %mul3A_315 : i32
      %add3A_317 = arith.constant 3 : i32
      %add3A_318 = arith.addi %mul3A_316, %add3A_317 : i32
      %dma_wait3A_319 = arith.constant 3 : i32
      %dma_wait3A_320 = arith.constant 0 : i32
      %dma_wait3A_321 = arith.constant 0 : i32
      %dma_wait3A_322 = tpu.memref_slice %arg8[%dma_wait3A_319, %dma_wait3A_320, %dma_wait3A_321] : memref<8x128x32xf32, #tpu.memory_space<vmem>> -> memref<1x128x32xf32, #tpu.memory_space<vmem>>
      %dma_wait3A_323 = tpu.memref_squeeze %dma_wait3A_322 : memref<1x128x32xf32, #tpu.memory_space<vmem>> -> memref<128x32xf32, #tpu.memory_space<vmem>>
      %dma_wait3A_324 = arith.constant 0 : i32
      %dma_wait3A_325 = tpu.memref_slice %arg6[%add3A_318, %dma_wait3A_324] : memref<80x128xi32, #tpu.memory_space<vmem>> -> memref<1x128xi32, #tpu.memory_space<vmem>>
      %dma_wait3A_326 = tpu.memref_squeeze %dma_wait3A_325 : memref<1x128xi32, #tpu.memory_space<vmem>> -> memref<128xi32, #tpu.memory_space<vmem>>
      %dma_wait3A_327 = arith.constant 0 : i32
      %dma_wait3A_328 = arith.constant 0 : i32
      %dma_wait3A_329 = tpu.memref_slice %arg10[%dma_wait3A_327, %dma_wait3A_328] : memref<10240x32xf32, #tpu.memory_space<vmem_shared>> -> memref<10240x32xf32, #tpu.memory_space<vmem_shared>>
      tpu.wait_indirect_dma semaphore(%arg14 : memref<!tpu.dma_semaphore, #tpu.memory_space<semaphore_mem>>) src(%dma_wait3A_329 : memref<10240x32xf32, #tpu.memory_space<vmem_shared>>) dst(%dma_wait3A_323 : memref<128x32xf32, #tpu.memory_space<vmem>>)
      %dma_start3A_330 = arith.constant 3 : i32
      %dma_start3A_331 = arith.constant 0 : i32
      %dma_start3A_332 = arith.constant 0 : i32
      %dma_start3A_333 = tpu.memref_slice %arg8[%dma_start3A_330, %dma_start3A_331, %dma_start3A_332] : memref<8x128x32xf32, #tpu.memory_space<vmem>> -> memref<1x128x32xf32, #tpu.memory_space<vmem>>
      %dma_start3A_334 = tpu.memref_squeeze %dma_start3A_333 : memref<1x128x32xf32, #tpu.memory_space<vmem>> -> memref<128x32xf32, #tpu.memory_space<vmem>>
      %dma_start3A_335 = arith.constant 0 : i32
      %dma_start3A_336 = tpu.memref_slice %arg7[%add3A_318, %dma_start3A_335] : memref<80x128xi32, #tpu.memory_space<vmem>> -> memref<1x128xi32, #tpu.memory_space<vmem>>
      %dma_start3A_337 = tpu.memref_squeeze %dma_start3A_336 : memref<1x128xi32, #tpu.memory_space<vmem>> -> memref<128xi32, #tpu.memory_space<vmem>>
      %dma_start3A_338 = arith.constant 0 : i32
      %dma_start3A_339 = arith.constant 0 : i32
      %dma_start3A_340 = tpu.memref_slice %arg9[%dma_start3A_338, %dma_start3A_339] : memref<10240x32xf32, #tpu.memory_space<vmem_shared>> -> memref<10240x32xf32, #tpu.memory_space<vmem_shared>>
      tpu.enqueue_indirect_dma source(%dma_start3A_334 : memref<128x32xf32, #tpu.memory_space<vmem>>) target(%dma_start3A_340 : memref<10240x32xf32, #tpu.memory_space<vmem_shared>>) offsets(%dma_start3A_337 : memref<128xi32, #tpu.memory_space<vmem>>) semaphore(%arg22 : memref<!tpu.dma_semaphore, #tpu.memory_space<semaphore_mem>>) {add = true}
      %gt3A_341 = arith.constant 0 : i32
      %gt3A_342 = arith.cmpi sgt, %scan3A_185, %gt3A_341 : i32
      %convert_element_type3A_343 = arith.extui %gt3A_342 : i1 to i32
      %cond3A_344 = arith.constant 0 : i32
      %cond3A_345 = arith.cmpi ne, %convert_element_type3A_343, %cond3A_344 : i32
      scf.if %cond3A_345 {
        %dma_wait3A_530 = arith.constant 7 : i32
        %dma_wait3A_531 = arith.constant 0 : i32
        %dma_wait3A_532 = arith.constant 0 : i32
        %dma_wait3A_533 = arith.constant 0 : i32
        %dma_wait3A_534 = tpu.memref_slice %arg8[%dma_wait3A_530, %dma_wait3A_532, %dma_wait3A_533] : memref<8x128x32xf32, #tpu.memory_space<vmem>> -> memref<1x128x32xf32, #tpu.memory_space<vmem>>
        %dma_wait3A_535 = tpu.memref_squeeze %dma_wait3A_534 : memref<1x128x32xf32, #tpu.memory_space<vmem>> -> memref<128x32xf32, #tpu.memory_space<vmem>>
        %dma_wait3A_536 = arith.constant 0 : i32
        %dma_wait3A_537 = tpu.memref_slice %arg7[%dma_wait3A_531, %dma_wait3A_536] : memref<80x128xi32, #tpu.memory_space<vmem>> -> memref<1x128xi32, #tpu.memory_space<vmem>>
        %dma_wait3A_538 = tpu.memref_squeeze %dma_wait3A_537 : memref<1x128xi32, #tpu.memory_space<vmem>> -> memref<128xi32, #tpu.memory_space<vmem>>
        %dma_wait3A_539 = arith.constant 0 : i32
        %dma_wait3A_540 = arith.constant 0 : i32
        %dma_wait3A_541 = tpu.memref_slice %arg9[%dma_wait3A_539, %dma_wait3A_540] : memref<10240x32xf32, #tpu.memory_space<vmem_shared>> -> memref<10240x32xf32, #tpu.memory_space<vmem_shared>>
        tpu.wait_indirect_dma semaphore(%arg26 : memref<!tpu.dma_semaphore, #tpu.memory_space<semaphore_mem>>) src(%dma_wait3A_535 : memref<128x32xf32, #tpu.memory_space<vmem>>) dst(%dma_wait3A_541 : memref<10240x32xf32, #tpu.memory_space<vmem_shared>>)
      } else {
      }
      %add3A_346 = arith.constant 4 : i32
      %add3A_347 = arith.addi %add3A_318, %add3A_346 : i32
      %dma_start3A_348 = arith.constant 7 : i32
      %dma_start3A_349 = arith.constant 0 : i32
      %dma_start3A_350 = arith.constant 0 : i32
      %dma_start3A_351 = tpu.memref_slice %arg8[%dma_start3A_348, %dma_start3A_349, %dma_start3A_350] : memref<8x128x32xf32, #tpu.memory_space<vmem>> -> memref<1x128x32xf32, #tpu.memory_space<vmem>>
      %dma_start3A_352 = tpu.memref_squeeze %dma_start3A_351 : memref<1x128x32xf32, #tpu.memory_space<vmem>> -> memref<128x32xf32, #tpu.memory_space<vmem>>
      %dma_start3A_353 = arith.constant 0 : i32
      %dma_start3A_354 = tpu.memref_slice %arg6[%add3A_347, %dma_start3A_353] : memref<80x128xi32, #tpu.memory_space<vmem>> -> memref<1x128xi32, #tpu.memory_space<vmem>>
      %dma_start3A_355 = tpu.memref_squeeze %dma_start3A_354 : memref<1x128xi32, #tpu.memory_space<vmem>> -> memref<128xi32, #tpu.memory_space<vmem>>
      %dma_start3A_356 = arith.constant 0 : i32
      %dma_start3A_357 = arith.constant 0 : i32
      %dma_start3A_358 = tpu.memref_slice %arg10[%dma_start3A_356, %dma_start3A_357] : memref<10240x32xf32, #tpu.memory_space<vmem_shared>> -> memref<10240x32xf32, #tpu.memory_space<vmem_shared>>
      tpu.enqueue_indirect_dma source(%dma_start3A_358 : memref<10240x32xf32, #tpu.memory_space<vmem_shared>>) target(%dma_start3A_352 : memref<128x32xf32, #tpu.memory_space<vmem>>) offsets(%dma_start3A_355 : memref<128xi32, #tpu.memory_space<vmem>>) semaphore(%arg18 : memref<!tpu.dma_semaphore, #tpu.memory_space<semaphore_mem>>)
      %mul3A_359 = arith.constant 8 : i32
      %mul3A_360 = arith.muli %scan3A_185, %mul3A_359 : i32
      %add3A_361 = arith.constant 4 : i32
      %add3A_362 = arith.addi %mul3A_360, %add3A_361 : i32
      %dma_wait3A_363 = arith.constant 4 : i32
      %dma_wait3A_364 = arith.constant 0 : i32
      %dma_wait3A_365 = arith.constant 0 : i32
      %dma_wait3A_366 = tpu.memref_slice %arg8[%dma_wait3A_363, %dma_wait3A_364, %dma_wait3A_365] : memref<8x128x32xf32, #tpu.memory_space<vmem>> -> memref<1x128x32xf32, #tpu.memory_space<vmem>>
      %dma_wait3A_367 = tpu.memref_squeeze %dma_wait3A_366 : memref<1x128x32xf32, #tpu.memory_space<vmem>> -> memref<128x32xf32, #tpu.memory_space<vmem>>
      %dma_wait3A_368 = arith.constant 0 : i32
      %dma_wait3A_369 = tpu.memref_slice %arg6[%add3A_362, %dma_wait3A_368] : memref<80x128xi32, #tpu.memory_space<vmem>> -> memref<1x128xi32, #tpu.memory_space<vmem>>
      %dma_wait3A_370 = tpu.memref_squeeze %dma_wait3A_369 : memref<1x128xi32, #tpu.memory_space<vmem>> -> memref<128xi32, #tpu.memory_space<vmem>>
      %dma_wait3A_371 = arith.constant 0 : i32
      %dma_wait3A_372 = arith.constant 0 : i32
      %dma_wait3A_373 = tpu.memref_slice %arg10[%dma_wait3A_371, %dma_wait3A_372] : memref<10240x32xf32, #tpu.memory_space<vmem_shared>> -> memref<10240x32xf32, #tpu.memory_space<vmem_shared>>
      tpu.wait_indirect_dma semaphore(%arg15 : memref<!tpu.dma_semaphore, #tpu.memory_space<semaphore_mem>>) src(%dma_wait3A_373 : memref<10240x32xf32, #tpu.memory_space<vmem_shared>>) dst(%dma_wait3A_367 : memref<128x32xf32, #tpu.memory_space<vmem>>)
      %dma_start3A_374 = arith.constant 4 : i32
      %dma_start3A_375 = arith.constant 0 : i32
      %dma_start3A_376 = arith.constant 0 : i32
      %dma_start3A_377 = tpu.memref_slice %arg8[%dma_start3A_374, %dma_start3A_375, %dma_start3A_376] : memref<8x128x32xf32, #tpu.memory_space<vmem>> -> memref<1x128x32xf32, #tpu.memory_space<vmem>>
      %dma_start3A_378 = tpu.memref_squeeze %dma_start3A_377 : memref<1x128x32xf32, #tpu.memory_space<vmem>> -> memref<128x32xf32, #tpu.memory_space<vmem>>
      %dma_start3A_379 = arith.constant 0 : i32
      %dma_start3A_380 = tpu.memref_slice %arg7[%add3A_362, %dma_start3A_379] : memref<80x128xi32, #tpu.memory_space<vmem>> -> memref<1x128xi32, #tpu.memory_space<vmem>>
      %dma_start3A_381 = tpu.memref_squeeze %dma_start3A_380 : memref<1x128xi32, #tpu.memory_space<vmem>> -> memref<128xi32, #tpu.memory_space<vmem>>
      %dma_start3A_382 = arith.constant 0 : i32
      %dma_start3A_383 = arith.constant 0 : i32
      %dma_start3A_384 = tpu.memref_slice %arg9[%dma_start3A_382, %dma_start3A_383] : memref<10240x32xf32, #tpu.memory_space<vmem_shared>> -> memref<10240x32xf32, #tpu.memory_space<vmem_shared>>
      tpu.enqueue_indirect_dma source(%dma_start3A_378 : memref<128x32xf32, #tpu.memory_space<vmem>>) target(%dma_start3A_384 : memref<10240x32xf32, #tpu.memory_space<vmem_shared>>) offsets(%dma_start3A_381 : memref<128xi32, #tpu.memory_space<vmem>>) semaphore(%arg23 : memref<!tpu.dma_semaphore, #tpu.memory_space<semaphore_mem>>) {add = true}
      %dma_wait3A_385 = arith.constant 0 : i32
      %dma_wait3A_386 = arith.constant 0 : i32
      %dma_wait3A_387 = arith.constant 0 : i32
      %dma_wait3A_388 = arith.constant 0 : i32
      %dma_wait3A_389 = tpu.memref_slice %arg8[%dma_wait3A_385, %dma_wait3A_387, %dma_wait3A_388] : memref<8x128x32xf32, #tpu.memory_space<vmem>> -> memref<1x128x32xf32, #tpu.memory_space<vmem>>
      %dma_wait3A_390 = tpu.memref_squeeze %dma_wait3A_389 : memref<1x128x32xf32, #tpu.memory_space<vmem>> -> memref<128x32xf32, #tpu.memory_space<vmem>>
      %dma_wait3A_391 = arith.constant 0 : i32
      %dma_wait3A_392 = tpu.memref_slice %arg7[%dma_wait3A_386, %dma_wait3A_391] : memref<80x128xi32, #tpu.memory_space<vmem>> -> memref<1x128xi32, #tpu.memory_space<vmem>>
      %dma_wait3A_393 = tpu.memref_squeeze %dma_wait3A_392 : memref<1x128xi32, #tpu.memory_space<vmem>> -> memref<128xi32, #tpu.memory_space<vmem>>
      %dma_wait3A_394 = arith.constant 0 : i32
      %dma_wait3A_395 = arith.constant 0 : i32
      %dma_wait3A_396 = tpu.memref_slice %arg9[%dma_wait3A_394, %dma_wait3A_395] : memref<10240x32xf32, #tpu.memory_space<vmem_shared>> -> memref<10240x32xf32, #tpu.memory_space<vmem_shared>>
      tpu.wait_indirect_dma semaphore(%arg19 : memref<!tpu.dma_semaphore, #tpu.memory_space<semaphore_mem>>) src(%dma_wait3A_390 : memref<128x32xf32, #tpu.memory_space<vmem>>) dst(%dma_wait3A_396 : memref<10240x32xf32, #tpu.memory_space<vmem_shared>>)
      %lt3A = arith.constant 9 : i32
      %lt3A_397 = arith.cmpi slt, %scan3A_185, %lt3A : i32
      %convert_element_type3A_398 = arith.extui %lt3A_397 : i1 to i32
      %cond3A_399 = arith.constant 0 : i32
      %cond3A_400 = arith.cmpi ne, %convert_element_type3A_398, %cond3A_399 : i32
      scf.if %cond3A_400 {
        %add3A_530 = arith.constant 4 : i32
        %add3A_531 = arith.addi %add3A_362, %add3A_530 : i32
        %dma_start3A_532 = arith.constant 0 : i32
        %dma_start3A_533 = arith.constant 0 : i32
        %dma_start3A_534 = arith.constant 0 : i32
        %dma_start3A_535 = tpu.memref_slice %arg8[%dma_start3A_532, %dma_start3A_533, %dma_start3A_534] : memref<8x128x32xf32, #tpu.memory_space<vmem>> -> memref<1x128x32xf32, #tpu.memory_space<vmem>>
        %dma_start3A_536 = tpu.memref_squeeze %dma_start3A_535 : memref<1x128x32xf32, #tpu.memory_space<vmem>> -> memref<128x32xf32, #tpu.memory_space<vmem>>
        %dma_start3A_537 = arith.constant 0 : i32
        %dma_start3A_538 = tpu.memref_slice %arg6[%add3A_531, %dma_start3A_537] : memref<80x128xi32, #tpu.memory_space<vmem>> -> memref<1x128xi32, #tpu.memory_space<vmem>>
        %dma_start3A_539 = tpu.memref_squeeze %dma_start3A_538 : memref<1x128xi32, #tpu.memory_space<vmem>> -> memref<128xi32, #tpu.memory_space<vmem>>
        %dma_start3A_540 = arith.constant 0 : i32
        %dma_start3A_541 = arith.constant 0 : i32
        %dma_start3A_542 = tpu.memref_slice %arg10[%dma_start3A_540, %dma_start3A_541] : memref<10240x32xf32, #tpu.memory_space<vmem_shared>> -> memref<10240x32xf32, #tpu.memory_space<vmem_shared>>
        tpu.enqueue_indirect_dma source(%dma_start3A_542 : memref<10240x32xf32, #tpu.memory_space<vmem_shared>>) target(%dma_start3A_536 : memref<128x32xf32, #tpu.memory_space<vmem>>) offsets(%dma_start3A_539 : memref<128xi32, #tpu.memory_space<vmem>>) semaphore(%arg11 : memref<!tpu.dma_semaphore, #tpu.memory_space<semaphore_mem>>)
      } else {
      }
      %mul3A_401 = arith.constant 8 : i32
      %mul3A_402 = arith.muli %scan3A_185, %mul3A_401 : i32
      %add3A_403 = arith.constant 5 : i32
      %add3A_404 = arith.addi %mul3A_402, %add3A_403 : i32
      %dma_wait3A_405 = arith.constant 5 : i32
      %dma_wait3A_406 = arith.constant 0 : i32
      %dma_wait3A_407 = arith.constant 0 : i32
      %dma_wait3A_408 = tpu.memref_slice %arg8[%dma_wait3A_405, %dma_wait3A_406, %dma_wait3A_407] : memref<8x128x32xf32, #tpu.memory_space<vmem>> -> memref<1x128x32xf32, #tpu.memory_space<vmem>>
      %dma_wait3A_409 = tpu.memref_squeeze %dma_wait3A_408 : memref<1x128x32xf32, #tpu.memory_space<vmem>> -> memref<128x32xf32, #tpu.memory_space<vmem>>
      %dma_wait3A_410 = arith.constant 0 : i32
      %dma_wait3A_411 = tpu.memref_slice %arg6[%add3A_404, %dma_wait3A_410] : memref<80x128xi32, #tpu.memory_space<vmem>> -> memref<1x128xi32, #tpu.memory_space<vmem>>
      %dma_wait3A_412 = tpu.memref_squeeze %dma_wait3A_411 : memref<1x128xi32, #tpu.memory_space<vmem>> -> memref<128xi32, #tpu.memory_space<vmem>>
      %dma_wait3A_413 = arith.constant 0 : i32
      %dma_wait3A_414 = arith.constant 0 : i32
      %dma_wait3A_415 = tpu.memref_slice %arg10[%dma_wait3A_413, %dma_wait3A_414] : memref<10240x32xf32, #tpu.memory_space<vmem_shared>> -> memref<10240x32xf32, #tpu.memory_space<vmem_shared>>
      tpu.wait_indirect_dma semaphore(%arg16 : memref<!tpu.dma_semaphore, #tpu.memory_space<semaphore_mem>>) src(%dma_wait3A_415 : memref<10240x32xf32, #tpu.memory_space<vmem_shared>>) dst(%dma_wait3A_409 : memref<128x32xf32, #tpu.memory_space<vmem>>)
      %dma_start3A_416 = arith.constant 5 : i32
      %dma_start3A_417 = arith.constant 0 : i32
      %dma_start3A_418 = arith.constant 0 : i32
      %dma_start3A_419 = tpu.memref_slice %arg8[%dma_start3A_416, %dma_start3A_417, %dma_start3A_418] : memref<8x128x32xf32, #tpu.memory_space<vmem>> -> memref<1x128x32xf32, #tpu.memory_space<vmem>>
      %dma_start3A_420 = tpu.memref_squeeze %dma_start3A_419 : memref<1x128x32xf32, #tpu.memory_space<vmem>> -> memref<128x32xf32, #tpu.memory_space<vmem>>
      %dma_start3A_421 = arith.constant 0 : i32
      %dma_start3A_422 = tpu.memref_slice %arg7[%add3A_404, %dma_start3A_421] : memref<80x128xi32, #tpu.memory_space<vmem>> -> memref<1x128xi32, #tpu.memory_space<vmem>>
      %dma_start3A_423 = tpu.memref_squeeze %dma_start3A_422 : memref<1x128xi32, #tpu.memory_space<vmem>> -> memref<128xi32, #tpu.memory_space<vmem>>
      %dma_start3A_424 = arith.constant 0 : i32
      %dma_start3A_425 = arith.constant 0 : i32
      %dma_start3A_426 = tpu.memref_slice %arg9[%dma_start3A_424, %dma_start3A_425] : memref<10240x32xf32, #tpu.memory_space<vmem_shared>> -> memref<10240x32xf32, #tpu.memory_space<vmem_shared>>
      tpu.enqueue_indirect_dma source(%dma_start3A_420 : memref<128x32xf32, #tpu.memory_space<vmem>>) target(%dma_start3A_426 : memref<10240x32xf32, #tpu.memory_space<vmem_shared>>) offsets(%dma_start3A_423 : memref<128xi32, #tpu.memory_space<vmem>>) semaphore(%arg24 : memref<!tpu.dma_semaphore, #tpu.memory_space<semaphore_mem>>) {add = true}
      %dma_wait3A_427 = arith.constant 1 : i32
      %dma_wait3A_428 = arith.constant 0 : i32
      %dma_wait3A_429 = arith.constant 0 : i32
      %dma_wait3A_430 = arith.constant 0 : i32
      %dma_wait3A_431 = tpu.memref_slice %arg8[%dma_wait3A_427, %dma_wait3A_429, %dma_wait3A_430] : memref<8x128x32xf32, #tpu.memory_space<vmem>> -> memref<1x128x32xf32, #tpu.memory_space<vmem>>
      %dma_wait3A_432 = tpu.memref_squeeze %dma_wait3A_431 : memref<1x128x32xf32, #tpu.memory_space<vmem>> -> memref<128x32xf32, #tpu.memory_space<vmem>>
      %dma_wait3A_433 = arith.constant 0 : i32
      %dma_wait3A_434 = tpu.memref_slice %arg7[%dma_wait3A_428, %dma_wait3A_433] : memref<80x128xi32, #tpu.memory_space<vmem>> -> memref<1x128xi32, #tpu.memory_space<vmem>>
      %dma_wait3A_435 = tpu.memref_squeeze %dma_wait3A_434 : memref<1x128xi32, #tpu.memory_space<vmem>> -> memref<128xi32, #tpu.memory_space<vmem>>
      %dma_wait3A_436 = arith.constant 0 : i32
      %dma_wait3A_437 = arith.constant 0 : i32
      %dma_wait3A_438 = tpu.memref_slice %arg9[%dma_wait3A_436, %dma_wait3A_437] : memref<10240x32xf32, #tpu.memory_space<vmem_shared>> -> memref<10240x32xf32, #tpu.memory_space<vmem_shared>>
      tpu.wait_indirect_dma semaphore(%arg20 : memref<!tpu.dma_semaphore, #tpu.memory_space<semaphore_mem>>) src(%dma_wait3A_432 : memref<128x32xf32, #tpu.memory_space<vmem>>) dst(%dma_wait3A_438 : memref<10240x32xf32, #tpu.memory_space<vmem_shared>>)
      %lt3A_439 = arith.constant 9 : i32
      %lt3A_440 = arith.cmpi slt, %scan3A_185, %lt3A_439 : i32
      %convert_element_type3A_441 = arith.extui %lt3A_440 : i1 to i32
      %cond3A_442 = arith.constant 0 : i32
      %cond3A_443 = arith.cmpi ne, %convert_element_type3A_441, %cond3A_442 : i32
      scf.if %cond3A_443 {
        %add3A_530 = arith.constant 4 : i32
        %add3A_531 = arith.addi %add3A_404, %add3A_530 : i32
        %dma_start3A_532 = arith.constant 1 : i32
        %dma_start3A_533 = arith.constant 0 : i32
        %dma_start3A_534 = arith.constant 0 : i32
        %dma_start3A_535 = tpu.memref_slice %arg8[%dma_start3A_532, %dma_start3A_533, %dma_start3A_534] : memref<8x128x32xf32, #tpu.memory_space<vmem>> -> memref<1x128x32xf32, #tpu.memory_space<vmem>>
        %dma_start3A_536 = tpu.memref_squeeze %dma_start3A_535 : memref<1x128x32xf32, #tpu.memory_space<vmem>> -> memref<128x32xf32, #tpu.memory_space<vmem>>
        %dma_start3A_537 = arith.constant 0 : i32
        %dma_start3A_538 = tpu.memref_slice %arg6[%add3A_531, %dma_start3A_537] : memref<80x128xi32, #tpu.memory_space<vmem>> -> memref<1x128xi32, #tpu.memory_space<vmem>>
        %dma_start3A_539 = tpu.memref_squeeze %dma_start3A_538 : memref<1x128xi32, #tpu.memory_space<vmem>> -> memref<128xi32, #tpu.memory_space<vmem>>
        %dma_start3A_540 = arith.constant 0 : i32
        %dma_start3A_541 = arith.constant 0 : i32
        %dma_start3A_542 = tpu.memref_slice %arg10[%dma_start3A_540, %dma_start3A_541] : memref<10240x32xf32, #tpu.memory_space<vmem_shared>> -> memref<10240x32xf32, #tpu.memory_space<vmem_shared>>
        tpu.enqueue_indirect_dma source(%dma_start3A_542 : memref<10240x32xf32, #tpu.memory_space<vmem_shared>>) target(%dma_start3A_536 : memref<128x32xf32, #tpu.memory_space<vmem>>) offsets(%dma_start3A_539 : memref<128xi32, #tpu.memory_space<vmem>>) semaphore(%arg12 : memref<!tpu.dma_semaphore, #tpu.memory_space<semaphore_mem>>)
      } else {
      }
      %mul3A_444 = arith.constant 8 : i32
      %mul3A_445 = arith.muli %scan3A_185, %mul3A_444 : i32
      %add3A_446 = arith.constant 6 : i32
      %add3A_447 = arith.addi %mul3A_445, %add3A_446 : i32
      %dma_wait3A_448 = arith.constant 6 : i32
      %dma_wait3A_449 = arith.constant 0 : i32
      %dma_wait3A_450 = arith.constant 0 : i32
      %dma_wait3A_451 = tpu.memref_slice %arg8[%dma_wait3A_448, %dma_wait3A_449, %dma_wait3A_450] : memref<8x128x32xf32, #tpu.memory_space<vmem>> -> memref<1x128x32xf32, #tpu.memory_space<vmem>>
      %dma_wait3A_452 = tpu.memref_squeeze %dma_wait3A_451 : memref<1x128x32xf32, #tpu.memory_space<vmem>> -> memref<128x32xf32, #tpu.memory_space<vmem>>
      %dma_wait3A_453 = arith.constant 0 : i32
      %dma_wait3A_454 = tpu.memref_slice %arg6[%add3A_447, %dma_wait3A_453] : memref<80x128xi32, #tpu.memory_space<vmem>> -> memref<1x128xi32, #tpu.memory_space<vmem>>
      %dma_wait3A_455 = tpu.memref_squeeze %dma_wait3A_454 : memref<1x128xi32, #tpu.memory_space<vmem>> -> memref<128xi32, #tpu.memory_space<vmem>>
      %dma_wait3A_456 = arith.constant 0 : i32
      %dma_wait3A_457 = arith.constant 0 : i32
      %dma_wait3A_458 = tpu.memref_slice %arg10[%dma_wait3A_456, %dma_wait3A_457] : memref<10240x32xf32, #tpu.memory_space<vmem_shared>> -> memref<10240x32xf32, #tpu.memory_space<vmem_shared>>
      tpu.wait_indirect_dma semaphore(%arg17 : memref<!tpu.dma_semaphore, #tpu.memory_space<semaphore_mem>>) src(%dma_wait3A_458 : memref<10240x32xf32, #tpu.memory_space<vmem_shared>>) dst(%dma_wait3A_452 : memref<128x32xf32, #tpu.memory_space<vmem>>)
      %dma_start3A_459 = arith.constant 6 : i32
      %dma_start3A_460 = arith.constant 0 : i32
      %dma_start3A_461 = arith.constant 0 : i32
      %dma_start3A_462 = tpu.memref_slice %arg8[%dma_start3A_459, %dma_start3A_460, %dma_start3A_461] : memref<8x128x32xf32, #tpu.memory_space<vmem>> -> memref<1x128x32xf32, #tpu.memory_space<vmem>>
      %dma_start3A_463 = tpu.memref_squeeze %dma_start3A_462 : memref<1x128x32xf32, #tpu.memory_space<vmem>> -> memref<128x32xf32, #tpu.memory_space<vmem>>
      %dma_start3A_464 = arith.constant 0 : i32
      %dma_start3A_465 = tpu.memref_slice %arg7[%add3A_447, %dma_start3A_464] : memref<80x128xi32, #tpu.memory_space<vmem>> -> memref<1x128xi32, #tpu.memory_space<vmem>>
      %dma_start3A_466 = tpu.memref_squeeze %dma_start3A_465 : memref<1x128xi32, #tpu.memory_space<vmem>> -> memref<128xi32, #tpu.memory_space<vmem>>
      %dma_start3A_467 = arith.constant 0 : i32
      %dma_start3A_468 = arith.constant 0 : i32
      %dma_start3A_469 = tpu.memref_slice %arg9[%dma_start3A_467, %dma_start3A_468] : memref<10240x32xf32, #tpu.memory_space<vmem_shared>> -> memref<10240x32xf32, #tpu.memory_space<vmem_shared>>
      tpu.enqueue_indirect_dma source(%dma_start3A_463 : memref<128x32xf32, #tpu.memory_space<vmem>>) target(%dma_start3A_469 : memref<10240x32xf32, #tpu.memory_space<vmem_shared>>) offsets(%dma_start3A_466 : memref<128xi32, #tpu.memory_space<vmem>>) semaphore(%arg25 : memref<!tpu.dma_semaphore, #tpu.memory_space<semaphore_mem>>) {add = true}
      %dma_wait3A_470 = arith.constant 2 : i32
      %dma_wait3A_471 = arith.constant 0 : i32
      %dma_wait3A_472 = arith.constant 0 : i32
      %dma_wait3A_473 = arith.constant 0 : i32
      %dma_wait3A_474 = tpu.memref_slice %arg8[%dma_wait3A_470, %dma_wait3A_472, %dma_wait3A_473] : memref<8x128x32xf32, #tpu.memory_space<vmem>> -> memref<1x128x32xf32, #tpu.memory_space<vmem>>
      %dma_wait3A_475 = tpu.memref_squeeze %dma_wait3A_474 : memref<1x128x32xf32, #tpu.memory_space<vmem>> -> memref<128x32xf32, #tpu.memory_space<vmem>>
      %dma_wait3A_476 = arith.constant 0 : i32
      %dma_wait3A_477 = tpu.memref_slice %arg7[%dma_wait3A_471, %dma_wait3A_476] : memref<80x128xi32, #tpu.memory_space<vmem>> -> memref<1x128xi32, #tpu.memory_space<vmem>>
      %dma_wait3A_478 = tpu.memref_squeeze %dma_wait3A_477 : memref<1x128xi32, #tpu.memory_space<vmem>> -> memref<128xi32, #tpu.memory_space<vmem>>
      %dma_wait3A_479 = arith.constant 0 : i32
      %dma_wait3A_480 = arith.constant 0 : i32
      %dma_wait3A_481 = tpu.memref_slice %arg9[%dma_wait3A_479, %dma_wait3A_480] : memref<10240x32xf32, #tpu.memory_space<vmem_shared>> -> memref<10240x32xf32, #tpu.memory_space<vmem_shared>>
      tpu.wait_indirect_dma semaphore(%arg21 : memref<!tpu.dma_semaphore, #tpu.memory_space<semaphore_mem>>) src(%dma_wait3A_475 : memref<128x32xf32, #tpu.memory_space<vmem>>) dst(%dma_wait3A_481 : memref<10240x32xf32, #tpu.memory_space<vmem_shared>>)
      %lt3A_482 = arith.constant 9 : i32
      %lt3A_483 = arith.cmpi slt, %scan3A_185, %lt3A_482 : i32
      %convert_element_type3A_484 = arith.extui %lt3A_483 : i1 to i32
      %cond3A_485 = arith.constant 0 : i32
      %cond3A_486 = arith.cmpi ne, %convert_element_type3A_484, %cond3A_485 : i32
      scf.if %cond3A_486 {
        %add3A_530 = arith.constant 4 : i32
        %add3A_531 = arith.addi %add3A_447, %add3A_530 : i32
        %dma_start3A_532 = arith.constant 2 : i32
        %dma_start3A_533 = arith.constant 0 : i32
        %dma_start3A_534 = arith.constant 0 : i32
        %dma_start3A_535 = tpu.memref_slice %arg8[%dma_start3A_532, %dma_start3A_533, %dma_start3A_534] : memref<8x128x32xf32, #tpu.memory_space<vmem>> -> memref<1x128x32xf32, #tpu.memory_space<vmem>>
        %dma_start3A_536 = tpu.memref_squeeze %dma_start3A_535 : memref<1x128x32xf32, #tpu.memory_space<vmem>> -> memref<128x32xf32, #tpu.memory_space<vmem>>
        %dma_start3A_537 = arith.constant 0 : i32
        %dma_start3A_538 = tpu.memref_slice %arg6[%add3A_531, %dma_start3A_537] : memref<80x128xi32, #tpu.memory_space<vmem>> -> memref<1x128xi32, #tpu.memory_space<vmem>>
        %dma_start3A_539 = tpu.memref_squeeze %dma_start3A_538 : memref<1x128xi32, #tpu.memory_space<vmem>> -> memref<128xi32, #tpu.memory_space<vmem>>
        %dma_start3A_540 = arith.constant 0 : i32
        %dma_start3A_541 = arith.constant 0 : i32
        %dma_start3A_542 = tpu.memref_slice %arg10[%dma_start3A_540, %dma_start3A_541] : memref<10240x32xf32, #tpu.memory_space<vmem_shared>> -> memref<10240x32xf32, #tpu.memory_space<vmem_shared>>
        tpu.enqueue_indirect_dma source(%dma_start3A_542 : memref<10240x32xf32, #tpu.memory_space<vmem_shared>>) target(%dma_start3A_536 : memref<128x32xf32, #tpu.memory_space<vmem>>) offsets(%dma_start3A_539 : memref<128xi32, #tpu.memory_space<vmem>>) semaphore(%arg13 : memref<!tpu.dma_semaphore, #tpu.memory_space<semaphore_mem>>)
      } else {
      }
      %mul3A_487 = arith.constant 8 : i32
      %mul3A_488 = arith.muli %scan3A_185, %mul3A_487 : i32
      %add3A_489 = arith.constant 7 : i32
      %add3A_490 = arith.addi %mul3A_488, %add3A_489 : i32
      %dma_wait3A_491 = arith.constant 7 : i32
      %dma_wait3A_492 = arith.constant 0 : i32
      %dma_wait3A_493 = arith.constant 0 : i32
      %dma_wait3A_494 = tpu.memref_slice %arg8[%dma_wait3A_491, %dma_wait3A_492, %dma_wait3A_493] : memref<8x128x32xf32, #tpu.memory_space<vmem>> -> memref<1x128x32xf32, #tpu.memory_space<vmem>>
      %dma_wait3A_495 = tpu.memref_squeeze %dma_wait3A_494 : memref<1x128x32xf32, #tpu.memory_space<vmem>> -> memref<128x32xf32, #tpu.memory_space<vmem>>
      %dma_wait3A_496 = arith.constant 0 : i32
      %dma_wait3A_497 = tpu.memref_slice %arg6[%add3A_490, %dma_wait3A_496] : memref<80x128xi32, #tpu.memory_space<vmem>> -> memref<1x128xi32, #tpu.memory_space<vmem>>
      %dma_wait3A_498 = tpu.memref_squeeze %dma_wait3A_497 : memref<1x128xi32, #tpu.memory_space<vmem>> -> memref<128xi32, #tpu.memory_space<vmem>>
      %dma_wait3A_499 = arith.constant 0 : i32
      %dma_wait3A_500 = arith.constant 0 : i32
      %dma_wait3A_501 = tpu.memref_slice %arg10[%dma_wait3A_499, %dma_wait3A_500] : memref<10240x32xf32, #tpu.memory_space<vmem_shared>> -> memref<10240x32xf32, #tpu.memory_space<vmem_shared>>
      tpu.wait_indirect_dma semaphore(%arg18 : memref<!tpu.dma_semaphore, #tpu.memory_space<semaphore_mem>>) src(%dma_wait3A_501 : memref<10240x32xf32, #tpu.memory_space<vmem_shared>>) dst(%dma_wait3A_495 : memref<128x32xf32, #tpu.memory_space<vmem>>)
      %dma_start3A_502 = arith.constant 7 : i32
      %dma_start3A_503 = arith.constant 0 : i32
      %dma_start3A_504 = arith.constant 0 : i32
      %dma_start3A_505 = tpu.memref_slice %arg8[%dma_start3A_502, %dma_start3A_503, %dma_start3A_504] : memref<8x128x32xf32, #tpu.memory_space<vmem>> -> memref<1x128x32xf32, #tpu.memory_space<vmem>>
      %dma_start3A_506 = tpu.memref_squeeze %dma_start3A_505 : memref<1x128x32xf32, #tpu.memory_space<vmem>> -> memref<128x32xf32, #tpu.memory_space<vmem>>
      %dma_start3A_507 = arith.constant 0 : i32
      %dma_start3A_508 = tpu.memref_slice %arg7[%add3A_490, %dma_start3A_507] : memref<80x128xi32, #tpu.memory_space<vmem>> -> memref<1x128xi32, #tpu.memory_space<vmem>>
      %dma_start3A_509 = tpu.memref_squeeze %dma_start3A_508 : memref<1x128xi32, #tpu.memory_space<vmem>> -> memref<128xi32, #tpu.memory_space<vmem>>
      %dma_start3A_510 = arith.constant 0 : i32
      %dma_start3A_511 = arith.constant 0 : i32
      %dma_start3A_512 = tpu.memref_slice %arg9[%dma_start3A_510, %dma_start3A_511] : memref<10240x32xf32, #tpu.memory_space<vmem_shared>> -> memref<10240x32xf32, #tpu.memory_space<vmem_shared>>
      tpu.enqueue_indirect_dma source(%dma_start3A_506 : memref<128x32xf32, #tpu.memory_space<vmem>>) target(%dma_start3A_512 : memref<10240x32xf32, #tpu.memory_space<vmem_shared>>) offsets(%dma_start3A_509 : memref<128xi32, #tpu.memory_space<vmem>>) semaphore(%arg26 : memref<!tpu.dma_semaphore, #tpu.memory_space<semaphore_mem>>) {add = true}
      %dma_wait3A_513 = arith.constant 3 : i32
      %dma_wait3A_514 = arith.constant 0 : i32
      %dma_wait3A_515 = arith.constant 0 : i32
      %dma_wait3A_516 = arith.constant 0 : i32
      %dma_wait3A_517 = tpu.memref_slice %arg8[%dma_wait3A_513, %dma_wait3A_515, %dma_wait3A_516] : memref<8x128x32xf32, #tpu.memory_space<vmem>> -> memref<1x128x32xf32, #tpu.memory_space<vmem>>
      %dma_wait3A_518 = tpu.memref_squeeze %dma_wait3A_517 : memref<1x128x32xf32, #tpu.memory_space<vmem>> -> memref<128x32xf32, #tpu.memory_space<vmem>>
      %dma_wait3A_519 = arith.constant 0 : i32
      %dma_wait3A_520 = tpu.memref_slice %arg7[%dma_wait3A_514, %dma_wait3A_519] : memref<80x128xi32, #tpu.memory_space<vmem>> -> memref<1x128xi32, #tpu.memory_space<vmem>>
      %dma_wait3A_521 = tpu.memref_squeeze %dma_wait3A_520 : memref<1x128xi32, #tpu.memory_space<vmem>> -> memref<128xi32, #tpu.memory_space<vmem>>
      %dma_wait3A_522 = arith.constant 0 : i32
      %dma_wait3A_523 = arith.constant 0 : i32
      %dma_wait3A_524 = tpu.memref_slice %arg9[%dma_wait3A_522, %dma_wait3A_523] : memref<10240x32xf32, #tpu.memory_space<vmem_shared>> -> memref<10240x32xf32, #tpu.memory_space<vmem_shared>>
      tpu.wait_indirect_dma semaphore(%arg22 : memref<!tpu.dma_semaphore, #tpu.memory_space<semaphore_mem>>) src(%dma_wait3A_518 : memref<128x32xf32, #tpu.memory_space<vmem>>) dst(%dma_wait3A_524 : memref<10240x32xf32, #tpu.memory_space<vmem_shared>>)
      %lt3A_525 = arith.constant 9 : i32
      %lt3A_526 = arith.cmpi slt, %scan3A_185, %lt3A_525 : i32
      %convert_element_type3A_527 = arith.extui %lt3A_526 : i1 to i32
      %cond3A_528 = arith.constant 0 : i32
      %cond3A_529 = arith.cmpi ne, %convert_element_type3A_527, %cond3A_528 : i32
      scf.if %cond3A_529 {
        %add3A_530 = arith.constant 4 : i32
        %add3A_531 = arith.addi %add3A_490, %add3A_530 : i32
        %dma_start3A_532 = arith.constant 3 : i32
        %dma_start3A_533 = arith.constant 0 : i32
        %dma_start3A_534 = arith.constant 0 : i32
        %dma_start3A_535 = tpu.memref_slice %arg8[%dma_start3A_532, %dma_start3A_533, %dma_start3A_534] : memref<8x128x32xf32, #tpu.memory_space<vmem>> -> memref<1x128x32xf32, #tpu.memory_space<vmem>>
        %dma_start3A_536 = tpu.memref_squeeze %dma_start3A_535 : memref<1x128x32xf32, #tpu.memory_space<vmem>> -> memref<128x32xf32, #tpu.memory_space<vmem>>
        %dma_start3A_537 = arith.constant 0 : i32
        %dma_start3A_538 = tpu.memref_slice %arg6[%add3A_531, %dma_start3A_537] : memref<80x128xi32, #tpu.memory_space<vmem>> -> memref<1x128xi32, #tpu.memory_space<vmem>>
        %dma_start3A_539 = tpu.memref_squeeze %dma_start3A_538 : memref<1x128xi32, #tpu.memory_space<vmem>> -> memref<128xi32, #tpu.memory_space<vmem>>
        %dma_start3A_540 = arith.constant 0 : i32
        %dma_start3A_541 = arith.constant 0 : i32
        %dma_start3A_542 = tpu.memref_slice %arg10[%dma_start3A_540, %dma_start3A_541] : memref<10240x32xf32, #tpu.memory_space<vmem_shared>> -> memref<10240x32xf32, #tpu.memory_space<vmem_shared>>
        tpu.enqueue_indirect_dma source(%dma_start3A_542 : memref<10240x32xf32, #tpu.memory_space<vmem_shared>>) target(%dma_start3A_536 : memref<128x32xf32, #tpu.memory_space<vmem>>) offsets(%dma_start3A_539 : memref<128xi32, #tpu.memory_space<vmem>>) semaphore(%arg14 : memref<!tpu.dma_semaphore, #tpu.memory_space<semaphore_mem>>)
      } else {
      }
    }
    %scan3A_131 = arith.constant 10 : i32
    %dma_wait3A_132 = arith.constant 4 : i32
    %dma_wait3A_133 = arith.constant 0 : i32
    %dma_wait3A_134 = arith.constant 0 : i32
    %dma_wait3A_135 = arith.constant 0 : i32
    %dma_wait3A_136 = tpu.memref_slice %arg8[%dma_wait3A_132, %dma_wait3A_134, %dma_wait3A_135] : memref<8x128x32xf32, #tpu.memory_space<vmem>> -> memref<1x128x32xf32, #tpu.memory_space<vmem>>
    %dma_wait3A_137 = tpu.memref_squeeze %dma_wait3A_136 : memref<1x128x32xf32, #tpu.memory_space<vmem>> -> memref<128x32xf32, #tpu.memory_space<vmem>>
    %dma_wait3A_138 = arith.constant 0 : i32
    %dma_wait3A_139 = tpu.memref_slice %arg7[%dma_wait3A_133, %dma_wait3A_138] : memref<80x128xi32, #tpu.memory_space<vmem>> -> memref<1x128xi32, #tpu.memory_space<vmem>>
    %dma_wait3A_140 = tpu.memref_squeeze %dma_wait3A_139 : memref<1x128xi32, #tpu.memory_space<vmem>> -> memref<128xi32, #tpu.memory_space<vmem>>
    %dma_wait3A_141 = arith.constant 0 : i32
    %dma_wait3A_142 = arith.constant 0 : i32
    %dma_wait3A_143 = tpu.memref_slice %arg9[%dma_wait3A_141, %dma_wait3A_142] : memref<10240x32xf32, #tpu.memory_space<vmem_shared>> -> memref<10240x32xf32, #tpu.memory_space<vmem_shared>>
    tpu.wait_indirect_dma semaphore(%arg23 : memref<!tpu.dma_semaphore, #tpu.memory_space<semaphore_mem>>) src(%dma_wait3A_137 : memref<128x32xf32, #tpu.memory_space<vmem>>) dst(%dma_wait3A_143 : memref<10240x32xf32, #tpu.memory_space<vmem_shared>>)
    %dma_wait3A_144 = arith.constant 5 : i32
    %dma_wait3A_145 = arith.constant 0 : i32
    %dma_wait3A_146 = arith.constant 0 : i32
    %dma_wait3A_147 = arith.constant 0 : i32
    %dma_wait3A_148 = tpu.memref_slice %arg8[%dma_wait3A_144, %dma_wait3A_146, %dma_wait3A_147] : memref<8x128x32xf32, #tpu.memory_space<vmem>> -> memref<1x128x32xf32, #tpu.memory_space<vmem>>
    %dma_wait3A_149 = tpu.memref_squeeze %dma_wait3A_148 : memref<1x128x32xf32, #tpu.memory_space<vmem>> -> memref<128x32xf32, #tpu.memory_space<vmem>>
    %dma_wait3A_150 = arith.constant 0 : i32
    %dma_wait3A_151 = tpu.memref_slice %arg7[%dma_wait3A_145, %dma_wait3A_150] : memref<80x128xi32, #tpu.memory_space<vmem>> -> memref<1x128xi32, #tpu.memory_space<vmem>>
    %dma_wait3A_152 = tpu.memref_squeeze %dma_wait3A_151 : memref<1x128xi32, #tpu.memory_space<vmem>> -> memref<128xi32, #tpu.memory_space<vmem>>
    %dma_wait3A_153 = arith.constant 0 : i32
    %dma_wait3A_154 = arith.constant 0 : i32
    %dma_wait3A_155 = tpu.memref_slice %arg9[%dma_wait3A_153, %dma_wait3A_154] : memref<10240x32xf32, #tpu.memory_space<vmem_shared>> -> memref<10240x32xf32, #tpu.memory_space<vmem_shared>>
    tpu.wait_indirect_dma semaphore(%arg24 : memref<!tpu.dma_semaphore, #tpu.memory_space<semaphore_mem>>) src(%dma_wait3A_149 : memref<128x32xf32, #tpu.memory_space<vmem>>) dst(%dma_wait3A_155 : memref<10240x32xf32, #tpu.memory_space<vmem_shared>>)
    %dma_wait3A_156 = arith.constant 6 : i32
    %dma_wait3A_157 = arith.constant 0 : i32
    %dma_wait3A_158 = arith.constant 0 : i32
    %dma_wait3A_159 = arith.constant 0 : i32
    %dma_wait3A_160 = tpu.memref_slice %arg8[%dma_wait3A_156, %dma_wait3A_158, %dma_wait3A_159] : memref<8x128x32xf32, #tpu.memory_space<vmem>> -> memref<1x128x32xf32, #tpu.memory_space<vmem>>
    %dma_wait3A_161 = tpu.memref_squeeze %dma_wait3A_160 : memref<1x128x32xf32, #tpu.memory_space<vmem>> -> memref<128x32xf32, #tpu.memory_space<vmem>>
    %dma_wait3A_162 = arith.constant 0 : i32
    %dma_wait3A_163 = tpu.memref_slice %arg7[%dma_wait3A_157, %dma_wait3A_162] : memref<80x128xi32, #tpu.memory_space<vmem>> -> memref<1x128xi32, #tpu.memory_space<vmem>>
    %dma_wait3A_164 = tpu.memref_squeeze %dma_wait3A_163 : memref<1x128xi32, #tpu.memory_space<vmem>> -> memref<128xi32, #tpu.memory_space<vmem>>
    %dma_wait3A_165 = arith.constant 0 : i32
    %dma_wait3A_166 = arith.constant 0 : i32
    %dma_wait3A_167 = tpu.memref_slice %arg9[%dma_wait3A_165, %dma_wait3A_166] : memref<10240x32xf32, #tpu.memory_space<vmem_shared>> -> memref<10240x32xf32, #tpu.memory_space<vmem_shared>>
    tpu.wait_indirect_dma semaphore(%arg25 : memref<!tpu.dma_semaphore, #tpu.memory_space<semaphore_mem>>) src(%dma_wait3A_161 : memref<128x32xf32, #tpu.memory_space<vmem>>) dst(%dma_wait3A_167 : memref<10240x32xf32, #tpu.memory_space<vmem_shared>>)
    %dma_wait3A_168 = arith.constant 7 : i32
    %dma_wait3A_169 = arith.constant 0 : i32
    %dma_wait3A_170 = arith.constant 0 : i32
    %dma_wait3A_171 = arith.constant 0 : i32
    %dma_wait3A_172 = tpu.memref_slice %arg8[%dma_wait3A_168, %dma_wait3A_170, %dma_wait3A_171] : memref<8x128x32xf32, #tpu.memory_space<vmem>> -> memref<1x128x32xf32, #tpu.memory_space<vmem>>
    %dma_wait3A_173 = tpu.memref_squeeze %dma_wait3A_172 : memref<1x128x32xf32, #tpu.memory_space<vmem>> -> memref<128x32xf32, #tpu.memory_space<vmem>>
    %dma_wait3A_174 = arith.constant 0 : i32
    %dma_wait3A_175 = tpu.memref_slice %arg7[%dma_wait3A_169, %dma_wait3A_174] : memref<80x128xi32, #tpu.memory_space<vmem>> -> memref<1x128xi32, #tpu.memory_space<vmem>>
    %dma_wait3A_176 = tpu.memref_squeeze %dma_wait3A_175 : memref<1x128xi32, #tpu.memory_space<vmem>> -> memref<128xi32, #tpu.memory_space<vmem>>
    %dma_wait3A_177 = arith.constant 0 : i32
    %dma_wait3A_178 = arith.constant 0 : i32
    %dma_wait3A_179 = tpu.memref_slice %arg9[%dma_wait3A_177, %dma_wait3A_178] : memref<10240x32xf32, #tpu.memory_space<vmem_shared>> -> memref<10240x32xf32, #tpu.memory_space<vmem_shared>>
    tpu.wait_indirect_dma semaphore(%arg26 : memref<!tpu.dma_semaphore, #tpu.memory_space<semaphore_mem>>) src(%dma_wait3A_173 : memref<128x32xf32, #tpu.memory_space<vmem>>) dst(%dma_wait3A_179 : memref<10240x32xf32, #tpu.memory_space<vmem_shared>>)
    %barrier3A_180 = arith.constant 0 : index
    tpu.barrier barrier_id(%barrier3A_180)
    %mul3A_181 = arith.constant 640 : i32
    %mul3A_182 = arith.muli %arg1, %mul3A_181 : i32
    %mul3A_183 = arith.constant 640 : i32
    %mul3A_184 = arith.muli %arg1, %mul3A_183 : i32
    "tpu.region"() ({
      %run_scoped3A = tpu.sem_alloc : memref<!tpu.dma_semaphore, #tpu.memory_space<semaphore_mem>>
      %dma_start3A_185 = arith.constant 0 : i32
      %dma_start3A_186 = arith.constant 0 : i32
      %dma_start3A_187 = tpu.memref_slice %arg5[%arg0, %dma_start3A_185, %dma_start3A_186] : memref<2x10240x32xf32, #tpu.memory_space<hbm>> -> memref<1x10240x32xf32, #tpu.memory_space<hbm>>
      %dma_start3A_188 = tpu.memref_squeeze %dma_start3A_187 : memref<1x10240x32xf32, #tpu.memory_space<hbm>> -> memref<10240x32xf32, #tpu.memory_space<hbm>>
      %dma_start3A_189 = arith.constant 0 : i32
      %dma_start3A_190 = tpu.memref_slice %dma_start3A_188[%mul3A_184, %dma_start3A_189] : memref<10240x32xf32, #tpu.memory_space<hbm>> -> memref<640x32xf32, #tpu.memory_space<hbm>>
      %dma_start3A_191 = arith.constant 0 : i32
      %dma_start3A_192 = tpu.memref_slice %arg9[%mul3A_182, %dma_start3A_191] : memref<10240x32xf32, #tpu.memory_space<vmem_shared>> -> memref<640x32xf32, #tpu.memory_space<vmem_shared>>
      tpu.enqueue_dma source(%dma_start3A_192 : memref<640x32xf32, #tpu.memory_space<vmem_shared>>) target(%dma_start3A_190 : memref<640x32xf32, #tpu.memory_space<hbm>>) target_semaphore(%run_scoped3A : memref<!tpu.dma_semaphore, #tpu.memory_space<semaphore_mem>>)
      %dma_wait3A_193 = arith.constant 0 : i32
      %dma_wait3A_194 = arith.constant 0 : i32
      %dma_wait3A_195 = tpu.memref_slice %arg5[%arg0, %dma_wait3A_193, %dma_wait3A_194] : memref<2x10240x32xf32, #tpu.memory_space<hbm>> -> memref<1x10240x32xf32, #tpu.memory_space<hbm>>
      %dma_wait3A_196 = tpu.memref_squeeze %dma_wait3A_195 : memref<1x10240x32xf32, #tpu.memory_space<hbm>> -> memref<10240x32xf32, #tpu.memory_space<hbm>>
      %dma_wait3A_197 = arith.constant 0 : i32
      %dma_wait3A_198 = tpu.memref_slice %dma_wait3A_196[%mul3A_184, %dma_wait3A_197] : memref<10240x32xf32, #tpu.memory_space<hbm>> -> memref<640x32xf32, #tpu.memory_space<hbm>>
      %dma_wait3A_199 = arith.constant 0 : i32
      %dma_wait3A_200 = tpu.memref_slice %arg9[%mul3A_182, %dma_wait3A_199] : memref<10240x32xf32, #tpu.memory_space<vmem_shared>> -> memref<640x32xf32, #tpu.memory_space<vmem_shared>>
      tpu.wait_dma2 semaphore(%run_scoped3A : memref<!tpu.dma_semaphore, #tpu.memory_space<semaphore_mem>>) src(%dma_wait3A_200 : memref<640x32xf32, #tpu.memory_space<vmem_shared>>) dst(%dma_wait3A_198 : memref<640x32xf32, #tpu.memory_space<hbm>>)
      tpu.yield
    }) : () -> ()
    return
  }
}

#map = affine_map<(d0, d1) -> (0, 0, 0)>
#map1 = affine_map<(d0, d1) -> (0, 0)>
module attributes {stable_mosaic.version = 14 : i64} {
  func.func @agg_kernel(%arg0: i32, %arg1: i32, %arg2: memref<2x2560x128xi32, #tpu.memory_space<hbm>>, %arg3: memref<10240x32xf32, #tpu.memory_space<hbm>>, %arg4: memref<10240x32xf32, #tpu.memory_space<hbm>>, %arg5: memref<2x10240x32xf32, #tpu.memory_space<hbm>>, %arg6: memref<80x128xi32, #tpu.memory_space<vmem>>, %arg7: memref<80x128xi32, #tpu.memory_space<vmem>>, %arg8: memref<8x128x32xf32, #tpu.memory_space<vmem>>, %arg9: memref<10240x32xf32, #tpu.memory_space<vmem_shared>>, %arg10: memref<10240x32xf32, #tpu.memory_space<vmem_shared>>, %arg11: memref<!tpu.dma_semaphore, #tpu.memory_space<semaphore_mem>>, %arg12: memref<!tpu.dma_semaphore, #tpu.memory_space<semaphore_mem>>, %arg13: memref<!tpu.dma_semaphore, #tpu.memory_space<semaphore_mem>>, %arg14: memref<!tpu.dma_semaphore, #tpu.memory_space<semaphore_mem>>, %arg15: memref<!tpu.dma_semaphore, #tpu.memory_space<semaphore_mem>>, %arg16: memref<!tpu.dma_semaphore, #tpu.memory_space<semaphore_mem>>, %arg17: memref<!tpu.dma_semaphore, #tpu.memory_space<semaphore_mem>>, %arg18: memref<!tpu.dma_semaphore, #tpu.memory_space<semaphore_mem>>, %arg19: memref<!tpu.dma_semaphore, #tpu.memory_space<semaphore_mem>>, %arg20: memref<!tpu.dma_semaphore, #tpu.memory_space<semaphore_mem>>, %arg21: memref<!tpu.dma_semaphore, #tpu.memory_space<semaphore_mem>>, %arg22: memref<!tpu.dma_semaphore, #tpu.memory_space<semaphore_mem>>, %arg23: memref<!tpu.dma_semaphore, #tpu.memory_space<semaphore_mem>>, %arg24: memref<!tpu.dma_semaphore, #tpu.memory_space<semaphore_mem>>, %arg25: memref<!tpu.dma_semaphore, #tpu.memory_space<semaphore_mem>>, %arg26: memref<!tpu.dma_semaphore, #tpu.memory_space<semaphore_mem>>) attributes {dimension_semantics = [#tpu.dimension_semantics<core_parallel>, #tpu.dimension_semantics<subcore_parallel>], iteration_bounds = array<i64: 2, 16>, scalar_prefetch = 0 : i64, scratch_operands = 21 : i64, tpu.core_type = #tpu.core_type<sc_vector_subcore>, window_params = [{transform_indices = #map}, {transform_indices = #map1}, {transform_indices = #map1}, {transform_indices = #map}]} {
    %mul3A = arith.constant 2 : i32
    %mul3A_0 = arith.muli %arg1, %mul3A : i32
    %add3A = arith.addi %mul3A_0, %arg0 : i32
    %mul3A_1 = arith.constant 640 : i32
    %mul3A_2 = arith.muli %arg1, %mul3A_1 : i32
    %mul3A_3 = arith.constant 640 : i32
    %mul3A_4 = arith.muli %arg1, %mul3A_3 : i32
    %dma_start3A = arith.constant 0 : i32
    %dma_start3A_5 = tpu.memref_slice %arg9[%mul3A_4, %dma_start3A] : memref<10240x32xf32, #tpu.memory_space<vmem_shared>> -> memref<640x32xf32, #tpu.memory_space<vmem_shared>>
    %dma_start3A_6 = arith.constant 0 : i32
    %dma_start3A_7 = tpu.memref_slice %arg4[%mul3A_2, %dma_start3A_6] : memref<10240x32xf32, #tpu.memory_space<hbm>> -> memref<640x32xf32, #tpu.memory_space<hbm>>
    tpu.enqueue_dma source(%dma_start3A_7 : memref<640x32xf32, #tpu.memory_space<hbm>>) target(%dma_start3A_5 : memref<640x32xf32, #tpu.memory_space<vmem_shared>>) target_semaphore(%arg11 : memref<!tpu.dma_semaphore, #tpu.memory_space<semaphore_mem>>)
    %mul3A_8 = arith.constant 640 : i32
    %mul3A_9 = arith.muli %arg1, %mul3A_8 : i32
    %mul3A_10 = arith.constant 640 : i32
    %mul3A_11 = arith.muli %arg1, %mul3A_10 : i32
    %dma_start3A_12 = arith.constant 0 : i32
    %dma_start3A_13 = tpu.memref_slice %arg10[%mul3A_11, %dma_start3A_12] : memref<10240x32xf32, #tpu.memory_space<vmem_shared>> -> memref<640x32xf32, #tpu.memory_space<vmem_shared>>
    %dma_start3A_14 = arith.constant 0 : i32
    %dma_start3A_15 = tpu.memref_slice %arg3[%mul3A_9, %dma_start3A_14] : memref<10240x32xf32, #tpu.memory_space<hbm>> -> memref<640x32xf32, #tpu.memory_space<hbm>>
    tpu.enqueue_dma source(%dma_start3A_15 : memref<640x32xf32, #tpu.memory_space<hbm>>) target(%dma_start3A_13 : memref<640x32xf32, #tpu.memory_space<vmem_shared>>) target_semaphore(%arg12 : memref<!tpu.dma_semaphore, #tpu.memory_space<semaphore_mem>>)
    %mul3A_16 = arith.constant 80 : i32
    %mul3A_17 = arith.muli %add3A, %mul3A_16 : i32
    %dma_start3A_18 = arith.constant 0 : i32
    %dma_start3A_19 = arith.constant 0 : i32
    %dma_start3A_20 = arith.constant 0 : i32
    %dma_start3A_21 = tpu.memref_slice %arg2[%dma_start3A_18, %dma_start3A_19, %dma_start3A_20] : memref<2x2560x128xi32, #tpu.memory_space<hbm>> -> memref<1x2560x128xi32, #tpu.memory_space<hbm>>
    %dma_start3A_22 = tpu.memref_squeeze %dma_start3A_21 : memref<1x2560x128xi32, #tpu.memory_space<hbm>> -> memref<2560x128xi32, #tpu.memory_space<hbm>>
    %dma_start3A_23 = arith.constant 0 : i32
    %dma_start3A_24 = tpu.memref_slice %dma_start3A_22[%mul3A_17, %dma_start3A_23] : memref<2560x128xi32, #tpu.memory_space<hbm>> -> memref<80x128xi32, #tpu.memory_space<hbm>>
    %dma_start3A_25 = arith.constant 0 : i32
    %dma_start3A_26 = arith.constant 0 : i32
    %dma_start3A_27 = tpu.memref_slice %arg2[%dma_start3A_18, %dma_start3A_25, %dma_start3A_26] : memref<2x2560x128xi32, #tpu.memory_space<hbm>> -> memref<1x2560x128xi32, #tpu.memory_space<hbm>>
    %dma_start3A_28 = tpu.memref_squeeze %dma_start3A_27 : memref<1x2560x128xi32, #tpu.memory_space<hbm>> -> memref<2560x128xi32, #tpu.memory_space<hbm>>
    %dma_start3A_29 = arith.constant 0 : i32
    %dma_start3A_30 = tpu.memref_slice %dma_start3A_28[%mul3A_17, %dma_start3A_29] : memref<2560x128xi32, #tpu.memory_space<hbm>> -> memref<80x128xi32, #tpu.memory_space<hbm>>
    tpu.enqueue_dma source(%dma_start3A_30 : memref<80x128xi32, #tpu.memory_space<hbm>>) target(%arg6 : memref<80x128xi32, #tpu.memory_space<vmem>>) target_semaphore(%arg13 : memref<!tpu.dma_semaphore, #tpu.memory_space<semaphore_mem>>)
    %mul3A_31 = arith.constant 80 : i32
    %mul3A_32 = arith.muli %add3A, %mul3A_31 : i32
    %dma_start3A_33 = arith.constant 1 : i32
    %dma_start3A_34 = arith.constant 0 : i32
    %dma_start3A_35 = arith.constant 0 : i32
    %dma_start3A_36 = tpu.memref_slice %arg2[%dma_start3A_33, %dma_start3A_34, %dma_start3A_35] : memref<2x2560x128xi32, #tpu.memory_space<hbm>> -> memref<1x2560x128xi32, #tpu.memory_space<hbm>>
    %dma_start3A_37 = tpu.memref_squeeze %dma_start3A_36 : memref<1x2560x128xi32, #tpu.memory_space<hbm>> -> memref<2560x128xi32, #tpu.memory_space<hbm>>
    %dma_start3A_38 = arith.constant 0 : i32
    %dma_start3A_39 = tpu.memref_slice %dma_start3A_37[%mul3A_32, %dma_start3A_38] : memref<2560x128xi32, #tpu.memory_space<hbm>> -> memref<80x128xi32, #tpu.memory_space<hbm>>
    %dma_start3A_40 = arith.constant 0 : i32
    %dma_start3A_41 = arith.constant 0 : i32
    %dma_start3A_42 = tpu.memref_slice %arg2[%dma_start3A_33, %dma_start3A_40, %dma_start3A_41] : memref<2x2560x128xi32, #tpu.memory_space<hbm>> -> memref<1x2560x128xi32, #tpu.memory_space<hbm>>
    %dma_start3A_43 = tpu.memref_squeeze %dma_start3A_42 : memref<1x2560x128xi32, #tpu.memory_space<hbm>> -> memref<2560x128xi32, #tpu.memory_space<hbm>>
    %dma_start3A_44 = arith.constant 0 : i32
    %dma_start3A_45 = tpu.memref_slice %dma_start3A_43[%mul3A_32, %dma_start3A_44] : memref<2560x128xi32, #tpu.memory_space<hbm>> -> memref<80x128xi32, #tpu.memory_space<hbm>>
    tpu.enqueue_dma source(%dma_start3A_45 : memref<80x128xi32, #tpu.memory_space<hbm>>) target(%arg7 : memref<80x128xi32, #tpu.memory_space<vmem>>) target_semaphore(%arg14 : memref<!tpu.dma_semaphore, #tpu.memory_space<semaphore_mem>>)
    %dma_wait3A = arith.constant 0 : i32
    %dma_wait3A_46 = tpu.memref_slice %arg9[%mul3A_4, %dma_wait3A] : memref<10240x32xf32, #tpu.memory_space<vmem_shared>> -> memref<640x32xf32, #tpu.memory_space<vmem_shared>>
    %dma_wait3A_47 = arith.constant 0 : i32
    %dma_wait3A_48 = tpu.memref_slice %arg4[%mul3A_2, %dma_wait3A_47] : memref<10240x32xf32, #tpu.memory_space<hbm>> -> memref<640x32xf32, #tpu.memory_space<hbm>>
    tpu.wait_dma2 semaphore(%arg11 : memref<!tpu.dma_semaphore, #tpu.memory_space<semaphore_mem>>) src(%dma_wait3A_48 : memref<640x32xf32, #tpu.memory_space<hbm>>) dst(%dma_wait3A_46 : memref<640x32xf32, #tpu.memory_space<vmem_shared>>)
    %dma_wait3A_49 = arith.constant 0 : i32
    %dma_wait3A_50 = tpu.memref_slice %arg10[%mul3A_11, %dma_wait3A_49] : memref<10240x32xf32, #tpu.memory_space<vmem_shared>> -> memref<640x32xf32, #tpu.memory_space<vmem_shared>>
    %dma_wait3A_51 = arith.constant 0 : i32
    %dma_wait3A_52 = tpu.memref_slice %arg3[%mul3A_9, %dma_wait3A_51] : memref<10240x32xf32, #tpu.memory_space<hbm>> -> memref<640x32xf32, #tpu.memory_space<hbm>>
    tpu.wait_dma2 semaphore(%arg12 : memref<!tpu.dma_semaphore, #tpu.memory_space<semaphore_mem>>) src(%dma_wait3A_52 : memref<640x32xf32, #tpu.memory_space<hbm>>) dst(%dma_wait3A_50 : memref<640x32xf32, #tpu.memory_space<vmem_shared>>)
    %dma_wait3A_53 = arith.constant 0 : i32
    %dma_wait3A_54 = arith.constant 0 : i32
    %dma_wait3A_55 = arith.constant 0 : i32
    %dma_wait3A_56 = tpu.memref_slice %arg2[%dma_wait3A_53, %dma_wait3A_54, %dma_wait3A_55] : memref<2x2560x128xi32, #tpu.memory_space<hbm>> -> memref<1x2560x128xi32, #tpu.memory_space<hbm>>
    %dma_wait3A_57 = tpu.memref_squeeze %dma_wait3A_56 : memref<1x2560x128xi32, #tpu.memory_space<hbm>> -> memref<2560x128xi32, #tpu.memory_space<hbm>>
    %dma_wait3A_58 = arith.constant 0 : i32
    %dma_wait3A_59 = tpu.memref_slice %dma_wait3A_57[%mul3A_17, %dma_wait3A_58] : memref<2560x128xi32, #tpu.memory_space<hbm>> -> memref<80x128xi32, #tpu.memory_space<hbm>>
    %dma_wait3A_60 = arith.constant 0 : i32
    %dma_wait3A_61 = arith.constant 0 : i32
    %dma_wait3A_62 = tpu.memref_slice %arg2[%dma_wait3A_53, %dma_wait3A_60, %dma_wait3A_61] : memref<2x2560x128xi32, #tpu.memory_space<hbm>> -> memref<1x2560x128xi32, #tpu.memory_space<hbm>>
    %dma_wait3A_63 = tpu.memref_squeeze %dma_wait3A_62 : memref<1x2560x128xi32, #tpu.memory_space<hbm>> -> memref<2560x128xi32, #tpu.memory_space<hbm>>
    %dma_wait3A_64 = arith.constant 0 : i32
    %dma_wait3A_65 = tpu.memref_slice %dma_wait3A_63[%mul3A_17, %dma_wait3A_64] : memref<2560x128xi32, #tpu.memory_space<hbm>> -> memref<80x128xi32, #tpu.memory_space<hbm>>
    tpu.wait_dma2 semaphore(%arg13 : memref<!tpu.dma_semaphore, #tpu.memory_space<semaphore_mem>>) src(%dma_wait3A_65 : memref<80x128xi32, #tpu.memory_space<hbm>>) dst(%arg6 : memref<80x128xi32, #tpu.memory_space<vmem>>)
    %dma_wait3A_66 = arith.constant 1 : i32
    %dma_wait3A_67 = arith.constant 0 : i32
    %dma_wait3A_68 = arith.constant 0 : i32
    %dma_wait3A_69 = tpu.memref_slice %arg2[%dma_wait3A_66, %dma_wait3A_67, %dma_wait3A_68] : memref<2x2560x128xi32, #tpu.memory_space<hbm>> -> memref<1x2560x128xi32, #tpu.memory_space<hbm>>
    %dma_wait3A_70 = tpu.memref_squeeze %dma_wait3A_69 : memref<1x2560x128xi32, #tpu.memory_space<hbm>> -> memref<2560x128xi32, #tpu.memory_space<hbm>>
    %dma_wait3A_71 = arith.constant 0 : i32
    %dma_wait3A_72 = tpu.memref_slice %dma_wait3A_70[%mul3A_32, %dma_wait3A_71] : memref<2560x128xi32, #tpu.memory_space<hbm>> -> memref<80x128xi32, #tpu.memory_space<hbm>>
    %dma_wait3A_73 = arith.constant 0 : i32
    %dma_wait3A_74 = arith.constant 0 : i32
    %dma_wait3A_75 = tpu.memref_slice %arg2[%dma_wait3A_66, %dma_wait3A_73, %dma_wait3A_74] : memref<2x2560x128xi32, #tpu.memory_space<hbm>> -> memref<1x2560x128xi32, #tpu.memory_space<hbm>>
    %dma_wait3A_76 = tpu.memref_squeeze %dma_wait3A_75 : memref<1x2560x128xi32, #tpu.memory_space<hbm>> -> memref<2560x128xi32, #tpu.memory_space<hbm>>
    %dma_wait3A_77 = arith.constant 0 : i32
    %dma_wait3A_78 = tpu.memref_slice %dma_wait3A_76[%mul3A_32, %dma_wait3A_77] : memref<2560x128xi32, #tpu.memory_space<hbm>> -> memref<80x128xi32, #tpu.memory_space<hbm>>
    tpu.wait_dma2 semaphore(%arg14 : memref<!tpu.dma_semaphore, #tpu.memory_space<semaphore_mem>>) src(%dma_wait3A_78 : memref<80x128xi32, #tpu.memory_space<hbm>>) dst(%arg7 : memref<80x128xi32, #tpu.memory_space<vmem>>)
    %barrier3A = arith.constant 0 : index
    tpu.barrier barrier_id(%barrier3A)
    %dma_start3A_79 = arith.constant 0 : i32
    %dma_start3A_80 = arith.constant 0 : i32
    %dma_start3A_81 = arith.constant 0 : i32
    %dma_start3A_82 = arith.constant 0 : i32
    %dma_start3A_83 = tpu.memref_slice %arg8[%dma_start3A_80, %dma_start3A_81, %dma_start3A_82] : memref<8x128x32xf32, #tpu.memory_space<vmem>> -> memref<1x128x32xf32, #tpu.memory_space<vmem>>
    %dma_start3A_84 = tpu.memref_squeeze %dma_start3A_83 : memref<1x128x32xf32, #tpu.memory_space<vmem>> -> memref<128x32xf32, #tpu.memory_space<vmem>>
    %dma_start3A_85 = arith.constant 0 : i32
    %dma_start3A_86 = tpu.memref_slice %arg6[%dma_start3A_79, %dma_start3A_85] : memref<80x128xi32, #tpu.memory_space<vmem>> -> memref<1x128xi32, #tpu.memory_space<vmem>>
    %dma_start3A_87 = tpu.memref_squeeze %dma_start3A_86 : memref<1x128xi32, #tpu.memory_space<vmem>> -> memref<128xi32, #tpu.memory_space<vmem>>
    %dma_start3A_88 = arith.constant 0 : i32
    %dma_start3A_89 = arith.constant 0 : i32
    %dma_start3A_90 = tpu.memref_slice %arg10[%dma_start3A_88, %dma_start3A_89] : memref<10240x32xf32, #tpu.memory_space<vmem_shared>> -> memref<10240x32xf32, #tpu.memory_space<vmem_shared>>
    tpu.enqueue_indirect_dma source(%dma_start3A_90 : memref<10240x32xf32, #tpu.memory_space<vmem_shared>>) target(%dma_start3A_84 : memref<128x32xf32, #tpu.memory_space<vmem>>) offsets(%dma_start3A_87 : memref<128xi32, #tpu.memory_space<vmem>>) semaphore(%arg11 : memref<!tpu.dma_semaphore, #tpu.memory_space<semaphore_mem>>)
    %dma_start3A_91 = arith.constant 1 : i32
    %dma_start3A_92 = arith.constant 1 : i32
    %dma_start3A_93 = arith.constant 0 : i32
    %dma_start3A_94 = arith.constant 0 : i32
    %dma_start3A_95 = tpu.memref_slice %arg8[%dma_start3A_92, %dma_start3A_93, %dma_start3A_94] : memref<8x128x32xf32, #tpu.memory_space<vmem>> -> memref<1x128x32xf32, #tpu.memory_space<vmem>>
    %dma_start3A_96 = tpu.memref_squeeze %dma_start3A_95 : memref<1x128x32xf32, #tpu.memory_space<vmem>> -> memref<128x32xf32, #tpu.memory_space<vmem>>
    %dma_start3A_97 = arith.constant 0 : i32
    %dma_start3A_98 = tpu.memref_slice %arg6[%dma_start3A_91, %dma_start3A_97] : memref<80x128xi32, #tpu.memory_space<vmem>> -> memref<1x128xi32, #tpu.memory_space<vmem>>
    %dma_start3A_99 = tpu.memref_squeeze %dma_start3A_98 : memref<1x128xi32, #tpu.memory_space<vmem>> -> memref<128xi32, #tpu.memory_space<vmem>>
    %dma_start3A_100 = arith.constant 0 : i32
    %dma_start3A_101 = arith.constant 0 : i32
    %dma_start3A_102 = tpu.memref_slice %arg10[%dma_start3A_100, %dma_start3A_101] : memref<10240x32xf32, #tpu.memory_space<vmem_shared>> -> memref<10240x32xf32, #tpu.memory_space<vmem_shared>>
    tpu.enqueue_indirect_dma source(%dma_start3A_102 : memref<10240x32xf32, #tpu.memory_space<vmem_shared>>) target(%dma_start3A_96 : memref<128x32xf32, #tpu.memory_space<vmem>>) offsets(%dma_start3A_99 : memref<128xi32, #tpu.memory_space<vmem>>) semaphore(%arg12 : memref<!tpu.dma_semaphore, #tpu.memory_space<semaphore_mem>>)
    %dma_start3A_103 = arith.constant 2 : i32
    %dma_start3A_104 = arith.constant 2 : i32
    %dma_start3A_105 = arith.constant 0 : i32
    %dma_start3A_106 = arith.constant 0 : i32
    %dma_start3A_107 = tpu.memref_slice %arg8[%dma_start3A_104, %dma_start3A_105, %dma_start3A_106] : memref<8x128x32xf32, #tpu.memory_space<vmem>> -> memref<1x128x32xf32, #tpu.memory_space<vmem>>
    %dma_start3A_108 = tpu.memref_squeeze %dma_start3A_107 : memref<1x128x32xf32, #tpu.memory_space<vmem>> -> memref<128x32xf32, #tpu.memory_space<vmem>>
    %dma_start3A_109 = arith.constant 0 : i32
    %dma_start3A_110 = tpu.memref_slice %arg6[%dma_start3A_103, %dma_start3A_109] : memref<80x128xi32, #tpu.memory_space<vmem>> -> memref<1x128xi32, #tpu.memory_space<vmem>>
    %dma_start3A_111 = tpu.memref_squeeze %dma_start3A_110 : memref<1x128xi32, #tpu.memory_space<vmem>> -> memref<128xi32, #tpu.memory_space<vmem>>
    %dma_start3A_112 = arith.constant 0 : i32
    %dma_start3A_113 = arith.constant 0 : i32
    %dma_start3A_114 = tpu.memref_slice %arg10[%dma_start3A_112, %dma_start3A_113] : memref<10240x32xf32, #tpu.memory_space<vmem_shared>> -> memref<10240x32xf32, #tpu.memory_space<vmem_shared>>
    tpu.enqueue_indirect_dma source(%dma_start3A_114 : memref<10240x32xf32, #tpu.memory_space<vmem_shared>>) target(%dma_start3A_108 : memref<128x32xf32, #tpu.memory_space<vmem>>) offsets(%dma_start3A_111 : memref<128xi32, #tpu.memory_space<vmem>>) semaphore(%arg13 : memref<!tpu.dma_semaphore, #tpu.memory_space<semaphore_mem>>)
    %dma_start3A_115 = arith.constant 3 : i32
    %dma_start3A_116 = arith.constant 3 : i32
    %dma_start3A_117 = arith.constant 0 : i32
    %dma_start3A_118 = arith.constant 0 : i32
    %dma_start3A_119 = tpu.memref_slice %arg8[%dma_start3A_116, %dma_start3A_117, %dma_start3A_118] : memref<8x128x32xf32, #tpu.memory_space<vmem>> -> memref<1x128x32xf32, #tpu.memory_space<vmem>>
    %dma_start3A_120 = tpu.memref_squeeze %dma_start3A_119 : memref<1x128x32xf32, #tpu.memory_space<vmem>> -> memref<128x32xf32, #tpu.memory_space<vmem>>
    %dma_start3A_121 = arith.constant 0 : i32
    %dma_start3A_122 = tpu.memref_slice %arg6[%dma_start3A_115, %dma_start3A_121] : memref<80x128xi32, #tpu.memory_space<vmem>> -> memref<1x128xi32, #tpu.memory_space<vmem>>
    %dma_start3A_123 = tpu.memref_squeeze %dma_start3A_122 : memref<1x128xi32, #tpu.memory_space<vmem>> -> memref<128xi32, #tpu.memory_space<vmem>>
    %dma_start3A_124 = arith.constant 0 : i32
    %dma_start3A_125 = arith.constant 0 : i32
    %dma_start3A_126 = tpu.memref_slice %arg10[%dma_start3A_124, %dma_start3A_125] : memref<10240x32xf32, #tpu.memory_space<vmem_shared>> -> memref<10240x32xf32, #tpu.memory_space<vmem_shared>>
    tpu.enqueue_indirect_dma source(%dma_start3A_126 : memref<10240x32xf32, #tpu.memory_space<vmem_shared>>) target(%dma_start3A_120 : memref<128x32xf32, #tpu.memory_space<vmem>>) offsets(%dma_start3A_123 : memref<128xi32, #tpu.memory_space<vmem>>) semaphore(%arg14 : memref<!tpu.dma_semaphore, #tpu.memory_space<semaphore_mem>>)
    %scan3A = arith.constant 0 : i32
    %scan3A_127 = arith.constant 0 : i32
    %scan3A_128 = arith.constant 10 : i32
    %scan3A_129 = arith.addi %scan3A_127, %scan3A_128 : i32
    %scan3A_130 = arith.constant 1 : i32
    scf.for %scan3A_185 = %scan3A_127 to %scan3A_129 step %scan3A_130  : i32 {
      %mul3A_186 = arith.constant 8 : i32
      %mul3A_187 = arith.muli %scan3A_185, %mul3A_186 : i32
      %add3A_188 = arith.constant 0 : i32
      %add3A_189 = arith.addi %mul3A_187, %add3A_188 : i32
      %dma_wait3A_190 = arith.constant 0 : i32
      %dma_wait3A_191 = arith.constant 0 : i32
      %dma_wait3A_192 = arith.constant 0 : i32
      %dma_wait3A_193 = tpu.memref_slice %arg8[%dma_wait3A_190, %dma_wait3A_191, %dma_wait3A_192] : memref<8x128x32xf32, #tpu.memory_space<vmem>> -> memref<1x128x32xf32, #tpu.memory_space<vmem>>
      %dma_wait3A_194 = tpu.memref_squeeze %dma_wait3A_193 : memref<1x128x32xf32, #tpu.memory_space<vmem>> -> memref<128x32xf32, #tpu.memory_space<vmem>>
      %dma_wait3A_195 = arith.constant 0 : i32
      %dma_wait3A_196 = tpu.memref_slice %arg6[%add3A_189, %dma_wait3A_195] : memref<80x128xi32, #tpu.memory_space<vmem>> -> memref<1x128xi32, #tpu.memory_space<vmem>>
      %dma_wait3A_197 = tpu.memref_squeeze %dma_wait3A_196 : memref<1x128xi32, #tpu.memory_space<vmem>> -> memref<128xi32, #tpu.memory_space<vmem>>
      %dma_wait3A_198 = arith.constant 0 : i32
      %dma_wait3A_199 = arith.constant 0 : i32
      %dma_wait3A_200 = tpu.memref_slice %arg10[%dma_wait3A_198, %dma_wait3A_199] : memref<10240x32xf32, #tpu.memory_space<vmem_shared>> -> memref<10240x32xf32, #tpu.memory_space<vmem_shared>>
      tpu.wait_indirect_dma semaphore(%arg11 : memref<!tpu.dma_semaphore, #tpu.memory_space<semaphore_mem>>) src(%dma_wait3A_200 : memref<10240x32xf32, #tpu.memory_space<vmem_shared>>) dst(%dma_wait3A_194 : memref<128x32xf32, #tpu.memory_space<vmem>>)
      %dma_start3A_201 = arith.constant 0 : i32
      %dma_start3A_202 = arith.constant 0 : i32
      %dma_start3A_203 = arith.constant 0 : i32
      %dma_start3A_204 = tpu.memref_slice %arg8[%dma_start3A_201, %dma_start3A_202, %dma_start3A_203] : memref<8x128x32xf32, #tpu.memory_space<vmem>> -> memref<1x128x32xf32, #tpu.memory_space<vmem>>
      %dma_start3A_205 = tpu.memref_squeeze %dma_start3A_204 : memref<1x128x32xf32, #tpu.memory_space<vmem>> -> memref<128x32xf32, #tpu.memory_space<vmem>>
      %dma_start3A_206 = arith.constant 0 : i32
      %dma_start3A_207 = tpu.memref_slice %arg7[%add3A_189, %dma_start3A_206] : memref<80x128xi32, #tpu.memory_space<vmem>> -> memref<1x128xi32, #tpu.memory_space<vmem>>
      %dma_start3A_208 = tpu.memref_squeeze %dma_start3A_207 : memref<1x128xi32, #tpu.memory_space<vmem>> -> memref<128xi32, #tpu.memory_space<vmem>>
      %dma_start3A_209 = arith.constant 0 : i32
      %dma_start3A_210 = arith.constant 0 : i32
      %dma_start3A_211 = tpu.memref_slice %arg9[%dma_start3A_209, %dma_start3A_210] : memref<10240x32xf32, #tpu.memory_space<vmem_shared>> -> memref<10240x32xf32, #tpu.memory_space<vmem_shared>>
      tpu.enqueue_indirect_dma source(%dma_start3A_205 : memref<128x32xf32, #tpu.memory_space<vmem>>) target(%dma_start3A_211 : memref<10240x32xf32, #tpu.memory_space<vmem_shared>>) offsets(%dma_start3A_208 : memref<128xi32, #tpu.memory_space<vmem>>) semaphore(%arg19 : memref<!tpu.dma_semaphore, #tpu.memory_space<semaphore_mem>>) {add = true}
      %gt3A = arith.constant 0 : i32
      %gt3A_212 = arith.cmpi sgt, %scan3A_185, %gt3A : i32
      %convert_element_type3A = arith.extui %gt3A_212 : i1 to i32
      %cond3A = arith.constant 0 : i32
      %cond3A_213 = arith.cmpi ne, %convert_element_type3A, %cond3A : i32
      scf.if %cond3A_213 {
        %dma_wait3A_530 = arith.constant 4 : i32
        %dma_wait3A_531 = arith.constant 0 : i32
        %dma_wait3A_532 = arith.constant 0 : i32
        %dma_wait3A_533 = arith.constant 0 : i32
        %dma_wait3A_534 = tpu.memref_slice %arg8[%dma_wait3A_530, %dma_wait3A_532, %dma_wait3A_533] : memref<8x128x32xf32, #tpu.memory_space<vmem>> -> memref<1x128x32xf32, #tpu.memory_space<vmem>>
        %dma_wait3A_535 = tpu.memref_squeeze %dma_wait3A_534 : memref<1x128x32xf32, #tpu.memory_space<vmem>> -> memref<128x32xf32, #tpu.memory_space<vmem>>
        %dma_wait3A_536 = arith.constant 0 : i32
        %dma_wait3A_537 = tpu.memref_slice %arg7[%dma_wait3A_531, %dma_wait3A_536] : memref<80x128xi32, #tpu.memory_space<vmem>> -> memref<1x128xi32, #tpu.memory_space<vmem>>
        %dma_wait3A_538 = tpu.memref_squeeze %dma_wait3A_537 : memref<1x128xi32, #tpu.memory_space<vmem>> -> memref<128xi32, #tpu.memory_space<vmem>>
        %dma_wait3A_539 = arith.constant 0 : i32
        %dma_wait3A_540 = arith.constant 0 : i32
        %dma_wait3A_541 = tpu.memref_slice %arg9[%dma_wait3A_539, %dma_wait3A_540] : memref<10240x32xf32, #tpu.memory_space<vmem_shared>> -> memref<10240x32xf32, #tpu.memory_space<vmem_shared>>
        tpu.wait_indirect_dma semaphore(%arg23 : memref<!tpu.dma_semaphore, #tpu.memory_space<semaphore_mem>>) src(%dma_wait3A_535 : memref<128x32xf32, #tpu.memory_space<vmem>>) dst(%dma_wait3A_541 : memref<10240x32xf32, #tpu.memory_space<vmem_shared>>)
      } else {
      }
      %add3A_214 = arith.constant 4 : i32
      %add3A_215 = arith.addi %add3A_189, %add3A_214 : i32
      %dma_start3A_216 = arith.constant 4 : i32
      %dma_start3A_217 = arith.constant 0 : i32
      %dma_start3A_218 = arith.constant 0 : i32
      %dma_start3A_219 = tpu.memref_slice %arg8[%dma_start3A_216, %dma_start3A_217, %dma_start3A_218] : memref<8x128x32xf32, #tpu.memory_space<vmem>> -> memref<1x128x32xf32, #tpu.memory_space<vmem>>
      %dma_start3A_220 = tpu.memref_squeeze %dma_start3A_219 : memref<1x128x32xf32, #tpu.memory_space<vmem>> -> memref<128x32xf32, #tpu.memory_space<vmem>>
      %dma_start3A_221 = arith.constant 0 : i32
      %dma_start3A_222 = tpu.memref_slice %arg6[%add3A_215, %dma_start3A_221] : memref<80x128xi32, #tpu.memory_space<vmem>> -> memref<1x128xi32, #tpu.memory_space<vmem>>
      %dma_start3A_223 = tpu.memref_squeeze %dma_start3A_222 : memref<1x128xi32, #tpu.memory_space<vmem>> -> memref<128xi32, #tpu.memory_space<vmem>>
      %dma_start3A_224 = arith.constant 0 : i32
      %dma_start3A_225 = arith.constant 0 : i32
      %dma_start3A_226 = tpu.memref_slice %arg10[%dma_start3A_224, %dma_start3A_225] : memref<10240x32xf32, #tpu.memory_space<vmem_shared>> -> memref<10240x32xf32, #tpu.memory_space<vmem_shared>>
      tpu.enqueue_indirect_dma source(%dma_start3A_226 : memref<10240x32xf32, #tpu.memory_space<vmem_shared>>) target(%dma_start3A_220 : memref<128x32xf32, #tpu.memory_space<vmem>>) offsets(%dma_start3A_223 : memref<128xi32, #tpu.memory_space<vmem>>) semaphore(%arg15 : memref<!tpu.dma_semaphore, #tpu.memory_space<semaphore_mem>>)
      %mul3A_227 = arith.constant 8 : i32
      %mul3A_228 = arith.muli %scan3A_185, %mul3A_227 : i32
      %add3A_229 = arith.constant 1 : i32
      %add3A_230 = arith.addi %mul3A_228, %add3A_229 : i32
      %dma_wait3A_231 = arith.constant 1 : i32
      %dma_wait3A_232 = arith.constant 0 : i32
      %dma_wait3A_233 = arith.constant 0 : i32
      %dma_wait3A_234 = tpu.memref_slice %arg8[%dma_wait3A_231, %dma_wait3A_232, %dma_wait3A_233] : memref<8x128x32xf32, #tpu.memory_space<vmem>> -> memref<1x128x32xf32, #tpu.memory_space<vmem>>
      %dma_wait3A_235 = tpu.memref_squeeze %dma_wait3A_234 : memref<1x128x32xf32, #tpu.memory_space<vmem>> -> memref<128x32xf32, #tpu.memory_space<vmem>>
      %dma_wait3A_236 = arith.constant 0 : i32
      %dma_wait3A_237 = tpu.memref_slice %arg6[%add3A_230, %dma_wait3A_236] : memref<80x128xi32, #tpu.memory_space<vmem>> -> memref<1x128xi32, #tpu.memory_space<vmem>>
      %dma_wait3A_238 = tpu.memref_squeeze %dma_wait3A_237 : memref<1x128xi32, #tpu.memory_space<vmem>> -> memref<128xi32, #tpu.memory_space<vmem>>
      %dma_wait3A_239 = arith.constant 0 : i32
      %dma_wait3A_240 = arith.constant 0 : i32
      %dma_wait3A_241 = tpu.memref_slice %arg10[%dma_wait3A_239, %dma_wait3A_240] : memref<10240x32xf32, #tpu.memory_space<vmem_shared>> -> memref<10240x32xf32, #tpu.memory_space<vmem_shared>>
      tpu.wait_indirect_dma semaphore(%arg12 : memref<!tpu.dma_semaphore, #tpu.memory_space<semaphore_mem>>) src(%dma_wait3A_241 : memref<10240x32xf32, #tpu.memory_space<vmem_shared>>) dst(%dma_wait3A_235 : memref<128x32xf32, #tpu.memory_space<vmem>>)
      %dma_start3A_242 = arith.constant 1 : i32
      %dma_start3A_243 = arith.constant 0 : i32
      %dma_start3A_244 = arith.constant 0 : i32
      %dma_start3A_245 = tpu.memref_slice %arg8[%dma_start3A_242, %dma_start3A_243, %dma_start3A_244] : memref<8x128x32xf32, #tpu.memory_space<vmem>> -> memref<1x128x32xf32, #tpu.memory_space<vmem>>
      %dma_start3A_246 = tpu.memref_squeeze %dma_start3A_245 : memref<1x128x32xf32, #tpu.memory_space<vmem>> -> memref<128x32xf32, #tpu.memory_space<vmem>>
      %dma_start3A_247 = arith.constant 0 : i32
      %dma_start3A_248 = tpu.memref_slice %arg7[%add3A_230, %dma_start3A_247] : memref<80x128xi32, #tpu.memory_space<vmem>> -> memref<1x128xi32, #tpu.memory_space<vmem>>
      %dma_start3A_249 = tpu.memref_squeeze %dma_start3A_248 : memref<1x128xi32, #tpu.memory_space<vmem>> -> memref<128xi32, #tpu.memory_space<vmem>>
      %dma_start3A_250 = arith.constant 0 : i32
      %dma_start3A_251 = arith.constant 0 : i32
      %dma_start3A_252 = tpu.memref_slice %arg9[%dma_start3A_250, %dma_start3A_251] : memref<10240x32xf32, #tpu.memory_space<vmem_shared>> -> memref<10240x32xf32, #tpu.memory_space<vmem_shared>>
      tpu.enqueue_indirect_dma source(%dma_start3A_246 : memref<128x32xf32, #tpu.memory_space<vmem>>) target(%dma_start3A_252 : memref<10240x32xf32, #tpu.memory_space<vmem_shared>>) offsets(%dma_start3A_249 : memref<128xi32, #tpu.memory_space<vmem>>) semaphore(%arg20 : memref<!tpu.dma_semaphore, #tpu.memory_space<semaphore_mem>>) {add = true}
      %gt3A_253 = arith.constant 0 : i32
      %gt3A_254 = arith.cmpi sgt, %scan3A_185, %gt3A_253 : i32
      %convert_element_type3A_255 = arith.extui %gt3A_254 : i1 to i32
      %cond3A_256 = arith.constant 0 : i32
      %cond3A_257 = arith.cmpi ne, %convert_element_type3A_255, %cond3A_256 : i32
      scf.if %cond3A_257 {
        %dma_wait3A_530 = arith.constant 5 : i32
        %dma_wait3A_531 = arith.constant 0 : i32
        %dma_wait3A_532 = arith.constant 0 : i32
        %dma_wait3A_533 = arith.constant 0 : i32
        %dma_wait3A_534 = tpu.memref_slice %arg8[%dma_wait3A_530, %dma_wait3A_532, %dma_wait3A_533] : memref<8x128x32xf32, #tpu.memory_space<vmem>> -> memref<1x128x32xf32, #tpu.memory_space<vmem>>
        %dma_wait3A_535 = tpu.memref_squeeze %dma_wait3A_534 : memref<1x128x32xf32, #tpu.memory_space<vmem>> -> memref<128x32xf32, #tpu.memory_space<vmem>>
        %dma_wait3A_536 = arith.constant 0 : i32
        %dma_wait3A_537 = tpu.memref_slice %arg7[%dma_wait3A_531, %dma_wait3A_536] : memref<80x128xi32, #tpu.memory_space<vmem>> -> memref<1x128xi32, #tpu.memory_space<vmem>>
        %dma_wait3A_538 = tpu.memref_squeeze %dma_wait3A_537 : memref<1x128xi32, #tpu.memory_space<vmem>> -> memref<128xi32, #tpu.memory_space<vmem>>
        %dma_wait3A_539 = arith.constant 0 : i32
        %dma_wait3A_540 = arith.constant 0 : i32
        %dma_wait3A_541 = tpu.memref_slice %arg9[%dma_wait3A_539, %dma_wait3A_540] : memref<10240x32xf32, #tpu.memory_space<vmem_shared>> -> memref<10240x32xf32, #tpu.memory_space<vmem_shared>>
        tpu.wait_indirect_dma semaphore(%arg24 : memref<!tpu.dma_semaphore, #tpu.memory_space<semaphore_mem>>) src(%dma_wait3A_535 : memref<128x32xf32, #tpu.memory_space<vmem>>) dst(%dma_wait3A_541 : memref<10240x32xf32, #tpu.memory_space<vmem_shared>>)
      } else {
      }
      %add3A_258 = arith.constant 4 : i32
      %add3A_259 = arith.addi %add3A_230, %add3A_258 : i32
      %dma_start3A_260 = arith.constant 5 : i32
      %dma_start3A_261 = arith.constant 0 : i32
      %dma_start3A_262 = arith.constant 0 : i32
      %dma_start3A_263 = tpu.memref_slice %arg8[%dma_start3A_260, %dma_start3A_261, %dma_start3A_262] : memref<8x128x32xf32, #tpu.memory_space<vmem>> -> memref<1x128x32xf32, #tpu.memory_space<vmem>>
      %dma_start3A_264 = tpu.memref_squeeze %dma_start3A_263 : memref<1x128x32xf32, #tpu.memory_space<vmem>> -> memref<128x32xf32, #tpu.memory_space<vmem>>
      %dma_start3A_265 = arith.constant 0 : i32
      %dma_start3A_266 = tpu.memref_slice %arg6[%add3A_259, %dma_start3A_265] : memref<80x128xi32, #tpu.memory_space<vmem>> -> memref<1x128xi32, #tpu.memory_space<vmem>>
      %dma_start3A_267 = tpu.memref_squeeze %dma_start3A_266 : memref<1x128xi32, #tpu.memory_space<vmem>> -> memref<128xi32, #tpu.memory_space<vmem>>
      %dma_start3A_268 = arith.constant 0 : i32
      %dma_start3A_269 = arith.constant 0 : i32
      %dma_start3A_270 = tpu.memref_slice %arg10[%dma_start3A_268, %dma_start3A_269] : memref<10240x32xf32, #tpu.memory_space<vmem_shared>> -> memref<10240x32xf32, #tpu.memory_space<vmem_shared>>
      tpu.enqueue_indirect_dma source(%dma_start3A_270 : memref<10240x32xf32, #tpu.memory_space<vmem_shared>>) target(%dma_start3A_264 : memref<128x32xf32, #tpu.memory_space<vmem>>) offsets(%dma_start3A_267 : memref<128xi32, #tpu.memory_space<vmem>>) semaphore(%arg16 : memref<!tpu.dma_semaphore, #tpu.memory_space<semaphore_mem>>)
      %mul3A_271 = arith.constant 8 : i32
      %mul3A_272 = arith.muli %scan3A_185, %mul3A_271 : i32
      %add3A_273 = arith.constant 2 : i32
      %add3A_274 = arith.addi %mul3A_272, %add3A_273 : i32
      %dma_wait3A_275 = arith.constant 2 : i32
      %dma_wait3A_276 = arith.constant 0 : i32
      %dma_wait3A_277 = arith.constant 0 : i32
      %dma_wait3A_278 = tpu.memref_slice %arg8[%dma_wait3A_275, %dma_wait3A_276, %dma_wait3A_277] : memref<8x128x32xf32, #tpu.memory_space<vmem>> -> memref<1x128x32xf32, #tpu.memory_space<vmem>>
      %dma_wait3A_279 = tpu.memref_squeeze %dma_wait3A_278 : memref<1x128x32xf32, #tpu.memory_space<vmem>> -> memref<128x32xf32, #tpu.memory_space<vmem>>
      %dma_wait3A_280 = arith.constant 0 : i32
      %dma_wait3A_281 = tpu.memref_slice %arg6[%add3A_274, %dma_wait3A_280] : memref<80x128xi32, #tpu.memory_space<vmem>> -> memref<1x128xi32, #tpu.memory_space<vmem>>
      %dma_wait3A_282 = tpu.memref_squeeze %dma_wait3A_281 : memref<1x128xi32, #tpu.memory_space<vmem>> -> memref<128xi32, #tpu.memory_space<vmem>>
      %dma_wait3A_283 = arith.constant 0 : i32
      %dma_wait3A_284 = arith.constant 0 : i32
      %dma_wait3A_285 = tpu.memref_slice %arg10[%dma_wait3A_283, %dma_wait3A_284] : memref<10240x32xf32, #tpu.memory_space<vmem_shared>> -> memref<10240x32xf32, #tpu.memory_space<vmem_shared>>
      tpu.wait_indirect_dma semaphore(%arg13 : memref<!tpu.dma_semaphore, #tpu.memory_space<semaphore_mem>>) src(%dma_wait3A_285 : memref<10240x32xf32, #tpu.memory_space<vmem_shared>>) dst(%dma_wait3A_279 : memref<128x32xf32, #tpu.memory_space<vmem>>)
      %dma_start3A_286 = arith.constant 2 : i32
      %dma_start3A_287 = arith.constant 0 : i32
      %dma_start3A_288 = arith.constant 0 : i32
      %dma_start3A_289 = tpu.memref_slice %arg8[%dma_start3A_286, %dma_start3A_287, %dma_start3A_288] : memref<8x128x32xf32, #tpu.memory_space<vmem>> -> memref<1x128x32xf32, #tpu.memory_space<vmem>>
      %dma_start3A_290 = tpu.memref_squeeze %dma_start3A_289 : memref<1x128x32xf32, #tpu.memory_space<vmem>> -> memref<128x32xf32, #tpu.memory_space<vmem>>
      %dma_start3A_291 = arith.constant 0 : i32
      %dma_start3A_292 = tpu.memref_slice %arg7[%add3A_274, %dma_start3A_291] : memref<80x128xi32, #tpu.memory_space<vmem>> -> memref<1x128xi32, #tpu.memory_space<vmem>>
      %dma_start3A_293 = tpu.memref_squeeze %dma_start3A_292 : memref<1x128xi32, #tpu.memory_space<vmem>> -> memref<128xi32, #tpu.memory_space<vmem>>
      %dma_start3A_294 = arith.constant 0 : i32
      %dma_start3A_295 = arith.constant 0 : i32
      %dma_start3A_296 = tpu.memref_slice %arg9[%dma_start3A_294, %dma_start3A_295] : memref<10240x32xf32, #tpu.memory_space<vmem_shared>> -> memref<10240x32xf32, #tpu.memory_space<vmem_shared>>
      tpu.enqueue_indirect_dma source(%dma_start3A_290 : memref<128x32xf32, #tpu.memory_space<vmem>>) target(%dma_start3A_296 : memref<10240x32xf32, #tpu.memory_space<vmem_shared>>) offsets(%dma_start3A_293 : memref<128xi32, #tpu.memory_space<vmem>>) semaphore(%arg21 : memref<!tpu.dma_semaphore, #tpu.memory_space<semaphore_mem>>) {add = true}
      %gt3A_297 = arith.constant 0 : i32
      %gt3A_298 = arith.cmpi sgt, %scan3A_185, %gt3A_297 : i32
      %convert_element_type3A_299 = arith.extui %gt3A_298 : i1 to i32
      %cond3A_300 = arith.constant 0 : i32
      %cond3A_301 = arith.cmpi ne, %convert_element_type3A_299, %cond3A_300 : i32
      scf.if %cond3A_301 {
        %dma_wait3A_530 = arith.constant 6 : i32
        %dma_wait3A_531 = arith.constant 0 : i32
        %dma_wait3A_532 = arith.constant 0 : i32
        %dma_wait3A_533 = arith.constant 0 : i32
        %dma_wait3A_534 = tpu.memref_slice %arg8[%dma_wait3A_530, %dma_wait3A_532, %dma_wait3A_533] : memref<8x128x32xf32, #tpu.memory_space<vmem>> -> memref<1x128x32xf32, #tpu.memory_space<vmem>>
        %dma_wait3A_535 = tpu.memref_squeeze %dma_wait3A_534 : memref<1x128x32xf32, #tpu.memory_space<vmem>> -> memref<128x32xf32, #tpu.memory_space<vmem>>
        %dma_wait3A_536 = arith.constant 0 : i32
        %dma_wait3A_537 = tpu.memref_slice %arg7[%dma_wait3A_531, %dma_wait3A_536] : memref<80x128xi32, #tpu.memory_space<vmem>> -> memref<1x128xi32, #tpu.memory_space<vmem>>
        %dma_wait3A_538 = tpu.memref_squeeze %dma_wait3A_537 : memref<1x128xi32, #tpu.memory_space<vmem>> -> memref<128xi32, #tpu.memory_space<vmem>>
        %dma_wait3A_539 = arith.constant 0 : i32
        %dma_wait3A_540 = arith.constant 0 : i32
        %dma_wait3A_541 = tpu.memref_slice %arg9[%dma_wait3A_539, %dma_wait3A_540] : memref<10240x32xf32, #tpu.memory_space<vmem_shared>> -> memref<10240x32xf32, #tpu.memory_space<vmem_shared>>
        tpu.wait_indirect_dma semaphore(%arg25 : memref<!tpu.dma_semaphore, #tpu.memory_space<semaphore_mem>>) src(%dma_wait3A_535 : memref<128x32xf32, #tpu.memory_space<vmem>>) dst(%dma_wait3A_541 : memref<10240x32xf32, #tpu.memory_space<vmem_shared>>)
      } else {
      }
      %add3A_302 = arith.constant 4 : i32
      %add3A_303 = arith.addi %add3A_274, %add3A_302 : i32
      %dma_start3A_304 = arith.constant 6 : i32
      %dma_start3A_305 = arith.constant 0 : i32
      %dma_start3A_306 = arith.constant 0 : i32
      %dma_start3A_307 = tpu.memref_slice %arg8[%dma_start3A_304, %dma_start3A_305, %dma_start3A_306] : memref<8x128x32xf32, #tpu.memory_space<vmem>> -> memref<1x128x32xf32, #tpu.memory_space<vmem>>
      %dma_start3A_308 = tpu.memref_squeeze %dma_start3A_307 : memref<1x128x32xf32, #tpu.memory_space<vmem>> -> memref<128x32xf32, #tpu.memory_space<vmem>>
      %dma_start3A_309 = arith.constant 0 : i32
      %dma_start3A_310 = tpu.memref_slice %arg6[%add3A_303, %dma_start3A_309] : memref<80x128xi32, #tpu.memory_space<vmem>> -> memref<1x128xi32, #tpu.memory_space<vmem>>
      %dma_start3A_311 = tpu.memref_squeeze %dma_start3A_310 : memref<1x128xi32, #tpu.memory_space<vmem>> -> memref<128xi32, #tpu.memory_space<vmem>>
      %dma_start3A_312 = arith.constant 0 : i32
      %dma_start3A_313 = arith.constant 0 : i32
      %dma_start3A_314 = tpu.memref_slice %arg10[%dma_start3A_312, %dma_start3A_313] : memref<10240x32xf32, #tpu.memory_space<vmem_shared>> -> memref<10240x32xf32, #tpu.memory_space<vmem_shared>>
      tpu.enqueue_indirect_dma source(%dma_start3A_314 : memref<10240x32xf32, #tpu.memory_space<vmem_shared>>) target(%dma_start3A_308 : memref<128x32xf32, #tpu.memory_space<vmem>>) offsets(%dma_start3A_311 : memref<128xi32, #tpu.memory_space<vmem>>) semaphore(%arg17 : memref<!tpu.dma_semaphore, #tpu.memory_space<semaphore_mem>>)
      %mul3A_315 = arith.constant 8 : i32
      %mul3A_316 = arith.muli %scan3A_185, %mul3A_315 : i32
      %add3A_317 = arith.constant 3 : i32
      %add3A_318 = arith.addi %mul3A_316, %add3A_317 : i32
      %dma_wait3A_319 = arith.constant 3 : i32
      %dma_wait3A_320 = arith.constant 0 : i32
      %dma_wait3A_321 = arith.constant 0 : i32
      %dma_wait3A_322 = tpu.memref_slice %arg8[%dma_wait3A_319, %dma_wait3A_320, %dma_wait3A_321] : memref<8x128x32xf32, #tpu.memory_space<vmem>> -> memref<1x128x32xf32, #tpu.memory_space<vmem>>
      %dma_wait3A_323 = tpu.memref_squeeze %dma_wait3A_322 : memref<1x128x32xf32, #tpu.memory_space<vmem>> -> memref<128x32xf32, #tpu.memory_space<vmem>>
      %dma_wait3A_324 = arith.constant 0 : i32
      %dma_wait3A_325 = tpu.memref_slice %arg6[%add3A_318, %dma_wait3A_324] : memref<80x128xi32, #tpu.memory_space<vmem>> -> memref<1x128xi32, #tpu.memory_space<vmem>>
      %dma_wait3A_326 = tpu.memref_squeeze %dma_wait3A_325 : memref<1x128xi32, #tpu.memory_space<vmem>> -> memref<128xi32, #tpu.memory_space<vmem>>
      %dma_wait3A_327 = arith.constant 0 : i32
      %dma_wait3A_328 = arith.constant 0 : i32
      %dma_wait3A_329 = tpu.memref_slice %arg10[%dma_wait3A_327, %dma_wait3A_328] : memref<10240x32xf32, #tpu.memory_space<vmem_shared>> -> memref<10240x32xf32, #tpu.memory_space<vmem_shared>>
      tpu.wait_indirect_dma semaphore(%arg14 : memref<!tpu.dma_semaphore, #tpu.memory_space<semaphore_mem>>) src(%dma_wait3A_329 : memref<10240x32xf32, #tpu.memory_space<vmem_shared>>) dst(%dma_wait3A_323 : memref<128x32xf32, #tpu.memory_space<vmem>>)
      %dma_start3A_330 = arith.constant 3 : i32
      %dma_start3A_331 = arith.constant 0 : i32
      %dma_start3A_332 = arith.constant 0 : i32
      %dma_start3A_333 = tpu.memref_slice %arg8[%dma_start3A_330, %dma_start3A_331, %dma_start3A_332] : memref<8x128x32xf32, #tpu.memory_space<vmem>> -> memref<1x128x32xf32, #tpu.memory_space<vmem>>
      %dma_start3A_334 = tpu.memref_squeeze %dma_start3A_333 : memref<1x128x32xf32, #tpu.memory_space<vmem>> -> memref<128x32xf32, #tpu.memory_space<vmem>>
      %dma_start3A_335 = arith.constant 0 : i32
      %dma_start3A_336 = tpu.memref_slice %arg7[%add3A_318, %dma_start3A_335] : memref<80x128xi32, #tpu.memory_space<vmem>> -> memref<1x128xi32, #tpu.memory_space<vmem>>
      %dma_start3A_337 = tpu.memref_squeeze %dma_start3A_336 : memref<1x128xi32, #tpu.memory_space<vmem>> -> memref<128xi32, #tpu.memory_space<vmem>>
      %dma_start3A_338 = arith.constant 0 : i32
      %dma_start3A_339 = arith.constant 0 : i32
      %dma_start3A_340 = tpu.memref_slice %arg9[%dma_start3A_338, %dma_start3A_339] : memref<10240x32xf32, #tpu.memory_space<vmem_shared>> -> memref<10240x32xf32, #tpu.memory_space<vmem_shared>>
      tpu.enqueue_indirect_dma source(%dma_start3A_334 : memref<128x32xf32, #tpu.memory_space<vmem>>) target(%dma_start3A_340 : memref<10240x32xf32, #tpu.memory_space<vmem_shared>>) offsets(%dma_start3A_337 : memref<128xi32, #tpu.memory_space<vmem>>) semaphore(%arg22 : memref<!tpu.dma_semaphore, #tpu.memory_space<semaphore_mem>>) {add = true}
      %gt3A_341 = arith.constant 0 : i32
      %gt3A_342 = arith.cmpi sgt, %scan3A_185, %gt3A_341 : i32
      %convert_element_type3A_343 = arith.extui %gt3A_342 : i1 to i32
      %cond3A_344 = arith.constant 0 : i32
      %cond3A_345 = arith.cmpi ne, %convert_element_type3A_343, %cond3A_344 : i32
      scf.if %cond3A_345 {
        %dma_wait3A_530 = arith.constant 7 : i32
        %dma_wait3A_531 = arith.constant 0 : i32
        %dma_wait3A_532 = arith.constant 0 : i32
        %dma_wait3A_533 = arith.constant 0 : i32
        %dma_wait3A_534 = tpu.memref_slice %arg8[%dma_wait3A_530, %dma_wait3A_532, %dma_wait3A_533] : memref<8x128x32xf32, #tpu.memory_space<vmem>> -> memref<1x128x32xf32, #tpu.memory_space<vmem>>
        %dma_wait3A_535 = tpu.memref_squeeze %dma_wait3A_534 : memref<1x128x32xf32, #tpu.memory_space<vmem>> -> memref<128x32xf32, #tpu.memory_space<vmem>>
        %dma_wait3A_536 = arith.constant 0 : i32
        %dma_wait3A_537 = tpu.memref_slice %arg7[%dma_wait3A_531, %dma_wait3A_536] : memref<80x128xi32, #tpu.memory_space<vmem>> -> memref<1x128xi32, #tpu.memory_space<vmem>>
        %dma_wait3A_538 = tpu.memref_squeeze %dma_wait3A_537 : memref<1x128xi32, #tpu.memory_space<vmem>> -> memref<128xi32, #tpu.memory_space<vmem>>
        %dma_wait3A_539 = arith.constant 0 : i32
        %dma_wait3A_540 = arith.constant 0 : i32
        %dma_wait3A_541 = tpu.memref_slice %arg9[%dma_wait3A_539, %dma_wait3A_540] : memref<10240x32xf32, #tpu.memory_space<vmem_shared>> -> memref<10240x32xf32, #tpu.memory_space<vmem_shared>>
        tpu.wait_indirect_dma semaphore(%arg26 : memref<!tpu.dma_semaphore, #tpu.memory_space<semaphore_mem>>) src(%dma_wait3A_535 : memref<128x32xf32, #tpu.memory_space<vmem>>) dst(%dma_wait3A_541 : memref<10240x32xf32, #tpu.memory_space<vmem_shared>>)
      } else {
      }
      %add3A_346 = arith.constant 4 : i32
      %add3A_347 = arith.addi %add3A_318, %add3A_346 : i32
      %dma_start3A_348 = arith.constant 7 : i32
      %dma_start3A_349 = arith.constant 0 : i32
      %dma_start3A_350 = arith.constant 0 : i32
      %dma_start3A_351 = tpu.memref_slice %arg8[%dma_start3A_348, %dma_start3A_349, %dma_start3A_350] : memref<8x128x32xf32, #tpu.memory_space<vmem>> -> memref<1x128x32xf32, #tpu.memory_space<vmem>>
      %dma_start3A_352 = tpu.memref_squeeze %dma_start3A_351 : memref<1x128x32xf32, #tpu.memory_space<vmem>> -> memref<128x32xf32, #tpu.memory_space<vmem>>
      %dma_start3A_353 = arith.constant 0 : i32
      %dma_start3A_354 = tpu.memref_slice %arg6[%add3A_347, %dma_start3A_353] : memref<80x128xi32, #tpu.memory_space<vmem>> -> memref<1x128xi32, #tpu.memory_space<vmem>>
      %dma_start3A_355 = tpu.memref_squeeze %dma_start3A_354 : memref<1x128xi32, #tpu.memory_space<vmem>> -> memref<128xi32, #tpu.memory_space<vmem>>
      %dma_start3A_356 = arith.constant 0 : i32
      %dma_start3A_357 = arith.constant 0 : i32
      %dma_start3A_358 = tpu.memref_slice %arg10[%dma_start3A_356, %dma_start3A_357] : memref<10240x32xf32, #tpu.memory_space<vmem_shared>> -> memref<10240x32xf32, #tpu.memory_space<vmem_shared>>
      tpu.enqueue_indirect_dma source(%dma_start3A_358 : memref<10240x32xf32, #tpu.memory_space<vmem_shared>>) target(%dma_start3A_352 : memref<128x32xf32, #tpu.memory_space<vmem>>) offsets(%dma_start3A_355 : memref<128xi32, #tpu.memory_space<vmem>>) semaphore(%arg18 : memref<!tpu.dma_semaphore, #tpu.memory_space<semaphore_mem>>)
      %mul3A_359 = arith.constant 8 : i32
      %mul3A_360 = arith.muli %scan3A_185, %mul3A_359 : i32
      %add3A_361 = arith.constant 4 : i32
      %add3A_362 = arith.addi %mul3A_360, %add3A_361 : i32
      %dma_wait3A_363 = arith.constant 4 : i32
      %dma_wait3A_364 = arith.constant 0 : i32
      %dma_wait3A_365 = arith.constant 0 : i32
      %dma_wait3A_366 = tpu.memref_slice %arg8[%dma_wait3A_363, %dma_wait3A_364, %dma_wait3A_365] : memref<8x128x32xf32, #tpu.memory_space<vmem>> -> memref<1x128x32xf32, #tpu.memory_space<vmem>>
      %dma_wait3A_367 = tpu.memref_squeeze %dma_wait3A_366 : memref<1x128x32xf32, #tpu.memory_space<vmem>> -> memref<128x32xf32, #tpu.memory_space<vmem>>
      %dma_wait3A_368 = arith.constant 0 : i32
      %dma_wait3A_369 = tpu.memref_slice %arg6[%add3A_362, %dma_wait3A_368] : memref<80x128xi32, #tpu.memory_space<vmem>> -> memref<1x128xi32, #tpu.memory_space<vmem>>
      %dma_wait3A_370 = tpu.memref_squeeze %dma_wait3A_369 : memref<1x128xi32, #tpu.memory_space<vmem>> -> memref<128xi32, #tpu.memory_space<vmem>>
      %dma_wait3A_371 = arith.constant 0 : i32
      %dma_wait3A_372 = arith.constant 0 : i32
      %dma_wait3A_373 = tpu.memref_slice %arg10[%dma_wait3A_371, %dma_wait3A_372] : memref<10240x32xf32, #tpu.memory_space<vmem_shared>> -> memref<10240x32xf32, #tpu.memory_space<vmem_shared>>
      tpu.wait_indirect_dma semaphore(%arg15 : memref<!tpu.dma_semaphore, #tpu.memory_space<semaphore_mem>>) src(%dma_wait3A_373 : memref<10240x32xf32, #tpu.memory_space<vmem_shared>>) dst(%dma_wait3A_367 : memref<128x32xf32, #tpu.memory_space<vmem>>)
      %dma_start3A_374 = arith.constant 4 : i32
      %dma_start3A_375 = arith.constant 0 : i32
      %dma_start3A_376 = arith.constant 0 : i32
      %dma_start3A_377 = tpu.memref_slice %arg8[%dma_start3A_374, %dma_start3A_375, %dma_start3A_376] : memref<8x128x32xf32, #tpu.memory_space<vmem>> -> memref<1x128x32xf32, #tpu.memory_space<vmem>>
      %dma_start3A_378 = tpu.memref_squeeze %dma_start3A_377 : memref<1x128x32xf32, #tpu.memory_space<vmem>> -> memref<128x32xf32, #tpu.memory_space<vmem>>
      %dma_start3A_379 = arith.constant 0 : i32
      %dma_start3A_380 = tpu.memref_slice %arg7[%add3A_362, %dma_start3A_379] : memref<80x128xi32, #tpu.memory_space<vmem>> -> memref<1x128xi32, #tpu.memory_space<vmem>>
      %dma_start3A_381 = tpu.memref_squeeze %dma_start3A_380 : memref<1x128xi32, #tpu.memory_space<vmem>> -> memref<128xi32, #tpu.memory_space<vmem>>
      %dma_start3A_382 = arith.constant 0 : i32
      %dma_start3A_383 = arith.constant 0 : i32
      %dma_start3A_384 = tpu.memref_slice %arg9[%dma_start3A_382, %dma_start3A_383] : memref<10240x32xf32, #tpu.memory_space<vmem_shared>> -> memref<10240x32xf32, #tpu.memory_space<vmem_shared>>
      tpu.enqueue_indirect_dma source(%dma_start3A_378 : memref<128x32xf32, #tpu.memory_space<vmem>>) target(%dma_start3A_384 : memref<10240x32xf32, #tpu.memory_space<vmem_shared>>) offsets(%dma_start3A_381 : memref<128xi32, #tpu.memory_space<vmem>>) semaphore(%arg23 : memref<!tpu.dma_semaphore, #tpu.memory_space<semaphore_mem>>) {add = true}
      %dma_wait3A_385 = arith.constant 0 : i32
      %dma_wait3A_386 = arith.constant 0 : i32
      %dma_wait3A_387 = arith.constant 0 : i32
      %dma_wait3A_388 = arith.constant 0 : i32
      %dma_wait3A_389 = tpu.memref_slice %arg8[%dma_wait3A_385, %dma_wait3A_387, %dma_wait3A_388] : memref<8x128x32xf32, #tpu.memory_space<vmem>> -> memref<1x128x32xf32, #tpu.memory_space<vmem>>
      %dma_wait3A_390 = tpu.memref_squeeze %dma_wait3A_389 : memref<1x128x32xf32, #tpu.memory_space<vmem>> -> memref<128x32xf32, #tpu.memory_space<vmem>>
      %dma_wait3A_391 = arith.constant 0 : i32
      %dma_wait3A_392 = tpu.memref_slice %arg7[%dma_wait3A_386, %dma_wait3A_391] : memref<80x128xi32, #tpu.memory_space<vmem>> -> memref<1x128xi32, #tpu.memory_space<vmem>>
      %dma_wait3A_393 = tpu.memref_squeeze %dma_wait3A_392 : memref<1x128xi32, #tpu.memory_space<vmem>> -> memref<128xi32, #tpu.memory_space<vmem>>
      %dma_wait3A_394 = arith.constant 0 : i32
      %dma_wait3A_395 = arith.constant 0 : i32
      %dma_wait3A_396 = tpu.memref_slice %arg9[%dma_wait3A_394, %dma_wait3A_395] : memref<10240x32xf32, #tpu.memory_space<vmem_shared>> -> memref<10240x32xf32, #tpu.memory_space<vmem_shared>>
      tpu.wait_indirect_dma semaphore(%arg19 : memref<!tpu.dma_semaphore, #tpu.memory_space<semaphore_mem>>) src(%dma_wait3A_390 : memref<128x32xf32, #tpu.memory_space<vmem>>) dst(%dma_wait3A_396 : memref<10240x32xf32, #tpu.memory_space<vmem_shared>>)
      %lt3A = arith.constant 9 : i32
      %lt3A_397 = arith.cmpi slt, %scan3A_185, %lt3A : i32
      %convert_element_type3A_398 = arith.extui %lt3A_397 : i1 to i32
      %cond3A_399 = arith.constant 0 : i32
      %cond3A_400 = arith.cmpi ne, %convert_element_type3A_398, %cond3A_399 : i32
      scf.if %cond3A_400 {
        %add3A_530 = arith.constant 4 : i32
        %add3A_531 = arith.addi %add3A_362, %add3A_530 : i32
        %dma_start3A_532 = arith.constant 0 : i32
        %dma_start3A_533 = arith.constant 0 : i32
        %dma_start3A_534 = arith.constant 0 : i32
        %dma_start3A_535 = tpu.memref_slice %arg8[%dma_start3A_532, %dma_start3A_533, %dma_start3A_534] : memref<8x128x32xf32, #tpu.memory_space<vmem>> -> memref<1x128x32xf32, #tpu.memory_space<vmem>>
        %dma_start3A_536 = tpu.memref_squeeze %dma_start3A_535 : memref<1x128x32xf32, #tpu.memory_space<vmem>> -> memref<128x32xf32, #tpu.memory_space<vmem>>
        %dma_start3A_537 = arith.constant 0 : i32
        %dma_start3A_538 = tpu.memref_slice %arg6[%add3A_531, %dma_start3A_537] : memref<80x128xi32, #tpu.memory_space<vmem>> -> memref<1x128xi32, #tpu.memory_space<vmem>>
        %dma_start3A_539 = tpu.memref_squeeze %dma_start3A_538 : memref<1x128xi32, #tpu.memory_space<vmem>> -> memref<128xi32, #tpu.memory_space<vmem>>
        %dma_start3A_540 = arith.constant 0 : i32
        %dma_start3A_541 = arith.constant 0 : i32
        %dma_start3A_542 = tpu.memref_slice %arg10[%dma_start3A_540, %dma_start3A_541] : memref<10240x32xf32, #tpu.memory_space<vmem_shared>> -> memref<10240x32xf32, #tpu.memory_space<vmem_shared>>
        tpu.enqueue_indirect_dma source(%dma_start3A_542 : memref<10240x32xf32, #tpu.memory_space<vmem_shared>>) target(%dma_start3A_536 : memref<128x32xf32, #tpu.memory_space<vmem>>) offsets(%dma_start3A_539 : memref<128xi32, #tpu.memory_space<vmem>>) semaphore(%arg11 : memref<!tpu.dma_semaphore, #tpu.memory_space<semaphore_mem>>)
      } else {
      }
      %mul3A_401 = arith.constant 8 : i32
      %mul3A_402 = arith.muli %scan3A_185, %mul3A_401 : i32
      %add3A_403 = arith.constant 5 : i32
      %add3A_404 = arith.addi %mul3A_402, %add3A_403 : i32
      %dma_wait3A_405 = arith.constant 5 : i32
      %dma_wait3A_406 = arith.constant 0 : i32
      %dma_wait3A_407 = arith.constant 0 : i32
      %dma_wait3A_408 = tpu.memref_slice %arg8[%dma_wait3A_405, %dma_wait3A_406, %dma_wait3A_407] : memref<8x128x32xf32, #tpu.memory_space<vmem>> -> memref<1x128x32xf32, #tpu.memory_space<vmem>>
      %dma_wait3A_409 = tpu.memref_squeeze %dma_wait3A_408 : memref<1x128x32xf32, #tpu.memory_space<vmem>> -> memref<128x32xf32, #tpu.memory_space<vmem>>
      %dma_wait3A_410 = arith.constant 0 : i32
      %dma_wait3A_411 = tpu.memref_slice %arg6[%add3A_404, %dma_wait3A_410] : memref<80x128xi32, #tpu.memory_space<vmem>> -> memref<1x128xi32, #tpu.memory_space<vmem>>
      %dma_wait3A_412 = tpu.memref_squeeze %dma_wait3A_411 : memref<1x128xi32, #tpu.memory_space<vmem>> -> memref<128xi32, #tpu.memory_space<vmem>>
      %dma_wait3A_413 = arith.constant 0 : i32
      %dma_wait3A_414 = arith.constant 0 : i32
      %dma_wait3A_415 = tpu.memref_slice %arg10[%dma_wait3A_413, %dma_wait3A_414] : memref<10240x32xf32, #tpu.memory_space<vmem_shared>> -> memref<10240x32xf32, #tpu.memory_space<vmem_shared>>
      tpu.wait_indirect_dma semaphore(%arg16 : memref<!tpu.dma_semaphore, #tpu.memory_space<semaphore_mem>>) src(%dma_wait3A_415 : memref<10240x32xf32, #tpu.memory_space<vmem_shared>>) dst(%dma_wait3A_409 : memref<128x32xf32, #tpu.memory_space<vmem>>)
      %dma_start3A_416 = arith.constant 5 : i32
      %dma_start3A_417 = arith.constant 0 : i32
      %dma_start3A_418 = arith.constant 0 : i32
      %dma_start3A_419 = tpu.memref_slice %arg8[%dma_start3A_416, %dma_start3A_417, %dma_start3A_418] : memref<8x128x32xf32, #tpu.memory_space<vmem>> -> memref<1x128x32xf32, #tpu.memory_space<vmem>>
      %dma_start3A_420 = tpu.memref_squeeze %dma_start3A_419 : memref<1x128x32xf32, #tpu.memory_space<vmem>> -> memref<128x32xf32, #tpu.memory_space<vmem>>
      %dma_start3A_421 = arith.constant 0 : i32
      %dma_start3A_422 = tpu.memref_slice %arg7[%add3A_404, %dma_start3A_421] : memref<80x128xi32, #tpu.memory_space<vmem>> -> memref<1x128xi32, #tpu.memory_space<vmem>>
      %dma_start3A_423 = tpu.memref_squeeze %dma_start3A_422 : memref<1x128xi32, #tpu.memory_space<vmem>> -> memref<128xi32, #tpu.memory_space<vmem>>
      %dma_start3A_424 = arith.constant 0 : i32
      %dma_start3A_425 = arith.constant 0 : i32
      %dma_start3A_426 = tpu.memref_slice %arg9[%dma_start3A_424, %dma_start3A_425] : memref<10240x32xf32, #tpu.memory_space<vmem_shared>> -> memref<10240x32xf32, #tpu.memory_space<vmem_shared>>
      tpu.enqueue_indirect_dma source(%dma_start3A_420 : memref<128x32xf32, #tpu.memory_space<vmem>>) target(%dma_start3A_426 : memref<10240x32xf32, #tpu.memory_space<vmem_shared>>) offsets(%dma_start3A_423 : memref<128xi32, #tpu.memory_space<vmem>>) semaphore(%arg24 : memref<!tpu.dma_semaphore, #tpu.memory_space<semaphore_mem>>) {add = true}
      %dma_wait3A_427 = arith.constant 1 : i32
      %dma_wait3A_428 = arith.constant 0 : i32
      %dma_wait3A_429 = arith.constant 0 : i32
      %dma_wait3A_430 = arith.constant 0 : i32
      %dma_wait3A_431 = tpu.memref_slice %arg8[%dma_wait3A_427, %dma_wait3A_429, %dma_wait3A_430] : memref<8x128x32xf32, #tpu.memory_space<vmem>> -> memref<1x128x32xf32, #tpu.memory_space<vmem>>
      %dma_wait3A_432 = tpu.memref_squeeze %dma_wait3A_431 : memref<1x128x32xf32, #tpu.memory_space<vmem>> -> memref<128x32xf32, #tpu.memory_space<vmem>>
      %dma_wait3A_433 = arith.constant 0 : i32
      %dma_wait3A_434 = tpu.memref_slice %arg7[%dma_wait3A_428, %dma_wait3A_433] : memref<80x128xi32, #tpu.memory_space<vmem>> -> memref<1x128xi32, #tpu.memory_space<vmem>>
      %dma_wait3A_435 = tpu.memref_squeeze %dma_wait3A_434 : memref<1x128xi32, #tpu.memory_space<vmem>> -> memref<128xi32, #tpu.memory_space<vmem>>
      %dma_wait3A_436 = arith.constant 0 : i32
      %dma_wait3A_437 = arith.constant 0 : i32
      %dma_wait3A_438 = tpu.memref_slice %arg9[%dma_wait3A_436, %dma_wait3A_437] : memref<10240x32xf32, #tpu.memory_space<vmem_shared>> -> memref<10240x32xf32, #tpu.memory_space<vmem_shared>>
      tpu.wait_indirect_dma semaphore(%arg20 : memref<!tpu.dma_semaphore, #tpu.memory_space<semaphore_mem>>) src(%dma_wait3A_432 : memref<128x32xf32, #tpu.memory_space<vmem>>) dst(%dma_wait3A_438 : memref<10240x32xf32, #tpu.memory_space<vmem_shared>>)
      %lt3A_439 = arith.constant 9 : i32
      %lt3A_440 = arith.cmpi slt, %scan3A_185, %lt3A_439 : i32
      %convert_element_type3A_441 = arith.extui %lt3A_440 : i1 to i32
      %cond3A_442 = arith.constant 0 : i32
      %cond3A_443 = arith.cmpi ne, %convert_element_type3A_441, %cond3A_442 : i32
      scf.if %cond3A_443 {
        %add3A_530 = arith.constant 4 : i32
        %add3A_531 = arith.addi %add3A_404, %add3A_530 : i32
        %dma_start3A_532 = arith.constant 1 : i32
        %dma_start3A_533 = arith.constant 0 : i32
        %dma_start3A_534 = arith.constant 0 : i32
        %dma_start3A_535 = tpu.memref_slice %arg8[%dma_start3A_532, %dma_start3A_533, %dma_start3A_534] : memref<8x128x32xf32, #tpu.memory_space<vmem>> -> memref<1x128x32xf32, #tpu.memory_space<vmem>>
        %dma_start3A_536 = tpu.memref_squeeze %dma_start3A_535 : memref<1x128x32xf32, #tpu.memory_space<vmem>> -> memref<128x32xf32, #tpu.memory_space<vmem>>
        %dma_start3A_537 = arith.constant 0 : i32
        %dma_start3A_538 = tpu.memref_slice %arg6[%add3A_531, %dma_start3A_537] : memref<80x128xi32, #tpu.memory_space<vmem>> -> memref<1x128xi32, #tpu.memory_space<vmem>>
        %dma_start3A_539 = tpu.memref_squeeze %dma_start3A_538 : memref<1x128xi32, #tpu.memory_space<vmem>> -> memref<128xi32, #tpu.memory_space<vmem>>
        %dma_start3A_540 = arith.constant 0 : i32
        %dma_start3A_541 = arith.constant 0 : i32
        %dma_start3A_542 = tpu.memref_slice %arg10[%dma_start3A_540, %dma_start3A_541] : memref<10240x32xf32, #tpu.memory_space<vmem_shared>> -> memref<10240x32xf32, #tpu.memory_space<vmem_shared>>
        tpu.enqueue_indirect_dma source(%dma_start3A_542 : memref<10240x32xf32, #tpu.memory_space<vmem_shared>>) target(%dma_start3A_536 : memref<128x32xf32, #tpu.memory_space<vmem>>) offsets(%dma_start3A_539 : memref<128xi32, #tpu.memory_space<vmem>>) semaphore(%arg12 : memref<!tpu.dma_semaphore, #tpu.memory_space<semaphore_mem>>)
      } else {
      }
      %mul3A_444 = arith.constant 8 : i32
      %mul3A_445 = arith.muli %scan3A_185, %mul3A_444 : i32
      %add3A_446 = arith.constant 6 : i32
      %add3A_447 = arith.addi %mul3A_445, %add3A_446 : i32
      %dma_wait3A_448 = arith.constant 6 : i32
      %dma_wait3A_449 = arith.constant 0 : i32
      %dma_wait3A_450 = arith.constant 0 : i32
      %dma_wait3A_451 = tpu.memref_slice %arg8[%dma_wait3A_448, %dma_wait3A_449, %dma_wait3A_450] : memref<8x128x32xf32, #tpu.memory_space<vmem>> -> memref<1x128x32xf32, #tpu.memory_space<vmem>>
      %dma_wait3A_452 = tpu.memref_squeeze %dma_wait3A_451 : memref<1x128x32xf32, #tpu.memory_space<vmem>> -> memref<128x32xf32, #tpu.memory_space<vmem>>
      %dma_wait3A_453 = arith.constant 0 : i32
      %dma_wait3A_454 = tpu.memref_slice %arg6[%add3A_447, %dma_wait3A_453] : memref<80x128xi32, #tpu.memory_space<vmem>> -> memref<1x128xi32, #tpu.memory_space<vmem>>
      %dma_wait3A_455 = tpu.memref_squeeze %dma_wait3A_454 : memref<1x128xi32, #tpu.memory_space<vmem>> -> memref<128xi32, #tpu.memory_space<vmem>>
      %dma_wait3A_456 = arith.constant 0 : i32
      %dma_wait3A_457 = arith.constant 0 : i32
      %dma_wait3A_458 = tpu.memref_slice %arg10[%dma_wait3A_456, %dma_wait3A_457] : memref<10240x32xf32, #tpu.memory_space<vmem_shared>> -> memref<10240x32xf32, #tpu.memory_space<vmem_shared>>
      tpu.wait_indirect_dma semaphore(%arg17 : memref<!tpu.dma_semaphore, #tpu.memory_space<semaphore_mem>>) src(%dma_wait3A_458 : memref<10240x32xf32, #tpu.memory_space<vmem_shared>>) dst(%dma_wait3A_452 : memref<128x32xf32, #tpu.memory_space<vmem>>)
      %dma_start3A_459 = arith.constant 6 : i32
      %dma_start3A_460 = arith.constant 0 : i32
      %dma_start3A_461 = arith.constant 0 : i32
      %dma_start3A_462 = tpu.memref_slice %arg8[%dma_start3A_459, %dma_start3A_460, %dma_start3A_461] : memref<8x128x32xf32, #tpu.memory_space<vmem>> -> memref<1x128x32xf32, #tpu.memory_space<vmem>>
      %dma_start3A_463 = tpu.memref_squeeze %dma_start3A_462 : memref<1x128x32xf32, #tpu.memory_space<vmem>> -> memref<128x32xf32, #tpu.memory_space<vmem>>
      %dma_start3A_464 = arith.constant 0 : i32
      %dma_start3A_465 = tpu.memref_slice %arg7[%add3A_447, %dma_start3A_464] : memref<80x128xi32, #tpu.memory_space<vmem>> -> memref<1x128xi32, #tpu.memory_space<vmem>>
      %dma_start3A_466 = tpu.memref_squeeze %dma_start3A_465 : memref<1x128xi32, #tpu.memory_space<vmem>> -> memref<128xi32, #tpu.memory_space<vmem>>
      %dma_start3A_467 = arith.constant 0 : i32
      %dma_start3A_468 = arith.constant 0 : i32
      %dma_start3A_469 = tpu.memref_slice %arg9[%dma_start3A_467, %dma_start3A_468] : memref<10240x32xf32, #tpu.memory_space<vmem_shared>> -> memref<10240x32xf32, #tpu.memory_space<vmem_shared>>
      tpu.enqueue_indirect_dma source(%dma_start3A_463 : memref<128x32xf32, #tpu.memory_space<vmem>>) target(%dma_start3A_469 : memref<10240x32xf32, #tpu.memory_space<vmem_shared>>) offsets(%dma_start3A_466 : memref<128xi32, #tpu.memory_space<vmem>>) semaphore(%arg25 : memref<!tpu.dma_semaphore, #tpu.memory_space<semaphore_mem>>) {add = true}
      %dma_wait3A_470 = arith.constant 2 : i32
      %dma_wait3A_471 = arith.constant 0 : i32
      %dma_wait3A_472 = arith.constant 0 : i32
      %dma_wait3A_473 = arith.constant 0 : i32
      %dma_wait3A_474 = tpu.memref_slice %arg8[%dma_wait3A_470, %dma_wait3A_472, %dma_wait3A_473] : memref<8x128x32xf32, #tpu.memory_space<vmem>> -> memref<1x128x32xf32, #tpu.memory_space<vmem>>
      %dma_wait3A_475 = tpu.memref_squeeze %dma_wait3A_474 : memref<1x128x32xf32, #tpu.memory_space<vmem>> -> memref<128x32xf32, #tpu.memory_space<vmem>>
      %dma_wait3A_476 = arith.constant 0 : i32
      %dma_wait3A_477 = tpu.memref_slice %arg7[%dma_wait3A_471, %dma_wait3A_476] : memref<80x128xi32, #tpu.memory_space<vmem>> -> memref<1x128xi32, #tpu.memory_space<vmem>>
      %dma_wait3A_478 = tpu.memref_squeeze %dma_wait3A_477 : memref<1x128xi32, #tpu.memory_space<vmem>> -> memref<128xi32, #tpu.memory_space<vmem>>
      %dma_wait3A_479 = arith.constant 0 : i32
      %dma_wait3A_480 = arith.constant 0 : i32
      %dma_wait3A_481 = tpu.memref_slice %arg9[%dma_wait3A_479, %dma_wait3A_480] : memref<10240x32xf32, #tpu.memory_space<vmem_shared>> -> memref<10240x32xf32, #tpu.memory_space<vmem_shared>>
      tpu.wait_indirect_dma semaphore(%arg21 : memref<!tpu.dma_semaphore, #tpu.memory_space<semaphore_mem>>) src(%dma_wait3A_475 : memref<128x32xf32, #tpu.memory_space<vmem>>) dst(%dma_wait3A_481 : memref<10240x32xf32, #tpu.memory_space<vmem_shared>>)
      %lt3A_482 = arith.constant 9 : i32
      %lt3A_483 = arith.cmpi slt, %scan3A_185, %lt3A_482 : i32
      %convert_element_type3A_484 = arith.extui %lt3A_483 : i1 to i32
      %cond3A_485 = arith.constant 0 : i32
      %cond3A_486 = arith.cmpi ne, %convert_element_type3A_484, %cond3A_485 : i32
      scf.if %cond3A_486 {
        %add3A_530 = arith.constant 4 : i32
        %add3A_531 = arith.addi %add3A_447, %add3A_530 : i32
        %dma_start3A_532 = arith.constant 2 : i32
        %dma_start3A_533 = arith.constant 0 : i32
        %dma_start3A_534 = arith.constant 0 : i32
        %dma_start3A_535 = tpu.memref_slice %arg8[%dma_start3A_532, %dma_start3A_533, %dma_start3A_534] : memref<8x128x32xf32, #tpu.memory_space<vmem>> -> memref<1x128x32xf32, #tpu.memory_space<vmem>>
        %dma_start3A_536 = tpu.memref_squeeze %dma_start3A_535 : memref<1x128x32xf32, #tpu.memory_space<vmem>> -> memref<128x32xf32, #tpu.memory_space<vmem>>
        %dma_start3A_537 = arith.constant 0 : i32
        %dma_start3A_538 = tpu.memref_slice %arg6[%add3A_531, %dma_start3A_537] : memref<80x128xi32, #tpu.memory_space<vmem>> -> memref<1x128xi32, #tpu.memory_space<vmem>>
        %dma_start3A_539 = tpu.memref_squeeze %dma_start3A_538 : memref<1x128xi32, #tpu.memory_space<vmem>> -> memref<128xi32, #tpu.memory_space<vmem>>
        %dma_start3A_540 = arith.constant 0 : i32
        %dma_start3A_541 = arith.constant 0 : i32
        %dma_start3A_542 = tpu.memref_slice %arg10[%dma_start3A_540, %dma_start3A_541] : memref<10240x32xf32, #tpu.memory_space<vmem_shared>> -> memref<10240x32xf32, #tpu.memory_space<vmem_shared>>
        tpu.enqueue_indirect_dma source(%dma_start3A_542 : memref<10240x32xf32, #tpu.memory_space<vmem_shared>>) target(%dma_start3A_536 : memref<128x32xf32, #tpu.memory_space<vmem>>) offsets(%dma_start3A_539 : memref<128xi32, #tpu.memory_space<vmem>>) semaphore(%arg13 : memref<!tpu.dma_semaphore, #tpu.memory_space<semaphore_mem>>)
      } else {
      }
      %mul3A_487 = arith.constant 8 : i32
      %mul3A_488 = arith.muli %scan3A_185, %mul3A_487 : i32
      %add3A_489 = arith.constant 7 : i32
      %add3A_490 = arith.addi %mul3A_488, %add3A_489 : i32
      %dma_wait3A_491 = arith.constant 7 : i32
      %dma_wait3A_492 = arith.constant 0 : i32
      %dma_wait3A_493 = arith.constant 0 : i32
      %dma_wait3A_494 = tpu.memref_slice %arg8[%dma_wait3A_491, %dma_wait3A_492, %dma_wait3A_493] : memref<8x128x32xf32, #tpu.memory_space<vmem>> -> memref<1x128x32xf32, #tpu.memory_space<vmem>>
      %dma_wait3A_495 = tpu.memref_squeeze %dma_wait3A_494 : memref<1x128x32xf32, #tpu.memory_space<vmem>> -> memref<128x32xf32, #tpu.memory_space<vmem>>
      %dma_wait3A_496 = arith.constant 0 : i32
      %dma_wait3A_497 = tpu.memref_slice %arg6[%add3A_490, %dma_wait3A_496] : memref<80x128xi32, #tpu.memory_space<vmem>> -> memref<1x128xi32, #tpu.memory_space<vmem>>
      %dma_wait3A_498 = tpu.memref_squeeze %dma_wait3A_497 : memref<1x128xi32, #tpu.memory_space<vmem>> -> memref<128xi32, #tpu.memory_space<vmem>>
      %dma_wait3A_499 = arith.constant 0 : i32
      %dma_wait3A_500 = arith.constant 0 : i32
      %dma_wait3A_501 = tpu.memref_slice %arg10[%dma_wait3A_499, %dma_wait3A_500] : memref<10240x32xf32, #tpu.memory_space<vmem_shared>> -> memref<10240x32xf32, #tpu.memory_space<vmem_shared>>
      tpu.wait_indirect_dma semaphore(%arg18 : memref<!tpu.dma_semaphore, #tpu.memory_space<semaphore_mem>>) src(%dma_wait3A_501 : memref<10240x32xf32, #tpu.memory_space<vmem_shared>>) dst(%dma_wait3A_495 : memref<128x32xf32, #tpu.memory_space<vmem>>)
      %dma_start3A_502 = arith.constant 7 : i32
      %dma_start3A_503 = arith.constant 0 : i32
      %dma_start3A_504 = arith.constant 0 : i32
      %dma_start3A_505 = tpu.memref_slice %arg8[%dma_start3A_502, %dma_start3A_503, %dma_start3A_504] : memref<8x128x32xf32, #tpu.memory_space<vmem>> -> memref<1x128x32xf32, #tpu.memory_space<vmem>>
      %dma_start3A_506 = tpu.memref_squeeze %dma_start3A_505 : memref<1x128x32xf32, #tpu.memory_space<vmem>> -> memref<128x32xf32, #tpu.memory_space<vmem>>
      %dma_start3A_507 = arith.constant 0 : i32
      %dma_start3A_508 = tpu.memref_slice %arg7[%add3A_490, %dma_start3A_507] : memref<80x128xi32, #tpu.memory_space<vmem>> -> memref<1x128xi32, #tpu.memory_space<vmem>>
      %dma_start3A_509 = tpu.memref_squeeze %dma_start3A_508 : memref<1x128xi32, #tpu.memory_space<vmem>> -> memref<128xi32, #tpu.memory_space<vmem>>
      %dma_start3A_510 = arith.constant 0 : i32
      %dma_start3A_511 = arith.constant 0 : i32
      %dma_start3A_512 = tpu.memref_slice %arg9[%dma_start3A_510, %dma_start3A_511] : memref<10240x32xf32, #tpu.memory_space<vmem_shared>> -> memref<10240x32xf32, #tpu.memory_space<vmem_shared>>
      tpu.enqueue_indirect_dma source(%dma_start3A_506 : memref<128x32xf32, #tpu.memory_space<vmem>>) target(%dma_start3A_512 : memref<10240x32xf32, #tpu.memory_space<vmem_shared>>) offsets(%dma_start3A_509 : memref<128xi32, #tpu.memory_space<vmem>>) semaphore(%arg26 : memref<!tpu.dma_semaphore, #tpu.memory_space<semaphore_mem>>) {add = true}
      %dma_wait3A_513 = arith.constant 3 : i32
      %dma_wait3A_514 = arith.constant 0 : i32
      %dma_wait3A_515 = arith.constant 0 : i32
      %dma_wait3A_516 = arith.constant 0 : i32
      %dma_wait3A_517 = tpu.memref_slice %arg8[%dma_wait3A_513, %dma_wait3A_515, %dma_wait3A_516] : memref<8x128x32xf32, #tpu.memory_space<vmem>> -> memref<1x128x32xf32, #tpu.memory_space<vmem>>
      %dma_wait3A_518 = tpu.memref_squeeze %dma_wait3A_517 : memref<1x128x32xf32, #tpu.memory_space<vmem>> -> memref<128x32xf32, #tpu.memory_space<vmem>>
      %dma_wait3A_519 = arith.constant 0 : i32
      %dma_wait3A_520 = tpu.memref_slice %arg7[%dma_wait3A_514, %dma_wait3A_519] : memref<80x128xi32, #tpu.memory_space<vmem>> -> memref<1x128xi32, #tpu.memory_space<vmem>>
      %dma_wait3A_521 = tpu.memref_squeeze %dma_wait3A_520 : memref<1x128xi32, #tpu.memory_space<vmem>> -> memref<128xi32, #tpu.memory_space<vmem>>
      %dma_wait3A_522 = arith.constant 0 : i32
      %dma_wait3A_523 = arith.constant 0 : i32
      %dma_wait3A_524 = tpu.memref_slice %arg9[%dma_wait3A_522, %dma_wait3A_523] : memref<10240x32xf32, #tpu.memory_space<vmem_shared>> -> memref<10240x32xf32, #tpu.memory_space<vmem_shared>>
      tpu.wait_indirect_dma semaphore(%arg22 : memref<!tpu.dma_semaphore, #tpu.memory_space<semaphore_mem>>) src(%dma_wait3A_518 : memref<128x32xf32, #tpu.memory_space<vmem>>) dst(%dma_wait3A_524 : memref<10240x32xf32, #tpu.memory_space<vmem_shared>>)
      %lt3A_525 = arith.constant 9 : i32
      %lt3A_526 = arith.cmpi slt, %scan3A_185, %lt3A_525 : i32
      %convert_element_type3A_527 = arith.extui %lt3A_526 : i1 to i32
      %cond3A_528 = arith.constant 0 : i32
      %cond3A_529 = arith.cmpi ne, %convert_element_type3A_527, %cond3A_528 : i32
      scf.if %cond3A_529 {
        %add3A_530 = arith.constant 4 : i32
        %add3A_531 = arith.addi %add3A_490, %add3A_530 : i32
        %dma_start3A_532 = arith.constant 3 : i32
        %dma_start3A_533 = arith.constant 0 : i32
        %dma_start3A_534 = arith.constant 0 : i32
        %dma_start3A_535 = tpu.memref_slice %arg8[%dma_start3A_532, %dma_start3A_533, %dma_start3A_534] : memref<8x128x32xf32, #tpu.memory_space<vmem>> -> memref<1x128x32xf32, #tpu.memory_space<vmem>>
        %dma_start3A_536 = tpu.memref_squeeze %dma_start3A_535 : memref<1x128x32xf32, #tpu.memory_space<vmem>> -> memref<128x32xf32, #tpu.memory_space<vmem>>
        %dma_start3A_537 = arith.constant 0 : i32
        %dma_start3A_538 = tpu.memref_slice %arg6[%add3A_531, %dma_start3A_537] : memref<80x128xi32, #tpu.memory_space<vmem>> -> memref<1x128xi32, #tpu.memory_space<vmem>>
        %dma_start3A_539 = tpu.memref_squeeze %dma_start3A_538 : memref<1x128xi32, #tpu.memory_space<vmem>> -> memref<128xi32, #tpu.memory_space<vmem>>
        %dma_start3A_540 = arith.constant 0 : i32
        %dma_start3A_541 = arith.constant 0 : i32
        %dma_start3A_542 = tpu.memref_slice %arg10[%dma_start3A_540, %dma_start3A_541] : memref<10240x32xf32, #tpu.memory_space<vmem_shared>> -> memref<10240x32xf32, #tpu.memory_space<vmem_shared>>
        tpu.enqueue_indirect_dma source(%dma_start3A_542 : memref<10240x32xf32, #tpu.memory_space<vmem_shared>>) target(%dma_start3A_536 : memref<128x32xf32, #tpu.memory_space<vmem>>) offsets(%dma_start3A_539 : memref<128xi32, #tpu.memory_space<vmem>>) semaphore(%arg14 : memref<!tpu.dma_semaphore, #tpu.memory_space<semaphore_mem>>)
      } else {
      }
    }
    %scan3A_131 = arith.constant 10 : i32
    %dma_wait3A_132 = arith.constant 4 : i32
    %dma_wait3A_133 = arith.constant 0 : i32
    %dma_wait3A_134 = arith.constant 0 : i32
    %dma_wait3A_135 = arith.constant 0 : i32
    %dma_wait3A_136 = tpu.memref_slice %arg8[%dma_wait3A_132, %dma_wait3A_134, %dma_wait3A_135] : memref<8x128x32xf32, #tpu.memory_space<vmem>> -> memref<1x128x32xf32, #tpu.memory_space<vmem>>
    %dma_wait3A_137 = tpu.memref_squeeze %dma_wait3A_136 : memref<1x128x32xf32, #tpu.memory_space<vmem>> -> memref<128x32xf32, #tpu.memory_space<vmem>>
    %dma_wait3A_138 = arith.constant 0 : i32
    %dma_wait3A_139 = tpu.memref_slice %arg7[%dma_wait3A_133, %dma_wait3A_138] : memref<80x128xi32, #tpu.memory_space<vmem>> -> memref<1x128xi32, #tpu.memory_space<vmem>>
    %dma_wait3A_140 = tpu.memref_squeeze %dma_wait3A_139 : memref<1x128xi32, #tpu.memory_space<vmem>> -> memref<128xi32, #tpu.memory_space<vmem>>
    %dma_wait3A_141 = arith.constant 0 : i32
    %dma_wait3A_142 = arith.constant 0 : i32
    %dma_wait3A_143 = tpu.memref_slice %arg9[%dma_wait3A_141, %dma_wait3A_142] : memref<10240x32xf32, #tpu.memory_space<vmem_shared>> -> memref<10240x32xf32, #tpu.memory_space<vmem_shared>>
    tpu.wait_indirect_dma semaphore(%arg23 : memref<!tpu.dma_semaphore, #tpu.memory_space<semaphore_mem>>) src(%dma_wait3A_137 : memref<128x32xf32, #tpu.memory_space<vmem>>) dst(%dma_wait3A_143 : memref<10240x32xf32, #tpu.memory_space<vmem_shared>>)
    %dma_wait3A_144 = arith.constant 5 : i32
    %dma_wait3A_145 = arith.constant 0 : i32
    %dma_wait3A_146 = arith.constant 0 : i32
    %dma_wait3A_147 = arith.constant 0 : i32
    %dma_wait3A_148 = tpu.memref_slice %arg8[%dma_wait3A_144, %dma_wait3A_146, %dma_wait3A_147] : memref<8x128x32xf32, #tpu.memory_space<vmem>> -> memref<1x128x32xf32, #tpu.memory_space<vmem>>
    %dma_wait3A_149 = tpu.memref_squeeze %dma_wait3A_148 : memref<1x128x32xf32, #tpu.memory_space<vmem>> -> memref<128x32xf32, #tpu.memory_space<vmem>>
    %dma_wait3A_150 = arith.constant 0 : i32
    %dma_wait3A_151 = tpu.memref_slice %arg7[%dma_wait3A_145, %dma_wait3A_150] : memref<80x128xi32, #tpu.memory_space<vmem>> -> memref<1x128xi32, #tpu.memory_space<vmem>>
    %dma_wait3A_152 = tpu.memref_squeeze %dma_wait3A_151 : memref<1x128xi32, #tpu.memory_space<vmem>> -> memref<128xi32, #tpu.memory_space<vmem>>
    %dma_wait3A_153 = arith.constant 0 : i32
    %dma_wait3A_154 = arith.constant 0 : i32
    %dma_wait3A_155 = tpu.memref_slice %arg9[%dma_wait3A_153, %dma_wait3A_154] : memref<10240x32xf32, #tpu.memory_space<vmem_shared>> -> memref<10240x32xf32, #tpu.memory_space<vmem_shared>>
    tpu.wait_indirect_dma semaphore(%arg24 : memref<!tpu.dma_semaphore, #tpu.memory_space<semaphore_mem>>) src(%dma_wait3A_149 : memref<128x32xf32, #tpu.memory_space<vmem>>) dst(%dma_wait3A_155 : memref<10240x32xf32, #tpu.memory_space<vmem_shared>>)
    %dma_wait3A_156 = arith.constant 6 : i32
    %dma_wait3A_157 = arith.constant 0 : i32
    %dma_wait3A_158 = arith.constant 0 : i32
    %dma_wait3A_159 = arith.constant 0 : i32
    %dma_wait3A_160 = tpu.memref_slice %arg8[%dma_wait3A_156, %dma_wait3A_158, %dma_wait3A_159] : memref<8x128x32xf32, #tpu.memory_space<vmem>> -> memref<1x128x32xf32, #tpu.memory_space<vmem>>
    %dma_wait3A_161 = tpu.memref_squeeze %dma_wait3A_160 : memref<1x128x32xf32, #tpu.memory_space<vmem>> -> memref<128x32xf32, #tpu.memory_space<vmem>>
    %dma_wait3A_162 = arith.constant 0 : i32
    %dma_wait3A_163 = tpu.memref_slice %arg7[%dma_wait3A_157, %dma_wait3A_162] : memref<80x128xi32, #tpu.memory_space<vmem>> -> memref<1x128xi32, #tpu.memory_space<vmem>>
    %dma_wait3A_164 = tpu.memref_squeeze %dma_wait3A_163 : memref<1x128xi32, #tpu.memory_space<vmem>> -> memref<128xi32, #tpu.memory_space<vmem>>
    %dma_wait3A_165 = arith.constant 0 : i32
    %dma_wait3A_166 = arith.constant 0 : i32
    %dma_wait3A_167 = tpu.memref_slice %arg9[%dma_wait3A_165, %dma_wait3A_166] : memref<10240x32xf32, #tpu.memory_space<vmem_shared>> -> memref<10240x32xf32, #tpu.memory_space<vmem_shared>>
    tpu.wait_indirect_dma semaphore(%arg25 : memref<!tpu.dma_semaphore, #tpu.memory_space<semaphore_mem>>) src(%dma_wait3A_161 : memref<128x32xf32, #tpu.memory_space<vmem>>) dst(%dma_wait3A_167 : memref<10240x32xf32, #tpu.memory_space<vmem_shared>>)
    %dma_wait3A_168 = arith.constant 7 : i32
    %dma_wait3A_169 = arith.constant 0 : i32
    %dma_wait3A_170 = arith.constant 0 : i32
    %dma_wait3A_171 = arith.constant 0 : i32
    %dma_wait3A_172 = tpu.memref_slice %arg8[%dma_wait3A_168, %dma_wait3A_170, %dma_wait3A_171] : memref<8x128x32xf32, #tpu.memory_space<vmem>> -> memref<1x128x32xf32, #tpu.memory_space<vmem>>
    %dma_wait3A_173 = tpu.memref_squeeze %dma_wait3A_172 : memref<1x128x32xf32, #tpu.memory_space<vmem>> -> memref<128x32xf32, #tpu.memory_space<vmem>>
    %dma_wait3A_174 = arith.constant 0 : i32
    %dma_wait3A_175 = tpu.memref_slice %arg7[%dma_wait3A_169, %dma_wait3A_174] : memref<80x128xi32, #tpu.memory_space<vmem>> -> memref<1x128xi32, #tpu.memory_space<vmem>>
    %dma_wait3A_176 = tpu.memref_squeeze %dma_wait3A_175 : memref<1x128xi32, #tpu.memory_space<vmem>> -> memref<128xi32, #tpu.memory_space<vmem>>
    %dma_wait3A_177 = arith.constant 0 : i32
    %dma_wait3A_178 = arith.constant 0 : i32
    %dma_wait3A_179 = tpu.memref_slice %arg9[%dma_wait3A_177, %dma_wait3A_178] : memref<10240x32xf32, #tpu.memory_space<vmem_shared>> -> memref<10240x32xf32, #tpu.memory_space<vmem_shared>>
    tpu.wait_indirect_dma semaphore(%arg26 : memref<!tpu.dma_semaphore, #tpu.memory_space<semaphore_mem>>) src(%dma_wait3A_173 : memref<128x32xf32, #tpu.memory_space<vmem>>) dst(%dma_wait3A_179 : memref<10240x32xf32, #tpu.memory_space<vmem_shared>>)
    %barrier3A_180 = arith.constant 0 : index
    tpu.barrier barrier_id(%barrier3A_180)
    %mul3A_181 = arith.constant 640 : i32
    %mul3A_182 = arith.muli %arg1, %mul3A_181 : i32
    %mul3A_183 = arith.constant 640 : i32
    %mul3A_184 = arith.muli %arg1, %mul3A_183 : i32
    "tpu.region"() ({
      %run_scoped3A = tpu.sem_alloc : memref<!tpu.dma_semaphore, #tpu.memory_space<semaphore_mem>>
      %dma_start3A_185 = arith.constant 0 : i32
      %dma_start3A_186 = arith.constant 0 : i32
      %dma_start3A_187 = tpu.memref_slice %arg5[%arg0, %dma_start3A_185, %dma_start3A_186] : memref<2x10240x32xf32, #tpu.memory_space<hbm>> -> memref<1x10240x32xf32, #tpu.memory_space<hbm>>
      %dma_start3A_188 = tpu.memref_squeeze %dma_start3A_187 : memref<1x10240x32xf32, #tpu.memory_space<hbm>> -> memref<10240x32xf32, #tpu.memory_space<hbm>>
      %dma_start3A_189 = arith.constant 0 : i32
      %dma_start3A_190 = tpu.memref_slice %dma_start3A_188[%mul3A_184, %dma_start3A_189] : memref<10240x32xf32, #tpu.memory_space<hbm>> -> memref<640x32xf32, #tpu.memory_space<hbm>>
      %dma_start3A_191 = arith.constant 0 : i32
      %dma_start3A_192 = tpu.memref_slice %arg9[%mul3A_182, %dma_start3A_191] : memref<10240x32xf32, #tpu.memory_space<vmem_shared>> -> memref<640x32xf32, #tpu.memory_space<vmem_shared>>
      tpu.enqueue_dma source(%dma_start3A_192 : memref<640x32xf32, #tpu.memory_space<vmem_shared>>) target(%dma_start3A_190 : memref<640x32xf32, #tpu.memory_space<hbm>>) target_semaphore(%run_scoped3A : memref<!tpu.dma_semaphore, #tpu.memory_space<semaphore_mem>>)
      %dma_wait3A_193 = arith.constant 0 : i32
      %dma_wait3A_194 = arith.constant 0 : i32
      %dma_wait3A_195 = tpu.memref_slice %arg5[%arg0, %dma_wait3A_193, %dma_wait3A_194] : memref<2x10240x32xf32, #tpu.memory_space<hbm>> -> memref<1x10240x32xf32, #tpu.memory_space<hbm>>
      %dma_wait3A_196 = tpu.memref_squeeze %dma_wait3A_195 : memref<1x10240x32xf32, #tpu.memory_space<hbm>> -> memref<10240x32xf32, #tpu.memory_space<hbm>>
      %dma_wait3A_197 = arith.constant 0 : i32
      %dma_wait3A_198 = tpu.memref_slice %dma_wait3A_196[%mul3A_184, %dma_wait3A_197] : memref<10240x32xf32, #tpu.memory_space<hbm>> -> memref<640x32xf32, #tpu.memory_space<hbm>>
      %dma_wait3A_199 = arith.constant 0 : i32
      %dma_wait3A_200 = tpu.memref_slice %arg9[%mul3A_182, %dma_wait3A_199] : memref<10240x32xf32, #tpu.memory_space<vmem_shared>> -> memref<640x32xf32, #tpu.memory_space<vmem_shared>>
      tpu.wait_dma2 semaphore(%run_scoped3A : memref<!tpu.dma_semaphore, #tpu.memory_space<semaphore_mem>>) src(%dma_wait3A_200 : memref<640x32xf32, #tpu.memory_space<vmem_shared>>) dst(%dma_wait3A_198 : memref<640x32xf32, #tpu.memory_space<hbm>>)
      tpu.yield
    }) : () -> ()
    return
  }
}

#map = affine_map<(d0, d1) -> (0, 0, 0)>
#map1 = affine_map<(d0, d1) -> (0, 0)>
module attributes {stable_mosaic.version = 14 : i64} {
  func.func @agg_kernel(%arg0: i32, %arg1: i32, %arg2: memref<2x2560x128xi32, #tpu.memory_space<hbm>>, %arg3: memref<10240x32xf32, #tpu.memory_space<hbm>>, %arg4: memref<10240x32xf32, #tpu.memory_space<hbm>>, %arg5: memref<2x10240x32xf32, #tpu.memory_space<hbm>>, %arg6: memref<80x128xi32, #tpu.memory_space<vmem>>, %arg7: memref<80x128xi32, #tpu.memory_space<vmem>>, %arg8: memref<8x128x32xf32, #tpu.memory_space<vmem>>, %arg9: memref<10240x32xf32, #tpu.memory_space<vmem_shared>>, %arg10: memref<10240x32xf32, #tpu.memory_space<vmem_shared>>, %arg11: memref<!tpu.dma_semaphore, #tpu.memory_space<semaphore_mem>>, %arg12: memref<!tpu.dma_semaphore, #tpu.memory_space<semaphore_mem>>, %arg13: memref<!tpu.dma_semaphore, #tpu.memory_space<semaphore_mem>>, %arg14: memref<!tpu.dma_semaphore, #tpu.memory_space<semaphore_mem>>, %arg15: memref<!tpu.dma_semaphore, #tpu.memory_space<semaphore_mem>>, %arg16: memref<!tpu.dma_semaphore, #tpu.memory_space<semaphore_mem>>, %arg17: memref<!tpu.dma_semaphore, #tpu.memory_space<semaphore_mem>>, %arg18: memref<!tpu.dma_semaphore, #tpu.memory_space<semaphore_mem>>, %arg19: memref<!tpu.dma_semaphore, #tpu.memory_space<semaphore_mem>>, %arg20: memref<!tpu.dma_semaphore, #tpu.memory_space<semaphore_mem>>, %arg21: memref<!tpu.dma_semaphore, #tpu.memory_space<semaphore_mem>>, %arg22: memref<!tpu.dma_semaphore, #tpu.memory_space<semaphore_mem>>, %arg23: memref<!tpu.dma_semaphore, #tpu.memory_space<semaphore_mem>>, %arg24: memref<!tpu.dma_semaphore, #tpu.memory_space<semaphore_mem>>, %arg25: memref<!tpu.dma_semaphore, #tpu.memory_space<semaphore_mem>>, %arg26: memref<!tpu.dma_semaphore, #tpu.memory_space<semaphore_mem>>) attributes {dimension_semantics = [#tpu.dimension_semantics<core_parallel>, #tpu.dimension_semantics<subcore_parallel>], iteration_bounds = array<i64: 2, 16>, scalar_prefetch = 0 : i64, scratch_operands = 21 : i64, tpu.core_type = #tpu.core_type<sc_vector_subcore>, window_params = [{transform_indices = #map}, {transform_indices = #map1}, {transform_indices = #map1}, {transform_indices = #map}]} {
    %mul3A = arith.constant 2 : i32
    %mul3A_0 = arith.muli %arg1, %mul3A : i32
    %add3A = arith.addi %mul3A_0, %arg0 : i32
    %mul3A_1 = arith.constant 640 : i32
    %mul3A_2 = arith.muli %arg1, %mul3A_1 : i32
    %mul3A_3 = arith.constant 640 : i32
    %mul3A_4 = arith.muli %arg1, %mul3A_3 : i32
    %dma_start3A = arith.constant 0 : i32
    %dma_start3A_5 = tpu.memref_slice %arg9[%mul3A_4, %dma_start3A] : memref<10240x32xf32, #tpu.memory_space<vmem_shared>> -> memref<640x32xf32, #tpu.memory_space<vmem_shared>>
    %dma_start3A_6 = arith.constant 0 : i32
    %dma_start3A_7 = tpu.memref_slice %arg4[%mul3A_2, %dma_start3A_6] : memref<10240x32xf32, #tpu.memory_space<hbm>> -> memref<640x32xf32, #tpu.memory_space<hbm>>
    tpu.enqueue_dma source(%dma_start3A_7 : memref<640x32xf32, #tpu.memory_space<hbm>>) target(%dma_start3A_5 : memref<640x32xf32, #tpu.memory_space<vmem_shared>>) target_semaphore(%arg11 : memref<!tpu.dma_semaphore, #tpu.memory_space<semaphore_mem>>)
    %mul3A_8 = arith.constant 640 : i32
    %mul3A_9 = arith.muli %arg1, %mul3A_8 : i32
    %mul3A_10 = arith.constant 640 : i32
    %mul3A_11 = arith.muli %arg1, %mul3A_10 : i32
    %dma_start3A_12 = arith.constant 0 : i32
    %dma_start3A_13 = tpu.memref_slice %arg10[%mul3A_11, %dma_start3A_12] : memref<10240x32xf32, #tpu.memory_space<vmem_shared>> -> memref<640x32xf32, #tpu.memory_space<vmem_shared>>
    %dma_start3A_14 = arith.constant 0 : i32
    %dma_start3A_15 = tpu.memref_slice %arg3[%mul3A_9, %dma_start3A_14] : memref<10240x32xf32, #tpu.memory_space<hbm>> -> memref<640x32xf32, #tpu.memory_space<hbm>>
    tpu.enqueue_dma source(%dma_start3A_15 : memref<640x32xf32, #tpu.memory_space<hbm>>) target(%dma_start3A_13 : memref<640x32xf32, #tpu.memory_space<vmem_shared>>) target_semaphore(%arg12 : memref<!tpu.dma_semaphore, #tpu.memory_space<semaphore_mem>>)
    %mul3A_16 = arith.constant 80 : i32
    %mul3A_17 = arith.muli %add3A, %mul3A_16 : i32
    %dma_start3A_18 = arith.constant 0 : i32
    %dma_start3A_19 = arith.constant 0 : i32
    %dma_start3A_20 = arith.constant 0 : i32
    %dma_start3A_21 = tpu.memref_slice %arg2[%dma_start3A_18, %dma_start3A_19, %dma_start3A_20] : memref<2x2560x128xi32, #tpu.memory_space<hbm>> -> memref<1x2560x128xi32, #tpu.memory_space<hbm>>
    %dma_start3A_22 = tpu.memref_squeeze %dma_start3A_21 : memref<1x2560x128xi32, #tpu.memory_space<hbm>> -> memref<2560x128xi32, #tpu.memory_space<hbm>>
    %dma_start3A_23 = arith.constant 0 : i32
    %dma_start3A_24 = tpu.memref_slice %dma_start3A_22[%mul3A_17, %dma_start3A_23] : memref<2560x128xi32, #tpu.memory_space<hbm>> -> memref<80x128xi32, #tpu.memory_space<hbm>>
    %dma_start3A_25 = arith.constant 0 : i32
    %dma_start3A_26 = arith.constant 0 : i32
    %dma_start3A_27 = tpu.memref_slice %arg2[%dma_start3A_18, %dma_start3A_25, %dma_start3A_26] : memref<2x2560x128xi32, #tpu.memory_space<hbm>> -> memref<1x2560x128xi32, #tpu.memory_space<hbm>>
    %dma_start3A_28 = tpu.memref_squeeze %dma_start3A_27 : memref<1x2560x128xi32, #tpu.memory_space<hbm>> -> memref<2560x128xi32, #tpu.memory_space<hbm>>
    %dma_start3A_29 = arith.constant 0 : i32
    %dma_start3A_30 = tpu.memref_slice %dma_start3A_28[%mul3A_17, %dma_start3A_29] : memref<2560x128xi32, #tpu.memory_space<hbm>> -> memref<80x128xi32, #tpu.memory_space<hbm>>
    tpu.enqueue_dma source(%dma_start3A_30 : memref<80x128xi32, #tpu.memory_space<hbm>>) target(%arg6 : memref<80x128xi32, #tpu.memory_space<vmem>>) target_semaphore(%arg13 : memref<!tpu.dma_semaphore, #tpu.memory_space<semaphore_mem>>)
    %mul3A_31 = arith.constant 80 : i32
    %mul3A_32 = arith.muli %add3A, %mul3A_31 : i32
    %dma_start3A_33 = arith.constant 1 : i32
    %dma_start3A_34 = arith.constant 0 : i32
    %dma_start3A_35 = arith.constant 0 : i32
    %dma_start3A_36 = tpu.memref_slice %arg2[%dma_start3A_33, %dma_start3A_34, %dma_start3A_35] : memref<2x2560x128xi32, #tpu.memory_space<hbm>> -> memref<1x2560x128xi32, #tpu.memory_space<hbm>>
    %dma_start3A_37 = tpu.memref_squeeze %dma_start3A_36 : memref<1x2560x128xi32, #tpu.memory_space<hbm>> -> memref<2560x128xi32, #tpu.memory_space<hbm>>
    %dma_start3A_38 = arith.constant 0 : i32
    %dma_start3A_39 = tpu.memref_slice %dma_start3A_37[%mul3A_32, %dma_start3A_38] : memref<2560x128xi32, #tpu.memory_space<hbm>> -> memref<80x128xi32, #tpu.memory_space<hbm>>
    %dma_start3A_40 = arith.constant 0 : i32
    %dma_start3A_41 = arith.constant 0 : i32
    %dma_start3A_42 = tpu.memref_slice %arg2[%dma_start3A_33, %dma_start3A_40, %dma_start3A_41] : memref<2x2560x128xi32, #tpu.memory_space<hbm>> -> memref<1x2560x128xi32, #tpu.memory_space<hbm>>
    %dma_start3A_43 = tpu.memref_squeeze %dma_start3A_42 : memref<1x2560x128xi32, #tpu.memory_space<hbm>> -> memref<2560x128xi32, #tpu.memory_space<hbm>>
    %dma_start3A_44 = arith.constant 0 : i32
    %dma_start3A_45 = tpu.memref_slice %dma_start3A_43[%mul3A_32, %dma_start3A_44] : memref<2560x128xi32, #tpu.memory_space<hbm>> -> memref<80x128xi32, #tpu.memory_space<hbm>>
    tpu.enqueue_dma source(%dma_start3A_45 : memref<80x128xi32, #tpu.memory_space<hbm>>) target(%arg7 : memref<80x128xi32, #tpu.memory_space<vmem>>) target_semaphore(%arg14 : memref<!tpu.dma_semaphore, #tpu.memory_space<semaphore_mem>>)
    %dma_wait3A = arith.constant 0 : i32
    %dma_wait3A_46 = tpu.memref_slice %arg9[%mul3A_4, %dma_wait3A] : memref<10240x32xf32, #tpu.memory_space<vmem_shared>> -> memref<640x32xf32, #tpu.memory_space<vmem_shared>>
    %dma_wait3A_47 = arith.constant 0 : i32
    %dma_wait3A_48 = tpu.memref_slice %arg4[%mul3A_2, %dma_wait3A_47] : memref<10240x32xf32, #tpu.memory_space<hbm>> -> memref<640x32xf32, #tpu.memory_space<hbm>>
    tpu.wait_dma2 semaphore(%arg11 : memref<!tpu.dma_semaphore, #tpu.memory_space<semaphore_mem>>) src(%dma_wait3A_48 : memref<640x32xf32, #tpu.memory_space<hbm>>) dst(%dma_wait3A_46 : memref<640x32xf32, #tpu.memory_space<vmem_shared>>)
    %dma_wait3A_49 = arith.constant 0 : i32
    %dma_wait3A_50 = tpu.memref_slice %arg10[%mul3A_11, %dma_wait3A_49] : memref<10240x32xf32, #tpu.memory_space<vmem_shared>> -> memref<640x32xf32, #tpu.memory_space<vmem_shared>>
    %dma_wait3A_51 = arith.constant 0 : i32
    %dma_wait3A_52 = tpu.memref_slice %arg3[%mul3A_9, %dma_wait3A_51] : memref<10240x32xf32, #tpu.memory_space<hbm>> -> memref<640x32xf32, #tpu.memory_space<hbm>>
    tpu.wait_dma2 semaphore(%arg12 : memref<!tpu.dma_semaphore, #tpu.memory_space<semaphore_mem>>) src(%dma_wait3A_52 : memref<640x32xf32, #tpu.memory_space<hbm>>) dst(%dma_wait3A_50 : memref<640x32xf32, #tpu.memory_space<vmem_shared>>)
    %dma_wait3A_53 = arith.constant 0 : i32
    %dma_wait3A_54 = arith.constant 0 : i32
    %dma_wait3A_55 = arith.constant 0 : i32
    %dma_wait3A_56 = tpu.memref_slice %arg2[%dma_wait3A_53, %dma_wait3A_54, %dma_wait3A_55] : memref<2x2560x128xi32, #tpu.memory_space<hbm>> -> memref<1x2560x128xi32, #tpu.memory_space<hbm>>
    %dma_wait3A_57 = tpu.memref_squeeze %dma_wait3A_56 : memref<1x2560x128xi32, #tpu.memory_space<hbm>> -> memref<2560x128xi32, #tpu.memory_space<hbm>>
    %dma_wait3A_58 = arith.constant 0 : i32
    %dma_wait3A_59 = tpu.memref_slice %dma_wait3A_57[%mul3A_17, %dma_wait3A_58] : memref<2560x128xi32, #tpu.memory_space<hbm>> -> memref<80x128xi32, #tpu.memory_space<hbm>>
    %dma_wait3A_60 = arith.constant 0 : i32
    %dma_wait3A_61 = arith.constant 0 : i32
    %dma_wait3A_62 = tpu.memref_slice %arg2[%dma_wait3A_53, %dma_wait3A_60, %dma_wait3A_61] : memref<2x2560x128xi32, #tpu.memory_space<hbm>> -> memref<1x2560x128xi32, #tpu.memory_space<hbm>>
    %dma_wait3A_63 = tpu.memref_squeeze %dma_wait3A_62 : memref<1x2560x128xi32, #tpu.memory_space<hbm>> -> memref<2560x128xi32, #tpu.memory_space<hbm>>
    %dma_wait3A_64 = arith.constant 0 : i32
    %dma_wait3A_65 = tpu.memref_slice %dma_wait3A_63[%mul3A_17, %dma_wait3A_64] : memref<2560x128xi32, #tpu.memory_space<hbm>> -> memref<80x128xi32, #tpu.memory_space<hbm>>
    tpu.wait_dma2 semaphore(%arg13 : memref<!tpu.dma_semaphore, #tpu.memory_space<semaphore_mem>>) src(%dma_wait3A_65 : memref<80x128xi32, #tpu.memory_space<hbm>>) dst(%arg6 : memref<80x128xi32, #tpu.memory_space<vmem>>)
    %dma_wait3A_66 = arith.constant 1 : i32
    %dma_wait3A_67 = arith.constant 0 : i32
    %dma_wait3A_68 = arith.constant 0 : i32
    %dma_wait3A_69 = tpu.memref_slice %arg2[%dma_wait3A_66, %dma_wait3A_67, %dma_wait3A_68] : memref<2x2560x128xi32, #tpu.memory_space<hbm>> -> memref<1x2560x128xi32, #tpu.memory_space<hbm>>
    %dma_wait3A_70 = tpu.memref_squeeze %dma_wait3A_69 : memref<1x2560x128xi32, #tpu.memory_space<hbm>> -> memref<2560x128xi32, #tpu.memory_space<hbm>>
    %dma_wait3A_71 = arith.constant 0 : i32
    %dma_wait3A_72 = tpu.memref_slice %dma_wait3A_70[%mul3A_32, %dma_wait3A_71] : memref<2560x128xi32, #tpu.memory_space<hbm>> -> memref<80x128xi32, #tpu.memory_space<hbm>>
    %dma_wait3A_73 = arith.constant 0 : i32
    %dma_wait3A_74 = arith.constant 0 : i32
    %dma_wait3A_75 = tpu.memref_slice %arg2[%dma_wait3A_66, %dma_wait3A_73, %dma_wait3A_74] : memref<2x2560x128xi32, #tpu.memory_space<hbm>> -> memref<1x2560x128xi32, #tpu.memory_space<hbm>>
    %dma_wait3A_76 = tpu.memref_squeeze %dma_wait3A_75 : memref<1x2560x128xi32, #tpu.memory_space<hbm>> -> memref<2560x128xi32, #tpu.memory_space<hbm>>
    %dma_wait3A_77 = arith.constant 0 : i32
    %dma_wait3A_78 = tpu.memref_slice %dma_wait3A_76[%mul3A_32, %dma_wait3A_77] : memref<2560x128xi32, #tpu.memory_space<hbm>> -> memref<80x128xi32, #tpu.memory_space<hbm>>
    tpu.wait_dma2 semaphore(%arg14 : memref<!tpu.dma_semaphore, #tpu.memory_space<semaphore_mem>>) src(%dma_wait3A_78 : memref<80x128xi32, #tpu.memory_space<hbm>>) dst(%arg7 : memref<80x128xi32, #tpu.memory_space<vmem>>)
    %barrier3A = arith.constant 0 : index
    tpu.barrier barrier_id(%barrier3A)
    %dma_start3A_79 = arith.constant 0 : i32
    %dma_start3A_80 = arith.constant 0 : i32
    %dma_start3A_81 = arith.constant 0 : i32
    %dma_start3A_82 = arith.constant 0 : i32
    %dma_start3A_83 = tpu.memref_slice %arg8[%dma_start3A_80, %dma_start3A_81, %dma_start3A_82] : memref<8x128x32xf32, #tpu.memory_space<vmem>> -> memref<1x128x32xf32, #tpu.memory_space<vmem>>
    %dma_start3A_84 = tpu.memref_squeeze %dma_start3A_83 : memref<1x128x32xf32, #tpu.memory_space<vmem>> -> memref<128x32xf32, #tpu.memory_space<vmem>>
    %dma_start3A_85 = arith.constant 0 : i32
    %dma_start3A_86 = tpu.memref_slice %arg6[%dma_start3A_79, %dma_start3A_85] : memref<80x128xi32, #tpu.memory_space<vmem>> -> memref<1x128xi32, #tpu.memory_space<vmem>>
    %dma_start3A_87 = tpu.memref_squeeze %dma_start3A_86 : memref<1x128xi32, #tpu.memory_space<vmem>> -> memref<128xi32, #tpu.memory_space<vmem>>
    %dma_start3A_88 = arith.constant 0 : i32
    %dma_start3A_89 = arith.constant 0 : i32
    %dma_start3A_90 = tpu.memref_slice %arg10[%dma_start3A_88, %dma_start3A_89] : memref<10240x32xf32, #tpu.memory_space<vmem_shared>> -> memref<10240x32xf32, #tpu.memory_space<vmem_shared>>
    tpu.enqueue_indirect_dma source(%dma_start3A_90 : memref<10240x32xf32, #tpu.memory_space<vmem_shared>>) target(%dma_start3A_84 : memref<128x32xf32, #tpu.memory_space<vmem>>) offsets(%dma_start3A_87 : memref<128xi32, #tpu.memory_space<vmem>>) semaphore(%arg11 : memref<!tpu.dma_semaphore, #tpu.memory_space<semaphore_mem>>)
    %dma_start3A_91 = arith.constant 1 : i32
    %dma_start3A_92 = arith.constant 1 : i32
    %dma_start3A_93 = arith.constant 0 : i32
    %dma_start3A_94 = arith.constant 0 : i32
    %dma_start3A_95 = tpu.memref_slice %arg8[%dma_start3A_92, %dma_start3A_93, %dma_start3A_94] : memref<8x128x32xf32, #tpu.memory_space<vmem>> -> memref<1x128x32xf32, #tpu.memory_space<vmem>>
    %dma_start3A_96 = tpu.memref_squeeze %dma_start3A_95 : memref<1x128x32xf32, #tpu.memory_space<vmem>> -> memref<128x32xf32, #tpu.memory_space<vmem>>
    %dma_start3A_97 = arith.constant 0 : i32
    %dma_start3A_98 = tpu.memref_slice %arg6[%dma_start3A_91, %dma_start3A_97] : memref<80x128xi32, #tpu.memory_space<vmem>> -> memref<1x128xi32, #tpu.memory_space<vmem>>
    %dma_start3A_99 = tpu.memref_squeeze %dma_start3A_98 : memref<1x128xi32, #tpu.memory_space<vmem>> -> memref<128xi32, #tpu.memory_space<vmem>>
    %dma_start3A_100 = arith.constant 0 : i32
    %dma_start3A_101 = arith.constant 0 : i32
    %dma_start3A_102 = tpu.memref_slice %arg10[%dma_start3A_100, %dma_start3A_101] : memref<10240x32xf32, #tpu.memory_space<vmem_shared>> -> memref<10240x32xf32, #tpu.memory_space<vmem_shared>>
    tpu.enqueue_indirect_dma source(%dma_start3A_102 : memref<10240x32xf32, #tpu.memory_space<vmem_shared>>) target(%dma_start3A_96 : memref<128x32xf32, #tpu.memory_space<vmem>>) offsets(%dma_start3A_99 : memref<128xi32, #tpu.memory_space<vmem>>) semaphore(%arg12 : memref<!tpu.dma_semaphore, #tpu.memory_space<semaphore_mem>>)
    %dma_start3A_103 = arith.constant 2 : i32
    %dma_start3A_104 = arith.constant 2 : i32
    %dma_start3A_105 = arith.constant 0 : i32
    %dma_start3A_106 = arith.constant 0 : i32
    %dma_start3A_107 = tpu.memref_slice %arg8[%dma_start3A_104, %dma_start3A_105, %dma_start3A_106] : memref<8x128x32xf32, #tpu.memory_space<vmem>> -> memref<1x128x32xf32, #tpu.memory_space<vmem>>
    %dma_start3A_108 = tpu.memref_squeeze %dma_start3A_107 : memref<1x128x32xf32, #tpu.memory_space<vmem>> -> memref<128x32xf32, #tpu.memory_space<vmem>>
    %dma_start3A_109 = arith.constant 0 : i32
    %dma_start3A_110 = tpu.memref_slice %arg6[%dma_start3A_103, %dma_start3A_109] : memref<80x128xi32, #tpu.memory_space<vmem>> -> memref<1x128xi32, #tpu.memory_space<vmem>>
    %dma_start3A_111 = tpu.memref_squeeze %dma_start3A_110 : memref<1x128xi32, #tpu.memory_space<vmem>> -> memref<128xi32, #tpu.memory_space<vmem>>
    %dma_start3A_112 = arith.constant 0 : i32
    %dma_start3A_113 = arith.constant 0 : i32
    %dma_start3A_114 = tpu.memref_slice %arg10[%dma_start3A_112, %dma_start3A_113] : memref<10240x32xf32, #tpu.memory_space<vmem_shared>> -> memref<10240x32xf32, #tpu.memory_space<vmem_shared>>
    tpu.enqueue_indirect_dma source(%dma_start3A_114 : memref<10240x32xf32, #tpu.memory_space<vmem_shared>>) target(%dma_start3A_108 : memref<128x32xf32, #tpu.memory_space<vmem>>) offsets(%dma_start3A_111 : memref<128xi32, #tpu.memory_space<vmem>>) semaphore(%arg13 : memref<!tpu.dma_semaphore, #tpu.memory_space<semaphore_mem>>)
    %dma_start3A_115 = arith.constant 3 : i32
    %dma_start3A_116 = arith.constant 3 : i32
    %dma_start3A_117 = arith.constant 0 : i32
    %dma_start3A_118 = arith.constant 0 : i32
    %dma_start3A_119 = tpu.memref_slice %arg8[%dma_start3A_116, %dma_start3A_117, %dma_start3A_118] : memref<8x128x32xf32, #tpu.memory_space<vmem>> -> memref<1x128x32xf32, #tpu.memory_space<vmem>>
    %dma_start3A_120 = tpu.memref_squeeze %dma_start3A_119 : memref<1x128x32xf32, #tpu.memory_space<vmem>> -> memref<128x32xf32, #tpu.memory_space<vmem>>
    %dma_start3A_121 = arith.constant 0 : i32
    %dma_start3A_122 = tpu.memref_slice %arg6[%dma_start3A_115, %dma_start3A_121] : memref<80x128xi32, #tpu.memory_space<vmem>> -> memref<1x128xi32, #tpu.memory_space<vmem>>
    %dma_start3A_123 = tpu.memref_squeeze %dma_start3A_122 : memref<1x128xi32, #tpu.memory_space<vmem>> -> memref<128xi32, #tpu.memory_space<vmem>>
    %dma_start3A_124 = arith.constant 0 : i32
    %dma_start3A_125 = arith.constant 0 : i32
    %dma_start3A_126 = tpu.memref_slice %arg10[%dma_start3A_124, %dma_start3A_125] : memref<10240x32xf32, #tpu.memory_space<vmem_shared>> -> memref<10240x32xf32, #tpu.memory_space<vmem_shared>>
    tpu.enqueue_indirect_dma source(%dma_start3A_126 : memref<10240x32xf32, #tpu.memory_space<vmem_shared>>) target(%dma_start3A_120 : memref<128x32xf32, #tpu.memory_space<vmem>>) offsets(%dma_start3A_123 : memref<128xi32, #tpu.memory_space<vmem>>) semaphore(%arg14 : memref<!tpu.dma_semaphore, #tpu.memory_space<semaphore_mem>>)
    %scan3A = arith.constant 0 : i32
    %scan3A_127 = arith.constant 0 : i32
    %scan3A_128 = arith.constant 10 : i32
    %scan3A_129 = arith.addi %scan3A_127, %scan3A_128 : i32
    %scan3A_130 = arith.constant 1 : i32
    scf.for %scan3A_185 = %scan3A_127 to %scan3A_129 step %scan3A_130  : i32 {
      %mul3A_186 = arith.constant 8 : i32
      %mul3A_187 = arith.muli %scan3A_185, %mul3A_186 : i32
      %add3A_188 = arith.constant 0 : i32
      %add3A_189 = arith.addi %mul3A_187, %add3A_188 : i32
      %dma_wait3A_190 = arith.constant 0 : i32
      %dma_wait3A_191 = arith.constant 0 : i32
      %dma_wait3A_192 = arith.constant 0 : i32
      %dma_wait3A_193 = tpu.memref_slice %arg8[%dma_wait3A_190, %dma_wait3A_191, %dma_wait3A_192] : memref<8x128x32xf32, #tpu.memory_space<vmem>> -> memref<1x128x32xf32, #tpu.memory_space<vmem>>
      %dma_wait3A_194 = tpu.memref_squeeze %dma_wait3A_193 : memref<1x128x32xf32, #tpu.memory_space<vmem>> -> memref<128x32xf32, #tpu.memory_space<vmem>>
      %dma_wait3A_195 = arith.constant 0 : i32
      %dma_wait3A_196 = tpu.memref_slice %arg6[%add3A_189, %dma_wait3A_195] : memref<80x128xi32, #tpu.memory_space<vmem>> -> memref<1x128xi32, #tpu.memory_space<vmem>>
      %dma_wait3A_197 = tpu.memref_squeeze %dma_wait3A_196 : memref<1x128xi32, #tpu.memory_space<vmem>> -> memref<128xi32, #tpu.memory_space<vmem>>
      %dma_wait3A_198 = arith.constant 0 : i32
      %dma_wait3A_199 = arith.constant 0 : i32
      %dma_wait3A_200 = tpu.memref_slice %arg10[%dma_wait3A_198, %dma_wait3A_199] : memref<10240x32xf32, #tpu.memory_space<vmem_shared>> -> memref<10240x32xf32, #tpu.memory_space<vmem_shared>>
      tpu.wait_indirect_dma semaphore(%arg11 : memref<!tpu.dma_semaphore, #tpu.memory_space<semaphore_mem>>) src(%dma_wait3A_200 : memref<10240x32xf32, #tpu.memory_space<vmem_shared>>) dst(%dma_wait3A_194 : memref<128x32xf32, #tpu.memory_space<vmem>>)
      %dma_start3A_201 = arith.constant 0 : i32
      %dma_start3A_202 = arith.constant 0 : i32
      %dma_start3A_203 = arith.constant 0 : i32
      %dma_start3A_204 = tpu.memref_slice %arg8[%dma_start3A_201, %dma_start3A_202, %dma_start3A_203] : memref<8x128x32xf32, #tpu.memory_space<vmem>> -> memref<1x128x32xf32, #tpu.memory_space<vmem>>
      %dma_start3A_205 = tpu.memref_squeeze %dma_start3A_204 : memref<1x128x32xf32, #tpu.memory_space<vmem>> -> memref<128x32xf32, #tpu.memory_space<vmem>>
      %dma_start3A_206 = arith.constant 0 : i32
      %dma_start3A_207 = tpu.memref_slice %arg7[%add3A_189, %dma_start3A_206] : memref<80x128xi32, #tpu.memory_space<vmem>> -> memref<1x128xi32, #tpu.memory_space<vmem>>
      %dma_start3A_208 = tpu.memref_squeeze %dma_start3A_207 : memref<1x128xi32, #tpu.memory_space<vmem>> -> memref<128xi32, #tpu.memory_space<vmem>>
      %dma_start3A_209 = arith.constant 0 : i32
      %dma_start3A_210 = arith.constant 0 : i32
      %dma_start3A_211 = tpu.memref_slice %arg9[%dma_start3A_209, %dma_start3A_210] : memref<10240x32xf32, #tpu.memory_space<vmem_shared>> -> memref<10240x32xf32, #tpu.memory_space<vmem_shared>>
      tpu.enqueue_indirect_dma source(%dma_start3A_205 : memref<128x32xf32, #tpu.memory_space<vmem>>) target(%dma_start3A_211 : memref<10240x32xf32, #tpu.memory_space<vmem_shared>>) offsets(%dma_start3A_208 : memref<128xi32, #tpu.memory_space<vmem>>) semaphore(%arg19 : memref<!tpu.dma_semaphore, #tpu.memory_space<semaphore_mem>>) {add = true}
      %gt3A = arith.constant 0 : i32
      %gt3A_212 = arith.cmpi sgt, %scan3A_185, %gt3A : i32
      %convert_element_type3A = arith.extui %gt3A_212 : i1 to i32
      %cond3A = arith.constant 0 : i32
      %cond3A_213 = arith.cmpi ne, %convert_element_type3A, %cond3A : i32
      scf.if %cond3A_213 {
        %dma_wait3A_530 = arith.constant 4 : i32
        %dma_wait3A_531 = arith.constant 0 : i32
        %dma_wait3A_532 = arith.constant 0 : i32
        %dma_wait3A_533 = arith.constant 0 : i32
        %dma_wait3A_534 = tpu.memref_slice %arg8[%dma_wait3A_530, %dma_wait3A_532, %dma_wait3A_533] : memref<8x128x32xf32, #tpu.memory_space<vmem>> -> memref<1x128x32xf32, #tpu.memory_space<vmem>>
        %dma_wait3A_535 = tpu.memref_squeeze %dma_wait3A_534 : memref<1x128x32xf32, #tpu.memory_space<vmem>> -> memref<128x32xf32, #tpu.memory_space<vmem>>
        %dma_wait3A_536 = arith.constant 0 : i32
        %dma_wait3A_537 = tpu.memref_slice %arg7[%dma_wait3A_531, %dma_wait3A_536] : memref<80x128xi32, #tpu.memory_space<vmem>> -> memref<1x128xi32, #tpu.memory_space<vmem>>
        %dma_wait3A_538 = tpu.memref_squeeze %dma_wait3A_537 : memref<1x128xi32, #tpu.memory_space<vmem>> -> memref<128xi32, #tpu.memory_space<vmem>>
        %dma_wait3A_539 = arith.constant 0 : i32
        %dma_wait3A_540 = arith.constant 0 : i32
        %dma_wait3A_541 = tpu.memref_slice %arg9[%dma_wait3A_539, %dma_wait3A_540] : memref<10240x32xf32, #tpu.memory_space<vmem_shared>> -> memref<10240x32xf32, #tpu.memory_space<vmem_shared>>
        tpu.wait_indirect_dma semaphore(%arg23 : memref<!tpu.dma_semaphore, #tpu.memory_space<semaphore_mem>>) src(%dma_wait3A_535 : memref<128x32xf32, #tpu.memory_space<vmem>>) dst(%dma_wait3A_541 : memref<10240x32xf32, #tpu.memory_space<vmem_shared>>)
      } else {
      }
      %add3A_214 = arith.constant 4 : i32
      %add3A_215 = arith.addi %add3A_189, %add3A_214 : i32
      %dma_start3A_216 = arith.constant 4 : i32
      %dma_start3A_217 = arith.constant 0 : i32
      %dma_start3A_218 = arith.constant 0 : i32
      %dma_start3A_219 = tpu.memref_slice %arg8[%dma_start3A_216, %dma_start3A_217, %dma_start3A_218] : memref<8x128x32xf32, #tpu.memory_space<vmem>> -> memref<1x128x32xf32, #tpu.memory_space<vmem>>
      %dma_start3A_220 = tpu.memref_squeeze %dma_start3A_219 : memref<1x128x32xf32, #tpu.memory_space<vmem>> -> memref<128x32xf32, #tpu.memory_space<vmem>>
      %dma_start3A_221 = arith.constant 0 : i32
      %dma_start3A_222 = tpu.memref_slice %arg6[%add3A_215, %dma_start3A_221] : memref<80x128xi32, #tpu.memory_space<vmem>> -> memref<1x128xi32, #tpu.memory_space<vmem>>
      %dma_start3A_223 = tpu.memref_squeeze %dma_start3A_222 : memref<1x128xi32, #tpu.memory_space<vmem>> -> memref<128xi32, #tpu.memory_space<vmem>>
      %dma_start3A_224 = arith.constant 0 : i32
      %dma_start3A_225 = arith.constant 0 : i32
      %dma_start3A_226 = tpu.memref_slice %arg10[%dma_start3A_224, %dma_start3A_225] : memref<10240x32xf32, #tpu.memory_space<vmem_shared>> -> memref<10240x32xf32, #tpu.memory_space<vmem_shared>>
      tpu.enqueue_indirect_dma source(%dma_start3A_226 : memref<10240x32xf32, #tpu.memory_space<vmem_shared>>) target(%dma_start3A_220 : memref<128x32xf32, #tpu.memory_space<vmem>>) offsets(%dma_start3A_223 : memref<128xi32, #tpu.memory_space<vmem>>) semaphore(%arg15 : memref<!tpu.dma_semaphore, #tpu.memory_space<semaphore_mem>>)
      %mul3A_227 = arith.constant 8 : i32
      %mul3A_228 = arith.muli %scan3A_185, %mul3A_227 : i32
      %add3A_229 = arith.constant 1 : i32
      %add3A_230 = arith.addi %mul3A_228, %add3A_229 : i32
      %dma_wait3A_231 = arith.constant 1 : i32
      %dma_wait3A_232 = arith.constant 0 : i32
      %dma_wait3A_233 = arith.constant 0 : i32
      %dma_wait3A_234 = tpu.memref_slice %arg8[%dma_wait3A_231, %dma_wait3A_232, %dma_wait3A_233] : memref<8x128x32xf32, #tpu.memory_space<vmem>> -> memref<1x128x32xf32, #tpu.memory_space<vmem>>
      %dma_wait3A_235 = tpu.memref_squeeze %dma_wait3A_234 : memref<1x128x32xf32, #tpu.memory_space<vmem>> -> memref<128x32xf32, #tpu.memory_space<vmem>>
      %dma_wait3A_236 = arith.constant 0 : i32
      %dma_wait3A_237 = tpu.memref_slice %arg6[%add3A_230, %dma_wait3A_236] : memref<80x128xi32, #tpu.memory_space<vmem>> -> memref<1x128xi32, #tpu.memory_space<vmem>>
      %dma_wait3A_238 = tpu.memref_squeeze %dma_wait3A_237 : memref<1x128xi32, #tpu.memory_space<vmem>> -> memref<128xi32, #tpu.memory_space<vmem>>
      %dma_wait3A_239 = arith.constant 0 : i32
      %dma_wait3A_240 = arith.constant 0 : i32
      %dma_wait3A_241 = tpu.memref_slice %arg10[%dma_wait3A_239, %dma_wait3A_240] : memref<10240x32xf32, #tpu.memory_space<vmem_shared>> -> memref<10240x32xf32, #tpu.memory_space<vmem_shared>>
      tpu.wait_indirect_dma semaphore(%arg12 : memref<!tpu.dma_semaphore, #tpu.memory_space<semaphore_mem>>) src(%dma_wait3A_241 : memref<10240x32xf32, #tpu.memory_space<vmem_shared>>) dst(%dma_wait3A_235 : memref<128x32xf32, #tpu.memory_space<vmem>>)
      %dma_start3A_242 = arith.constant 1 : i32
      %dma_start3A_243 = arith.constant 0 : i32
      %dma_start3A_244 = arith.constant 0 : i32
      %dma_start3A_245 = tpu.memref_slice %arg8[%dma_start3A_242, %dma_start3A_243, %dma_start3A_244] : memref<8x128x32xf32, #tpu.memory_space<vmem>> -> memref<1x128x32xf32, #tpu.memory_space<vmem>>
      %dma_start3A_246 = tpu.memref_squeeze %dma_start3A_245 : memref<1x128x32xf32, #tpu.memory_space<vmem>> -> memref<128x32xf32, #tpu.memory_space<vmem>>
      %dma_start3A_247 = arith.constant 0 : i32
      %dma_start3A_248 = tpu.memref_slice %arg7[%add3A_230, %dma_start3A_247] : memref<80x128xi32, #tpu.memory_space<vmem>> -> memref<1x128xi32, #tpu.memory_space<vmem>>
      %dma_start3A_249 = tpu.memref_squeeze %dma_start3A_248 : memref<1x128xi32, #tpu.memory_space<vmem>> -> memref<128xi32, #tpu.memory_space<vmem>>
      %dma_start3A_250 = arith.constant 0 : i32
      %dma_start3A_251 = arith.constant 0 : i32
      %dma_start3A_252 = tpu.memref_slice %arg9[%dma_start3A_250, %dma_start3A_251] : memref<10240x32xf32, #tpu.memory_space<vmem_shared>> -> memref<10240x32xf32, #tpu.memory_space<vmem_shared>>
      tpu.enqueue_indirect_dma source(%dma_start3A_246 : memref<128x32xf32, #tpu.memory_space<vmem>>) target(%dma_start3A_252 : memref<10240x32xf32, #tpu.memory_space<vmem_shared>>) offsets(%dma_start3A_249 : memref<128xi32, #tpu.memory_space<vmem>>) semaphore(%arg20 : memref<!tpu.dma_semaphore, #tpu.memory_space<semaphore_mem>>) {add = true}
      %gt3A_253 = arith.constant 0 : i32
      %gt3A_254 = arith.cmpi sgt, %scan3A_185, %gt3A_253 : i32
      %convert_element_type3A_255 = arith.extui %gt3A_254 : i1 to i32
      %cond3A_256 = arith.constant 0 : i32
      %cond3A_257 = arith.cmpi ne, %convert_element_type3A_255, %cond3A_256 : i32
      scf.if %cond3A_257 {
        %dma_wait3A_530 = arith.constant 5 : i32
        %dma_wait3A_531 = arith.constant 0 : i32
        %dma_wait3A_532 = arith.constant 0 : i32
        %dma_wait3A_533 = arith.constant 0 : i32
        %dma_wait3A_534 = tpu.memref_slice %arg8[%dma_wait3A_530, %dma_wait3A_532, %dma_wait3A_533] : memref<8x128x32xf32, #tpu.memory_space<vmem>> -> memref<1x128x32xf32, #tpu.memory_space<vmem>>
        %dma_wait3A_535 = tpu.memref_squeeze %dma_wait3A_534 : memref<1x128x32xf32, #tpu.memory_space<vmem>> -> memref<128x32xf32, #tpu.memory_space<vmem>>
        %dma_wait3A_536 = arith.constant 0 : i32
        %dma_wait3A_537 = tpu.memref_slice %arg7[%dma_wait3A_531, %dma_wait3A_536] : memref<80x128xi32, #tpu.memory_space<vmem>> -> memref<1x128xi32, #tpu.memory_space<vmem>>
        %dma_wait3A_538 = tpu.memref_squeeze %dma_wait3A_537 : memref<1x128xi32, #tpu.memory_space<vmem>> -> memref<128xi32, #tpu.memory_space<vmem>>
        %dma_wait3A_539 = arith.constant 0 : i32
        %dma_wait3A_540 = arith.constant 0 : i32
        %dma_wait3A_541 = tpu.memref_slice %arg9[%dma_wait3A_539, %dma_wait3A_540] : memref<10240x32xf32, #tpu.memory_space<vmem_shared>> -> memref<10240x32xf32, #tpu.memory_space<vmem_shared>>
        tpu.wait_indirect_dma semaphore(%arg24 : memref<!tpu.dma_semaphore, #tpu.memory_space<semaphore_mem>>) src(%dma_wait3A_535 : memref<128x32xf32, #tpu.memory_space<vmem>>) dst(%dma_wait3A_541 : memref<10240x32xf32, #tpu.memory_space<vmem_shared>>)
      } else {
      }
      %add3A_258 = arith.constant 4 : i32
      %add3A_259 = arith.addi %add3A_230, %add3A_258 : i32
      %dma_start3A_260 = arith.constant 5 : i32
      %dma_start3A_261 = arith.constant 0 : i32
      %dma_start3A_262 = arith.constant 0 : i32
      %dma_start3A_263 = tpu.memref_slice %arg8[%dma_start3A_260, %dma_start3A_261, %dma_start3A_262] : memref<8x128x32xf32, #tpu.memory_space<vmem>> -> memref<1x128x32xf32, #tpu.memory_space<vmem>>
      %dma_start3A_264 = tpu.memref_squeeze %dma_start3A_263 : memref<1x128x32xf32, #tpu.memory_space<vmem>> -> memref<128x32xf32, #tpu.memory_space<vmem>>
      %dma_start3A_265 = arith.constant 0 : i32
      %dma_start3A_266 = tpu.memref_slice %arg6[%add3A_259, %dma_start3A_265] : memref<80x128xi32, #tpu.memory_space<vmem>> -> memref<1x128xi32, #tpu.memory_space<vmem>>
      %dma_start3A_267 = tpu.memref_squeeze %dma_start3A_266 : memref<1x128xi32, #tpu.memory_space<vmem>> -> memref<128xi32, #tpu.memory_space<vmem>>
      %dma_start3A_268 = arith.constant 0 : i32
      %dma_start3A_269 = arith.constant 0 : i32
      %dma_start3A_270 = tpu.memref_slice %arg10[%dma_start3A_268, %dma_start3A_269] : memref<10240x32xf32, #tpu.memory_space<vmem_shared>> -> memref<10240x32xf32, #tpu.memory_space<vmem_shared>>
      tpu.enqueue_indirect_dma source(%dma_start3A_270 : memref<10240x32xf32, #tpu.memory_space<vmem_shared>>) target(%dma_start3A_264 : memref<128x32xf32, #tpu.memory_space<vmem>>) offsets(%dma_start3A_267 : memref<128xi32, #tpu.memory_space<vmem>>) semaphore(%arg16 : memref<!tpu.dma_semaphore, #tpu.memory_space<semaphore_mem>>)
      %mul3A_271 = arith.constant 8 : i32
      %mul3A_272 = arith.muli %scan3A_185, %mul3A_271 : i32
      %add3A_273 = arith.constant 2 : i32
      %add3A_274 = arith.addi %mul3A_272, %add3A_273 : i32
      %dma_wait3A_275 = arith.constant 2 : i32
      %dma_wait3A_276 = arith.constant 0 : i32
      %dma_wait3A_277 = arith.constant 0 : i32
      %dma_wait3A_278 = tpu.memref_slice %arg8[%dma_wait3A_275, %dma_wait3A_276, %dma_wait3A_277] : memref<8x128x32xf32, #tpu.memory_space<vmem>> -> memref<1x128x32xf32, #tpu.memory_space<vmem>>
      %dma_wait3A_279 = tpu.memref_squeeze %dma_wait3A_278 : memref<1x128x32xf32, #tpu.memory_space<vmem>> -> memref<128x32xf32, #tpu.memory_space<vmem>>
      %dma_wait3A_280 = arith.constant 0 : i32
      %dma_wait3A_281 = tpu.memref_slice %arg6[%add3A_274, %dma_wait3A_280] : memref<80x128xi32, #tpu.memory_space<vmem>> -> memref<1x128xi32, #tpu.memory_space<vmem>>
      %dma_wait3A_282 = tpu.memref_squeeze %dma_wait3A_281 : memref<1x128xi32, #tpu.memory_space<vmem>> -> memref<128xi32, #tpu.memory_space<vmem>>
      %dma_wait3A_283 = arith.constant 0 : i32
      %dma_wait3A_284 = arith.constant 0 : i32
      %dma_wait3A_285 = tpu.memref_slice %arg10[%dma_wait3A_283, %dma_wait3A_284] : memref<10240x32xf32, #tpu.memory_space<vmem_shared>> -> memref<10240x32xf32, #tpu.memory_space<vmem_shared>>
      tpu.wait_indirect_dma semaphore(%arg13 : memref<!tpu.dma_semaphore, #tpu.memory_space<semaphore_mem>>) src(%dma_wait3A_285 : memref<10240x32xf32, #tpu.memory_space<vmem_shared>>) dst(%dma_wait3A_279 : memref<128x32xf32, #tpu.memory_space<vmem>>)
      %dma_start3A_286 = arith.constant 2 : i32
      %dma_start3A_287 = arith.constant 0 : i32
      %dma_start3A_288 = arith.constant 0 : i32
      %dma_start3A_289 = tpu.memref_slice %arg8[%dma_start3A_286, %dma_start3A_287, %dma_start3A_288] : memref<8x128x32xf32, #tpu.memory_space<vmem>> -> memref<1x128x32xf32, #tpu.memory_space<vmem>>
      %dma_start3A_290 = tpu.memref_squeeze %dma_start3A_289 : memref<1x128x32xf32, #tpu.memory_space<vmem>> -> memref<128x32xf32, #tpu.memory_space<vmem>>
      %dma_start3A_291 = arith.constant 0 : i32
      %dma_start3A_292 = tpu.memref_slice %arg7[%add3A_274, %dma_start3A_291] : memref<80x128xi32, #tpu.memory_space<vmem>> -> memref<1x128xi32, #tpu.memory_space<vmem>>
      %dma_start3A_293 = tpu.memref_squeeze %dma_start3A_292 : memref<1x128xi32, #tpu.memory_space<vmem>> -> memref<128xi32, #tpu.memory_space<vmem>>
      %dma_start3A_294 = arith.constant 0 : i32
      %dma_start3A_295 = arith.constant 0 : i32
      %dma_start3A_296 = tpu.memref_slice %arg9[%dma_start3A_294, %dma_start3A_295] : memref<10240x32xf32, #tpu.memory_space<vmem_shared>> -> memref<10240x32xf32, #tpu.memory_space<vmem_shared>>
      tpu.enqueue_indirect_dma source(%dma_start3A_290 : memref<128x32xf32, #tpu.memory_space<vmem>>) target(%dma_start3A_296 : memref<10240x32xf32, #tpu.memory_space<vmem_shared>>) offsets(%dma_start3A_293 : memref<128xi32, #tpu.memory_space<vmem>>) semaphore(%arg21 : memref<!tpu.dma_semaphore, #tpu.memory_space<semaphore_mem>>) {add = true}
      %gt3A_297 = arith.constant 0 : i32
      %gt3A_298 = arith.cmpi sgt, %scan3A_185, %gt3A_297 : i32
      %convert_element_type3A_299 = arith.extui %gt3A_298 : i1 to i32
      %cond3A_300 = arith.constant 0 : i32
      %cond3A_301 = arith.cmpi ne, %convert_element_type3A_299, %cond3A_300 : i32
      scf.if %cond3A_301 {
        %dma_wait3A_530 = arith.constant 6 : i32
        %dma_wait3A_531 = arith.constant 0 : i32
        %dma_wait3A_532 = arith.constant 0 : i32
        %dma_wait3A_533 = arith.constant 0 : i32
        %dma_wait3A_534 = tpu.memref_slice %arg8[%dma_wait3A_530, %dma_wait3A_532, %dma_wait3A_533] : memref<8x128x32xf32, #tpu.memory_space<vmem>> -> memref<1x128x32xf32, #tpu.memory_space<vmem>>
        %dma_wait3A_535 = tpu.memref_squeeze %dma_wait3A_534 : memref<1x128x32xf32, #tpu.memory_space<vmem>> -> memref<128x32xf32, #tpu.memory_space<vmem>>
        %dma_wait3A_536 = arith.constant 0 : i32
        %dma_wait3A_537 = tpu.memref_slice %arg7[%dma_wait3A_531, %dma_wait3A_536] : memref<80x128xi32, #tpu.memory_space<vmem>> -> memref<1x128xi32, #tpu.memory_space<vmem>>
        %dma_wait3A_538 = tpu.memref_squeeze %dma_wait3A_537 : memref<1x128xi32, #tpu.memory_space<vmem>> -> memref<128xi32, #tpu.memory_space<vmem>>
        %dma_wait3A_539 = arith.constant 0 : i32
        %dma_wait3A_540 = arith.constant 0 : i32
        %dma_wait3A_541 = tpu.memref_slice %arg9[%dma_wait3A_539, %dma_wait3A_540] : memref<10240x32xf32, #tpu.memory_space<vmem_shared>> -> memref<10240x32xf32, #tpu.memory_space<vmem_shared>>
        tpu.wait_indirect_dma semaphore(%arg25 : memref<!tpu.dma_semaphore, #tpu.memory_space<semaphore_mem>>) src(%dma_wait3A_535 : memref<128x32xf32, #tpu.memory_space<vmem>>) dst(%dma_wait3A_541 : memref<10240x32xf32, #tpu.memory_space<vmem_shared>>)
      } else {
      }
      %add3A_302 = arith.constant 4 : i32
      %add3A_303 = arith.addi %add3A_274, %add3A_302 : i32
      %dma_start3A_304 = arith.constant 6 : i32
      %dma_start3A_305 = arith.constant 0 : i32
      %dma_start3A_306 = arith.constant 0 : i32
      %dma_start3A_307 = tpu.memref_slice %arg8[%dma_start3A_304, %dma_start3A_305, %dma_start3A_306] : memref<8x128x32xf32, #tpu.memory_space<vmem>> -> memref<1x128x32xf32, #tpu.memory_space<vmem>>
      %dma_start3A_308 = tpu.memref_squeeze %dma_start3A_307 : memref<1x128x32xf32, #tpu.memory_space<vmem>> -> memref<128x32xf32, #tpu.memory_space<vmem>>
      %dma_start3A_309 = arith.constant 0 : i32
      %dma_start3A_310 = tpu.memref_slice %arg6[%add3A_303, %dma_start3A_309] : memref<80x128xi32, #tpu.memory_space<vmem>> -> memref<1x128xi32, #tpu.memory_space<vmem>>
      %dma_start3A_311 = tpu.memref_squeeze %dma_start3A_310 : memref<1x128xi32, #tpu.memory_space<vmem>> -> memref<128xi32, #tpu.memory_space<vmem>>
      %dma_start3A_312 = arith.constant 0 : i32
      %dma_start3A_313 = arith.constant 0 : i32
      %dma_start3A_314 = tpu.memref_slice %arg10[%dma_start3A_312, %dma_start3A_313] : memref<10240x32xf32, #tpu.memory_space<vmem_shared>> -> memref<10240x32xf32, #tpu.memory_space<vmem_shared>>
      tpu.enqueue_indirect_dma source(%dma_start3A_314 : memref<10240x32xf32, #tpu.memory_space<vmem_shared>>) target(%dma_start3A_308 : memref<128x32xf32, #tpu.memory_space<vmem>>) offsets(%dma_start3A_311 : memref<128xi32, #tpu.memory_space<vmem>>) semaphore(%arg17 : memref<!tpu.dma_semaphore, #tpu.memory_space<semaphore_mem>>)
      %mul3A_315 = arith.constant 8 : i32
      %mul3A_316 = arith.muli %scan3A_185, %mul3A_315 : i32
      %add3A_317 = arith.constant 3 : i32
      %add3A_318 = arith.addi %mul3A_316, %add3A_317 : i32
      %dma_wait3A_319 = arith.constant 3 : i32
      %dma_wait3A_320 = arith.constant 0 : i32
      %dma_wait3A_321 = arith.constant 0 : i32
      %dma_wait3A_322 = tpu.memref_slice %arg8[%dma_wait3A_319, %dma_wait3A_320, %dma_wait3A_321] : memref<8x128x32xf32, #tpu.memory_space<vmem>> -> memref<1x128x32xf32, #tpu.memory_space<vmem>>
      %dma_wait3A_323 = tpu.memref_squeeze %dma_wait3A_322 : memref<1x128x32xf32, #tpu.memory_space<vmem>> -> memref<128x32xf32, #tpu.memory_space<vmem>>
      %dma_wait3A_324 = arith.constant 0 : i32
      %dma_wait3A_325 = tpu.memref_slice %arg6[%add3A_318, %dma_wait3A_324] : memref<80x128xi32, #tpu.memory_space<vmem>> -> memref<1x128xi32, #tpu.memory_space<vmem>>
      %dma_wait3A_326 = tpu.memref_squeeze %dma_wait3A_325 : memref<1x128xi32, #tpu.memory_space<vmem>> -> memref<128xi32, #tpu.memory_space<vmem>>
      %dma_wait3A_327 = arith.constant 0 : i32
      %dma_wait3A_328 = arith.constant 0 : i32
      %dma_wait3A_329 = tpu.memref_slice %arg10[%dma_wait3A_327, %dma_wait3A_328] : memref<10240x32xf32, #tpu.memory_space<vmem_shared>> -> memref<10240x32xf32, #tpu.memory_space<vmem_shared>>
      tpu.wait_indirect_dma semaphore(%arg14 : memref<!tpu.dma_semaphore, #tpu.memory_space<semaphore_mem>>) src(%dma_wait3A_329 : memref<10240x32xf32, #tpu.memory_space<vmem_shared>>) dst(%dma_wait3A_323 : memref<128x32xf32, #tpu.memory_space<vmem>>)
      %dma_start3A_330 = arith.constant 3 : i32
      %dma_start3A_331 = arith.constant 0 : i32
      %dma_start3A_332 = arith.constant 0 : i32
      %dma_start3A_333 = tpu.memref_slice %arg8[%dma_start3A_330, %dma_start3A_331, %dma_start3A_332] : memref<8x128x32xf32, #tpu.memory_space<vmem>> -> memref<1x128x32xf32, #tpu.memory_space<vmem>>
      %dma_start3A_334 = tpu.memref_squeeze %dma_start3A_333 : memref<1x128x32xf32, #tpu.memory_space<vmem>> -> memref<128x32xf32, #tpu.memory_space<vmem>>
      %dma_start3A_335 = arith.constant 0 : i32
      %dma_start3A_336 = tpu.memref_slice %arg7[%add3A_318, %dma_start3A_335] : memref<80x128xi32, #tpu.memory_space<vmem>> -> memref<1x128xi32, #tpu.memory_space<vmem>>
      %dma_start3A_337 = tpu.memref_squeeze %dma_start3A_336 : memref<1x128xi32, #tpu.memory_space<vmem>> -> memref<128xi32, #tpu.memory_space<vmem>>
      %dma_start3A_338 = arith.constant 0 : i32
      %dma_start3A_339 = arith.constant 0 : i32
      %dma_start3A_340 = tpu.memref_slice %arg9[%dma_start3A_338, %dma_start3A_339] : memref<10240x32xf32, #tpu.memory_space<vmem_shared>> -> memref<10240x32xf32, #tpu.memory_space<vmem_shared>>
      tpu.enqueue_indirect_dma source(%dma_start3A_334 : memref<128x32xf32, #tpu.memory_space<vmem>>) target(%dma_start3A_340 : memref<10240x32xf32, #tpu.memory_space<vmem_shared>>) offsets(%dma_start3A_337 : memref<128xi32, #tpu.memory_space<vmem>>) semaphore(%arg22 : memref<!tpu.dma_semaphore, #tpu.memory_space<semaphore_mem>>) {add = true}
      %gt3A_341 = arith.constant 0 : i32
      %gt3A_342 = arith.cmpi sgt, %scan3A_185, %gt3A_341 : i32
      %convert_element_type3A_343 = arith.extui %gt3A_342 : i1 to i32
      %cond3A_344 = arith.constant 0 : i32
      %cond3A_345 = arith.cmpi ne, %convert_element_type3A_343, %cond3A_344 : i32
      scf.if %cond3A_345 {
        %dma_wait3A_530 = arith.constant 7 : i32
        %dma_wait3A_531 = arith.constant 0 : i32
        %dma_wait3A_532 = arith.constant 0 : i32
        %dma_wait3A_533 = arith.constant 0 : i32
        %dma_wait3A_534 = tpu.memref_slice %arg8[%dma_wait3A_530, %dma_wait3A_532, %dma_wait3A_533] : memref<8x128x32xf32, #tpu.memory_space<vmem>> -> memref<1x128x32xf32, #tpu.memory_space<vmem>>
        %dma_wait3A_535 = tpu.memref_squeeze %dma_wait3A_534 : memref<1x128x32xf32, #tpu.memory_space<vmem>> -> memref<128x32xf32, #tpu.memory_space<vmem>>
        %dma_wait3A_536 = arith.constant 0 : i32
        %dma_wait3A_537 = tpu.memref_slice %arg7[%dma_wait3A_531, %dma_wait3A_536] : memref<80x128xi32, #tpu.memory_space<vmem>> -> memref<1x128xi32, #tpu.memory_space<vmem>>
        %dma_wait3A_538 = tpu.memref_squeeze %dma_wait3A_537 : memref<1x128xi32, #tpu.memory_space<vmem>> -> memref<128xi32, #tpu.memory_space<vmem>>
        %dma_wait3A_539 = arith.constant 0 : i32
        %dma_wait3A_540 = arith.constant 0 : i32
        %dma_wait3A_541 = tpu.memref_slice %arg9[%dma_wait3A_539, %dma_wait3A_540] : memref<10240x32xf32, #tpu.memory_space<vmem_shared>> -> memref<10240x32xf32, #tpu.memory_space<vmem_shared>>
        tpu.wait_indirect_dma semaphore(%arg26 : memref<!tpu.dma_semaphore, #tpu.memory_space<semaphore_mem>>) src(%dma_wait3A_535 : memref<128x32xf32, #tpu.memory_space<vmem>>) dst(%dma_wait3A_541 : memref<10240x32xf32, #tpu.memory_space<vmem_shared>>)
      } else {
      }
      %add3A_346 = arith.constant 4 : i32
      %add3A_347 = arith.addi %add3A_318, %add3A_346 : i32
      %dma_start3A_348 = arith.constant 7 : i32
      %dma_start3A_349 = arith.constant 0 : i32
      %dma_start3A_350 = arith.constant 0 : i32
      %dma_start3A_351 = tpu.memref_slice %arg8[%dma_start3A_348, %dma_start3A_349, %dma_start3A_350] : memref<8x128x32xf32, #tpu.memory_space<vmem>> -> memref<1x128x32xf32, #tpu.memory_space<vmem>>
      %dma_start3A_352 = tpu.memref_squeeze %dma_start3A_351 : memref<1x128x32xf32, #tpu.memory_space<vmem>> -> memref<128x32xf32, #tpu.memory_space<vmem>>
      %dma_start3A_353 = arith.constant 0 : i32
      %dma_start3A_354 = tpu.memref_slice %arg6[%add3A_347, %dma_start3A_353] : memref<80x128xi32, #tpu.memory_space<vmem>> -> memref<1x128xi32, #tpu.memory_space<vmem>>
      %dma_start3A_355 = tpu.memref_squeeze %dma_start3A_354 : memref<1x128xi32, #tpu.memory_space<vmem>> -> memref<128xi32, #tpu.memory_space<vmem>>
      %dma_start3A_356 = arith.constant 0 : i32
      %dma_start3A_357 = arith.constant 0 : i32
      %dma_start3A_358 = tpu.memref_slice %arg10[%dma_start3A_356, %dma_start3A_357] : memref<10240x32xf32, #tpu.memory_space<vmem_shared>> -> memref<10240x32xf32, #tpu.memory_space<vmem_shared>>
      tpu.enqueue_indirect_dma source(%dma_start3A_358 : memref<10240x32xf32, #tpu.memory_space<vmem_shared>>) target(%dma_start3A_352 : memref<128x32xf32, #tpu.memory_space<vmem>>) offsets(%dma_start3A_355 : memref<128xi32, #tpu.memory_space<vmem>>) semaphore(%arg18 : memref<!tpu.dma_semaphore, #tpu.memory_space<semaphore_mem>>)
      %mul3A_359 = arith.constant 8 : i32
      %mul3A_360 = arith.muli %scan3A_185, %mul3A_359 : i32
      %add3A_361 = arith.constant 4 : i32
      %add3A_362 = arith.addi %mul3A_360, %add3A_361 : i32
      %dma_wait3A_363 = arith.constant 4 : i32
      %dma_wait3A_364 = arith.constant 0 : i32
      %dma_wait3A_365 = arith.constant 0 : i32
      %dma_wait3A_366 = tpu.memref_slice %arg8[%dma_wait3A_363, %dma_wait3A_364, %dma_wait3A_365] : memref<8x128x32xf32, #tpu.memory_space<vmem>> -> memref<1x128x32xf32, #tpu.memory_space<vmem>>
      %dma_wait3A_367 = tpu.memref_squeeze %dma_wait3A_366 : memref<1x128x32xf32, #tpu.memory_space<vmem>> -> memref<128x32xf32, #tpu.memory_space<vmem>>
      %dma_wait3A_368 = arith.constant 0 : i32
      %dma_wait3A_369 = tpu.memref_slice %arg6[%add3A_362, %dma_wait3A_368] : memref<80x128xi32, #tpu.memory_space<vmem>> -> memref<1x128xi32, #tpu.memory_space<vmem>>
      %dma_wait3A_370 = tpu.memref_squeeze %dma_wait3A_369 : memref<1x128xi32, #tpu.memory_space<vmem>> -> memref<128xi32, #tpu.memory_space<vmem>>
      %dma_wait3A_371 = arith.constant 0 : i32
      %dma_wait3A_372 = arith.constant 0 : i32
      %dma_wait3A_373 = tpu.memref_slice %arg10[%dma_wait3A_371, %dma_wait3A_372] : memref<10240x32xf32, #tpu.memory_space<vmem_shared>> -> memref<10240x32xf32, #tpu.memory_space<vmem_shared>>
      tpu.wait_indirect_dma semaphore(%arg15 : memref<!tpu.dma_semaphore, #tpu.memory_space<semaphore_mem>>) src(%dma_wait3A_373 : memref<10240x32xf32, #tpu.memory_space<vmem_shared>>) dst(%dma_wait3A_367 : memref<128x32xf32, #tpu.memory_space<vmem>>)
      %dma_start3A_374 = arith.constant 4 : i32
      %dma_start3A_375 = arith.constant 0 : i32
      %dma_start3A_376 = arith.constant 0 : i32
      %dma_start3A_377 = tpu.memref_slice %arg8[%dma_start3A_374, %dma_start3A_375, %dma_start3A_376] : memref<8x128x32xf32, #tpu.memory_space<vmem>> -> memref<1x128x32xf32, #tpu.memory_space<vmem>>
      %dma_start3A_378 = tpu.memref_squeeze %dma_start3A_377 : memref<1x128x32xf32, #tpu.memory_space<vmem>> -> memref<128x32xf32, #tpu.memory_space<vmem>>
      %dma_start3A_379 = arith.constant 0 : i32
      %dma_start3A_380 = tpu.memref_slice %arg7[%add3A_362, %dma_start3A_379] : memref<80x128xi32, #tpu.memory_space<vmem>> -> memref<1x128xi32, #tpu.memory_space<vmem>>
      %dma_start3A_381 = tpu.memref_squeeze %dma_start3A_380 : memref<1x128xi32, #tpu.memory_space<vmem>> -> memref<128xi32, #tpu.memory_space<vmem>>
      %dma_start3A_382 = arith.constant 0 : i32
      %dma_start3A_383 = arith.constant 0 : i32
      %dma_start3A_384 = tpu.memref_slice %arg9[%dma_start3A_382, %dma_start3A_383] : memref<10240x32xf32, #tpu.memory_space<vmem_shared>> -> memref<10240x32xf32, #tpu.memory_space<vmem_shared>>
      tpu.enqueue_indirect_dma source(%dma_start3A_378 : memref<128x32xf32, #tpu.memory_space<vmem>>) target(%dma_start3A_384 : memref<10240x32xf32, #tpu.memory_space<vmem_shared>>) offsets(%dma_start3A_381 : memref<128xi32, #tpu.memory_space<vmem>>) semaphore(%arg23 : memref<!tpu.dma_semaphore, #tpu.memory_space<semaphore_mem>>) {add = true}
      %dma_wait3A_385 = arith.constant 0 : i32
      %dma_wait3A_386 = arith.constant 0 : i32
      %dma_wait3A_387 = arith.constant 0 : i32
      %dma_wait3A_388 = arith.constant 0 : i32
      %dma_wait3A_389 = tpu.memref_slice %arg8[%dma_wait3A_385, %dma_wait3A_387, %dma_wait3A_388] : memref<8x128x32xf32, #tpu.memory_space<vmem>> -> memref<1x128x32xf32, #tpu.memory_space<vmem>>
      %dma_wait3A_390 = tpu.memref_squeeze %dma_wait3A_389 : memref<1x128x32xf32, #tpu.memory_space<vmem>> -> memref<128x32xf32, #tpu.memory_space<vmem>>
      %dma_wait3A_391 = arith.constant 0 : i32
      %dma_wait3A_392 = tpu.memref_slice %arg7[%dma_wait3A_386, %dma_wait3A_391] : memref<80x128xi32, #tpu.memory_space<vmem>> -> memref<1x128xi32, #tpu.memory_space<vmem>>
      %dma_wait3A_393 = tpu.memref_squeeze %dma_wait3A_392 : memref<1x128xi32, #tpu.memory_space<vmem>> -> memref<128xi32, #tpu.memory_space<vmem>>
      %dma_wait3A_394 = arith.constant 0 : i32
      %dma_wait3A_395 = arith.constant 0 : i32
      %dma_wait3A_396 = tpu.memref_slice %arg9[%dma_wait3A_394, %dma_wait3A_395] : memref<10240x32xf32, #tpu.memory_space<vmem_shared>> -> memref<10240x32xf32, #tpu.memory_space<vmem_shared>>
      tpu.wait_indirect_dma semaphore(%arg19 : memref<!tpu.dma_semaphore, #tpu.memory_space<semaphore_mem>>) src(%dma_wait3A_390 : memref<128x32xf32, #tpu.memory_space<vmem>>) dst(%dma_wait3A_396 : memref<10240x32xf32, #tpu.memory_space<vmem_shared>>)
      %lt3A = arith.constant 9 : i32
      %lt3A_397 = arith.cmpi slt, %scan3A_185, %lt3A : i32
      %convert_element_type3A_398 = arith.extui %lt3A_397 : i1 to i32
      %cond3A_399 = arith.constant 0 : i32
      %cond3A_400 = arith.cmpi ne, %convert_element_type3A_398, %cond3A_399 : i32
      scf.if %cond3A_400 {
        %add3A_530 = arith.constant 4 : i32
        %add3A_531 = arith.addi %add3A_362, %add3A_530 : i32
        %dma_start3A_532 = arith.constant 0 : i32
        %dma_start3A_533 = arith.constant 0 : i32
        %dma_start3A_534 = arith.constant 0 : i32
        %dma_start3A_535 = tpu.memref_slice %arg8[%dma_start3A_532, %dma_start3A_533, %dma_start3A_534] : memref<8x128x32xf32, #tpu.memory_space<vmem>> -> memref<1x128x32xf32, #tpu.memory_space<vmem>>
        %dma_start3A_536 = tpu.memref_squeeze %dma_start3A_535 : memref<1x128x32xf32, #tpu.memory_space<vmem>> -> memref<128x32xf32, #tpu.memory_space<vmem>>
        %dma_start3A_537 = arith.constant 0 : i32
        %dma_start3A_538 = tpu.memref_slice %arg6[%add3A_531, %dma_start3A_537] : memref<80x128xi32, #tpu.memory_space<vmem>> -> memref<1x128xi32, #tpu.memory_space<vmem>>
        %dma_start3A_539 = tpu.memref_squeeze %dma_start3A_538 : memref<1x128xi32, #tpu.memory_space<vmem>> -> memref<128xi32, #tpu.memory_space<vmem>>
        %dma_start3A_540 = arith.constant 0 : i32
        %dma_start3A_541 = arith.constant 0 : i32
        %dma_start3A_542 = tpu.memref_slice %arg10[%dma_start3A_540, %dma_start3A_541] : memref<10240x32xf32, #tpu.memory_space<vmem_shared>> -> memref<10240x32xf32, #tpu.memory_space<vmem_shared>>
        tpu.enqueue_indirect_dma source(%dma_start3A_542 : memref<10240x32xf32, #tpu.memory_space<vmem_shared>>) target(%dma_start3A_536 : memref<128x32xf32, #tpu.memory_space<vmem>>) offsets(%dma_start3A_539 : memref<128xi32, #tpu.memory_space<vmem>>) semaphore(%arg11 : memref<!tpu.dma_semaphore, #tpu.memory_space<semaphore_mem>>)
      } else {
      }
      %mul3A_401 = arith.constant 8 : i32
      %mul3A_402 = arith.muli %scan3A_185, %mul3A_401 : i32
      %add3A_403 = arith.constant 5 : i32
      %add3A_404 = arith.addi %mul3A_402, %add3A_403 : i32
      %dma_wait3A_405 = arith.constant 5 : i32
      %dma_wait3A_406 = arith.constant 0 : i32
      %dma_wait3A_407 = arith.constant 0 : i32
      %dma_wait3A_408 = tpu.memref_slice %arg8[%dma_wait3A_405, %dma_wait3A_406, %dma_wait3A_407] : memref<8x128x32xf32, #tpu.memory_space<vmem>> -> memref<1x128x32xf32, #tpu.memory_space<vmem>>
      %dma_wait3A_409 = tpu.memref_squeeze %dma_wait3A_408 : memref<1x128x32xf32, #tpu.memory_space<vmem>> -> memref<128x32xf32, #tpu.memory_space<vmem>>
      %dma_wait3A_410 = arith.constant 0 : i32
      %dma_wait3A_411 = tpu.memref_slice %arg6[%add3A_404, %dma_wait3A_410] : memref<80x128xi32, #tpu.memory_space<vmem>> -> memref<1x128xi32, #tpu.memory_space<vmem>>
      %dma_wait3A_412 = tpu.memref_squeeze %dma_wait3A_411 : memref<1x128xi32, #tpu.memory_space<vmem>> -> memref<128xi32, #tpu.memory_space<vmem>>
      %dma_wait3A_413 = arith.constant 0 : i32
      %dma_wait3A_414 = arith.constant 0 : i32
      %dma_wait3A_415 = tpu.memref_slice %arg10[%dma_wait3A_413, %dma_wait3A_414] : memref<10240x32xf32, #tpu.memory_space<vmem_shared>> -> memref<10240x32xf32, #tpu.memory_space<vmem_shared>>
      tpu.wait_indirect_dma semaphore(%arg16 : memref<!tpu.dma_semaphore, #tpu.memory_space<semaphore_mem>>) src(%dma_wait3A_415 : memref<10240x32xf32, #tpu.memory_space<vmem_shared>>) dst(%dma_wait3A_409 : memref<128x32xf32, #tpu.memory_space<vmem>>)
      %dma_start3A_416 = arith.constant 5 : i32
      %dma_start3A_417 = arith.constant 0 : i32
      %dma_start3A_418 = arith.constant 0 : i32
      %dma_start3A_419 = tpu.memref_slice %arg8[%dma_start3A_416, %dma_start3A_417, %dma_start3A_418] : memref<8x128x32xf32, #tpu.memory_space<vmem>> -> memref<1x128x32xf32, #tpu.memory_space<vmem>>
      %dma_start3A_420 = tpu.memref_squeeze %dma_start3A_419 : memref<1x128x32xf32, #tpu.memory_space<vmem>> -> memref<128x32xf32, #tpu.memory_space<vmem>>
      %dma_start3A_421 = arith.constant 0 : i32
      %dma_start3A_422 = tpu.memref_slice %arg7[%add3A_404, %dma_start3A_421] : memref<80x128xi32, #tpu.memory_space<vmem>> -> memref<1x128xi32, #tpu.memory_space<vmem>>
      %dma_start3A_423 = tpu.memref_squeeze %dma_start3A_422 : memref<1x128xi32, #tpu.memory_space<vmem>> -> memref<128xi32, #tpu.memory_space<vmem>>
      %dma_start3A_424 = arith.constant 0 : i32
      %dma_start3A_425 = arith.constant 0 : i32
      %dma_start3A_426 = tpu.memref_slice %arg9[%dma_start3A_424, %dma_start3A_425] : memref<10240x32xf32, #tpu.memory_space<vmem_shared>> -> memref<10240x32xf32, #tpu.memory_space<vmem_shared>>
      tpu.enqueue_indirect_dma source(%dma_start3A_420 : memref<128x32xf32, #tpu.memory_space<vmem>>) target(%dma_start3A_426 : memref<10240x32xf32, #tpu.memory_space<vmem_shared>>) offsets(%dma_start3A_423 : memref<128xi32, #tpu.memory_space<vmem>>) semaphore(%arg24 : memref<!tpu.dma_semaphore, #tpu.memory_space<semaphore_mem>>) {add = true}
      %dma_wait3A_427 = arith.constant 1 : i32
      %dma_wait3A_428 = arith.constant 0 : i32
      %dma_wait3A_429 = arith.constant 0 : i32
      %dma_wait3A_430 = arith.constant 0 : i32
      %dma_wait3A_431 = tpu.memref_slice %arg8[%dma_wait3A_427, %dma_wait3A_429, %dma_wait3A_430] : memref<8x128x32xf32, #tpu.memory_space<vmem>> -> memref<1x128x32xf32, #tpu.memory_space<vmem>>
      %dma_wait3A_432 = tpu.memref_squeeze %dma_wait3A_431 : memref<1x128x32xf32, #tpu.memory_space<vmem>> -> memref<128x32xf32, #tpu.memory_space<vmem>>
      %dma_wait3A_433 = arith.constant 0 : i32
      %dma_wait3A_434 = tpu.memref_slice %arg7[%dma_wait3A_428, %dma_wait3A_433] : memref<80x128xi32, #tpu.memory_space<vmem>> -> memref<1x128xi32, #tpu.memory_space<vmem>>
      %dma_wait3A_435 = tpu.memref_squeeze %dma_wait3A_434 : memref<1x128xi32, #tpu.memory_space<vmem>> -> memref<128xi32, #tpu.memory_space<vmem>>
      %dma_wait3A_436 = arith.constant 0 : i32
      %dma_wait3A_437 = arith.constant 0 : i32
      %dma_wait3A_438 = tpu.memref_slice %arg9[%dma_wait3A_436, %dma_wait3A_437] : memref<10240x32xf32, #tpu.memory_space<vmem_shared>> -> memref<10240x32xf32, #tpu.memory_space<vmem_shared>>
      tpu.wait_indirect_dma semaphore(%arg20 : memref<!tpu.dma_semaphore, #tpu.memory_space<semaphore_mem>>) src(%dma_wait3A_432 : memref<128x32xf32, #tpu.memory_space<vmem>>) dst(%dma_wait3A_438 : memref<10240x32xf32, #tpu.memory_space<vmem_shared>>)
      %lt3A_439 = arith.constant 9 : i32
      %lt3A_440 = arith.cmpi slt, %scan3A_185, %lt3A_439 : i32
      %convert_element_type3A_441 = arith.extui %lt3A_440 : i1 to i32
      %cond3A_442 = arith.constant 0 : i32
      %cond3A_443 = arith.cmpi ne, %convert_element_type3A_441, %cond3A_442 : i32
      scf.if %cond3A_443 {
        %add3A_530 = arith.constant 4 : i32
        %add3A_531 = arith.addi %add3A_404, %add3A_530 : i32
        %dma_start3A_532 = arith.constant 1 : i32
        %dma_start3A_533 = arith.constant 0 : i32
        %dma_start3A_534 = arith.constant 0 : i32
        %dma_start3A_535 = tpu.memref_slice %arg8[%dma_start3A_532, %dma_start3A_533, %dma_start3A_534] : memref<8x128x32xf32, #tpu.memory_space<vmem>> -> memref<1x128x32xf32, #tpu.memory_space<vmem>>
        %dma_start3A_536 = tpu.memref_squeeze %dma_start3A_535 : memref<1x128x32xf32, #tpu.memory_space<vmem>> -> memref<128x32xf32, #tpu.memory_space<vmem>>
        %dma_start3A_537 = arith.constant 0 : i32
        %dma_start3A_538 = tpu.memref_slice %arg6[%add3A_531, %dma_start3A_537] : memref<80x128xi32, #tpu.memory_space<vmem>> -> memref<1x128xi32, #tpu.memory_space<vmem>>
        %dma_start3A_539 = tpu.memref_squeeze %dma_start3A_538 : memref<1x128xi32, #tpu.memory_space<vmem>> -> memref<128xi32, #tpu.memory_space<vmem>>
        %dma_start3A_540 = arith.constant 0 : i32
        %dma_start3A_541 = arith.constant 0 : i32
        %dma_start3A_542 = tpu.memref_slice %arg10[%dma_start3A_540, %dma_start3A_541] : memref<10240x32xf32, #tpu.memory_space<vmem_shared>> -> memref<10240x32xf32, #tpu.memory_space<vmem_shared>>
        tpu.enqueue_indirect_dma source(%dma_start3A_542 : memref<10240x32xf32, #tpu.memory_space<vmem_shared>>) target(%dma_start3A_536 : memref<128x32xf32, #tpu.memory_space<vmem>>) offsets(%dma_start3A_539 : memref<128xi32, #tpu.memory_space<vmem>>) semaphore(%arg12 : memref<!tpu.dma_semaphore, #tpu.memory_space<semaphore_mem>>)
      } else {
      }
      %mul3A_444 = arith.constant 8 : i32
      %mul3A_445 = arith.muli %scan3A_185, %mul3A_444 : i32
      %add3A_446 = arith.constant 6 : i32
      %add3A_447 = arith.addi %mul3A_445, %add3A_446 : i32
      %dma_wait3A_448 = arith.constant 6 : i32
      %dma_wait3A_449 = arith.constant 0 : i32
      %dma_wait3A_450 = arith.constant 0 : i32
      %dma_wait3A_451 = tpu.memref_slice %arg8[%dma_wait3A_448, %dma_wait3A_449, %dma_wait3A_450] : memref<8x128x32xf32, #tpu.memory_space<vmem>> -> memref<1x128x32xf32, #tpu.memory_space<vmem>>
      %dma_wait3A_452 = tpu.memref_squeeze %dma_wait3A_451 : memref<1x128x32xf32, #tpu.memory_space<vmem>> -> memref<128x32xf32, #tpu.memory_space<vmem>>
      %dma_wait3A_453 = arith.constant 0 : i32
      %dma_wait3A_454 = tpu.memref_slice %arg6[%add3A_447, %dma_wait3A_453] : memref<80x128xi32, #tpu.memory_space<vmem>> -> memref<1x128xi32, #tpu.memory_space<vmem>>
      %dma_wait3A_455 = tpu.memref_squeeze %dma_wait3A_454 : memref<1x128xi32, #tpu.memory_space<vmem>> -> memref<128xi32, #tpu.memory_space<vmem>>
      %dma_wait3A_456 = arith.constant 0 : i32
      %dma_wait3A_457 = arith.constant 0 : i32
      %dma_wait3A_458 = tpu.memref_slice %arg10[%dma_wait3A_456, %dma_wait3A_457] : memref<10240x32xf32, #tpu.memory_space<vmem_shared>> -> memref<10240x32xf32, #tpu.memory_space<vmem_shared>>
      tpu.wait_indirect_dma semaphore(%arg17 : memref<!tpu.dma_semaphore, #tpu.memory_space<semaphore_mem>>) src(%dma_wait3A_458 : memref<10240x32xf32, #tpu.memory_space<vmem_shared>>) dst(%dma_wait3A_452 : memref<128x32xf32, #tpu.memory_space<vmem>>)
      %dma_start3A_459 = arith.constant 6 : i32
      %dma_start3A_460 = arith.constant 0 : i32
      %dma_start3A_461 = arith.constant 0 : i32
      %dma_start3A_462 = tpu.memref_slice %arg8[%dma_start3A_459, %dma_start3A_460, %dma_start3A_461] : memref<8x128x32xf32, #tpu.memory_space<vmem>> -> memref<1x128x32xf32, #tpu.memory_space<vmem>>
      %dma_start3A_463 = tpu.memref_squeeze %dma_start3A_462 : memref<1x128x32xf32, #tpu.memory_space<vmem>> -> memref<128x32xf32, #tpu.memory_space<vmem>>
      %dma_start3A_464 = arith.constant 0 : i32
      %dma_start3A_465 = tpu.memref_slice %arg7[%add3A_447, %dma_start3A_464] : memref<80x128xi32, #tpu.memory_space<vmem>> -> memref<1x128xi32, #tpu.memory_space<vmem>>
      %dma_start3A_466 = tpu.memref_squeeze %dma_start3A_465 : memref<1x128xi32, #tpu.memory_space<vmem>> -> memref<128xi32, #tpu.memory_space<vmem>>
      %dma_start3A_467 = arith.constant 0 : i32
      %dma_start3A_468 = arith.constant 0 : i32
      %dma_start3A_469 = tpu.memref_slice %arg9[%dma_start3A_467, %dma_start3A_468] : memref<10240x32xf32, #tpu.memory_space<vmem_shared>> -> memref<10240x32xf32, #tpu.memory_space<vmem_shared>>
      tpu.enqueue_indirect_dma source(%dma_start3A_463 : memref<128x32xf32, #tpu.memory_space<vmem>>) target(%dma_start3A_469 : memref<10240x32xf32, #tpu.memory_space<vmem_shared>>) offsets(%dma_start3A_466 : memref<128xi32, #tpu.memory_space<vmem>>) semaphore(%arg25 : memref<!tpu.dma_semaphore, #tpu.memory_space<semaphore_mem>>) {add = true}
      %dma_wait3A_470 = arith.constant 2 : i32
      %dma_wait3A_471 = arith.constant 0 : i32
      %dma_wait3A_472 = arith.constant 0 : i32
      %dma_wait3A_473 = arith.constant 0 : i32
      %dma_wait3A_474 = tpu.memref_slice %arg8[%dma_wait3A_470, %dma_wait3A_472, %dma_wait3A_473] : memref<8x128x32xf32, #tpu.memory_space<vmem>> -> memref<1x128x32xf32, #tpu.memory_space<vmem>>
      %dma_wait3A_475 = tpu.memref_squeeze %dma_wait3A_474 : memref<1x128x32xf32, #tpu.memory_space<vmem>> -> memref<128x32xf32, #tpu.memory_space<vmem>>
      %dma_wait3A_476 = arith.constant 0 : i32
      %dma_wait3A_477 = tpu.memref_slice %arg7[%dma_wait3A_471, %dma_wait3A_476] : memref<80x128xi32, #tpu.memory_space<vmem>> -> memref<1x128xi32, #tpu.memory_space<vmem>>
      %dma_wait3A_478 = tpu.memref_squeeze %dma_wait3A_477 : memref<1x128xi32, #tpu.memory_space<vmem>> -> memref<128xi32, #tpu.memory_space<vmem>>
      %dma_wait3A_479 = arith.constant 0 : i32
      %dma_wait3A_480 = arith.constant 0 : i32
      %dma_wait3A_481 = tpu.memref_slice %arg9[%dma_wait3A_479, %dma_wait3A_480] : memref<10240x32xf32, #tpu.memory_space<vmem_shared>> -> memref<10240x32xf32, #tpu.memory_space<vmem_shared>>
      tpu.wait_indirect_dma semaphore(%arg21 : memref<!tpu.dma_semaphore, #tpu.memory_space<semaphore_mem>>) src(%dma_wait3A_475 : memref<128x32xf32, #tpu.memory_space<vmem>>) dst(%dma_wait3A_481 : memref<10240x32xf32, #tpu.memory_space<vmem_shared>>)
      %lt3A_482 = arith.constant 9 : i32
      %lt3A_483 = arith.cmpi slt, %scan3A_185, %lt3A_482 : i32
      %convert_element_type3A_484 = arith.extui %lt3A_483 : i1 to i32
      %cond3A_485 = arith.constant 0 : i32
      %cond3A_486 = arith.cmpi ne, %convert_element_type3A_484, %cond3A_485 : i32
      scf.if %cond3A_486 {
        %add3A_530 = arith.constant 4 : i32
        %add3A_531 = arith.addi %add3A_447, %add3A_530 : i32
        %dma_start3A_532 = arith.constant 2 : i32
        %dma_start3A_533 = arith.constant 0 : i32
        %dma_start3A_534 = arith.constant 0 : i32
        %dma_start3A_535 = tpu.memref_slice %arg8[%dma_start3A_532, %dma_start3A_533, %dma_start3A_534] : memref<8x128x32xf32, #tpu.memory_space<vmem>> -> memref<1x128x32xf32, #tpu.memory_space<vmem>>
        %dma_start3A_536 = tpu.memref_squeeze %dma_start3A_535 : memref<1x128x32xf32, #tpu.memory_space<vmem>> -> memref<128x32xf32, #tpu.memory_space<vmem>>
        %dma_start3A_537 = arith.constant 0 : i32
        %dma_start3A_538 = tpu.memref_slice %arg6[%add3A_531, %dma_start3A_537] : memref<80x128xi32, #tpu.memory_space<vmem>> -> memref<1x128xi32, #tpu.memory_space<vmem>>
        %dma_start3A_539 = tpu.memref_squeeze %dma_start3A_538 : memref<1x128xi32, #tpu.memory_space<vmem>> -> memref<128xi32, #tpu.memory_space<vmem>>
        %dma_start3A_540 = arith.constant 0 : i32
        %dma_start3A_541 = arith.constant 0 : i32
        %dma_start3A_542 = tpu.memref_slice %arg10[%dma_start3A_540, %dma_start3A_541] : memref<10240x32xf32, #tpu.memory_space<vmem_shared>> -> memref<10240x32xf32, #tpu.memory_space<vmem_shared>>
        tpu.enqueue_indirect_dma source(%dma_start3A_542 : memref<10240x32xf32, #tpu.memory_space<vmem_shared>>) target(%dma_start3A_536 : memref<128x32xf32, #tpu.memory_space<vmem>>) offsets(%dma_start3A_539 : memref<128xi32, #tpu.memory_space<vmem>>) semaphore(%arg13 : memref<!tpu.dma_semaphore, #tpu.memory_space<semaphore_mem>>)
      } else {
      }
      %mul3A_487 = arith.constant 8 : i32
      %mul3A_488 = arith.muli %scan3A_185, %mul3A_487 : i32
      %add3A_489 = arith.constant 7 : i32
      %add3A_490 = arith.addi %mul3A_488, %add3A_489 : i32
      %dma_wait3A_491 = arith.constant 7 : i32
      %dma_wait3A_492 = arith.constant 0 : i32
      %dma_wait3A_493 = arith.constant 0 : i32
      %dma_wait3A_494 = tpu.memref_slice %arg8[%dma_wait3A_491, %dma_wait3A_492, %dma_wait3A_493] : memref<8x128x32xf32, #tpu.memory_space<vmem>> -> memref<1x128x32xf32, #tpu.memory_space<vmem>>
      %dma_wait3A_495 = tpu.memref_squeeze %dma_wait3A_494 : memref<1x128x32xf32, #tpu.memory_space<vmem>> -> memref<128x32xf32, #tpu.memory_space<vmem>>
      %dma_wait3A_496 = arith.constant 0 : i32
      %dma_wait3A_497 = tpu.memref_slice %arg6[%add3A_490, %dma_wait3A_496] : memref<80x128xi32, #tpu.memory_space<vmem>> -> memref<1x128xi32, #tpu.memory_space<vmem>>
      %dma_wait3A_498 = tpu.memref_squeeze %dma_wait3A_497 : memref<1x128xi32, #tpu.memory_space<vmem>> -> memref<128xi32, #tpu.memory_space<vmem>>
      %dma_wait3A_499 = arith.constant 0 : i32
      %dma_wait3A_500 = arith.constant 0 : i32
      %dma_wait3A_501 = tpu.memref_slice %arg10[%dma_wait3A_499, %dma_wait3A_500] : memref<10240x32xf32, #tpu.memory_space<vmem_shared>> -> memref<10240x32xf32, #tpu.memory_space<vmem_shared>>
      tpu.wait_indirect_dma semaphore(%arg18 : memref<!tpu.dma_semaphore, #tpu.memory_space<semaphore_mem>>) src(%dma_wait3A_501 : memref<10240x32xf32, #tpu.memory_space<vmem_shared>>) dst(%dma_wait3A_495 : memref<128x32xf32, #tpu.memory_space<vmem>>)
      %dma_start3A_502 = arith.constant 7 : i32
      %dma_start3A_503 = arith.constant 0 : i32
      %dma_start3A_504 = arith.constant 0 : i32
      %dma_start3A_505 = tpu.memref_slice %arg8[%dma_start3A_502, %dma_start3A_503, %dma_start3A_504] : memref<8x128x32xf32, #tpu.memory_space<vmem>> -> memref<1x128x32xf32, #tpu.memory_space<vmem>>
      %dma_start3A_506 = tpu.memref_squeeze %dma_start3A_505 : memref<1x128x32xf32, #tpu.memory_space<vmem>> -> memref<128x32xf32, #tpu.memory_space<vmem>>
      %dma_start3A_507 = arith.constant 0 : i32
      %dma_start3A_508 = tpu.memref_slice %arg7[%add3A_490, %dma_start3A_507] : memref<80x128xi32, #tpu.memory_space<vmem>> -> memref<1x128xi32, #tpu.memory_space<vmem>>
      %dma_start3A_509 = tpu.memref_squeeze %dma_start3A_508 : memref<1x128xi32, #tpu.memory_space<vmem>> -> memref<128xi32, #tpu.memory_space<vmem>>
      %dma_start3A_510 = arith.constant 0 : i32
      %dma_start3A_511 = arith.constant 0 : i32
      %dma_start3A_512 = tpu.memref_slice %arg9[%dma_start3A_510, %dma_start3A_511] : memref<10240x32xf32, #tpu.memory_space<vmem_shared>> -> memref<10240x32xf32, #tpu.memory_space<vmem_shared>>
      tpu.enqueue_indirect_dma source(%dma_start3A_506 : memref<128x32xf32, #tpu.memory_space<vmem>>) target(%dma_start3A_512 : memref<10240x32xf32, #tpu.memory_space<vmem_shared>>) offsets(%dma_start3A_509 : memref<128xi32, #tpu.memory_space<vmem>>) semaphore(%arg26 : memref<!tpu.dma_semaphore, #tpu.memory_space<semaphore_mem>>) {add = true}
      %dma_wait3A_513 = arith.constant 3 : i32
      %dma_wait3A_514 = arith.constant 0 : i32
      %dma_wait3A_515 = arith.constant 0 : i32
      %dma_wait3A_516 = arith.constant 0 : i32
      %dma_wait3A_517 = tpu.memref_slice %arg8[%dma_wait3A_513, %dma_wait3A_515, %dma_wait3A_516] : memref<8x128x32xf32, #tpu.memory_space<vmem>> -> memref<1x128x32xf32, #tpu.memory_space<vmem>>
      %dma_wait3A_518 = tpu.memref_squeeze %dma_wait3A_517 : memref<1x128x32xf32, #tpu.memory_space<vmem>> -> memref<128x32xf32, #tpu.memory_space<vmem>>
      %dma_wait3A_519 = arith.constant 0 : i32
      %dma_wait3A_520 = tpu.memref_slice %arg7[%dma_wait3A_514, %dma_wait3A_519] : memref<80x128xi32, #tpu.memory_space<vmem>> -> memref<1x128xi32, #tpu.memory_space<vmem>>
      %dma_wait3A_521 = tpu.memref_squeeze %dma_wait3A_520 : memref<1x128xi32, #tpu.memory_space<vmem>> -> memref<128xi32, #tpu.memory_space<vmem>>
      %dma_wait3A_522 = arith.constant 0 : i32
      %dma_wait3A_523 = arith.constant 0 : i32
      %dma_wait3A_524 = tpu.memref_slice %arg9[%dma_wait3A_522, %dma_wait3A_523] : memref<10240x32xf32, #tpu.memory_space<vmem_shared>> -> memref<10240x32xf32, #tpu.memory_space<vmem_shared>>
      tpu.wait_indirect_dma semaphore(%arg22 : memref<!tpu.dma_semaphore, #tpu.memory_space<semaphore_mem>>) src(%dma_wait3A_518 : memref<128x32xf32, #tpu.memory_space<vmem>>) dst(%dma_wait3A_524 : memref<10240x32xf32, #tpu.memory_space<vmem_shared>>)
      %lt3A_525 = arith.constant 9 : i32
      %lt3A_526 = arith.cmpi slt, %scan3A_185, %lt3A_525 : i32
      %convert_element_type3A_527 = arith.extui %lt3A_526 : i1 to i32
      %cond3A_528 = arith.constant 0 : i32
      %cond3A_529 = arith.cmpi ne, %convert_element_type3A_527, %cond3A_528 : i32
      scf.if %cond3A_529 {
        %add3A_530 = arith.constant 4 : i32
        %add3A_531 = arith.addi %add3A_490, %add3A_530 : i32
        %dma_start3A_532 = arith.constant 3 : i32
        %dma_start3A_533 = arith.constant 0 : i32
        %dma_start3A_534 = arith.constant 0 : i32
        %dma_start3A_535 = tpu.memref_slice %arg8[%dma_start3A_532, %dma_start3A_533, %dma_start3A_534] : memref<8x128x32xf32, #tpu.memory_space<vmem>> -> memref<1x128x32xf32, #tpu.memory_space<vmem>>
        %dma_start3A_536 = tpu.memref_squeeze %dma_start3A_535 : memref<1x128x32xf32, #tpu.memory_space<vmem>> -> memref<128x32xf32, #tpu.memory_space<vmem>>
        %dma_start3A_537 = arith.constant 0 : i32
        %dma_start3A_538 = tpu.memref_slice %arg6[%add3A_531, %dma_start3A_537] : memref<80x128xi32, #tpu.memory_space<vmem>> -> memref<1x128xi32, #tpu.memory_space<vmem>>
        %dma_start3A_539 = tpu.memref_squeeze %dma_start3A_538 : memref<1x128xi32, #tpu.memory_space<vmem>> -> memref<128xi32, #tpu.memory_space<vmem>>
        %dma_start3A_540 = arith.constant 0 : i32
        %dma_start3A_541 = arith.constant 0 : i32
        %dma_start3A_542 = tpu.memref_slice %arg10[%dma_start3A_540, %dma_start3A_541] : memref<10240x32xf32, #tpu.memory_space<vmem_shared>> -> memref<10240x32xf32, #tpu.memory_space<vmem_shared>>
        tpu.enqueue_indirect_dma source(%dma_start3A_542 : memref<10240x32xf32, #tpu.memory_space<vmem_shared>>) target(%dma_start3A_536 : memref<128x32xf32, #tpu.memory_space<vmem>>) offsets(%dma_start3A_539 : memref<128xi32, #tpu.memory_space<vmem>>) semaphore(%arg14 : memref<!tpu.dma_semaphore, #tpu.memory_space<semaphore_mem>>)
      } else {
      }
    }
    %scan3A_131 = arith.constant 10 : i32
    %dma_wait3A_132 = arith.constant 4 : i32
    %dma_wait3A_133 = arith.constant 0 : i32
    %dma_wait3A_134 = arith.constant 0 : i32
    %dma_wait3A_135 = arith.constant 0 : i32
    %dma_wait3A_136 = tpu.memref_slice %arg8[%dma_wait3A_132, %dma_wait3A_134, %dma_wait3A_135] : memref<8x128x32xf32, #tpu.memory_space<vmem>> -> memref<1x128x32xf32, #tpu.memory_space<vmem>>
    %dma_wait3A_137 = tpu.memref_squeeze %dma_wait3A_136 : memref<1x128x32xf32, #tpu.memory_space<vmem>> -> memref<128x32xf32, #tpu.memory_space<vmem>>
    %dma_wait3A_138 = arith.constant 0 : i32
    %dma_wait3A_139 = tpu.memref_slice %arg7[%dma_wait3A_133, %dma_wait3A_138] : memref<80x128xi32, #tpu.memory_space<vmem>> -> memref<1x128xi32, #tpu.memory_space<vmem>>
    %dma_wait3A_140 = tpu.memref_squeeze %dma_wait3A_139 : memref<1x128xi32, #tpu.memory_space<vmem>> -> memref<128xi32, #tpu.memory_space<vmem>>
    %dma_wait3A_141 = arith.constant 0 : i32
    %dma_wait3A_142 = arith.constant 0 : i32
    %dma_wait3A_143 = tpu.memref_slice %arg9[%dma_wait3A_141, %dma_wait3A_142] : memref<10240x32xf32, #tpu.memory_space<vmem_shared>> -> memref<10240x32xf32, #tpu.memory_space<vmem_shared>>
    tpu.wait_indirect_dma semaphore(%arg23 : memref<!tpu.dma_semaphore, #tpu.memory_space<semaphore_mem>>) src(%dma_wait3A_137 : memref<128x32xf32, #tpu.memory_space<vmem>>) dst(%dma_wait3A_143 : memref<10240x32xf32, #tpu.memory_space<vmem_shared>>)
    %dma_wait3A_144 = arith.constant 5 : i32
    %dma_wait3A_145 = arith.constant 0 : i32
    %dma_wait3A_146 = arith.constant 0 : i32
    %dma_wait3A_147 = arith.constant 0 : i32
    %dma_wait3A_148 = tpu.memref_slice %arg8[%dma_wait3A_144, %dma_wait3A_146, %dma_wait3A_147] : memref<8x128x32xf32, #tpu.memory_space<vmem>> -> memref<1x128x32xf32, #tpu.memory_space<vmem>>
    %dma_wait3A_149 = tpu.memref_squeeze %dma_wait3A_148 : memref<1x128x32xf32, #tpu.memory_space<vmem>> -> memref<128x32xf32, #tpu.memory_space<vmem>>
    %dma_wait3A_150 = arith.constant 0 : i32
    %dma_wait3A_151 = tpu.memref_slice %arg7[%dma_wait3A_145, %dma_wait3A_150] : memref<80x128xi32, #tpu.memory_space<vmem>> -> memref<1x128xi32, #tpu.memory_space<vmem>>
    %dma_wait3A_152 = tpu.memref_squeeze %dma_wait3A_151 : memref<1x128xi32, #tpu.memory_space<vmem>> -> memref<128xi32, #tpu.memory_space<vmem>>
    %dma_wait3A_153 = arith.constant 0 : i32
    %dma_wait3A_154 = arith.constant 0 : i32
    %dma_wait3A_155 = tpu.memref_slice %arg9[%dma_wait3A_153, %dma_wait3A_154] : memref<10240x32xf32, #tpu.memory_space<vmem_shared>> -> memref<10240x32xf32, #tpu.memory_space<vmem_shared>>
    tpu.wait_indirect_dma semaphore(%arg24 : memref<!tpu.dma_semaphore, #tpu.memory_space<semaphore_mem>>) src(%dma_wait3A_149 : memref<128x32xf32, #tpu.memory_space<vmem>>) dst(%dma_wait3A_155 : memref<10240x32xf32, #tpu.memory_space<vmem_shared>>)
    %dma_wait3A_156 = arith.constant 6 : i32
    %dma_wait3A_157 = arith.constant 0 : i32
    %dma_wait3A_158 = arith.constant 0 : i32
    %dma_wait3A_159 = arith.constant 0 : i32
    %dma_wait3A_160 = tpu.memref_slice %arg8[%dma_wait3A_156, %dma_wait3A_158, %dma_wait3A_159] : memref<8x128x32xf32, #tpu.memory_space<vmem>> -> memref<1x128x32xf32, #tpu.memory_space<vmem>>
    %dma_wait3A_161 = tpu.memref_squeeze %dma_wait3A_160 : memref<1x128x32xf32, #tpu.memory_space<vmem>> -> memref<128x32xf32, #tpu.memory_space<vmem>>
    %dma_wait3A_162 = arith.constant 0 : i32
    %dma_wait3A_163 = tpu.memref_slice %arg7[%dma_wait3A_157, %dma_wait3A_162] : memref<80x128xi32, #tpu.memory_space<vmem>> -> memref<1x128xi32, #tpu.memory_space<vmem>>
    %dma_wait3A_164 = tpu.memref_squeeze %dma_wait3A_163 : memref<1x128xi32, #tpu.memory_space<vmem>> -> memref<128xi32, #tpu.memory_space<vmem>>
    %dma_wait3A_165 = arith.constant 0 : i32
    %dma_wait3A_166 = arith.constant 0 : i32
    %dma_wait3A_167 = tpu.memref_slice %arg9[%dma_wait3A_165, %dma_wait3A_166] : memref<10240x32xf32, #tpu.memory_space<vmem_shared>> -> memref<10240x32xf32, #tpu.memory_space<vmem_shared>>
    tpu.wait_indirect_dma semaphore(%arg25 : memref<!tpu.dma_semaphore, #tpu.memory_space<semaphore_mem>>) src(%dma_wait3A_161 : memref<128x32xf32, #tpu.memory_space<vmem>>) dst(%dma_wait3A_167 : memref<10240x32xf32, #tpu.memory_space<vmem_shared>>)
    %dma_wait3A_168 = arith.constant 7 : i32
    %dma_wait3A_169 = arith.constant 0 : i32
    %dma_wait3A_170 = arith.constant 0 : i32
    %dma_wait3A_171 = arith.constant 0 : i32
    %dma_wait3A_172 = tpu.memref_slice %arg8[%dma_wait3A_168, %dma_wait3A_170, %dma_wait3A_171] : memref<8x128x32xf32, #tpu.memory_space<vmem>> -> memref<1x128x32xf32, #tpu.memory_space<vmem>>
    %dma_wait3A_173 = tpu.memref_squeeze %dma_wait3A_172 : memref<1x128x32xf32, #tpu.memory_space<vmem>> -> memref<128x32xf32, #tpu.memory_space<vmem>>
    %dma_wait3A_174 = arith.constant 0 : i32
    %dma_wait3A_175 = tpu.memref_slice %arg7[%dma_wait3A_169, %dma_wait3A_174] : memref<80x128xi32, #tpu.memory_space<vmem>> -> memref<1x128xi32, #tpu.memory_space<vmem>>
    %dma_wait3A_176 = tpu.memref_squeeze %dma_wait3A_175 : memref<1x128xi32, #tpu.memory_space<vmem>> -> memref<128xi32, #tpu.memory_space<vmem>>
    %dma_wait3A_177 = arith.constant 0 : i32
    %dma_wait3A_178 = arith.constant 0 : i32
    %dma_wait3A_179 = tpu.memref_slice %arg9[%dma_wait3A_177, %dma_wait3A_178] : memref<10240x32xf32, #tpu.memory_space<vmem_shared>> -> memref<10240x32xf32, #tpu.memory_space<vmem_shared>>
    tpu.wait_indirect_dma semaphore(%arg26 : memref<!tpu.dma_semaphore, #tpu.memory_space<semaphore_mem>>) src(%dma_wait3A_173 : memref<128x32xf32, #tpu.memory_space<vmem>>) dst(%dma_wait3A_179 : memref<10240x32xf32, #tpu.memory_space<vmem_shared>>)
    %barrier3A_180 = arith.constant 0 : index
    tpu.barrier barrier_id(%barrier3A_180)
    %mul3A_181 = arith.constant 640 : i32
    %mul3A_182 = arith.muli %arg1, %mul3A_181 : i32
    %mul3A_183 = arith.constant 640 : i32
    %mul3A_184 = arith.muli %arg1, %mul3A_183 : i32
    "tpu.region"() ({
      %run_scoped3A = tpu.sem_alloc : memref<!tpu.dma_semaphore, #tpu.memory_space<semaphore_mem>>
      %dma_start3A_185 = arith.constant 0 : i32
      %dma_start3A_186 = arith.constant 0 : i32
      %dma_start3A_187 = tpu.memref_slice %arg5[%arg0, %dma_start3A_185, %dma_start3A_186] : memref<2x10240x32xf32, #tpu.memory_space<hbm>> -> memref<1x10240x32xf32, #tpu.memory_space<hbm>>
      %dma_start3A_188 = tpu.memref_squeeze %dma_start3A_187 : memref<1x10240x32xf32, #tpu.memory_space<hbm>> -> memref<10240x32xf32, #tpu.memory_space<hbm>>
      %dma_start3A_189 = arith.constant 0 : i32
      %dma_start3A_190 = tpu.memref_slice %dma_start3A_188[%mul3A_184, %dma_start3A_189] : memref<10240x32xf32, #tpu.memory_space<hbm>> -> memref<640x32xf32, #tpu.memory_space<hbm>>
      %dma_start3A_191 = arith.constant 0 : i32
      %dma_start3A_192 = tpu.memref_slice %arg9[%mul3A_182, %dma_start3A_191] : memref<10240x32xf32, #tpu.memory_space<vmem_shared>> -> memref<640x32xf32, #tpu.memory_space<vmem_shared>>
      tpu.enqueue_dma source(%dma_start3A_192 : memref<640x32xf32, #tpu.memory_space<vmem_shared>>) target(%dma_start3A_190 : memref<640x32xf32, #tpu.memory_space<hbm>>) target_semaphore(%run_scoped3A : memref<!tpu.dma_semaphore, #tpu.memory_space<semaphore_mem>>)
      %dma_wait3A_193 = arith.constant 0 : i32
      %dma_wait3A_194 = arith.constant 0 : i32
      %dma_wait3A_195 = tpu.memref_slice %arg5[%arg0, %dma_wait3A_193, %dma_wait3A_194] : memref<2x10240x32xf32, #tpu.memory_space<hbm>> -> memref<1x10240x32xf32, #tpu.memory_space<hbm>>
      %dma_wait3A_196 = tpu.memref_squeeze %dma_wait3A_195 : memref<1x10240x32xf32, #tpu.memory_space<hbm>> -> memref<10240x32xf32, #tpu.memory_space<hbm>>
      %dma_wait3A_197 = arith.constant 0 : i32
      %dma_wait3A_198 = tpu.memref_slice %dma_wait3A_196[%mul3A_184, %dma_wait3A_197] : memref<10240x32xf32, #tpu.memory_space<hbm>> -> memref<640x32xf32, #tpu.memory_space<hbm>>
      %dma_wait3A_199 = arith.constant 0 : i32
      %dma_wait3A_200 = tpu.memref_slice %arg9[%mul3A_182, %dma_wait3A_199] : memref<10240x32xf32, #tpu.memory_space<vmem_shared>> -> memref<640x32xf32, #tpu.memory_space<vmem_shared>>
      tpu.wait_dma2 semaphore(%run_scoped3A : memref<!tpu.dma_semaphore, #tpu.memory_space<semaphore_mem>>) src(%dma_wait3A_200 : memref<640x32xf32, #tpu.memory_space<vmem_shared>>) dst(%dma_wait3A_198 : memref<640x32xf32, #tpu.memory_space<hbm>>)
      tpu.yield
    }) : () -> ()
    return
  }
}

module attributes {stable_mosaic.version = 14 : i64} {
  func.func @_tc1_body(%arg0: i32, %arg1: memref<2x128x128xf32, #tpu.memory_space<vmem>>, %arg2: memref<512x512xf32, #tpu.memory_space<vmem>>, %arg3: memref<512x128xf32, #tpu.memory_space<vmem>>, %arg4: memref<512x128xf32, #tpu.memory_space<vmem>>, %arg5: memref<512x128xf32, #tpu.memory_space<vmem>>, %arg6: memref<512x128xf32, #tpu.memory_space<vmem>>, %arg7: memref<512x128xf32, #tpu.memory_space<vmem>>) attributes {dimension_semantics = [#tpu.dimension_semantics<arbitrary>], iteration_bounds = array<i64: 5>, scalar_prefetch = 0 : i64, scratch_operands = 0 : i64, tpu.core_type = #tpu.core_type<tc>, window_params = [{transform_indices = @transform_0, window_bounds = array<i64: 2, 128, 128>}, {transform_indices = @transform_1, window_bounds = array<i64: 512, 512>}, {pipeline_mode = #tpu.pipeline_mode<synchronous>, transform_indices = @transform_2, window_bounds = array<i64: 512, 128>}, {pipeline_mode = #tpu.pipeline_mode<synchronous>, transform_indices = @transform_3, window_bounds = array<i64: 512, 128>}, {pipeline_mode = #tpu.pipeline_mode<synchronous>, transform_indices = @transform_4, window_bounds = array<i64: 512, 128>}, {transform_indices = @transform_5, window_bounds = array<i64: 512, 128>}, {transform_indices = @transform_6, window_bounds = array<i64: 512, 128>}]} {
    %get3A = arith.constant 0 : index
    %get3A_0 = arith.constant 0 : index
    %get3A_1 = arith.constant 0 : index
    %get3A_2 = vector.load %arg1[%get3A, %get3A_0, %get3A_1] : memref<2x128x128xf32, #tpu.memory_space<vmem>>, vector<1x128x128xf32>
    %get3A_3 = vector.shape_cast %get3A_2 : vector<1x128x128xf32> to vector<128x128xf32>
    %get3A_4 = arith.constant 1 : index
    %get3A_5 = arith.constant 0 : index
    %get3A_6 = arith.constant 0 : index
    %get3A_7 = vector.load %arg1[%get3A_4, %get3A_5, %get3A_6] : memref<2x128x128xf32, #tpu.memory_space<vmem>>, vector<1x128x128xf32>
    %get3A_8 = vector.shape_cast %get3A_7 : vector<1x128x128xf32> to vector<128x128xf32>
    %add3A = arith.addf %get3A_3, %get3A_8 : vector<128x128xf32>
    %get3A_9 = arith.constant 0 : index
    %get3A_10 = arith.constant 0 : index
    %get3A_11 = vector.load %arg4[%get3A_9, %get3A_10] : memref<512x128xf32, #tpu.memory_space<vmem>>, vector<512x128xf32>
    %dot_general3A = arith.constant dense<0.000000e+00> : vector<512x128xf32>
    %dot_general3A_12 = tpu.matmul %get3A_11, %add3A, %dot_general3A {dimension_numbers = #tpu.dot_dimension_numbers<[1], [0], [0], [1], [0, 0, 1, 1], [], []>, transpose_lhs_hint = false} : vector<512x128xf32>, vector<128x128xf32>, vector<512x128xf32> -> vector<512x128xf32>
    %iota3A = tpu.iota {dimensions = array<i32: 0>} : vector<512x1xi32>
    %jit3A = arith.constant 4 : i32
    %eq3A = arith.constant 0 : i32
    %eq3A_13 = arith.cmpi eq, %jit3A, %eq3A : i32
    %jit3A_14 = arith.constant 1 : i32
    %select_n3A = arith.select %eq3A_13, %jit3A_14, %jit3A : i32
    %rem3A = vector.broadcast %select_n3A : i32 to vector<512x1xi32>
    %rem3A_15 = arith.remsi %iota3A, %rem3A : vector<512x1xi32>
    %ne3A = arith.constant 0 : i32
    %ne3A_16 = vector.broadcast %ne3A : i32 to vector<512x1xi32>
    %ne3A_17 = arith.cmpi ne, %rem3A_15, %ne3A_16 : vector<512x1xi32>
    %lt3A = arith.constant 0 : i32
    %lt3A_18 = vector.broadcast %lt3A : i32 to vector<512x1xi32>
    %lt3A_19 = arith.cmpi slt, %rem3A_15, %lt3A_18 : vector<512x1xi32>
    %lt3A_20 = arith.constant 0 : i32
    %lt3A_21 = arith.cmpi slt, %select_n3A, %lt3A_20 : i32
    %ne3A_22 = vector.broadcast %lt3A_21 : i1 to vector<512x1xi1>
    %ne3A_23 = vector.broadcast %ne3A_22 : vector<512x1xi1> to vector<512x1xi1>
    %ne3A_24 = arith.xori %lt3A_19, %ne3A_23 : vector<512x1xi1>
    %and3A = arith.andi %ne3A_24, %ne3A_17 : vector<512x1xi1>
    %add3A_25 = vector.broadcast %select_n3A : i32 to vector<512x1xi32>
    %add3A_26 = arith.addi %rem3A_15, %add3A_25 : vector<512x1xi32>
    %select_n3A_27 = arith.select %and3A, %add3A_26, %rem3A_15 : vector<512x1xi1>, vector<512x1xi32>
    %broadcast_in_dim3A = arith.constant 0.000000e+00 : f32
    %broadcast_in_dim3A_28 = vector.broadcast %broadcast_in_dim3A : f32 to vector<512x128xf32>
    %get3A_29 = arith.constant 0 : index
    %get3A_30 = arith.constant 0 : index
    %get3A_31 = vector.load %arg5[%get3A_29, %get3A_30] : memref<512x128xf32, #tpu.memory_space<vmem>>, vector<128x128xf32>
    %eq3A_32 = arith.constant 0 : i32
    %eq3A_33 = vector.broadcast %eq3A_32 : i32 to vector<512x1xi32>
    %eq3A_34 = arith.cmpi eq, %select_n3A_27, %eq3A_33 : vector<512x1xi32>
    %dot_general3A_35 = arith.constant dense<0.000000e+00> : vector<512x128xf32>
    %dot_general3A_36 = tpu.matmul %dot_general3A_12, %get3A_31, %dot_general3A_35 {dimension_numbers = #tpu.dot_dimension_numbers<[1], [0], [0], [1], [0, 0, 1, 1], [], []>, transpose_lhs_hint = false} : vector<512x128xf32>, vector<128x128xf32>, vector<512x128xf32> -> vector<512x128xf32>
    %jit3A_37 = arith.constant 0.000000e+00 : f32
    %broadcast_in_dim3A_38 = vector.shape_cast %eq3A_34 : vector<512x1xi1> to vector<512x1xi1>
    %broadcast_in_dim3A_39 = vector.broadcast %broadcast_in_dim3A_38 : vector<512x1xi1> to vector<512x128xi1>
    %broadcast_in_dim3A_40 = vector.broadcast %jit3A_37 : f32 to vector<512x128xf32>
    %select_n3A_41 = arith.select %broadcast_in_dim3A_39, %dot_general3A_36, %broadcast_in_dim3A_40 : vector<512x128xi1>, vector<512x128xf32>
    %add3A_42 = arith.addf %broadcast_in_dim3A_28, %select_n3A_41 : vector<512x128xf32>
    %get3A_43 = arith.constant 128 : index
    %get3A_44 = arith.constant 0 : index
    %get3A_45 = vector.load %arg5[%get3A_43, %get3A_44] : memref<512x128xf32, #tpu.memory_space<vmem>>, vector<128x128xf32>
    %eq3A_46 = arith.constant 1 : i32
    %eq3A_47 = vector.broadcast %eq3A_46 : i32 to vector<512x1xi32>
    %eq3A_48 = arith.cmpi eq, %select_n3A_27, %eq3A_47 : vector<512x1xi32>
    %dot_general3A_49 = arith.constant dense<0.000000e+00> : vector<512x128xf32>
    %dot_general3A_50 = tpu.matmul %dot_general3A_12, %get3A_45, %dot_general3A_49 {dimension_numbers = #tpu.dot_dimension_numbers<[1], [0], [0], [1], [0, 0, 1, 1], [], []>, transpose_lhs_hint = false} : vector<512x128xf32>, vector<128x128xf32>, vector<512x128xf32> -> vector<512x128xf32>
    %jit3A_51 = arith.constant 0.000000e+00 : f32
    %broadcast_in_dim3A_52 = vector.shape_cast %eq3A_48 : vector<512x1xi1> to vector<512x1xi1>
    %broadcast_in_dim3A_53 = vector.broadcast %broadcast_in_dim3A_52 : vector<512x1xi1> to vector<512x128xi1>
    %broadcast_in_dim3A_54 = vector.broadcast %jit3A_51 : f32 to vector<512x128xf32>
    %select_n3A_55 = arith.select %broadcast_in_dim3A_53, %dot_general3A_50, %broadcast_in_dim3A_54 : vector<512x128xi1>, vector<512x128xf32>
    %add3A_56 = arith.addf %add3A_42, %select_n3A_55 : vector<512x128xf32>
    %get3A_57 = arith.constant 256 : index
    %get3A_58 = arith.constant 0 : index
    %get3A_59 = vector.load %arg5[%get3A_57, %get3A_58] : memref<512x128xf32, #tpu.memory_space<vmem>>, vector<128x128xf32>
    %eq3A_60 = arith.constant 2 : i32
    %eq3A_61 = vector.broadcast %eq3A_60 : i32 to vector<512x1xi32>
    %eq3A_62 = arith.cmpi eq, %select_n3A_27, %eq3A_61 : vector<512x1xi32>
    %dot_general3A_63 = arith.constant dense<0.000000e+00> : vector<512x128xf32>
    %dot_general3A_64 = tpu.matmul %dot_general3A_12, %get3A_59, %dot_general3A_63 {dimension_numbers = #tpu.dot_dimension_numbers<[1], [0], [0], [1], [0, 0, 1, 1], [], []>, transpose_lhs_hint = false} : vector<512x128xf32>, vector<128x128xf32>, vector<512x128xf32> -> vector<512x128xf32>
    %jit3A_65 = arith.constant 0.000000e+00 : f32
    %broadcast_in_dim3A_66 = vector.shape_cast %eq3A_62 : vector<512x1xi1> to vector<512x1xi1>
    %broadcast_in_dim3A_67 = vector.broadcast %broadcast_in_dim3A_66 : vector<512x1xi1> to vector<512x128xi1>
    %broadcast_in_dim3A_68 = vector.broadcast %jit3A_65 : f32 to vector<512x128xf32>
    %select_n3A_69 = arith.select %broadcast_in_dim3A_67, %dot_general3A_64, %broadcast_in_dim3A_68 : vector<512x128xi1>, vector<512x128xf32>
    %add3A_70 = arith.addf %add3A_56, %select_n3A_69 : vector<512x128xf32>
    %get3A_71 = arith.constant 384 : index
    %get3A_72 = arith.constant 0 : index
    %get3A_73 = vector.load %arg5[%get3A_71, %get3A_72] : memref<512x128xf32, #tpu.memory_space<vmem>>, vector<128x128xf32>
    %eq3A_74 = arith.constant 3 : i32
    %eq3A_75 = vector.broadcast %eq3A_74 : i32 to vector<512x1xi32>
    %eq3A_76 = arith.cmpi eq, %select_n3A_27, %eq3A_75 : vector<512x1xi32>
    %dot_general3A_77 = arith.constant dense<0.000000e+00> : vector<512x128xf32>
    %dot_general3A_78 = tpu.matmul %dot_general3A_12, %get3A_73, %dot_general3A_77 {dimension_numbers = #tpu.dot_dimension_numbers<[1], [0], [0], [1], [0, 0, 1, 1], [], []>, transpose_lhs_hint = false} : vector<512x128xf32>, vector<128x128xf32>, vector<512x128xf32> -> vector<512x128xf32>
    %jit3A_79 = arith.constant 0.000000e+00 : f32
    %broadcast_in_dim3A_80 = vector.shape_cast %eq3A_76 : vector<512x1xi1> to vector<512x1xi1>
    %broadcast_in_dim3A_81 = vector.broadcast %broadcast_in_dim3A_80 : vector<512x1xi1> to vector<512x128xi1>
    %broadcast_in_dim3A_82 = vector.broadcast %jit3A_79 : f32 to vector<512x128xf32>
    %select_n3A_83 = arith.select %broadcast_in_dim3A_81, %dot_general3A_78, %broadcast_in_dim3A_82 : vector<512x128xi1>, vector<512x128xf32>
    %add3A_84 = arith.addf %add3A_70, %select_n3A_83 : vector<512x128xf32>
    %add3A_85 = arith.constant 1.000000e+00 : f32
    %add3A_86 = vector.broadcast %add3A_85 : f32 to vector<512x128xf32>
    %add3A_87 = arith.addf %add3A_84, %add3A_86 : vector<512x128xf32>
    %rsqrt3A = math.rsqrt %add3A_87 : vector<512x128xf32>
    %swap3A = arith.constant 0 : index
    %swap3A_88 = arith.constant 0 : index
    %swap3A_89 = vector.load %arg7[%swap3A, %swap3A_88] : memref<512x128xf32, #tpu.memory_space<vmem>>, vector<512x128xf32>
    tpu.vector_store %arg7[%swap3A, %swap3A_88], %rsqrt3A {strides = array<i32>} : memref<512x128xf32, #tpu.memory_space<vmem>>, vector<512x128xf32>,
    %get3A_90 = arith.constant 0 : index
    %get3A_91 = arith.constant 0 : index
    %get3A_92 = vector.load %arg2[%get3A_90, %get3A_91] : memref<512x512xf32, #tpu.memory_space<vmem>>, vector<512x512xf32>
    %get3A_93 = arith.constant 0 : index
    %get3A_94 = arith.constant 0 : index
    %get3A_95 = vector.load %arg3[%get3A_93, %get3A_94] : memref<512x128xf32, #tpu.memory_space<vmem>>, vector<512x128xf32>
    %dot_general3A_96 = arith.constant dense<0.000000e+00> : vector<512x128xf32>
    %dot_general3A_97 = tpu.matmul %get3A_92, %get3A_95, %dot_general3A_96 {dimension_numbers = #tpu.dot_dimension_numbers<[1], [0], [0], [1], [0, 0, 1, 1], [], []>, transpose_lhs_hint = false} : vector<512x512xf32>, vector<512x128xf32>, vector<512x128xf32> -> vector<512x128xf32>
    %mul3A = arith.mulf %dot_general3A_97, %rsqrt3A : vector<512x128xf32>
    %swap3A_98 = arith.constant 0 : index
    %swap3A_99 = arith.constant 0 : index
    %swap3A_100 = vector.load %arg6[%swap3A_98, %swap3A_99] : memref<512x128xf32, #tpu.memory_space<vmem>>, vector<512x128xf32>
    tpu.vector_store %arg6[%swap3A_98, %swap3A_99], %mul3A {strides = array<i32>} : memref<512x128xf32, #tpu.memory_space<vmem>>, vector<512x128xf32>,
    return
  }
  func.func @transform_0(%arg0: i32) -> (i32, i32, i32) {
    %c0_i32 = arith.constant 0 : i32
    %c0_i32_0 = arith.constant 0 : i32
    %c0_i32_1 = arith.constant 0 : i32
    return %c0_i32, %arg0, %c0_i32_0 : i32, i32, i32
  }
  func.func @transform_1(%arg0: i32) -> (i32, i32) {
    %c0_i32 = arith.constant 0 : i32
    %c0_i32_0 = arith.constant 0 : i32
    return %arg0, %c0_i32 : i32, i32
  }
  func.func @transform_2(%arg0: i32) -> (i32, i32) {
    %c0_i32 = arith.constant 0 : i32
    %c0_i32_0 = arith.constant 0 : i32
    %c0_i32_1 = arith.constant 0 : i32
    return %c0_i32, %c0_i32_0 : i32, i32
  }
  func.func @transform_3(%arg0: i32) -> (i32, i32) {
    %c0_i32 = arith.constant 0 : i32
    %c0_i32_0 = arith.constant 0 : i32
    %c0_i32_1 = arith.constant 0 : i32
    return %c0_i32, %c0_i32_0 : i32, i32
  }
  func.func @transform_4(%arg0: i32) -> (i32, i32) {
    %c0_i32 = arith.constant 0 : i32
    %c0_i32_0 = arith.constant 0 : i32
    %c0_i32_1 = arith.constant 0 : i32
    return %c0_i32, %c0_i32_0 : i32, i32
  }
  func.func @transform_5(%arg0: i32) -> (i32, i32) {
    %c0_i32 = arith.constant 0 : i32
    %c0_i32_0 = arith.constant 0 : i32
    return %arg0, %c0_i32 : i32, i32
  }
  func.func @transform_6(%arg0: i32) -> (i32, i32) {
    %c0_i32 = arith.constant 0 : i32
    %c0_i32_0 = arith.constant 0 : i32
    return %arg0, %c0_i32 : i32, i32
  }
}

module attributes {stable_mosaic.version = 14 : i64} {
  func.func @_tc_final_body(%arg0: i32, %arg1: memref<2x512x128xf32, #tpu.memory_space<vmem>>, %arg2: memref<512x128xf32, #tpu.memory_space<vmem>>, %arg3: memref<512x128xf32, #tpu.memory_space<vmem>>, %arg4: memref<1x128xf32, #tpu.memory_space<vmem>>, %arg5: memref<512x128xf32, #tpu.memory_space<vmem>>, %arg6: memref<512x128xf32, #tpu.memory_space<vmem>>, %arg7: memref<128x128xf32, #tpu.memory_space<vmem>>, %arg8: memref<128x128xf32, #tpu.memory_space<vmem>>, %arg9: memref<128x128xf32, #tpu.memory_space<vmem>>, %arg10: memref<1x128xf32, #tpu.memory_space<vmem>>, %arg11: memref<128x128xf32, #tpu.memory_space<vmem>>, %arg12: memref<512x128xf32, #tpu.memory_space<vmem>>) attributes {dimension_semantics = [#tpu.dimension_semantics<arbitrary>], iteration_bounds = array<i64: 5>, scalar_prefetch = 0 : i64, scratch_operands = 0 : i64, tpu.core_type = #tpu.core_type<tc>, window_params = [{transform_indices = @transform_0, window_bounds = array<i64: 2, 512, 128>}, {transform_indices = @transform_1, window_bounds = array<i64: 512, 128>}, {transform_indices = @transform_2, window_bounds = array<i64: 512, 128>}, {pipeline_mode = #tpu.pipeline_mode<synchronous>, transform_indices = @transform_3, window_bounds = array<i64: 1, 128>}, {transform_indices = @transform_4, window_bounds = array<i64: 512, 128>}, {transform_indices = @transform_5, window_bounds = array<i64: 512, 128>}, {pipeline_mode = #tpu.pipeline_mode<synchronous>, transform_indices = @transform_6, window_bounds = array<i64: 128, 128>}, {pipeline_mode = #tpu.pipeline_mode<synchronous>, transform_indices = @transform_7, window_bounds = array<i64: 128, 128>}, {pipeline_mode = #tpu.pipeline_mode<synchronous>, transform_indices = @transform_8, window_bounds = array<i64: 128, 128>}, {pipeline_mode = #tpu.pipeline_mode<synchronous>, transform_indices = @transform_9, window_bounds = array<i64: 1, 128>}, {pipeline_mode = #tpu.pipeline_mode<synchronous>, transform_indices = @transform_10, window_bounds = array<i64: 128, 128>}, {transform_indices = @transform_11, window_bounds = array<i64: 512, 128>}]} {
    %get3A = arith.constant 0 : index
    %get3A_0 = arith.constant 0 : index
    %get3A_1 = vector.load %arg3[%get3A, %get3A_0] : memref<512x128xf32, #tpu.memory_space<vmem>>, vector<512x128xf32>
    %get3A_2 = arith.constant 0 : index
    %get3A_3 = arith.constant 0 : index
    %get3A_4 = arith.constant 0 : index
    %get3A_5 = vector.load %arg1[%get3A_2, %get3A_3, %get3A_4] : memref<2x512x128xf32, #tpu.memory_space<vmem>>, vector<1x512x128xf32>
    %get3A_6 = vector.shape_cast %get3A_5 : vector<1x512x128xf32> to vector<512x128xf32>
    %get3A_7 = arith.constant 1 : index
    %get3A_8 = arith.constant 0 : index
    %get3A_9 = arith.constant 0 : index
    %get3A_10 = vector.load %arg1[%get3A_7, %get3A_8, %get3A_9] : memref<2x512x128xf32, #tpu.memory_space<vmem>>, vector<1x512x128xf32>
    %get3A_11 = vector.shape_cast %get3A_10 : vector<1x512x128xf32> to vector<512x128xf32>
    %add3A = arith.addf %get3A_6, %get3A_11 : vector<512x128xf32>
    %get3A_12 = arith.constant 0 : index
    %get3A_13 = arith.constant 0 : index
    %get3A_14 = vector.load %arg2[%get3A_12, %get3A_13] : memref<512x128xf32, #tpu.memory_space<vmem>>, vector<512x128xf32>
    %add3A_15 = arith.addf %add3A, %get3A_14 : vector<512x128xf32>
    %mul3A = arith.mulf %add3A_15, %get3A_1 : vector<512x128xf32>
    %get3A_16 = arith.constant 0 : index
    %get3A_17 = arith.constant 0 : index
    %get3A_18 = vector.load %arg4[%get3A_16, %get3A_17] : memref<1x128xf32, #tpu.memory_space<vmem>>, vector<1x128xf32>
    %add3A_19 = vector.broadcast %get3A_18 : vector<1x128xf32> to vector<512x128xf32>
    %add3A_20 = arith.addf %mul3A, %add3A_19 : vector<512x128xf32>
    %mul3A_21 = arith.mulf %add3A_20, %add3A_20 : vector<512x128xf32>
    %get3A_22 = arith.constant 0 : index
    %get3A_23 = arith.constant 0 : index
    %get3A_24 = vector.load %arg11[%get3A_22, %get3A_23] : memref<128x128xf32, #tpu.memory_space<vmem>>, vector<128x128xf32>
    %dot_general3A = arith.constant dense<0.000000e+00> : vector<512x128xf32>
    %dot_general3A_25 = tpu.matmul %mul3A_21, %get3A_24, %dot_general3A {dimension_numbers = #tpu.dot_dimension_numbers<[1], [0], [0], [1], [0, 0, 1, 1], [], []>, transpose_lhs_hint = false} : vector<512x128xf32>, vector<128x128xf32>, vector<512x128xf32> -> vector<512x128xf32>
    %sqrt3A = math.sqrt %dot_general3A_25 : vector<512x128xf32>
    %max3A = arith.constant 9.99999996E-13 : f32
    %max3A_26 = vector.broadcast %max3A : f32 to vector<512x128xf32>
    %max3A_27 = arith.maximumf %sqrt3A, %max3A_26 : vector<512x128xf32>
    %div3A = arith.divf %add3A_20, %max3A_27 : vector<512x128xf32>
    %max3A_28 = arith.constant 0.000000e+00 : f32
    %max3A_29 = vector.broadcast %max3A_28 : f32 to vector<512x128xf32>
    %max3A_30 = arith.maximumf %div3A, %max3A_29 : vector<512x128xf32>
    %get3A_31 = arith.constant 0 : index
    %get3A_32 = arith.constant 0 : index
    %get3A_33 = vector.load %arg5[%get3A_31, %get3A_32] : memref<512x128xf32, #tpu.memory_space<vmem>>, vector<512x128xf32>
    %get3A_34 = arith.constant 0 : index
    %get3A_35 = arith.constant 0 : index
    %get3A_36 = vector.load %arg7[%get3A_34, %get3A_35] : memref<128x128xf32, #tpu.memory_space<vmem>>, vector<128x128xf32>
    %dot_general3A_37 = arith.constant dense<0.000000e+00> : vector<512x128xf32>
    %dot_general3A_38 = tpu.matmul %get3A_33, %get3A_36, %dot_general3A_37 {dimension_numbers = #tpu.dot_dimension_numbers<[1], [0], [0], [1], [0, 0, 1, 1], [], []>, transpose_lhs_hint = false} : vector<512x128xf32>, vector<128x128xf32>, vector<512x128xf32> -> vector<512x128xf32>
    %get3A_39 = arith.constant 0 : index
    %get3A_40 = arith.constant 0 : index
    %get3A_41 = vector.load %arg6[%get3A_39, %get3A_40] : memref<512x128xf32, #tpu.memory_space<vmem>>, vector<512x128xf32>
    %get3A_42 = arith.constant 0 : index
    %get3A_43 = arith.constant 0 : index
    %get3A_44 = vector.load %arg8[%get3A_42, %get3A_43] : memref<128x128xf32, #tpu.memory_space<vmem>>, vector<128x128xf32>
    %dot_general3A_45 = arith.constant dense<0.000000e+00> : vector<512x128xf32>
    %dot_general3A_46 = tpu.matmul %get3A_41, %get3A_44, %dot_general3A_45 {dimension_numbers = #tpu.dot_dimension_numbers<[1], [0], [0], [1], [0, 0, 1, 1], [], []>, transpose_lhs_hint = false} : vector<512x128xf32>, vector<128x128xf32>, vector<512x128xf32> -> vector<512x128xf32>
    %add3A_47 = arith.addf %dot_general3A_38, %dot_general3A_46 : vector<512x128xf32>
    %get3A_48 = arith.constant 0 : index
    %get3A_49 = arith.constant 0 : index
    %get3A_50 = vector.load %arg9[%get3A_48, %get3A_49] : memref<128x128xf32, #tpu.memory_space<vmem>>, vector<128x128xf32>
    %dot_general3A_51 = arith.constant dense<0.000000e+00> : vector<512x128xf32>
    %dot_general3A_52 = tpu.matmul %max3A_30, %get3A_50, %dot_general3A_51 {dimension_numbers = #tpu.dot_dimension_numbers<[1], [0], [0], [1], [0, 0, 1, 1], [], []>, transpose_lhs_hint = false} : vector<512x128xf32>, vector<128x128xf32>, vector<512x128xf32> -> vector<512x128xf32>
    %add3A_53 = arith.addf %add3A_47, %dot_general3A_52 : vector<512x128xf32>
    %get3A_54 = arith.constant 0 : index
    %get3A_55 = arith.constant 0 : index
    %get3A_56 = vector.load %arg10[%get3A_54, %get3A_55] : memref<1x128xf32, #tpu.memory_space<vmem>>, vector<1x128xf32>
    %add3A_57 = vector.broadcast %get3A_56 : vector<1x128xf32> to vector<512x128xf32>
    %add3A_58 = arith.addf %add3A_53, %add3A_57 : vector<512x128xf32>
    %swap3A = arith.constant 0 : index
    %swap3A_59 = arith.constant 0 : index
    %swap3A_60 = vector.load %arg12[%swap3A, %swap3A_59] : memref<512x128xf32, #tpu.memory_space<vmem>>, vector<512x128xf32>
    tpu.vector_store %arg12[%swap3A, %swap3A_59], %add3A_58 {strides = array<i32>} : memref<512x128xf32, #tpu.memory_space<vmem>>, vector<512x128xf32>,
    return
  }
  func.func @transform_0(%arg0: i32) -> (i32, i32, i32) {
    %c0_i32 = arith.constant 0 : i32
    %c0_i32_0 = arith.constant 0 : i32
    %c0_i32_1 = arith.constant 0 : i32
    return %c0_i32, %arg0, %c0_i32_0 : i32, i32, i32
  }
  func.func @transform_1(%arg0: i32) -> (i32, i32) {
    %c0_i32 = arith.constant 0 : i32
    %c0_i32_0 = arith.constant 0 : i32
    return %arg0, %c0_i32 : i32, i32
  }
  func.func @transform_2(%arg0: i32) -> (i32, i32) {
    %c0_i32 = arith.constant 0 : i32
    %c0_i32_0 = arith.constant 0 : i32
    return %arg0, %c0_i32 : i32, i32
  }
  func.func @transform_3(%arg0: i32) -> (i32, i32) {
    %c0_i32 = arith.constant 0 : i32
    %c0_i32_0 = arith.constant 0 : i32
    %c0_i32_1 = arith.constant 0 : i32
    return %c0_i32, %c0_i32_0 : i32, i32
  }
  func.func @transform_4(%arg0: i32) -> (i32, i32) {
    %c0_i32 = arith.constant 0 : i32
    %c0_i32_0 = arith.constant 0 : i32
    return %arg0, %c0_i32 : i32, i32
  }
  func.func @transform_5(%arg0: i32) -> (i32, i32) {
    %c0_i32 = arith.constant 0 : i32
    %c0_i32_0 = arith.constant 0 : i32
    return %arg0, %c0_i32 : i32, i32
  }
  func.func @transform_6(%arg0: i32) -> (i32, i32) {
    %c0_i32 = arith.constant 0 : i32
    %c0_i32_0 = arith.constant 0 : i32
    %c0_i32_1 = arith.constant 0 : i32
    return %c0_i32, %c0_i32_0 : i32, i32
  }
  func.func @transform_7(%arg0: i32) -> (i32, i32) {
    %c0_i32 = arith.constant 0 : i32
    %c0_i32_0 = arith.constant 0 : i32
    %c0_i32_1 = arith.constant 0 : i32
    return %c0_i32, %c0_i32_0 : i32, i32
  }
  func.func @transform_8(%arg0: i32) -> (i32, i32) {
    %c0_i32 = arith.constant 0 : i32
    %c0_i32_0 = arith.constant 0 : i32
    %c0_i32_1 = arith.constant 0 : i32
    return %c0_i32, %c0_i32_0 : i32, i32
  }
  func.func @transform_9(%arg0: i32) -> (i32, i32) {
    %c0_i32 = arith.constant 0 : i32
    %c0_i32_0 = arith.constant 0 : i32
    %c0_i32_1 = arith.constant 0 : i32
    return %c0_i32, %c0_i32_0 : i32, i32
  }
  func.func @transform_10(%arg0: i32) -> (i32, i32) {
    %c0_i32 = arith.constant 0 : i32
    %c0_i32_0 = arith.constant 0 : i32
    %c0_i32_1 = arith.constant 0 : i32
    return %c0_i32, %c0_i32_0 : i32, i32
  }
  func.func @transform_11(%arg0: i32) -> (i32, i32) {
    %c0_i32 = arith.constant 0 : i32
    %c0_i32_0 = arith.constant 0 : i32
    return %arg0, %c0_i32 : i32, i32
  }
}

module attributes {stable_mosaic.version = 14 : i64} {
  func.func @_tc_layer_body(%arg0: i32, %arg1: memref<2x512x128xf32, #tpu.memory_space<vmem>>, %arg2: memref<512x128xf32, #tpu.memory_space<vmem>>, %arg3: memref<512x128xf32, #tpu.memory_space<vmem>>, %arg4: memref<1x128xf32, #tpu.memory_space<vmem>>, %arg5: memref<128x128xf32, #tpu.memory_space<vmem>>, %arg6: memref<128x128xf32, #tpu.memory_space<vmem>>, %arg7: memref<512x128xf32, #tpu.memory_space<vmem>>, %arg8: memref<512x128xf32, #tpu.memory_space<vmem>>) attributes {dimension_semantics = [#tpu.dimension_semantics<arbitrary>], iteration_bounds = array<i64: 5>, scalar_prefetch = 0 : i64, scratch_operands = 0 : i64, tpu.core_type = #tpu.core_type<tc>, window_params = [{transform_indices = @transform_0, window_bounds = array<i64: 2, 512, 128>}, {transform_indices = @transform_1, window_bounds = array<i64: 512, 128>}, {transform_indices = @transform_2, window_bounds = array<i64: 512, 128>}, {pipeline_mode = #tpu.pipeline_mode<synchronous>, transform_indices = @transform_3, window_bounds = array<i64: 1, 128>}, {pipeline_mode = #tpu.pipeline_mode<synchronous>, transform_indices = @transform_4, window_bounds = array<i64: 128, 128>}, {pipeline_mode = #tpu.pipeline_mode<synchronous>, transform_indices = @transform_5, window_bounds = array<i64: 128, 128>}, {transform_indices = @transform_6, window_bounds = array<i64: 512, 128>}, {transform_indices = @transform_7, window_bounds = array<i64: 512, 128>}]} {
    %get3A = arith.constant 0 : index
    %get3A_0 = arith.constant 0 : index
    %get3A_1 = vector.load %arg3[%get3A, %get3A_0] : memref<512x128xf32, #tpu.memory_space<vmem>>, vector<512x128xf32>
    %get3A_2 = arith.constant 0 : index
    %get3A_3 = arith.constant 0 : index
    %get3A_4 = arith.constant 0 : index
    %get3A_5 = vector.load %arg1[%get3A_2, %get3A_3, %get3A_4] : memref<2x512x128xf32, #tpu.memory_space<vmem>>, vector<1x512x128xf32>
    %get3A_6 = vector.shape_cast %get3A_5 : vector<1x512x128xf32> to vector<512x128xf32>
    %get3A_7 = arith.constant 1 : index
    %get3A_8 = arith.constant 0 : index
    %get3A_9 = arith.constant 0 : index
    %get3A_10 = vector.load %arg1[%get3A_7, %get3A_8, %get3A_9] : memref<2x512x128xf32, #tpu.memory_space<vmem>>, vector<1x512x128xf32>
    %get3A_11 = vector.shape_cast %get3A_10 : vector<1x512x128xf32> to vector<512x128xf32>
    %add3A = arith.addf %get3A_6, %get3A_11 : vector<512x128xf32>
    %get3A_12 = arith.constant 0 : index
    %get3A_13 = arith.constant 0 : index
    %get3A_14 = vector.load %arg2[%get3A_12, %get3A_13] : memref<512x128xf32, #tpu.memory_space<vmem>>, vector<512x128xf32>
    %add3A_15 = arith.addf %add3A, %get3A_14 : vector<512x128xf32>
    %mul3A = arith.mulf %add3A_15, %get3A_1 : vector<512x128xf32>
    %get3A_16 = arith.constant 0 : index
    %get3A_17 = arith.constant 0 : index
    %get3A_18 = vector.load %arg4[%get3A_16, %get3A_17] : memref<1x128xf32, #tpu.memory_space<vmem>>, vector<1x128xf32>
    %add3A_19 = vector.broadcast %get3A_18 : vector<1x128xf32> to vector<512x128xf32>
    %add3A_20 = arith.addf %mul3A, %add3A_19 : vector<512x128xf32>
    %mul3A_21 = arith.mulf %add3A_20, %add3A_20 : vector<512x128xf32>
    %get3A_22 = arith.constant 0 : index
    %get3A_23 = arith.constant 0 : index
    %get3A_24 = vector.load %arg6[%get3A_22, %get3A_23] : memref<128x128xf32, #tpu.memory_space<vmem>>, vector<128x128xf32>
    %dot_general3A = arith.constant dense<0.000000e+00> : vector<512x128xf32>
    %dot_general3A_25 = tpu.matmul %mul3A_21, %get3A_24, %dot_general3A {dimension_numbers = #tpu.dot_dimension_numbers<[1], [0], [0], [1], [0, 0, 1, 1], [], []>, transpose_lhs_hint = false} : vector<512x128xf32>, vector<128x128xf32>, vector<512x128xf32> -> vector<512x128xf32>
    %sqrt3A = math.sqrt %dot_general3A_25 : vector<512x128xf32>
    %max3A = arith.constant 9.99999996E-13 : f32
    %max3A_26 = vector.broadcast %max3A : f32 to vector<512x128xf32>
    %max3A_27 = arith.maximumf %sqrt3A, %max3A_26 : vector<512x128xf32>
    %div3A = arith.divf %add3A_20, %max3A_27 : vector<512x128xf32>
    %max3A_28 = arith.constant 0.000000e+00 : f32
    %max3A_29 = vector.broadcast %max3A_28 : f32 to vector<512x128xf32>
    %max3A_30 = arith.maximumf %div3A, %max3A_29 : vector<512x128xf32>
    %swap3A = arith.constant 0 : index
    %swap3A_31 = arith.constant 0 : index
    %swap3A_32 = vector.load %arg7[%swap3A, %swap3A_31] : memref<512x128xf32, #tpu.memory_space<vmem>>, vector<512x128xf32>
    tpu.vector_store %arg7[%swap3A, %swap3A_31], %max3A_30 {strides = array<i32>} : memref<512x128xf32, #tpu.memory_space<vmem>>, vector<512x128xf32>,
    %get3A_33 = arith.constant 0 : index
    %get3A_34 = arith.constant 0 : index
    %get3A_35 = vector.load %arg5[%get3A_33, %get3A_34] : memref<128x128xf32, #tpu.memory_space<vmem>>, vector<128x128xf32>
    %dot_general3A_36 = arith.constant dense<0.000000e+00> : vector<512x128xf32>
    %dot_general3A_37 = tpu.matmul %max3A_30, %get3A_35, %dot_general3A_36 {dimension_numbers = #tpu.dot_dimension_numbers<[1], [0], [0], [1], [0, 0, 1, 1], [], []>, transpose_lhs_hint = false} : vector<512x128xf32>, vector<128x128xf32>, vector<512x128xf32> -> vector<512x128xf32>
    %mul3A_38 = arith.mulf %dot_general3A_37, %get3A_1 : vector<512x128xf32>
    %swap3A_39 = arith.constant 0 : index
    %swap3A_40 = arith.constant 0 : index
    %swap3A_41 = vector.load %arg8[%swap3A_39, %swap3A_40] : memref<512x128xf32, #tpu.memory_space<vmem>>, vector<512x128xf32>
    tpu.vector_store %arg8[%swap3A_39, %swap3A_40], %mul3A_38 {strides = array<i32>} : memref<512x128xf32, #tpu.memory_space<vmem>>, vector<512x128xf32>,
    return
  }
  func.func @transform_0(%arg0: i32) -> (i32, i32, i32) {
    %c0_i32 = arith.constant 0 : i32
    %c0_i32_0 = arith.constant 0 : i32
    %c0_i32_1 = arith.constant 0 : i32
    return %c0_i32, %arg0, %c0_i32_0 : i32, i32, i32
  }
  func.func @transform_1(%arg0: i32) -> (i32, i32) {
    %c0_i32 = arith.constant 0 : i32
    %c0_i32_0 = arith.constant 0 : i32
    return %arg0, %c0_i32 : i32, i32
  }
  func.func @transform_2(%arg0: i32) -> (i32, i32) {
    %c0_i32 = arith.constant 0 : i32
    %c0_i32_0 = arith.constant 0 : i32
    return %arg0, %c0_i32 : i32, i32
  }
  func.func @transform_3(%arg0: i32) -> (i32, i32) {
    %c0_i32 = arith.constant 0 : i32
    %c0_i32_0 = arith.constant 0 : i32
    %c0_i32_1 = arith.constant 0 : i32
    return %c0_i32, %c0_i32_0 : i32, i32
  }
  func.func @transform_4(%arg0: i32) -> (i32, i32) {
    %c0_i32 = arith.constant 0 : i32
    %c0_i32_0 = arith.constant 0 : i32
    %c0_i32_1 = arith.constant 0 : i32
    return %c0_i32, %c0_i32_0 : i32, i32
  }
  func.func @transform_5(%arg0: i32) -> (i32, i32) {
    %c0_i32 = arith.constant 0 : i32
    %c0_i32_0 = arith.constant 0 : i32
    %c0_i32_1 = arith.constant 0 : i32
    return %c0_i32, %c0_i32_0 : i32, i32
  }
  func.func @transform_6(%arg0: i32) -> (i32, i32) {
    %c0_i32 = arith.constant 0 : i32
    %c0_i32_0 = arith.constant 0 : i32
    return %arg0, %c0_i32 : i32, i32
  }
  func.func @transform_7(%arg0: i32) -> (i32, i32) {
    %c0_i32 = arith.constant 0 : i32
    %c0_i32_0 = arith.constant 0 : i32
    return %arg0, %c0_i32 : i32, i32
  }
}

</mosaic_0001>

<sc_bundles>
// kernel: kernel.10.cloned.1.call-start
scs
__scs_entry_jumppad:
0x0: {  	(pc) =	sbr.rel $0x88, $3  }
0x1: {  	(tag) =	ssettag $0x0;
	lr =	simm.s32 $0x1  }
0x2: {  	[smem:$0x3F97] =	sst lr;
	_ =	strace $0xD0000000  }
0x3: {  	_ = 	snop  }
0x4: {  	_ = 	snop  }
0x5: {  	_ = 	snop  }
0x6: {  	_ = 	snop  }
0x7: {  	_ = 	snop  }
__scs_overlays_trampoline_lowered:
0x8: {  	[smem:$0x3FA6] =	sst s0  }
0x9: {  	[smem:$0x3FA7] =	sst s1  }
0xa: {  	[smem:$0x3FA8] =	sst s2  }
0xb: {  	[smem:$0x3FA9] =	sst s3  }
0xc: {  	[smem:$0x3FAA] =	sst s4  }
0xd: {  	[smem:$0x3FAB] =	sst s5  }
0xe: {  	[smem:$0x3FAC] =	sst s6  }
0xf: {  	[smem:$0x3FAD] =	sst s7  }
0x10: {  	[smem:$0x3FAE] =	sst s8  }
0x11: {  	[smem:$0x3FAF] =	sst s9;
	s0 =	simm.s32 @!p0 $0x0  }
0x12: {  	s1 =	sld [smem:$0x3F95];
	s0 =	simm.s32 @p0 $0x1  }
0x13: {  	[smem:$0x3FB0] =	sst s0;
	s0 =	simm.s32 @!p1 $0x0  }
0x14: {  	s2 =	sld [smem:$0x3F94];
	s0 =	simm.s32 @p1 $0x1  }
0x15: {  	[smem:$0x3FB1] =	sst s0;
	s0 =	simm.s32 @!p2 $0x0  }
0x16: {  	s3 =	sld [smem:$0x3FDB];
	s0 =	simm.s32 @p2 $0x1  }
0x17: {  	s4 =	simm.s32 $0x1BF5;
	[smem:$0x3FB3] =	sst s0  }
0x18: {  	s0 =	sld [smem:$0x3F96];
	_ =	swait.ge [sflag:s4], $0x0  }
0x19: {  	s7 =	sld [smem:$0x3F97]  }
0x1a: {  	s8 =	sadd.s32 $0xFFFFE003, lr  }
0x1b: {  	s9 =	sadd.s32 $0xFFFFFEF7, lr;
	s5 =	simm.s32 $0xFFFFFFFF;
	p2 =	slt.u32 s8, $0xFFFFF086  }
0x1c: {  	p1 =	slt.u32 s9, $0xF7A;
	s5 =	simm.s32 @!p2 $0x0  }
0x1d: {  	s5 =	simm.s32 @p1 $0x1;
	p0 =	seq.s32 s7, s2  }
0x1e: {  	s7 =	smul.u32 @!p0 $0xF7A, s2;
	p2 =	seq.s32 @!p0 s5, $0x0  }
0x1f: {  	s9 =	smul.u32 $0xF7A, s1;
	s8 =	simm.s32 @!p0 $0x1BF5;
	p2 =	por !p2, p0  }
0x20: {  	[sflag:s8] =	ssyncset.s32 @!p0 $0xFFFFF086;
	s6 =	sadd.s32 @!p0 s3, s7;
	s7 =	simm.s32 @!p0 $0x108  }
0x21: {  	s3 =	sadd.s32 s3, s9;
	s6 =	sadd.s32 @!p0 $0x88, s6;
	s7 =	simm.s32 @p2 $0x1082  }
0x22: {  	[simem:s7], [sflag:s8] =	dma.local @!p0 [hbm:s6], $0xF7A  }
0x23: {  	s9 =	sor.u32 $0xD0000000, s2;
	s6 =	simm.s32 $0x108;
	_ =	swait.ge @!p0 [sflag:s8], $0x0  }
0x24: {  	s3 =	sadd.s32 $0x88, s3;
	s6 =	simm.s32 @!p1 $0x1082;
	[sflag:s4] =	ssyncset.s32 $0xFFFFF086  }
0x25: {  	[simem:s6], [sflag:s4] =	dma.local [hbm:s3], $0xF7A  }
0x26: {  	[smem:$0x3F97] =	sst s1;
	(tag) =	ssettag s2;
	_ =	strace s9  }
0x27: {  	s1 =	sld [smem:$0x3FA7]  }
0x28: {  	s2 =	sld [smem:$0x3FA8]  }
0x29: {  	s4 =	sld [smem:$0x3FAA]  }
0x2a: {  	p0 =	seq.s32 s5, $0x0;
	s5 =	sld [smem:$0x3FAB]  }
0x2b: {  	s6 =	sld [smem:$0x3FAC]  }
0x2c: {  	s7 =	sld [smem:$0x3FAD]  }
0x2d: {  	s3 =	simm.s32 $0x108;
	s8 =	sld [smem:$0x3FAE]  }
0x2e: {  	s3 =	simm.s32 @!p0 $0x1082;
	s9 =	sld [smem:$0x3FAF]  }
0x2f: {  	lr =	sadd.s32 s0, s3;
	s0 =	sld [smem:$0x3FA6]  }
0x30: {  	s3 =	sld [smem:$0x3FA9]  }
0x31: {  	[smem:$0x3FB2] =	sst s10  }
0x32: {  	s10 =	sld [smem:$0x3FB0];
	_ =	sdelay $0x3  }
0x33: {  	p0 =	seq.s32 s10, $0x1;
	s10 =	sld [smem:$0x3FB2];
	_ =	sdelay $0x3  }
0x34: {  	[smem:$0x3FB2] =	sst s10  }
0x35: {  	s10 =	sld [smem:$0x3FB1];
	_ =	sdelay $0x3  }
0x36: {  	p1 =	seq.s32 s10, $0x1;
	s10 =	sld [smem:$0x3FB2];
	_ =	sdelay $0x3  }
0x37: {  	[smem:$0x3FB2] =	sst s10  }
0x38: {  	s10 =	sld [smem:$0x3FB3]  }
0x39: {  	_ = 	snop;
	(pc) =	sbr.ind lr, $3  }
0x3a: {  	_ = 	snop  }
0x3b: {  	_ = 	snop  }
0x3c: {  	p2 =	seq.s32 s10, $0x1;
	s10 =	sld [smem:$0x3FB2]  }
0x3d: {  	_ =	shalt  }
0x3e: {  	_ =	shalt  }
0x3f: {  	_ =	shalt  }
0x40: {  	_ =	shalt  }
0x41: {  	_ =	shalt  }
0x42: {  	_ =	shalt  }
0x43: {  	_ =	shalt  }
0x44: {  	_ =	shalt  }
0x45: {  	_ =	shalt  }
0x46: {  	_ =	shalt  }
0x47: {  	_ =	shalt  }
0x48: {  	_ =	shalt  }
0x49: {  	_ =	shalt  }
0x4a: {  	_ =	shalt  }
0x4b: {  	_ =	shalt  }
0x4c: {  	_ =	shalt  }
0x4d: {  	_ =	shalt  }
0x4e: {  	_ =	shalt  }
0x4f: {  	_ =	shalt  }
0x50: {  	_ =	shalt  }
0x51: {  	_ =	shalt  }
0x52: {  	_ =	shalt  }
0x53: {  	_ =	shalt  }
0x54: {  	_ =	shalt  }
0x55: {  	_ =	shalt  }
0x56: {  	_ =	shalt  }
0x57: {  	_ =	shalt  }
0x58: {  	_ =	shalt  }
0x59: {  	_ =	shalt  }
0x5a: {  	_ =	shalt  }
0x5b: {  	_ =	shalt  }
0x5c: {  	_ =	shalt  }
0x5d: {  	_ =	shalt  }
0x5e: {  	_ =	shalt  }
0x5f: {  	_ =	shalt  }
0x60: {  	_ =	shalt  }
0x61: {  	_ =	shalt  }
0x62: {  	_ =	shalt  }
0x63: {  	_ =	shalt  }
0x64: {  	_ =	shalt  }
0x65: {  	_ =	shalt  }
0x66: {  	_ =	shalt  }
0x67: {  	_ =	shalt  }
0x68: {  	_ =	shalt  }
0x69: {  	_ =	shalt  }
0x6a: {  	_ =	shalt  }
0x6b: {  	_ =	shalt  }
0x6c: {  	_ =	shalt  }
0x6d: {  	_ =	shalt  }
0x6e: {  	_ =	shalt  }
0x6f: {  	_ =	shalt  }
0x70: {  	_ =	shalt  }
0x71: {  	_ =	shalt  }
0x72: {  	_ =	shalt  }
0x73: {  	_ =	shalt  }
0x74: {  	_ =	shalt  }
0x75: {  	_ =	shalt  }
0x76: {  	_ =	shalt  }
0x77: {  	_ =	shalt  }
0x78: {  	_ =	shalt  }
0x79: {  	_ =	shalt  }
0x7a: {  	_ =	shalt  }
0x7b: {  	_ =	shalt  }
0x7c: {  	_ =	shalt  }
0x7d: {  	_ =	shalt  }
0x7e: {  	_ =	shalt  }
0x7f: {  	_ =	shalt  }
0x80: {  	_ =	shalt  }
0x81: {  	_ =	shalt  }
0x82: {  	_ =	shalt  }
0x83: {  	_ =	shalt  }
0x84: {  	_ =	shalt  }
0x85: {  	_ =	shalt  }
0x86: {  	_ =	shalt  }
0x87: {  	_ =	shalt  }
.Lfunc_end0:
.L_simem_size_0:
called_computation_lowered:
.L_overlay_start_0:
0x88: {  	s2 =	sld [smem:$0x3FD9]  }
0x89: {  	s3 =	sld [smem:$0x3FFE];
	_ =	sdelay $0x1  }
0x8a: {  	s1 =	srdreg.scid  }
0x8b: {  	s0 =	sand.u32 $0x1, s1  }
0x8c: {  	s17 =	sshll.u32 s0, $0xA;
	s2 =	sadd.s32 s3, s2  }
0x8d: {  	s2 =	sadd.s32 s2, s17  }
0x8e: {  	[smem:$0x3FBE] =	sst s2  }
0x8f: {  	_ = 	snop  }
0x90: {  	s2 =	sld [smem:$0x3FD0];
	(tm) =	ssettm $0x1  }
0x91: {  	s18 =	sld [smem:$0x3FFB];
	_ =	sdelay $0x3  }
0x92: {  	_ =	strace s18  }
0x93: {  	s3 =	sld [smem:$0x3FFC];
	_ =	sdelay $0x3  }
0x94: {  	_ =	strace s3  }
0x95: {  	s3 =	sld [smem:$0x3FFD];
	_ =	sdelay $0x3  }
0x96: {  	_ =	strace s3  }
0x97: {  	_ =	strace $0x8FFFFFFF  }
0x98: {  	s19 =	sld [smem:$0x3FDB];
	_ =	sdelay $0x1  }
0x99: {  	s4 =	simm.s32 $_scs_section_size  }
0x9a: {  	s5 =	simm.s32 $_size__tile_overlayer_lowered;
	s6 =	simm.s32 $_tile_overlayer_lowered  }
0x9b: {  	s22 =	simm.s32 $0x1BFF;
	s21 =	sshll.u32 s6, $0x1;
	s3 =	sadd.s32 s4, s19  }
0x9c: {  	s7 =	simm.s32 $0x0;
	s20 =	sshll.u32 s5, $0x1;
	s5 =	sadd.s32 s21, s3  }
0x9d: {  	[timem:s7], [sflag:s22] =	dma.local [hbm:s5], s20  }
0x9e: {  	_ =	swait.ge [sflag:s22], s20  }
0x9f: {  	s4 =	ssub.s32 $0x0, s20;
	[sflag:s22] =	ssyncset.done $0x0  }
0xa0: {  	[sflag:s22] =	ssyncadd.s32 s4;
	_ =	sdelay $0x1  }
0xa1: {  	s23 =	simm.s32 $0x1B8B  }
0xa2: {  	_ =	swait.ge [sflag:s23], $0x1  }
0xa3: {  	[sflag:s23] =	ssyncset.done $0x0  }
0xa4: {  	s25 =	simm.s32 $0x1B8E;
	s24 =	sld [smem:$0x3FFE];
	[sflag:s23] =	ssyncadd.s32 $0xFFFFFFFF  }
0xa5: {  	s26 =	simm.s32 $execute0_lowered;
	[smem:$0x3FD2] =	sst s25  }
0xa6: {  	s5 =	sshll.u32 s26, $0x1;
	_ =	strace $0x80000046;
	[dreg:$0x1] =	wrdreg $0xFFFFFFFF  }
0xa7: {  	s28 =	simm.s32 $_size_execute0_lowered;
	s3 =	sadd.s32 s3, s5;
	[dreg:$0x0] =	wrdreg $0x0  }
0xa8: {  	s5 =	sshll.u32 s28, $0x1;
	[dreg:$0x2] =	wrdreg s3  }
0xa9: {  	[dreg:$0x3] =	wrdreg s5  }
0xaa: {  	[dreg:$0x4] =	wrdreg $0xC0  }
0xab: {  	_ =	task [dreg:s7], $0x5FFFF  }
0xac: {  	[dreg:$0x1] =	wrdreg $0xFFFFFFFF  }
0xad: {  	[dreg:$0x0] =	wrdreg $0x60  }
0xae: {  	[dreg:$0x2] =	wrdreg s24  }
0xaf: {  	[dreg:$0x3] =	wrdreg s2  }
0xb0: {  	[dreg:$0x4] =	wrdreg $0x2C000  }
0xb1: {  	[dreg:$0x5] =	wrdreg $0x9  }
0xb2: {  	_ =	task.clear_ibuf [dreg:s7], $0x6FFFF;
	_ =	strace $0x90000046  }
0xb3: {  	s29 =	simm.s32 $0x9;
	_ =	strace $0x80000048  }
0xb4: {  	_ =	swait.ge [sflag:s29], $0x1  }
0xb5: {  	[sflag:s29] =	ssyncadd.s32 $0xFFFFFFFF  }
0xb6: {  	_ =	strace $0x90000048  }
0xb7: {  	_ =	sfence  }
0xb8: {  	s30 =	sld [smem:$0x0];
	_ =	sdelay $0x2  }
0xb9: {  	s31 =	sshll.u32 s1, $0xD;
	s1 =	sshrl.u32 s1, $0x2  }
0xba: {  	s3 =	sand.u32 $0x4000, s31;
	s1 =	sadd.s32 s1, s30  }
0xbb: {  	s0 =	sor.u32 s3, s0;
	s1 =	sshll.u32 s1, $0x11  }
0xbc: {  	s0 =	sor.u32 s1, s0  }
0xbd: {  	s0 =	sadd.s32 $0x8F2B, s0  }
0xbe: {  	[sflag:s0] =	ssyncadd.remote.s32 $0x1  }
0xbf: {  	_ =	sfence.sel $0xFFFF  }
0xc0: {  	[dreg:$0x0] =	wrdreg $0xFFFFFFFF;
	(pc) =	sbr.abs _section_cstart, $3  }
0xc1: {  	[dreg:$0x1] =	wrdreg $0xFFFFFFFF  }
0xc2: {  	_ =	task.clear_ibuf [dreg:s7], $0x2FFFF;
	_ =	strace $0x9FFFFFFF  }
0xc3: {  	(tm) =	ssettm $0x7FFFFFFF  }
tec
execute0_lowered:
.L_overlay_start_1:
0x0: {  	(tag) =	ssettag $0x1  }
0x1: {  	s7 =	rddreg [dreg:$0x0]  }
0x2: {  	s5 =	rddreg [dreg:$0x1]  }
0x3: {  	s1 =	rddreg [dreg:$0x2]  }
0x4: {  	s0 =	rddreg [dreg:$0x3];
	s2 =	simm.s32 $0x0;
	s3 =	srdreg.scid  }
0x5: {  	s13 =	simm.s32 $0x3;
	s14 =	simm.s32 $0x80;
	s15 =	simm.s32 $0x4  }
0x6: {  	[smem:$0x7FF] =	sst s2;
	s6 =	sand.u32 $0x1, s3;
	s3 =	stileid.u32  }
0x7: {  	s4 =	sadd.s32 $0x18E00, s7;
	s12 =	sadd.s32 $0xEE00, s7;
	s8 =	smul.u32 $0x2800, s6  }
0x8: {  	_ =	strace $0x80000047;
	s9 =	ssub.s32 $0x2, s6;
	s11 =	smul.u32 $0x1400, s3  }
0x9: {  	s29 =	sshll.u32 s3, $0x1;
	s17 =	sshll.u32 s3, $0x6;
	s10 =	sshrl.u32 s9, $0x1  }
0xa: {  	s6 =	sor.u32 s6, s29;
	s8 =	sadd.s32 s8, s7;
	s9 =	ssub.s32 s9, s10  }
0xb: {  	s30 =	sadd.s32 s11, s1;
	s16 =	sshrl.u32 s11, $0x3;
	s31 =	smul.u32 $0x500, s6  }
0xc: {  	s6 =	sor.u32 $0x1C01, s17;
	s10 =	simm.s32 $0x2800;
	s11 =	simm.s32 $0x1  }
0xd: {  	s17 =	sor.u32 $0x1C04, s17;
	s5 =	sadd.s32 s5, s16;
	s18 =	sadd.s32 $0x19000, s8  }
0xe: {  	s7 =	smax.u32 s9, $0x1;
	s8 =	sshrl.u32 s30, $0x3;
	s9 =	sadd.s32 s31, s12  }
0xf: {  	s12 =	simm.s32 $0x2;
	s16 =	sadd.s32 s16, s18;
	s18 =	simm.s32 $0x0  }
.LBB2_1:
0x10: {  	[spmem:s8], [sflag:s6] =	dma.local [hbm:s5], $0x280  }
0x11: {  	[tilespmem:s2], [sflag:$0x2] =	stream.linear.gather [hbm4b:s9+s2], $0x2800, $0x38;
	[tilespmem:$0x4000] =	vst v63  }
0x12: {  	_ = 	snop  }
0x13: {  	[tilespmem:s10], [sflag:$0x3] =	stream.linear.gather [hbm4b:s4+s2], $0x400, $0x38;
	[tilespmem:$0x4000] =	vst v63  }
0x14: {  	_ =	swait.ge [sflag:s11], $0x280  }
0x15: {  	[sflag:s11] =	ssyncset.done $0x0  }
0x16: {  	[sflag:s11] =	ssyncadd.s32 $0xFFFFFD80  }
0x17: {  	_ =	swait.ge [sflag:s12], $0x2800  }
0x18: {  	[sflag:s12] =	ssyncset.done $0x0  }
0x19: {  	[sflag:s12] =	ssyncadd.s32 $0xFFFFD800  }
0x1a: {  	_ =	swait.ge [sflag:s13], $0x400  }
0x1b: {  	[sflag:s13] =	ssyncset.done $0x0  }
0x1c: {  	[sflag:s13] =	ssyncadd.s32 $0xFFFFFC00  }
0x1d: {  	s19 =	simm.s32 $0x0;
	[bflag:$0x0] =	sbarrier.arrive $0xFFFF  }
0x1e: {  	[spmem:s1] =	stream.indirect.scatter.add.f32 [tilespmem:s10], [sflag:$0x4], $0x8, s19, s14, $0xb8;
	[tilespmem:$0x4000] =	vst v63  }
0x1f: {  	_ =	swait.ge [sflag:s15], $0x400  }
0x20: {  	s19 =	simm.s32 $0x200;
	[sflag:s15] =	ssyncset.done $0x0  }
.LBB2_2:
0x21: {  	s20 =	sshra.s32 s19, $0x2;
	[sflag:s15] =	ssyncadd.s32 $0xFFFFFC00;
	p0 =	sne.s32 s19, $0x9E00  }
0x22: {  	[spmem:s1] =	stream.indirect.scatter.add.f32 [tilespmem:s10], [sflag:$0x4], $0x8, s20, s14, $0xb8;
	[tilespmem:$0x4000] =	vst v63  }
.Ltmp0:
0x23: {  	_ = 	snop;
	(pc) =	sbr.rel @p0 .LBB2_2-.Ltmp0, $4  }
0x24: {  	_ = 	snop  }
0x25: {  	s19 =	sadd.s32 $0x200, s19  }
0x26: {  	_ =	swait.ge [sflag:s15], $0x400  }
0x27: {  	[sflag:s15] =	ssyncset.done $0x0  }
0x28: {  	s18 =	sadd.s32 $0x1, s18  }
0x29: {  	[sflag:s15] =	ssyncadd.s32 $0xFFFFFC00;
	p0 =	sne.s32 s18, s7  }
.Ltmp1:
0x2a: {  	[bflag:$0x0] =	sbarrier.arrive $0xFFFF;
	(pc) =	sbr.rel @p0 .LBB2_1-.Ltmp1, $4  }
0x2b: {  	[hbm:s16], [sflag:s17] =	dma.local [spmem:s8], $0x280  }
0x2c: {  	_ =	swait.ge [sflag:s15], $0x280  }
0x2d: {  	[sflag:s15] =	ssyncset.done $0x0  }
0x2e: {  	[sflag:s15] =	ssyncadd.s32 $0xFFFFFD80  }
0x2f: {  	_ =	sfence.sel $0x180000  }
0x30: {  	[bflag:$0x0] =	sbarrier.arrive $0xFFFF  }
0x31: {  	p0 =	sne.s32 s3, $0x0;
	_ =	strace $0x90000047  }
0x32: {  	s0 =	sadd.s32 @!p0 $0x100000, s0;
	[bflag:$0x2] =	sbarrier.arrive $0xFFFF  }
0x33: {  	[sflag:s0] =	ssyncadd.tile.s32 @!p0 $0x1;
	_ =	shalt  }
.Lfunc_end2:
_tile_overlayer_lowered:
.L_overlay_start_2:
0x34: {  	(tag) =	ssettag $0x2  }
0x35: {  	s0 =	rddreg [dreg:$0x0];
	s2 =	stileid.u32  }
0x36: {  	s1 =	rddreg [dreg:$0x1];
	p0 =	sne.s32 s2, $0x0  }
0x37: {  	s3 =	rddreg [dreg:$0x2];
	[bflag:$0x3] =	sbarrier.arrive $0xFFFF;
	s2 =	simm.s32 @!p0 $0x1C04  }
0x38: {  	[timem:s3], [sflag:s2] =	dma.local @!p0 [hbm:s0], s1  }
0x39: {  	s0 =	simm.s32 @!p0 $0x4  }
0x3a: {  	_ =	swait.ge @!p0 [sflag:s0], s1  }
0x3b: {  	s1 =	ssub.s32 @!p0 $0x0, s1;
	[sflag:s0] =	ssyncset.done @!p0 $0x0  }
0x3c: {  	[sflag:s0] =	ssyncadd.s32 @!p0 s1  }
0x3d: {  	[bflag:$0x3] =	sbarrier.arrive $0xFFFF  }
0x3e: {  	_ =	shalt  }

// kernel: kernel.13.cloned.1.call-start
scs
__scs_entry_jumppad:
0x0: {  	(pc) =	sbr.rel $0x88, $3  }
0x1: {  	(tag) =	ssettag $0x0;
	lr =	simm.s32 $0x1  }
0x2: {  	[smem:$0x3F97] =	sst lr;
	_ =	strace $0xD0000000  }
0x3: {  	_ = 	snop  }
0x4: {  	_ = 	snop  }
0x5: {  	_ = 	snop  }
0x6: {  	_ = 	snop  }
0x7: {  	_ = 	snop  }
__scs_overlays_trampoline_lowered:
0x8: {  	[smem:$0x3FA6] =	sst s0  }
0x9: {  	[smem:$0x3FA7] =	sst s1  }
0xa: {  	[smem:$0x3FA8] =	sst s2  }
0xb: {  	[smem:$0x3FA9] =	sst s3  }
0xc: {  	[smem:$0x3FAA] =	sst s4  }
0xd: {  	[smem:$0x3FAB] =	sst s5  }
0xe: {  	[smem:$0x3FAC] =	sst s6  }
0xf: {  	[smem:$0x3FAD] =	sst s7  }
0x10: {  	[smem:$0x3FAE] =	sst s8  }
0x11: {  	[smem:$0x3FAF] =	sst s9;
	s0 =	simm.s32 @!p0 $0x0  }
0x12: {  	s1 =	sld [smem:$0x3F95];
	s0 =	simm.s32 @p0 $0x1  }
0x13: {  	[smem:$0x3FB0] =	sst s0;
	s0 =	simm.s32 @!p1 $0x0  }
0x14: {  	s2 =	sld [smem:$0x3F94];
	s0 =	simm.s32 @p1 $0x1  }
0x15: {  	[smem:$0x3FB1] =	sst s0;
	s0 =	simm.s32 @!p2 $0x0  }
0x16: {  	s3 =	sld [smem:$0x3FDB];
	s0 =	simm.s32 @p2 $0x1  }
0x17: {  	s4 =	simm.s32 $0x1BF5;
	[smem:$0x3FB3] =	sst s0  }
0x18: {  	s0 =	sld [smem:$0x3F96];
	_ =	swait.ge [sflag:s4], $0x0  }
0x19: {  	s7 =	sld [smem:$0x3F97]  }
0x1a: {  	s8 =	sadd.s32 $0xFFFFE003, lr  }
0x1b: {  	s9 =	sadd.s32 $0xFFFFFEF7, lr;
	s5 =	simm.s32 $0xFFFFFFFF;
	p2 =	slt.u32 s8, $0xFFFFF086  }
0x1c: {  	p1 =	slt.u32 s9, $0xF7A;
	s5 =	simm.s32 @!p2 $0x0  }
0x1d: {  	s5 =	simm.s32 @p1 $0x1;
	p0 =	seq.s32 s7, s2  }
0x1e: {  	s7 =	smul.u32 @!p0 $0xF7A, s2;
	p2 =	seq.s32 @!p0 s5, $0x0  }
0x1f: {  	s9 =	smul.u32 $0xF7A, s1;
	s8 =	simm.s32 @!p0 $0x1BF5;
	p2 =	por !p2, p0  }
0x20: {  	[sflag:s8] =	ssyncset.s32 @!p0 $0xFFFFF086;
	s6 =	sadd.s32 @!p0 s3, s7;
	s7 =	simm.s32 @!p0 $0x108  }
0x21: {  	s3 =	sadd.s32 s3, s9;
	s6 =	sadd.s32 @!p0 $0x88, s6;
	s7 =	simm.s32 @p2 $0x1082  }
0x22: {  	[simem:s7], [sflag:s8] =	dma.local @!p0 [hbm:s6], $0xF7A  }
0x23: {  	s9 =	sor.u32 $0xD0000000, s2;
	s6 =	simm.s32 $0x108;
	_ =	swait.ge @!p0 [sflag:s8], $0x0  }
0x24: {  	s3 =	sadd.s32 $0x88, s3;
	s6 =	simm.s32 @!p1 $0x1082;
	[sflag:s4] =	ssyncset.s32 $0xFFFFF086  }
0x25: {  	[simem:s6], [sflag:s4] =	dma.local [hbm:s3], $0xF7A  }
0x26: {  	[smem:$0x3F97] =	sst s1;
	(tag) =	ssettag s2;
	_ =	strace s9  }
0x27: {  	s1 =	sld [smem:$0x3FA7]  }
0x28: {  	s2 =	sld [smem:$0x3FA8]  }
0x29: {  	s4 =	sld [smem:$0x3FAA]  }
0x2a: {  	p0 =	seq.s32 s5, $0x0;
	s5 =	sld [smem:$0x3FAB]  }
0x2b: {  	s6 =	sld [smem:$0x3FAC]  }
0x2c: {  	s7 =	sld [smem:$0x3FAD]  }
0x2d: {  	s3 =	simm.s32 $0x108;
	s8 =	sld [smem:$0x3FAE]  }
0x2e: {  	s3 =	simm.s32 @!p0 $0x1082;
	s9 =	sld [smem:$0x3FAF]  }
0x2f: {  	lr =	sadd.s32 s0, s3;
	s0 =	sld [smem:$0x3FA6]  }
0x30: {  	s3 =	sld [smem:$0x3FA9]  }
0x31: {  	[smem:$0x3FB2] =	sst s10  }
0x32: {  	s10 =	sld [smem:$0x3FB0];
	_ =	sdelay $0x3  }
0x33: {  	p0 =	seq.s32 s10, $0x1;
	s10 =	sld [smem:$0x3FB2];
	_ =	sdelay $0x3  }
0x34: {  	[smem:$0x3FB2] =	sst s10  }
0x35: {  	s10 =	sld [smem:$0x3FB1];
	_ =	sdelay $0x3  }
0x36: {  	p1 =	seq.s32 s10, $0x1;
	s10 =	sld [smem:$0x3FB2];
	_ =	sdelay $0x3  }
0x37: {  	[smem:$0x3FB2] =	sst s10  }
0x38: {  	s10 =	sld [smem:$0x3FB3]  }
0x39: {  	_ = 	snop;
	(pc) =	sbr.ind lr, $3  }
0x3a: {  	_ = 	snop  }
0x3b: {  	_ = 	snop  }
0x3c: {  	p2 =	seq.s32 s10, $0x1;
	s10 =	sld [smem:$0x3FB2]  }
0x3d: {  	_ =	shalt  }
0x3e: {  	_ =	shalt  }
0x3f: {  	_ =	shalt  }
0x40: {  	_ =	shalt  }
0x41: {  	_ =	shalt  }
0x42: {  	_ =	shalt  }
0x43: {  	_ =	shalt  }
0x44: {  	_ =	shalt  }
0x45: {  	_ =	shalt  }
0x46: {  	_ =	shalt  }
0x47: {  	_ =	shalt  }
0x48: {  	_ =	shalt  }
0x49: {  	_ =	shalt  }
0x4a: {  	_ =	shalt  }
0x4b: {  	_ =	shalt  }
0x4c: {  	_ =	shalt  }
0x4d: {  	_ =	shalt  }
0x4e: {  	_ =	shalt  }
0x4f: {  	_ =	shalt  }
0x50: {  	_ =	shalt  }
0x51: {  	_ =	shalt  }
0x52: {  	_ =	shalt  }
0x53: {  	_ =	shalt  }
0x54: {  	_ =	shalt  }
0x55: {  	_ =	shalt  }
0x56: {  	_ =	shalt  }
0x57: {  	_ =	shalt  }
0x58: {  	_ =	shalt  }
0x59: {  	_ =	shalt  }
0x5a: {  	_ =	shalt  }
0x5b: {  	_ =	shalt  }
0x5c: {  	_ =	shalt  }
0x5d: {  	_ =	shalt  }
0x5e: {  	_ =	shalt  }
0x5f: {  	_ =	shalt  }
0x60: {  	_ =	shalt  }
0x61: {  	_ =	shalt  }
0x62: {  	_ =	shalt  }
0x63: {  	_ =	shalt  }
0x64: {  	_ =	shalt  }
0x65: {  	_ =	shalt  }
0x66: {  	_ =	shalt  }
0x67: {  	_ =	shalt  }
0x68: {  	_ =	shalt  }
0x69: {  	_ =	shalt  }
0x6a: {  	_ =	shalt  }
0x6b: {  	_ =	shalt  }
0x6c: {  	_ =	shalt  }
0x6d: {  	_ =	shalt  }
0x6e: {  	_ =	shalt  }
0x6f: {  	_ =	shalt  }
0x70: {  	_ =	shalt  }
0x71: {  	_ =	shalt  }
0x72: {  	_ =	shalt  }
0x73: {  	_ =	shalt  }
0x74: {  	_ =	shalt  }
0x75: {  	_ =	shalt  }
0x76: {  	_ =	shalt  }
0x77: {  	_ =	shalt  }
0x78: {  	_ =	shalt  }
0x79: {  	_ =	shalt  }
0x7a: {  	_ =	shalt  }
0x7b: {  	_ =	shalt  }
0x7c: {  	_ =	shalt  }
0x7d: {  	_ =	shalt  }
0x7e: {  	_ =	shalt  }
0x7f: {  	_ =	shalt  }
0x80: {  	_ =	shalt  }
0x81: {  	_ =	shalt  }
0x82: {  	_ =	shalt  }
0x83: {  	_ =	shalt  }
0x84: {  	_ =	shalt  }
0x85: {  	_ =	shalt  }
0x86: {  	_ =	shalt  }
0x87: {  	_ =	shalt  }
.Lfunc_end0:
.L_simem_size_0:
called_computation.1_lowered:
.L_overlay_start_0:
0x88: {  	s2 =	sld [smem:$0x3FD9]  }
0x89: {  	s3 =	sld [smem:$0x3FFE];
	_ =	sdelay $0x1  }
0x8a: {  	s1 =	srdreg.scid  }
0x8b: {  	s0 =	sand.u32 $0x1, s1  }
0x8c: {  	s16 =	sshll.u32 s0, $0xA;
	s2 =	sadd.s32 s3, s2  }
0x8d: {  	s2 =	sadd.s32 s2, s16  }
0x8e: {  	[smem:$0x3FBE] =	sst s2  }
0x8f: {  	_ = 	snop  }
0x90: {  	(tm) =	ssettm $0x1  }
0x91: {  	s17 =	sld [smem:$0x3FFB];
	_ =	sdelay $0x3  }
0x92: {  	_ =	strace s17  }
0x93: {  	s2 =	sld [smem:$0x3FFC];
	_ =	sdelay $0x3  }
0x94: {  	_ =	strace s2  }
0x95: {  	s2 =	sld [smem:$0x3FFD];
	_ =	sdelay $0x3  }
0x96: {  	_ =	strace s2  }
0x97: {  	_ =	strace $0x8FFFFFFF  }
0x98: {  	s18 =	sld [smem:$0x3FDB];
	_ =	sdelay $0x1  }
0x99: {  	s19 =	simm.s32 $_scs_section_size  }
0x9a: {  	s4 =	simm.s32 $_size__tile_overlayer_lowered;
	s5 =	simm.s32 $_tile_overlayer_lowered  }
0x9b: {  	s22 =	simm.s32 $0x1BFF;
	s21 =	sshll.u32 s5, $0x1;
	s2 =	sadd.s32 s19, s18  }
0x9c: {  	s6 =	simm.s32 $0x0;
	s20 =	sshll.u32 s4, $0x1;
	s4 =	sadd.s32 s21, s2  }
0x9d: {  	[timem:s6], [sflag:s22] =	dma.local [hbm:s4], s20  }
0x9e: {  	_ =	swait.ge [sflag:s22], s20  }
0x9f: {  	s3 =	ssub.s32 $0x0, s20;
	[sflag:s22] =	ssyncset.done $0x0  }
0xa0: {  	[sflag:s22] =	ssyncadd.s32 s3;
	_ =	sdelay $0x1  }
0xa1: {  	s23 =	simm.s32 $0x1B8B  }
0xa2: {  	_ =	swait.ge [sflag:s23], $0x1  }
0xa3: {  	[sflag:s23] =	ssyncset.done $0x0  }
0xa4: {  	s25 =	simm.s32 $0x1B8E;
	s24 =	sld [smem:$0x3FFE];
	[sflag:s23] =	ssyncadd.s32 $0xFFFFFFFF  }
0xa5: {  	s26 =	simm.s32 $execute0_lowered;
	[smem:$0x3FD2] =	sst s25  }
0xa6: {  	s4 =	sshll.u32 s26, $0x1;
	_ =	strace $0x80000049;
	[dreg:$0x1] =	wrdreg $0xFFFFFFFF  }
0xa7: {  	s28 =	simm.s32 $_size_execute0_lowered;
	s2 =	sadd.s32 s2, s4;
	[dreg:$0x0] =	wrdreg $0x0  }
0xa8: {  	s4 =	sshll.u32 s28, $0x1;
	[dreg:$0x2] =	wrdreg s2  }
0xa9: {  	[dreg:$0x3] =	wrdreg s4  }
0xaa: {  	[dreg:$0x4] =	wrdreg $0xC0  }
0xab: {  	_ =	task [dreg:s6], $0x5FFFF  }
0xac: {  	[dreg:$0x1] =	wrdreg $0xFFFFFFFF  }
0xad: {  	[dreg:$0x0] =	wrdreg $0x60  }
0xae: {  	[dreg:$0x2] =	wrdreg s24  }
0xaf: {  	[dreg:$0x3] =	wrdreg $0xD0000  }
0xb0: {  	[dreg:$0x4] =	wrdreg $0x120000  }
0xb1: {  	[dreg:$0x5] =	wrdreg $0x9  }
0xb2: {  	_ =	task.clear_ibuf [dreg:s6], $0x6FFFF;
	_ =	strace $0x90000049  }
0xb3: {  	s29 =	simm.s32 $0x9;
	_ =	strace $0x8000004B  }
0xb4: {  	_ =	swait.ge [sflag:s29], $0x1  }
0xb5: {  	[sflag:s29] =	ssyncadd.s32 $0xFFFFFFFF  }
0xb6: {  	_ =	strace $0x9000004B  }
0xb7: {  	_ =	sfence  }
0xb8: {  	s30 =	sld [smem:$0x0];
	_ =	sdelay $0x2  }
0xb9: {  	s31 =	sshll.u32 s1, $0xD;
	s1 =	sshrl.u32 s1, $0x2  }
0xba: {  	s3 =	sand.u32 $0x4000, s31;
	s1 =	sadd.s32 s1, s30  }
0xbb: {  	s0 =	sor.u32 s3, s0;
	s1 =	sshll.u32 s1, $0x11  }
0xbc: {  	s0 =	sor.u32 s1, s0  }
0xbd: {  	s0 =	sadd.s32 $0x8F2B, s0  }
0xbe: {  	[sflag:s0] =	ssyncadd.remote.s32 $0x1  }
0xbf: {  	_ =	sfence.sel $0xFFFF  }
0xc0: {  	[dreg:$0x0] =	wrdreg $0xFFFFFFFF;
	(pc) =	sbr.abs _section_cstart, $3  }
0xc1: {  	[dreg:$0x1] =	wrdreg $0xFFFFFFFF  }
0xc2: {  	_ =	task.clear_ibuf [dreg:s6], $0x2FFFF;
	_ =	strace $0x9FFFFFFF  }
0xc3: {  	(tm) =	ssettm $0x7FFFFFFF  }
tec
execute0_lowered:
.L_overlay_start_1:
0x0: {  	(tag) =	ssettag $0x1  }
0x1: {  	s0 =	rddreg [dreg:$0x0]  }
0x2: {  	s2 =	rddreg [dreg:$0x1]  }
0x3: {  	s3 =	rddreg [dreg:$0x2]  }
0x4: {  	s1 =	srdreg.scid;
	s11 =	stileid.u32;
	s5 =	simm.s32 $0x0  }
0x5: {  	s16 =	simm.s32 $0x1;
	s17 =	simm.s32 $0x2;
	s18 =	simm.s32 $0x3  }
0x6: {  	s19 =	simm.s32 $0x4;
	s28 =	simm.s32 $0x8000;
	s29 =	simm.s32 $0x9000  }
0x7: {  	s30 =	simm.s32 $0xA000;
	s31 =	simm.s32 $0xB000;
	s15 =	simm.s32 $0x9  }
0x8: {  	s13 =	simm.s32 $0x11;
	s14 =	simm.s32 $0x0;
	s1 =	sand.u32 $0x1, s1  }
0x9: {  	s4 =	sshll.u32 s11, $0x1;
	[smem:$0x7FF] =	sst s5;
	s20 =	smul.u32 $0x5000, s11  }
0xa: {  	s12 =	sshll.u32 s11, $0x6;
	s4 =	sor.u32 s1, s4;
	_ =	strace $0x8000004A  }
0xb: {  	s7 =	smul.u32 $0xA000, s1;
	s1 =	ssub.s32 $0x2, s1;
	s23 =	sor.u32 $0x1C01, s12  }
0xc: {  	[dreg:$0x4] =	wrdreg s12;
	s24 =	sor.u32 $0x1C02, s12;
	s12 =	simm.s32 $0x10  }
0xd: {  	s4 =	smul.u32 $0x500, s4;
	s6 =	sshrl.u32 s20, $0x3;
	s10 =	sshrl.u32 s1, $0x1  }
0xe: {  	s21 =	sadd.s32 s20, s2;
	[dreg:$0x6] =	wrdreg s23;
	s5 =	sadd.s32 s20, s3  }
0xf: {  	[dreg:$0xa] =	wrdreg s24;
	s20 =	simm.s32 $0x80;
	s23 =	simm.s32 $0x7  }
0x10: {  	s9 =	sadd.s32 s6, s0;
	s7 =	sadd.s32 s7, s0;
	s1 =	ssub.s32 s1, s10  }
0x11: {  	s11 =	sshrl.u32 s21, $0x3;
	s25 =	sshrl.u32 s5, $0x3;
	s21 =	simm.s32 $0x5000  }
0x12: {  	s8 =	sadd.s32 s4, s0;
	s22 =	sadd.s32 $0x22E00, s9;
	s9 =	sadd.s32 $0x18E00, s9  }
0x13: {  	s0 =	sadd.s32 $0xEE00, s0;
	s7 =	sadd.s32 $0x2CE00, s7;
	[dreg:$0xb] =	wrdreg s25  }
0x14: {  	s1 =	smax.u32 s1, $0x1;
	s25 =	simm.s32 $0x7000;
	[dreg:$0x5] =	wrdreg s22  }
.Ltmp0:
0x15: {  	[dreg:$0x7] =	wrdreg s9;
	s8 =	sadd.s32 $0x4E00, s8;
	(pc) =	sbr.rel .LBB2_1-.Ltmp0, $4  }
0x16: {  	[dreg:$0x9] =	wrdreg s1;
	s0 =	sadd.s32 s4, s0;
	s22 =	simm.s32 $0x6000  }
0x17: {  	s26 =	sadd.s32 s6, s7;
	s1 =	simm.s32 $0x5;
	[dreg:$0x8] =	wrdreg s8  }
0x18: {  	s6 =	simm.s32 $0x8;
	s7 =	simm.s32 $0xC;
	[dreg:$0xc] =	wrdreg s0  }
0x19: {  	[dreg:$0xd] =	wrdreg s26;
	s0 =	simm.s32 $0xC000;
	s26 =	simm.s32 $0xB  }
.LBB2_4:
0x1a: {  	_ =	swait.ge [sflag:s6], $0x1000  }
0x1b: {  	[sflag:s6] =	ssyncset.done $0x0  }
0x1c: {  	[sflag:s6] =	ssyncadd.s32 $0xFFFFF000  }
0x1d: {  	[spmem:s2] =	stream.indirect.scatter.add.f32 [tilespmem:s0], [sflag:$0x10], $0x20, s4, s20, $0xb8;
	[tilespmem:$0x17000] =	vst v63  }
0x1e: {  	_ =	swait.ge [sflag:s7], $0x1000  }
0x1f: {  	[sflag:s7] =	ssyncset.done $0x0  }
0x20: {  	s5 =	simm.s32 $0xD;
	[sflag:s7] =	ssyncadd.s32 $0xFFFFF000  }
0x21: {  	_ =	swait.ge [sflag:s5], $0x1000  }
0x22: {  	[sflag:s5] =	ssyncset.done $0x0  }
0x23: {  	s8 =	simm.s32 $0xE;
	[sflag:s5] =	ssyncadd.s32 $0xFFFFF000  }
0x24: {  	_ =	swait.ge [sflag:s8], $0x1000  }
0x25: {  	[sflag:s8] =	ssyncset.done $0x0  }
0x26: {  	s9 =	simm.s32 $0xF;
	[sflag:s8] =	ssyncadd.s32 $0xFFFFF000  }
0x27: {  	_ =	swait.ge [sflag:s9], $0x1000  }
0x28: {  	[sflag:s9] =	ssyncset.done $0x0  }
0x29: {  	[sflag:s9] =	ssyncadd.s32 $0xFFFFF000  }
0x2a: {  	_ =	swait.ge [sflag:s12], $0x1000  }
0x2b: {  	[sflag:s12] =	ssyncset.done $0x0  }
0x2c: {  	[sflag:s12] =	ssyncadd.s32 $0xFFFFF000  }
0x2d: {  	[bflag:$0x0] =	sbarrier.arrive $0xFFFF  }
0x2e: {  	s10 =	rddreg [dreg:$0x4]  }
0x2f: {  	s5 =	rddreg [dreg:$0xd];
	s4 =	sor.u32 $0x1C11, s10  }
0x30: {  	[hbm:s5], [sflag:s4] =	dma.local [spmem:s11], $0xA00  }
0x31: {  	_ =	swait.ge [sflag:s13], $0xA00  }
0x32: {  	s14 =	sadd.s32 $0x1, s14;
	s24 =	rddreg [dreg:$0x9]  }
0x33: {  	p0 =	sne.s32 s14, s24  }
.Ltmp1:
0x34: {  	_ = 	snop;
	(pc) =	sbr.rel @!p0 .LBB2_5-.Ltmp1, $3  }
0x35: {  	_ =	sdelay $0x1  }
0x36: {  	[sflag:s13] =	ssyncset.done $0x0  }
0x37: {  	[sflag:s13] =	ssyncadd.s32 $0xFFFFF600  }
.LBB2_1:
0x38: {  	s4 =	rddreg [dreg:$0x5]  }
0x39: {  	s5 =	rddreg [dreg:$0x6]  }
0x3a: {  	[spmem:s11], [sflag:s5] =	dma.local [hbm:s4], $0xA00  }
0x3b: {  	s4 =	rddreg [dreg:$0x7]  }
0x3c: {  	s5 =	rddreg [dreg:$0xa]  }
0x3d: {  	s8 =	rddreg [dreg:$0xb]  }
0x3e: {  	[spmem:s8], [sflag:s5] =	dma.local [hbm:s4], $0xA00  }
0x3f: {  	s24 =	simm.s32 $0x0;
	s5 =	rddreg [dreg:$0x8]  }
0x40: {  	[tilespmem:s24], [sflag:$0x3] =	stream.linear.gather [hbm4b:s5+s24], $0x2800, $0x38;
	[tilespmem:$0x17000] =	vst v63  }
0x41: {  	s9 =	simm.s32 $0x2800;
	s8 =	rddreg [dreg:$0xc]  }
0x42: {  	[tilespmem:s9], [sflag:$0x4] =	stream.linear.gather [hbm4b:s8+s24], $0x2800, $0x38;
	[tilespmem:$0x17000] =	vst v63  }
0x43: {  	_ =	swait.ge [sflag:s16], $0xA00  }
0x44: {  	[sflag:s16] =	ssyncset.done $0x0  }
0x45: {  	[sflag:s16] =	ssyncadd.s32 $0xFFFFF600  }
0x46: {  	_ =	swait.ge [sflag:s17], $0xA00  }
0x47: {  	[sflag:s17] =	ssyncset.done $0x0  }
0x48: {  	[sflag:s17] =	ssyncadd.s32 $0xFFFFF600  }
0x49: {  	_ =	swait.ge [sflag:s18], $0x2800  }
0x4a: {  	[sflag:s18] =	ssyncset.done $0x0  }
0x4b: {  	[sflag:s18] =	ssyncadd.s32 $0xFFFFD800  }
0x4c: {  	_ =	swait.ge [sflag:s19], $0x2800  }
0x4d: {  	[sflag:s19] =	ssyncset.done $0x0  }
0x4e: {  	[sflag:s19] =	ssyncadd.s32 $0xFFFFD800  }
0x4f: {  	[bflag:$0x0] =	sbarrier.arrive $0xFFFF  }
0x50: {  	[tilespmem:s21], [sflag:$0x1] =	stream.indirect.gather [spmem:s3], $0x20, s24, s20, $0xb8;
	[tilespmem:$0x17000] =	vst v63  }
0x51: {  	_ = 	snop  }
0x52: {  	[tilespmem:s22], [sflag:$0x2] =	stream.indirect.gather [spmem:s3], $0x20, s20, s20, $0xb8;
	[tilespmem:$0x17000] =	vst v63  }
0x53: {  	s10 =	simm.s32 $0x100  }
0x54: {  	[tilespmem:s25], [sflag:$0x3] =	stream.indirect.gather [spmem:s3], $0x20, s10, s20, $0xb8;
	[tilespmem:$0x17000] =	vst v63  }
0x55: {  	s5 =	simm.s32 $0x0;
	s24 =	simm.s32 $0x180  }
0x56: {  	[tilespmem:s28], [sflag:$0x4] =	stream.indirect.gather [spmem:s3], $0x20, s24, s20, $0xb8;
	[tilespmem:$0x17000] =	vst v63  }
.LBB2_2:
0x57: {  	_ =	swait.ge [sflag:s16], $0x1000  }
0x58: {  	s24 =	sshra.s32 s5, $0x2;
	[sflag:s16] =	ssyncset.done $0x0  }
0x59: {  	p0 =	seq.s32 s5, $0x0;
	s4 =	sadd.s32 $0x2800, s24;
	[sflag:s16] =	ssyncadd.s32 $0xFFFFF000  }
0x5a: {  	[spmem:s2] =	stream.indirect.scatter.add.f32 [tilespmem:s21], [sflag:$0x9], $0x20, s4, s20, $0xb8;
	[tilespmem:$0x17000] =	vst v63  }
0x5b: {  	s4 =	simm.s32 @!p0 $0xD  }
0x5c: {  	_ =	swait.ge @!p0 [sflag:s4], $0x1000  }
0x5d: {  	[sflag:s4] =	ssyncset.done @!p0 $0x0  }
0x5e: {  	s8 =	sadd.s32 $0x200, s24;
	[sflag:s4] =	ssyncadd.s32 @!p0 $0xFFFFF000  }
0x5f: {  	[tilespmem:s29], [sflag:$0x5] =	stream.indirect.gather [spmem:s3], $0x20, s8, s20, $0xb8;
	[tilespmem:$0x17000] =	vst v63  }
0x60: {  	_ =	swait.ge [sflag:s17], $0x1000  }
0x61: {  	[sflag:s17] =	ssyncset.done $0x0  }
0x62: {  	s9 =	sadd.s32 $0x2880, s24;
	s4 =	simm.s32 @!p0 $0xE;
	[sflag:s17] =	ssyncadd.s32 $0xFFFFF000  }
0x63: {  	[spmem:s2] =	stream.indirect.scatter.add.f32 [tilespmem:s22], [sflag:$0xA], $0x20, s9, s20, $0xb8;
	[tilespmem:$0x17000] =	vst v63  }
0x64: {  	_ =	swait.ge @!p0 [sflag:s4], $0x1000  }
0x65: {  	[sflag:s4] =	ssyncset.done @!p0 $0x0  }
0x66: {  	s10 =	sadd.s32 $0x280, s24;
	[sflag:s4] =	ssyncadd.s32 @!p0 $0xFFFFF000  }
0x67: {  	[tilespmem:s30], [sflag:$0x6] =	stream.indirect.gather [spmem:s3], $0x20, s10, s20, $0xb8;
	[tilespmem:$0x17000] =	vst v63  }
0x68: {  	_ =	swait.ge [sflag:s18], $0x1000  }
0x69: {  	[sflag:s18] =	ssyncset.done $0x0  }
0x6a: {  	s8 =	sadd.s32 $0x2900, s24;
	s4 =	simm.s32 @!p0 $0xF;
	[sflag:s18] =	ssyncadd.s32 $0xFFFFF000  }
0x6b: {  	[spmem:s2] =	stream.indirect.scatter.add.f32 [tilespmem:s25], [sflag:$0xB], $0x20, s8, s20, $0xb8;
	[tilespmem:$0x17000] =	vst v63  }
0x6c: {  	_ =	swait.ge @!p0 [sflag:s4], $0x1000  }
0x6d: {  	[sflag:s4] =	ssyncset.done @!p0 $0x0  }
0x6e: {  	s9 =	sadd.s32 $0x300, s24;
	[sflag:s4] =	ssyncadd.s32 @!p0 $0xFFFFF000  }
0x6f: {  	[tilespmem:s31], [sflag:$0x7] =	stream.indirect.gather [spmem:s3], $0x20, s9, s20, $0xb8;
	[tilespmem:$0x17000] =	vst v63  }
0x70: {  	_ =	swait.ge [sflag:s19], $0x1000  }
0x71: {  	[sflag:s19] =	ssyncset.done $0x0  }
0x72: {  	s10 =	sadd.s32 $0x2980, s24;
	s4 =	simm.s32 @!p0 $0x10;
	[sflag:s19] =	ssyncadd.s32 $0xFFFFF000  }
0x73: {  	[spmem:s2] =	stream.indirect.scatter.add.f32 [tilespmem:s28], [sflag:$0xC], $0x20, s10, s20, $0xb8;
	[tilespmem:$0x17000] =	vst v63  }
0x74: {  	_ =	swait.ge @!p0 [sflag:s4], $0x1000  }
0x75: {  	[sflag:s4] =	ssyncset.done @!p0 $0x0  }
0x76: {  	s8 =	sadd.s32 $0x380, s24;
	[sflag:s4] =	ssyncadd.s32 @!p0 $0xFFFFF000  }
0x77: {  	[tilespmem:s0], [sflag:$0x8] =	stream.indirect.gather [spmem:s3], $0x20, s8, s20, $0xb8;
	[tilespmem:$0x17000] =	vst v63  }
0x78: {  	_ =	swait.ge [sflag:s1], $0x1000  }
0x79: {  	[sflag:s1] =	ssyncset.done $0x0  }
0x7a: {  	s9 =	sadd.s32 $0x2A00, s24;
	[sflag:s1] =	ssyncadd.s32 $0xFFFFF000  }
0x7b: {  	[spmem:s2] =	stream.indirect.scatter.add.f32 [tilespmem:s29], [sflag:$0xD], $0x20, s9, s20, $0xb8;
	[tilespmem:$0x17000] =	vst v63  }
0x7c: {  	_ =	swait.ge [sflag:s15], $0x1000  }
0x7d: {  	p0 =	seq.s32 s5, $0x9000;
	[sflag:s15] =	ssyncset.done $0x0  }
0x7e: {  	s4 =	simm.s32 @p0 $0x6;
	[sflag:s15] =	ssyncadd.s32 $0xFFFFF000  }
0x7f: {  	_ =	swait.ge @p0 [sflag:s4], $0x1000  }
0x80: {  	[sflag:s4] =	ssyncset.done @p0 $0x0  }
0x81: {  	[sflag:s4] =	ssyncadd.s32 @p0 $0xFFFFF000;
	s4 =	sshra.s32 @p0 s5, $0x2  }
0x82: {  	s8 =	simm.s32 @p0 $0x80;
	s9 =	simm.s32 @p0 $0xA000;
	s4 =	sadd.s32 @p0 $0x2A80, s4  }
0x83: {  	[spmem:s2] =	stream.indirect.scatter.add.f32 @p0 [tilespmem:s9], [sflag:$0xE], $0x20, s4, s8, $0xb8;
	[tilespmem:$0x17000] =	vst v63  }
0x84: {  	s4 =	simm.s32 @p0 $0xA  }
0x85: {  	_ =	swait.ge @p0 [sflag:s4], $0x1000  }
0x86: {  	[sflag:s4] =	ssyncset.done @p0 $0x0  }
0x87: {  	[sflag:s4] =	ssyncadd.s32 @p0 $0xFFFFF000;
	s4 =	sshra.s32 @!p0 s5, $0x2  }
0x88: {  	s10 =	simm.s32 @!p0 $0x5000;
	s9 =	simm.s32 @!p0 $0x80;
	s8 =	sadd.s32 @!p0 $0x400, s4  }
0x89: {  	[tilespmem:s10], [sflag:$0x1] =	stream.indirect.gather @!p0 [spmem:s3], $0x20, s8, s9, $0xb8;
	[tilespmem:$0x17000] =	vst v63  }
0x8a: {  	s8 =	simm.s32 @!p0 $0x6  }
0x8b: {  	_ =	swait.ge @!p0 [sflag:s8], $0x1000  }
0x8c: {  	[sflag:s8] =	ssyncset.done @!p0 $0x0  }
0x8d: {  	s10 =	simm.s32 @!p0 $0xA000;
	[sflag:s8] =	ssyncadd.s32 @!p0 $0xFFFFF000;
	s8 =	sadd.s32 @!p0 $0x2A80, s4  }
0x8e: {  	[spmem:s2] =	stream.indirect.scatter.add.f32 @!p0 [tilespmem:s10], [sflag:$0xE], $0x20, s8, s9, $0xb8;
	[tilespmem:$0x17000] =	vst v63  }
0x8f: {  	s8 =	simm.s32 @!p0 $0xA  }
0x90: {  	_ =	swait.ge @!p0 [sflag:s8], $0x1000  }
0x91: {  	[sflag:s8] =	ssyncset.done @!p0 $0x0  }
0x92: {  	s4 =	sadd.s32 @!p0 $0x480, s4;
	[sflag:s8] =	ssyncadd.s32 @!p0 $0xFFFFF000;
	s8 =	simm.s32 @!p0 $0x6000  }
0x93: {  	[tilespmem:s8], [sflag:$0x2] =	stream.indirect.gather @!p0 [spmem:s3], $0x20, s4, s9, $0xb8;
	[tilespmem:$0x17000] =	vst v63  }
0x94: {  	_ =	swait.ge [sflag:s23], $0x1000  }
0x95: {  	[sflag:s23] =	ssyncset.done $0x0  }
.Ltmp2:
0x96: {  	s10 =	sadd.s32 $0x2B00, s24;
	[sflag:s23] =	ssyncadd.s32 $0xFFFFF000;
	(pc) =	sbr.rel @p0 .LBB2_4-.Ltmp2, $4  }
0x97: {  	[spmem:s2] =	stream.indirect.scatter.add.f32 [tilespmem:s31], [sflag:$0xF], $0x20, s10, s20, $0xb8;
	[tilespmem:$0x17000] =	vst v63  }
0x98: {  	_ =	swait.ge [sflag:s26], $0x1000  }
0x99: {  	[sflag:s26] =	ssyncset.done $0x0  }
0x9a: {  	s4 =	sadd.s32 $0x2B80, s24;
	[sflag:s26] =	ssyncadd.s32 $0xFFFFF000  }
0x9b: {  	s8 =	sadd.s32 $0x500, s24  }
0x9c: {  	[tilespmem:s25], [sflag:$0x3] =	stream.indirect.gather [spmem:s3], $0x20, s8, s20, $0xb8;
	[tilespmem:$0x17000] =	vst v63  }
0x9d: {  	_ =	swait.ge [sflag:s6], $0x1000  }
0x9e: {  	[sflag:s6] =	ssyncset.done $0x0  }
0x9f: {  	[sflag:s6] =	ssyncadd.s32 $0xFFFFF000  }
0xa0: {  	[spmem:s2] =	stream.indirect.scatter.add.f32 [tilespmem:s0], [sflag:$0x10], $0x20, s4, s20, $0xb8;
	[tilespmem:$0x17000] =	vst v63  }
.Ltmp3:
0xa1: {  	_ = 	snop;
	(pc) =	sbr.rel .LBB2_2-.Ltmp3, $4  }
0xa2: {  	_ =	swait.ge [sflag:s7], $0x1000  }
0xa3: {  	[sflag:s7] =	ssyncset.done $0x0  }
0xa4: {  	s24 =	sadd.s32 $0x580, s24;
	s5 =	sadd.s32 $0x1000, s5;
	[sflag:s7] =	ssyncadd.s32 $0xFFFFF000  }
0xa5: {  	[tilespmem:s28], [sflag:$0x4] =	stream.indirect.gather [spmem:s3], $0x20, s24, s20, $0xb8;
	[tilespmem:$0x17000] =	vst v63  }
.LBB2_5:
0xa6: {  	_ =	sfence.sel $0x180000  }
0xa7: {  	[bflag:$0x0] =	sbarrier.arrive $0xFFFF  }
0xa8: {  	_ =	strace $0x9000004A  }
0xa9: {  	s0 =	stileid.u32;
	[bflag:$0x2] =	sbarrier.arrive $0xFFFF  }
0xaa: {  	p0 =	sne.s32 s0, $0x0;
	s0 =	rddreg [dreg:$0x3]  }
0xab: {  	s0 =	sadd.s32 @!p0 $0x100000, s0  }
0xac: {  	[sflag:s0] =	ssyncadd.tile.s32 @!p0 $0x1;
	_ =	shalt  }
.Lfunc_end2:
_tile_overlayer_lowered:
.L_overlay_start_2:
0xad: {  	(tag) =	ssettag $0x2  }
0xae: {  	s0 =	rddreg [dreg:$0x0];
	s2 =	stileid.u32  }
0xaf: {  	s1 =	rddreg [dreg:$0x1];
	p0 =	sne.s32 s2, $0x0  }
0xb0: {  	s3 =	rddreg [dreg:$0x2];
	[bflag:$0x3] =	sbarrier.arrive $0xFFFF;
	s2 =	simm.s32 @!p0 $0x1C11  }
0xb1: {  	[timem:s3], [sflag:s2] =	dma.local @!p0 [hbm:s0], s1  }
0xb2: {  	s0 =	simm.s32 @!p0 $0x11  }
0xb3: {  	_ =	swait.ge @!p0 [sflag:s0], s1  }
0xb4: {  	s1 =	ssub.s32 @!p0 $0x0, s1;
	[sflag:s0] =	ssyncset.done @!p0 $0x0  }
0xb5: {  	[sflag:s0] =	ssyncadd.s32 @!p0 s1  }
0xb6: {  	[bflag:$0x3] =	sbarrier.arrive $0xFFFF  }
0xb7: {  	_ =	shalt  }

// kernel: kernel.16.cloned.1.call-start
scs
__scs_entry_jumppad:
0x0: {  	(pc) =	sbr.rel $0x88, $3  }
0x1: {  	(tag) =	ssettag $0x0;
	lr =	simm.s32 $0x1  }
0x2: {  	[smem:$0x3F97] =	sst lr;
	_ =	strace $0xD0000000  }
0x3: {  	_ = 	snop  }
0x4: {  	_ = 	snop  }
0x5: {  	_ = 	snop  }
0x6: {  	_ = 	snop  }
0x7: {  	_ = 	snop  }
__scs_overlays_trampoline_lowered:
0x8: {  	[smem:$0x3FA6] =	sst s0  }
0x9: {  	[smem:$0x3FA7] =	sst s1  }
0xa: {  	[smem:$0x3FA8] =	sst s2  }
0xb: {  	[smem:$0x3FA9] =	sst s3  }
0xc: {  	[smem:$0x3FAA] =	sst s4  }
0xd: {  	[smem:$0x3FAB] =	sst s5  }
0xe: {  	[smem:$0x3FAC] =	sst s6  }
0xf: {  	[smem:$0x3FAD] =	sst s7  }
0x10: {  	[smem:$0x3FAE] =	sst s8  }
0x11: {  	[smem:$0x3FAF] =	sst s9;
	s0 =	simm.s32 @!p0 $0x0  }
0x12: {  	s1 =	sld [smem:$0x3F95];
	s0 =	simm.s32 @p0 $0x1  }
0x13: {  	[smem:$0x3FB0] =	sst s0;
	s0 =	simm.s32 @!p1 $0x0  }
0x14: {  	s2 =	sld [smem:$0x3F94];
	s0 =	simm.s32 @p1 $0x1  }
0x15: {  	[smem:$0x3FB1] =	sst s0;
	s0 =	simm.s32 @!p2 $0x0  }
0x16: {  	s3 =	sld [smem:$0x3FDB];
	s0 =	simm.s32 @p2 $0x1  }
0x17: {  	s4 =	simm.s32 $0x1BF5;
	[smem:$0x3FB3] =	sst s0  }
0x18: {  	s0 =	sld [smem:$0x3F96];
	_ =	swait.ge [sflag:s4], $0x0  }
0x19: {  	s7 =	sld [smem:$0x3F97]  }
0x1a: {  	s8 =	sadd.s32 $0xFFFFE003, lr  }
0x1b: {  	s9 =	sadd.s32 $0xFFFFFEF7, lr;
	s5 =	simm.s32 $0xFFFFFFFF;
	p2 =	slt.u32 s8, $0xFFFFF086  }
0x1c: {  	p1 =	slt.u32 s9, $0xF7A;
	s5 =	simm.s32 @!p2 $0x0  }
0x1d: {  	s5 =	simm.s32 @p1 $0x1;
	p0 =	seq.s32 s7, s2  }
0x1e: {  	s7 =	smul.u32 @!p0 $0xF7A, s2;
	p2 =	seq.s32 @!p0 s5, $0x0  }
0x1f: {  	s9 =	smul.u32 $0xF7A, s1;
	s8 =	simm.s32 @!p0 $0x1BF5;
	p2 =	por !p2, p0  }
0x20: {  	[sflag:s8] =	ssyncset.s32 @!p0 $0xFFFFF086;
	s6 =	sadd.s32 @!p0 s3, s7;
	s7 =	simm.s32 @!p0 $0x108  }
0x21: {  	s3 =	sadd.s32 s3, s9;
	s6 =	sadd.s32 @!p0 $0x88, s6;
	s7 =	simm.s32 @p2 $0x1082  }
0x22: {  	[simem:s7], [sflag:s8] =	dma.local @!p0 [hbm:s6], $0xF7A  }
0x23: {  	s9 =	sor.u32 $0xD0000000, s2;
	s6 =	simm.s32 $0x108;
	_ =	swait.ge @!p0 [sflag:s8], $0x0  }
0x24: {  	s3 =	sadd.s32 $0x88, s3;
	s6 =	simm.s32 @!p1 $0x1082;
	[sflag:s4] =	ssyncset.s32 $0xFFFFF086  }
0x25: {  	[simem:s6], [sflag:s4] =	dma.local [hbm:s3], $0xF7A  }
0x26: {  	[smem:$0x3F97] =	sst s1;
	(tag) =	ssettag s2;
	_ =	strace s9  }
0x27: {  	s1 =	sld [smem:$0x3FA7]  }
0x28: {  	s2 =	sld [smem:$0x3FA8]  }
0x29: {  	s4 =	sld [smem:$0x3FAA]  }
0x2a: {  	p0 =	seq.s32 s5, $0x0;
	s5 =	sld [smem:$0x3FAB]  }
0x2b: {  	s6 =	sld [smem:$0x3FAC]  }
0x2c: {  	s7 =	sld [smem:$0x3FAD]  }
0x2d: {  	s3 =	simm.s32 $0x108;
	s8 =	sld [smem:$0x3FAE]  }
0x2e: {  	s3 =	simm.s32 @!p0 $0x1082;
	s9 =	sld [smem:$0x3FAF]  }
0x2f: {  	lr =	sadd.s32 s0, s3;
	s0 =	sld [smem:$0x3FA6]  }
0x30: {  	s3 =	sld [smem:$0x3FA9]  }
0x31: {  	[smem:$0x3FB2] =	sst s10  }
0x32: {  	s10 =	sld [smem:$0x3FB0];
	_ =	sdelay $0x3  }
0x33: {  	p0 =	seq.s32 s10, $0x1;
	s10 =	sld [smem:$0x3FB2];
	_ =	sdelay $0x3  }
0x34: {  	[smem:$0x3FB2] =	sst s10  }
0x35: {  	s10 =	sld [smem:$0x3FB1];
	_ =	sdelay $0x3  }
0x36: {  	p1 =	seq.s32 s10, $0x1;
	s10 =	sld [smem:$0x3FB2];
	_ =	sdelay $0x3  }
0x37: {  	[smem:$0x3FB2] =	sst s10  }
0x38: {  	s10 =	sld [smem:$0x3FB3]  }
0x39: {  	_ = 	snop;
	(pc) =	sbr.ind lr, $3  }
0x3a: {  	_ = 	snop  }
0x3b: {  	_ = 	snop  }
0x3c: {  	p2 =	seq.s32 s10, $0x1;
	s10 =	sld [smem:$0x3FB2]  }
0x3d: {  	_ =	shalt  }
0x3e: {  	_ =	shalt  }
0x3f: {  	_ =	shalt  }
0x40: {  	_ =	shalt  }
0x41: {  	_ =	shalt  }
0x42: {  	_ =	shalt  }
0x43: {  	_ =	shalt  }
0x44: {  	_ =	shalt  }
0x45: {  	_ =	shalt  }
0x46: {  	_ =	shalt  }
0x47: {  	_ =	shalt  }
0x48: {  	_ =	shalt  }
0x49: {  	_ =	shalt  }
0x4a: {  	_ =	shalt  }
0x4b: {  	_ =	shalt  }
0x4c: {  	_ =	shalt  }
0x4d: {  	_ =	shalt  }
0x4e: {  	_ =	shalt  }
0x4f: {  	_ =	shalt  }
0x50: {  	_ =	shalt  }
0x51: {  	_ =	shalt  }
0x52: {  	_ =	shalt  }
0x53: {  	_ =	shalt  }
0x54: {  	_ =	shalt  }
0x55: {  	_ =	shalt  }
0x56: {  	_ =	shalt  }
0x57: {  	_ =	shalt  }
0x58: {  	_ =	shalt  }
0x59: {  	_ =	shalt  }
0x5a: {  	_ =	shalt  }
0x5b: {  	_ =	shalt  }
0x5c: {  	_ =	shalt  }
0x5d: {  	_ =	shalt  }
0x5e: {  	_ =	shalt  }
0x5f: {  	_ =	shalt  }
0x60: {  	_ =	shalt  }
0x61: {  	_ =	shalt  }
0x62: {  	_ =	shalt  }
0x63: {  	_ =	shalt  }
0x64: {  	_ =	shalt  }
0x65: {  	_ =	shalt  }
0x66: {  	_ =	shalt  }
0x67: {  	_ =	shalt  }
0x68: {  	_ =	shalt  }
0x69: {  	_ =	shalt  }
0x6a: {  	_ =	shalt  }
0x6b: {  	_ =	shalt  }
0x6c: {  	_ =	shalt  }
0x6d: {  	_ =	shalt  }
0x6e: {  	_ =	shalt  }
0x6f: {  	_ =	shalt  }
0x70: {  	_ =	shalt  }
0x71: {  	_ =	shalt  }
0x72: {  	_ =	shalt  }
0x73: {  	_ =	shalt  }
0x74: {  	_ =	shalt  }
0x75: {  	_ =	shalt  }
0x76: {  	_ =	shalt  }
0x77: {  	_ =	shalt  }
0x78: {  	_ =	shalt  }
0x79: {  	_ =	shalt  }
0x7a: {  	_ =	shalt  }
0x7b: {  	_ =	shalt  }
0x7c: {  	_ =	shalt  }
0x7d: {  	_ =	shalt  }
0x7e: {  	_ =	shalt  }
0x7f: {  	_ =	shalt  }
0x80: {  	_ =	shalt  }
0x81: {  	_ =	shalt  }
0x82: {  	_ =	shalt  }
0x83: {  	_ =	shalt  }
0x84: {  	_ =	shalt  }
0x85: {  	_ =	shalt  }
0x86: {  	_ =	shalt  }
0x87: {  	_ =	shalt  }
.Lfunc_end0:
.L_simem_size_0:
called_computation.2_lowered:
.L_overlay_start_0:
0x88: {  	s2 =	sld [smem:$0x3FD9]  }
0x89: {  	s3 =	sld [smem:$0x3FFE];
	_ =	sdelay $0x1  }
0x8a: {  	s1 =	srdreg.scid  }
0x8b: {  	s0 =	sand.u32 $0x1, s1  }
0x8c: {  	s16 =	sshll.u32 s0, $0xA;
	s2 =	sadd.s32 s3, s2  }
0x8d: {  	s2 =	sadd.s32 s2, s16  }
0x8e: {  	[smem:$0x3FBE] =	sst s2  }
0x8f: {  	_ = 	snop  }
0x90: {  	(tm) =	ssettm $0x1  }
0x91: {  	s17 =	sld [smem:$0x3FFB];
	_ =	sdelay $0x3  }
0x92: {  	_ =	strace s17  }
0x93: {  	s2 =	sld [smem:$0x3FFC];
	_ =	sdelay $0x3  }
0x94: {  	_ =	strace s2  }
0x95: {  	s2 =	sld [smem:$0x3FFD];
	_ =	sdelay $0x3  }
0x96: {  	_ =	strace s2  }
0x97: {  	_ =	strace $0x8FFFFFFF  }
0x98: {  	s18 =	sld [smem:$0x3FDB];
	_ =	sdelay $0x1  }
0x99: {  	s19 =	simm.s32 $_scs_section_size  }
0x9a: {  	s4 =	simm.s32 $_size__tile_overlayer_lowered;
	s5 =	simm.s32 $_tile_overlayer_lowered  }
0x9b: {  	s22 =	simm.s32 $0x1BFF;
	s21 =	sshll.u32 s5, $0x1;
	s2 =	sadd.s32 s19, s18  }
0x9c: {  	s6 =	simm.s32 $0x0;
	s20 =	sshll.u32 s4, $0x1;
	s4 =	sadd.s32 s21, s2  }
0x9d: {  	[timem:s6], [sflag:s22] =	dma.local [hbm:s4], s20  }
0x9e: {  	_ =	swait.ge [sflag:s22], s20  }
0x9f: {  	s3 =	ssub.s32 $0x0, s20;
	[sflag:s22] =	ssyncset.done $0x0  }
0xa0: {  	[sflag:s22] =	ssyncadd.s32 s3;
	_ =	sdelay $0x1  }
0xa1: {  	s23 =	simm.s32 $0x1B8B  }
0xa2: {  	_ =	swait.ge [sflag:s23], $0x1  }
0xa3: {  	[sflag:s23] =	ssyncset.done $0x0  }
0xa4: {  	s25 =	simm.s32 $0x1B8E;
	s24 =	sld [smem:$0x3FFE];
	[sflag:s23] =	ssyncadd.s32 $0xFFFFFFFF  }
0xa5: {  	s26 =	simm.s32 $execute0_lowered;
	[smem:$0x3FD2] =	sst s25  }
0xa6: {  	s4 =	sshll.u32 s26, $0x1;
	_ =	strace $0x8000004C;
	[dreg:$0x1] =	wrdreg $0xFFFFFFFF  }
0xa7: {  	s28 =	simm.s32 $_size_execute0_lowered;
	s2 =	sadd.s32 s2, s4;
	[dreg:$0x0] =	wrdreg $0x0  }
0xa8: {  	s4 =	sshll.u32 s28, $0x1;
	[dreg:$0x2] =	wrdreg s2  }
0xa9: {  	[dreg:$0x3] =	wrdreg s4  }
0xaa: {  	[dreg:$0x4] =	wrdreg $0xC0  }
0xab: {  	_ =	task [dreg:s6], $0x5FFFF  }
0xac: {  	[dreg:$0x1] =	wrdreg $0xFFFFFFFF  }
0xad: {  	[dreg:$0x0] =	wrdreg $0x60  }
0xae: {  	[dreg:$0x2] =	wrdreg s24  }
0xaf: {  	[dreg:$0x3] =	wrdreg $0xD0000  }
0xb0: {  	[dreg:$0x4] =	wrdreg $0x120000  }
0xb1: {  	[dreg:$0x5] =	wrdreg $0x9  }
0xb2: {  	_ =	task.clear_ibuf [dreg:s6], $0x6FFFF;
	_ =	strace $0x9000004C  }
0xb3: {  	s29 =	simm.s32 $0x9;
	_ =	strace $0x8000004E  }
0xb4: {  	_ =	swait.ge [sflag:s29], $0x1  }
0xb5: {  	[sflag:s29] =	ssyncadd.s32 $0xFFFFFFFF  }
0xb6: {  	_ =	strace $0x9000004E  }
0xb7: {  	_ =	sfence  }
0xb8: {  	s30 =	sld [smem:$0x0];
	_ =	sdelay $0x2  }
0xb9: {  	s31 =	sshll.u32 s1, $0xD;
	s1 =	sshrl.u32 s1, $0x2  }
0xba: {  	s3 =	sand.u32 $0x4000, s31;
	s1 =	sadd.s32 s1, s30  }
0xbb: {  	s0 =	sor.u32 s3, s0;
	s1 =	sshll.u32 s1, $0x11  }
0xbc: {  	s0 =	sor.u32 s1, s0  }
0xbd: {  	s0 =	sadd.s32 $0x8F2B, s0  }
0xbe: {  	[sflag:s0] =	ssyncadd.remote.s32 $0x1  }
0xbf: {  	_ =	sfence.sel $0xFFFF  }
0xc0: {  	[dreg:$0x0] =	wrdreg $0xFFFFFFFF;
	(pc) =	sbr.abs _section_cstart, $3  }
0xc1: {  	[dreg:$0x1] =	wrdreg $0xFFFFFFFF  }
0xc2: {  	_ =	task.clear_ibuf [dreg:s6], $0x2FFFF;
	_ =	strace $0x9FFFFFFF  }
0xc3: {  	(tm) =	ssettm $0x7FFFFFFF  }
tec
execute0_lowered:
.L_overlay_start_1:
0x0: {  	(tag) =	ssettag $0x1  }
0x1: {  	s0 =	rddreg [dreg:$0x0]  }
0x2: {  	s2 =	rddreg [dreg:$0x1]  }
0x3: {  	s3 =	rddreg [dreg:$0x2]  }
0x4: {  	s1 =	srdreg.scid;
	s11 =	stileid.u32;
	s5 =	simm.s32 $0x0  }
0x5: {  	s16 =	simm.s32 $0x1;
	s17 =	simm.s32 $0x2;
	s18 =	simm.s32 $0x3  }
0x6: {  	s19 =	simm.s32 $0x4;
	s28 =	simm.s32 $0x8000;
	s29 =	simm.s32 $0x9000  }
0x7: {  	s30 =	simm.s32 $0xA000;
	s31 =	simm.s32 $0xB000;
	s15 =	simm.s32 $0x9  }
0x8: {  	s13 =	simm.s32 $0x11;
	s14 =	simm.s32 $0x0;
	s1 =	sand.u32 $0x1, s1  }
0x9: {  	s4 =	sshll.u32 s11, $0x1;
	[smem:$0x7FF] =	sst s5;
	s20 =	smul.u32 $0x5000, s11  }
0xa: {  	s12 =	sshll.u32 s11, $0x6;
	s4 =	sor.u32 s1, s4;
	_ =	strace $0x8000004D  }
0xb: {  	s7 =	smul.u32 $0xA000, s1;
	s1 =	ssub.s32 $0x2, s1;
	s23 =	sor.u32 $0x1C01, s12  }
0xc: {  	[dreg:$0x4] =	wrdreg s12;
	s24 =	sor.u32 $0x1C02, s12;
	s12 =	simm.s32 $0x10  }
0xd: {  	s4 =	smul.u32 $0x500, s4;
	s6 =	sshrl.u32 s20, $0x3;
	s10 =	sshrl.u32 s1, $0x1  }
0xe: {  	s21 =	sadd.s32 s20, s2;
	[dreg:$0x6] =	wrdreg s23;
	s5 =	sadd.s32 s20, s3  }
0xf: {  	[dreg:$0xa] =	wrdreg s24;
	s20 =	simm.s32 $0x80;
	s23 =	simm.s32 $0x7  }
0x10: {  	s9 =	sadd.s32 s6, s0;
	s7 =	sadd.s32 s7, s0;
	s1 =	ssub.s32 s1, s10  }
0x11: {  	s11 =	sshrl.u32 s21, $0x3;
	s25 =	sshrl.u32 s5, $0x3;
	s21 =	simm.s32 $0x5000  }
0x12: {  	s8 =	sadd.s32 s4, s0;
	s22 =	sadd.s32 $0x22E00, s9;
	s9 =	sadd.s32 $0x18E00, s9  }
0x13: {  	s0 =	sadd.s32 $0xEE00, s0;
	s7 =	sadd.s32 $0x2CE00, s7;
	[dreg:$0xb] =	wrdreg s25  }
0x14: {  	s1 =	smax.u32 s1, $0x1;
	s25 =	simm.s32 $0x7000;
	[dreg:$0x5] =	wrdreg s22  }
.Ltmp0:
0x15: {  	[dreg:$0x7] =	wrdreg s9;
	s8 =	sadd.s32 $0x4E00, s8;
	(pc) =	sbr.rel .LBB2_1-.Ltmp0, $4  }
0x16: {  	[dreg:$0x9] =	wrdreg s1;
	s0 =	sadd.s32 s4, s0;
	s22 =	simm.s32 $0x6000  }
0x17: {  	s26 =	sadd.s32 s6, s7;
	s1 =	simm.s32 $0x5;
	[dreg:$0x8] =	wrdreg s8  }
0x18: {  	s6 =	simm.s32 $0x8;
	s7 =	simm.s32 $0xC;
	[dreg:$0xc] =	wrdreg s0  }
0x19: {  	[dreg:$0xd] =	wrdreg s26;
	s0 =	simm.s32 $0xC000;
	s26 =	simm.s32 $0xB  }
.LBB2_4:
0x1a: {  	_ =	swait.ge [sflag:s6], $0x1000  }
0x1b: {  	[sflag:s6] =	ssyncset.done $0x0  }
0x1c: {  	[sflag:s6] =	ssyncadd.s32 $0xFFFFF000  }
0x1d: {  	[spmem:s2] =	stream.indirect.scatter.add.f32 [tilespmem:s0], [sflag:$0x10], $0x20, s4, s20, $0xb8;
	[tilespmem:$0x17000] =	vst v63  }
0x1e: {  	_ =	swait.ge [sflag:s7], $0x1000  }
0x1f: {  	[sflag:s7] =	ssyncset.done $0x0  }
0x20: {  	s5 =	simm.s32 $0xD;
	[sflag:s7] =	ssyncadd.s32 $0xFFFFF000  }
0x21: {  	_ =	swait.ge [sflag:s5], $0x1000  }
0x22: {  	[sflag:s5] =	ssyncset.done $0x0  }
0x23: {  	s8 =	simm.s32 $0xE;
	[sflag:s5] =	ssyncadd.s32 $0xFFFFF000  }
0x24: {  	_ =	swait.ge [sflag:s8], $0x1000  }
0x25: {  	[sflag:s8] =	ssyncset.done $0x0  }
0x26: {  	s9 =	simm.s32 $0xF;
	[sflag:s8] =	ssyncadd.s32 $0xFFFFF000  }
0x27: {  	_ =	swait.ge [sflag:s9], $0x1000  }
0x28: {  	[sflag:s9] =	ssyncset.done $0x0  }
0x29: {  	[sflag:s9] =	ssyncadd.s32 $0xFFFFF000  }
0x2a: {  	_ =	swait.ge [sflag:s12], $0x1000  }
0x2b: {  	[sflag:s12] =	ssyncset.done $0x0  }
0x2c: {  	[sflag:s12] =	ssyncadd.s32 $0xFFFFF000  }
0x2d: {  	[bflag:$0x0] =	sbarrier.arrive $0xFFFF  }
0x2e: {  	s10 =	rddreg [dreg:$0x4]  }
0x2f: {  	s5 =	rddreg [dreg:$0xd];
	s4 =	sor.u32 $0x1C11, s10  }
0x30: {  	[hbm:s5], [sflag:s4] =	dma.local [spmem:s11], $0xA00  }
0x31: {  	_ =	swait.ge [sflag:s13], $0xA00  }
0x32: {  	s14 =	sadd.s32 $0x1, s14;
	s24 =	rddreg [dreg:$0x9]  }
0x33: {  	p0 =	sne.s32 s14, s24  }
.Ltmp1:
0x34: {  	_ = 	snop;
	(pc) =	sbr.rel @!p0 .LBB2_5-.Ltmp1, $3  }
0x35: {  	_ =	sdelay $0x1  }
0x36: {  	[sflag:s13] =	ssyncset.done $0x0  }
0x37: {  	[sflag:s13] =	ssyncadd.s32 $0xFFFFF600  }
.LBB2_1:
0x38: {  	s4 =	rddreg [dreg:$0x5]  }
0x39: {  	s5 =	rddreg [dreg:$0x6]  }
0x3a: {  	[spmem:s11], [sflag:s5] =	dma.local [hbm:s4], $0xA00  }
0x3b: {  	s4 =	rddreg [dreg:$0x7]  }
0x3c: {  	s5 =	rddreg [dreg:$0xa]  }
0x3d: {  	s8 =	rddreg [dreg:$0xb]  }
0x3e: {  	[spmem:s8], [sflag:s5] =	dma.local [hbm:s4], $0xA00  }
0x3f: {  	s24 =	simm.s32 $0x0;
	s5 =	rddreg [dreg:$0x8]  }
0x40: {  	[tilespmem:s24], [sflag:$0x3] =	stream.linear.gather [hbm4b:s5+s24], $0x2800, $0x38;
	[tilespmem:$0x17000] =	vst v63  }
0x41: {  	s9 =	simm.s32 $0x2800;
	s8 =	rddreg [dreg:$0xc]  }
0x42: {  	[tilespmem:s9], [sflag:$0x4] =	stream.linear.gather [hbm4b:s8+s24], $0x2800, $0x38;
	[tilespmem:$0x17000] =	vst v63  }
0x43: {  	_ =	swait.ge [sflag:s16], $0xA00  }
0x44: {  	[sflag:s16] =	ssyncset.done $0x0  }
0x45: {  	[sflag:s16] =	ssyncadd.s32 $0xFFFFF600  }
0x46: {  	_ =	swait.ge [sflag:s17], $0xA00  }
0x47: {  	[sflag:s17] =	ssyncset.done $0x0  }
0x48: {  	[sflag:s17] =	ssyncadd.s32 $0xFFFFF600  }
0x49: {  	_ =	swait.ge [sflag:s18], $0x2800  }
0x4a: {  	[sflag:s18] =	ssyncset.done $0x0  }
0x4b: {  	[sflag:s18] =	ssyncadd.s32 $0xFFFFD800  }
0x4c: {  	_ =	swait.ge [sflag:s19], $0x2800  }
0x4d: {  	[sflag:s19] =	ssyncset.done $0x0  }
0x4e: {  	[sflag:s19] =	ssyncadd.s32 $0xFFFFD800  }
0x4f: {  	[bflag:$0x0] =	sbarrier.arrive $0xFFFF  }
0x50: {  	[tilespmem:s21], [sflag:$0x1] =	stream.indirect.gather [spmem:s3], $0x20, s24, s20, $0xb8;
	[tilespmem:$0x17000] =	vst v63  }
0x51: {  	_ = 	snop  }
0x52: {  	[tilespmem:s22], [sflag:$0x2] =	stream.indirect.gather [spmem:s3], $0x20, s20, s20, $0xb8;
	[tilespmem:$0x17000] =	vst v63  }
0x53: {  	s10 =	simm.s32 $0x100  }
0x54: {  	[tilespmem:s25], [sflag:$0x3] =	stream.indirect.gather [spmem:s3], $0x20, s10, s20, $0xb8;
	[tilespmem:$0x17000] =	vst v63  }
0x55: {  	s5 =	simm.s32 $0x0;
	s24 =	simm.s32 $0x180  }
0x56: {  	[tilespmem:s28], [sflag:$0x4] =	stream.indirect.gather [spmem:s3], $0x20, s24, s20, $0xb8;
	[tilespmem:$0x17000] =	vst v63  }
.LBB2_2:
0x57: {  	_ =	swait.ge [sflag:s16], $0x1000  }
0x58: {  	s24 =	sshra.s32 s5, $0x2;
	[sflag:s16] =	ssyncset.done $0x0  }
0x59: {  	p0 =	seq.s32 s5, $0x0;
	s4 =	sadd.s32 $0x2800, s24;
	[sflag:s16] =	ssyncadd.s32 $0xFFFFF000  }
0x5a: {  	[spmem:s2] =	stream.indirect.scatter.add.f32 [tilespmem:s21], [sflag:$0x9], $0x20, s4, s20, $0xb8;
	[tilespmem:$0x17000] =	vst v63  }
0x5b: {  	s4 =	simm.s32 @!p0 $0xD  }
0x5c: {  	_ =	swait.ge @!p0 [sflag:s4], $0x1000  }
0x5d: {  	[sflag:s4] =	ssyncset.done @!p0 $0x0  }
0x5e: {  	s8 =	sadd.s32 $0x200, s24;
	[sflag:s4] =	ssyncadd.s32 @!p0 $0xFFFFF000  }
0x5f: {  	[tilespmem:s29], [sflag:$0x5] =	stream.indirect.gather [spmem:s3], $0x20, s8, s20, $0xb8;
	[tilespmem:$0x17000] =	vst v63  }
0x60: {  	_ =	swait.ge [sflag:s17], $0x1000  }
0x61: {  	[sflag:s17] =	ssyncset.done $0x0  }
0x62: {  	s9 =	sadd.s32 $0x2880, s24;
	s4 =	simm.s32 @!p0 $0xE;
	[sflag:s17] =	ssyncadd.s32 $0xFFFFF000  }
0x63: {  	[spmem:s2] =	stream.indirect.scatter.add.f32 [tilespmem:s22], [sflag:$0xA], $0x20, s9, s20, $0xb8;
	[tilespmem:$0x17000] =	vst v63  }
0x64: {  	_ =	swait.ge @!p0 [sflag:s4], $0x1000  }
0x65: {  	[sflag:s4] =	ssyncset.done @!p0 $0x0  }
0x66: {  	s10 =	sadd.s32 $0x280, s24;
	[sflag:s4] =	ssyncadd.s32 @!p0 $0xFFFFF000  }
0x67: {  	[tilespmem:s30], [sflag:$0x6] =	stream.indirect.gather [spmem:s3], $0x20, s10, s20, $0xb8;
	[tilespmem:$0x17000] =	vst v63  }
0x68: {  	_ =	swait.ge [sflag:s18], $0x1000  }
0x69: {  	[sflag:s18] =	ssyncset.done $0x0  }
0x6a: {  	s8 =	sadd.s32 $0x2900, s24;
	s4 =	simm.s32 @!p0 $0xF;
	[sflag:s18] =	ssyncadd.s32 $0xFFFFF000  }
0x6b: {  	[spmem:s2] =	stream.indirect.scatter.add.f32 [tilespmem:s25], [sflag:$0xB], $0x20, s8, s20, $0xb8;
	[tilespmem:$0x17000] =	vst v63  }
0x6c: {  	_ =	swait.ge @!p0 [sflag:s4], $0x1000  }
0x6d: {  	[sflag:s4] =	ssyncset.done @!p0 $0x0  }
0x6e: {  	s9 =	sadd.s32 $0x300, s24;
	[sflag:s4] =	ssyncadd.s32 @!p0 $0xFFFFF000  }
0x6f: {  	[tilespmem:s31], [sflag:$0x7] =	stream.indirect.gather [spmem:s3], $0x20, s9, s20, $0xb8;
	[tilespmem:$0x17000] =	vst v63  }
0x70: {  	_ =	swait.ge [sflag:s19], $0x1000  }
0x71: {  	[sflag:s19] =	ssyncset.done $0x0  }
0x72: {  	s10 =	sadd.s32 $0x2980, s24;
	s4 =	simm.s32 @!p0 $0x10;
	[sflag:s19] =	ssyncadd.s32 $0xFFFFF000  }
0x73: {  	[spmem:s2] =	stream.indirect.scatter.add.f32 [tilespmem:s28], [sflag:$0xC], $0x20, s10, s20, $0xb8;
	[tilespmem:$0x17000] =	vst v63  }
0x74: {  	_ =	swait.ge @!p0 [sflag:s4], $0x1000  }
0x75: {  	[sflag:s4] =	ssyncset.done @!p0 $0x0  }
0x76: {  	s8 =	sadd.s32 $0x380, s24;
	[sflag:s4] =	ssyncadd.s32 @!p0 $0xFFFFF000  }
0x77: {  	[tilespmem:s0], [sflag:$0x8] =	stream.indirect.gather [spmem:s3], $0x20, s8, s20, $0xb8;
	[tilespmem:$0x17000] =	vst v63  }
0x78: {  	_ =	swait.ge [sflag:s1], $0x1000  }
0x79: {  	[sflag:s1] =	ssyncset.done $0x0  }
0x7a: {  	s9 =	sadd.s32 $0x2A00, s24;
	[sflag:s1] =	ssyncadd.s32 $0xFFFFF000  }
0x7b: {  	[spmem:s2] =	stream.indirect.scatter.add.f32 [tilespmem:s29], [sflag:$0xD], $0x20, s9, s20, $0xb8;
	[tilespmem:$0x17000] =	vst v63  }
0x7c: {  	_ =	swait.ge [sflag:s15], $0x1000  }
0x7d: {  	p0 =	seq.s32 s5, $0x9000;
	[sflag:s15] =	ssyncset.done $0x0  }
0x7e: {  	s4 =	simm.s32 @p0 $0x6;
	[sflag:s15] =	ssyncadd.s32 $0xFFFFF000  }
0x7f: {  	_ =	swait.ge @p0 [sflag:s4], $0x1000  }
0x80: {  	[sflag:s4] =	ssyncset.done @p0 $0x0  }
0x81: {  	[sflag:s4] =	ssyncadd.s32 @p0 $0xFFFFF000;
	s4 =	sshra.s32 @p0 s5, $0x2  }
0x82: {  	s8 =	simm.s32 @p0 $0x80;
	s9 =	simm.s32 @p0 $0xA000;
	s4 =	sadd.s32 @p0 $0x2A80, s4  }
0x83: {  	[spmem:s2] =	stream.indirect.scatter.add.f32 @p0 [tilespmem:s9], [sflag:$0xE], $0x20, s4, s8, $0xb8;
	[tilespmem:$0x17000] =	vst v63  }
0x84: {  	s4 =	simm.s32 @p0 $0xA  }
0x85: {  	_ =	swait.ge @p0 [sflag:s4], $0x1000  }
0x86: {  	[sflag:s4] =	ssyncset.done @p0 $0x0  }
0x87: {  	[sflag:s4] =	ssyncadd.s32 @p0 $0xFFFFF000;
	s4 =	sshra.s32 @!p0 s5, $0x2  }
0x88: {  	s10 =	simm.s32 @!p0 $0x5000;
	s9 =	simm.s32 @!p0 $0x80;
	s8 =	sadd.s32 @!p0 $0x400, s4  }
0x89: {  	[tilespmem:s10], [sflag:$0x1] =	stream.indirect.gather @!p0 [spmem:s3], $0x20, s8, s9, $0xb8;
	[tilespmem:$0x17000] =	vst v63  }
0x8a: {  	s8 =	simm.s32 @!p0 $0x6  }
0x8b: {  	_ =	swait.ge @!p0 [sflag:s8], $0x1000  }
0x8c: {  	[sflag:s8] =	ssyncset.done @!p0 $0x0  }
0x8d: {  	s10 =	simm.s32 @!p0 $0xA000;
	[sflag:s8] =	ssyncadd.s32 @!p0 $0xFFFFF000;
	s8 =	sadd.s32 @!p0 $0x2A80, s4  }
0x8e: {  	[spmem:s2] =	stream.indirect.scatter.add.f32 @!p0 [tilespmem:s10], [sflag:$0xE], $0x20, s8, s9, $0xb8;
	[tilespmem:$0x17000] =	vst v63  }
0x8f: {  	s8 =	simm.s32 @!p0 $0xA  }
0x90: {  	_ =	swait.ge @!p0 [sflag:s8], $0x1000  }
0x91: {  	[sflag:s8] =	ssyncset.done @!p0 $0x0  }
0x92: {  	s4 =	sadd.s32 @!p0 $0x480, s4;
	[sflag:s8] =	ssyncadd.s32 @!p0 $0xFFFFF000;
	s8 =	simm.s32 @!p0 $0x6000  }
0x93: {  	[tilespmem:s8], [sflag:$0x2] =	stream.indirect.gather @!p0 [spmem:s3], $0x20, s4, s9, $0xb8;
	[tilespmem:$0x17000] =	vst v63  }
0x94: {  	_ =	swait.ge [sflag:s23], $0x1000  }
0x95: {  	[sflag:s23] =	ssyncset.done $0x0  }
.Ltmp2:
0x96: {  	s10 =	sadd.s32 $0x2B00, s24;
	[sflag:s23] =	ssyncadd.s32 $0xFFFFF000;
	(pc) =	sbr.rel @p0 .LBB2_4-.Ltmp2, $4  }
0x97: {  	[spmem:s2] =	stream.indirect.scatter.add.f32 [tilespmem:s31], [sflag:$0xF], $0x20, s10, s20, $0xb8;
	[tilespmem:$0x17000] =	vst v63  }
0x98: {  	_ =	swait.ge [sflag:s26], $0x1000  }
0x99: {  	[sflag:s26] =	ssyncset.done $0x0  }
0x9a: {  	s4 =	sadd.s32 $0x2B80, s24;
	[sflag:s26] =	ssyncadd.s32 $0xFFFFF000  }
0x9b: {  	s8 =	sadd.s32 $0x500, s24  }
0x9c: {  	[tilespmem:s25], [sflag:$0x3] =	stream.indirect.gather [spmem:s3], $0x20, s8, s20, $0xb8;
	[tilespmem:$0x17000] =	vst v63  }
0x9d: {  	_ =	swait.ge [sflag:s6], $0x1000  }
0x9e: {  	[sflag:s6] =	ssyncset.done $0x0  }
0x9f: {  	[sflag:s6] =	ssyncadd.s32 $0xFFFFF000  }
0xa0: {  	[spmem:s2] =	stream.indirect.scatter.add.f32 [tilespmem:s0], [sflag:$0x10], $0x20, s4, s20, $0xb8;
	[tilespmem:$0x17000] =	vst v63  }
.Ltmp3:
0xa1: {  	_ = 	snop;
	(pc) =	sbr.rel .LBB2_2-.Ltmp3, $4  }
0xa2: {  	_ =	swait.ge [sflag:s7], $0x1000  }
0xa3: {  	[sflag:s7] =	ssyncset.done $0x0  }
0xa4: {  	s24 =	sadd.s32 $0x580, s24;
	s5 =	sadd.s32 $0x1000, s5;
	[sflag:s7] =	ssyncadd.s32 $0xFFFFF000  }
0xa5: {  	[tilespmem:s28], [sflag:$0x4] =	stream.indirect.gather [spmem:s3], $0x20, s24, s20, $0xb8;
	[tilespmem:$0x17000] =	vst v63  }
.LBB2_5:
0xa6: {  	_ =	sfence.sel $0x180000  }
0xa7: {  	[bflag:$0x0] =	sbarrier.arrive $0xFFFF  }
0xa8: {  	_ =	strace $0x9000004D  }
0xa9: {  	s0 =	stileid.u32;
	[bflag:$0x2] =	sbarrier.arrive $0xFFFF  }
0xaa: {  	p0 =	sne.s32 s0, $0x0;
	s0 =	rddreg [dreg:$0x3]  }
0xab: {  	s0 =	sadd.s32 @!p0 $0x100000, s0  }
0xac: {  	[sflag:s0] =	ssyncadd.tile.s32 @!p0 $0x1;
	_ =	shalt  }
.Lfunc_end2:
_tile_overlayer_lowered:
.L_overlay_start_2:
0xad: {  	(tag) =	ssettag $0x2  }
0xae: {  	s0 =	rddreg [dreg:$0x0];
	s2 =	stileid.u32  }
0xaf: {  	s1 =	rddreg [dreg:$0x1];
	p0 =	sne.s32 s2, $0x0  }
0xb0: {  	s3 =	rddreg [dreg:$0x2];
	[bflag:$0x3] =	sbarrier.arrive $0xFFFF;
	s2 =	simm.s32 @!p0 $0x1C11  }
0xb1: {  	[timem:s3], [sflag:s2] =	dma.local @!p0 [hbm:s0], s1  }
0xb2: {  	s0 =	simm.s32 @!p0 $0x11  }
0xb3: {  	_ =	swait.ge @!p0 [sflag:s0], s1  }
0xb4: {  	s1 =	ssub.s32 @!p0 $0x0, s1;
	[sflag:s0] =	ssyncset.done @!p0 $0x0  }
0xb5: {  	[sflag:s0] =	ssyncadd.s32 @!p0 s1  }
0xb6: {  	[bflag:$0x3] =	sbarrier.arrive $0xFFFF  }
0xb7: {  	_ =	shalt  }

// kernel: kernel.19.cloned.1.call-start
scs
__scs_entry_jumppad:
0x0: {  	(pc) =	sbr.rel $0x88, $3  }
0x1: {  	(tag) =	ssettag $0x0;
	lr =	simm.s32 $0x1  }
0x2: {  	[smem:$0x3F97] =	sst lr;
	_ =	strace $0xD0000000  }
0x3: {  	_ = 	snop  }
0x4: {  	_ = 	snop  }
0x5: {  	_ = 	snop  }
0x6: {  	_ = 	snop  }
0x7: {  	_ = 	snop  }
__scs_overlays_trampoline_lowered:
0x8: {  	[smem:$0x3FA6] =	sst s0  }
0x9: {  	[smem:$0x3FA7] =	sst s1  }
0xa: {  	[smem:$0x3FA8] =	sst s2  }
0xb: {  	[smem:$0x3FA9] =	sst s3  }
0xc: {  	[smem:$0x3FAA] =	sst s4  }
0xd: {  	[smem:$0x3FAB] =	sst s5  }
0xe: {  	[smem:$0x3FAC] =	sst s6  }
0xf: {  	[smem:$0x3FAD] =	sst s7  }
0x10: {  	[smem:$0x3FAE] =	sst s8  }
0x11: {  	[smem:$0x3FAF] =	sst s9;
	s0 =	simm.s32 @!p0 $0x0  }
0x12: {  	s1 =	sld [smem:$0x3F95];
	s0 =	simm.s32 @p0 $0x1  }
0x13: {  	[smem:$0x3FB0] =	sst s0;
	s0 =	simm.s32 @!p1 $0x0  }
0x14: {  	s2 =	sld [smem:$0x3F94];
	s0 =	simm.s32 @p1 $0x1  }
0x15: {  	[smem:$0x3FB1] =	sst s0;
	s0 =	simm.s32 @!p2 $0x0  }
0x16: {  	s3 =	sld [smem:$0x3FDB];
	s0 =	simm.s32 @p2 $0x1  }
0x17: {  	s4 =	simm.s32 $0x1BF5;
	[smem:$0x3FB3] =	sst s0  }
0x18: {  	s0 =	sld [smem:$0x3F96];
	_ =	swait.ge [sflag:s4], $0x0  }
0x19: {  	s7 =	sld [smem:$0x3F97]  }
0x1a: {  	s8 =	sadd.s32 $0xFFFFE003, lr  }
0x1b: {  	s9 =	sadd.s32 $0xFFFFFEF7, lr;
	s5 =	simm.s32 $0xFFFFFFFF;
	p2 =	slt.u32 s8, $0xFFFFF086  }
0x1c: {  	p1 =	slt.u32 s9, $0xF7A;
	s5 =	simm.s32 @!p2 $0x0  }
0x1d: {  	s5 =	simm.s32 @p1 $0x1;
	p0 =	seq.s32 s7, s2  }
0x1e: {  	s7 =	smul.u32 @!p0 $0xF7A, s2;
	p2 =	seq.s32 @!p0 s5, $0x0  }
0x1f: {  	s9 =	smul.u32 $0xF7A, s1;
	s8 =	simm.s32 @!p0 $0x1BF5;
	p2 =	por !p2, p0  }
0x20: {  	[sflag:s8] =	ssyncset.s32 @!p0 $0xFFFFF086;
	s6 =	sadd.s32 @!p0 s3, s7;
	s7 =	simm.s32 @!p0 $0x108  }
0x21: {  	s3 =	sadd.s32 s3, s9;
	s6 =	sadd.s32 @!p0 $0x88, s6;
	s7 =	simm.s32 @p2 $0x1082  }
0x22: {  	[simem:s7], [sflag:s8] =	dma.local @!p0 [hbm:s6], $0xF7A  }
0x23: {  	s9 =	sor.u32 $0xD0000000, s2;
	s6 =	simm.s32 $0x108;
	_ =	swait.ge @!p0 [sflag:s8], $0x0  }
0x24: {  	s3 =	sadd.s32 $0x88, s3;
	s6 =	simm.s32 @!p1 $0x1082;
	[sflag:s4] =	ssyncset.s32 $0xFFFFF086  }
0x25: {  	[simem:s6], [sflag:s4] =	dma.local [hbm:s3], $0xF7A  }
0x26: {  	[smem:$0x3F97] =	sst s1;
	(tag) =	ssettag s2;
	_ =	strace s9  }
0x27: {  	s1 =	sld [smem:$0x3FA7]  }
0x28: {  	s2 =	sld [smem:$0x3FA8]  }
0x29: {  	s4 =	sld [smem:$0x3FAA]  }
0x2a: {  	p0 =	seq.s32 s5, $0x0;
	s5 =	sld [smem:$0x3FAB]  }
0x2b: {  	s6 =	sld [smem:$0x3FAC]  }
0x2c: {  	s7 =	sld [smem:$0x3FAD]  }
0x2d: {  	s3 =	simm.s32 $0x108;
	s8 =	sld [smem:$0x3FAE]  }
0x2e: {  	s3 =	simm.s32 @!p0 $0x1082;
	s9 =	sld [smem:$0x3FAF]  }
0x2f: {  	lr =	sadd.s32 s0, s3;
	s0 =	sld [smem:$0x3FA6]  }
0x30: {  	s3 =	sld [smem:$0x3FA9]  }
0x31: {  	[smem:$0x3FB2] =	sst s10  }
0x32: {  	s10 =	sld [smem:$0x3FB0];
	_ =	sdelay $0x3  }
0x33: {  	p0 =	seq.s32 s10, $0x1;
	s10 =	sld [smem:$0x3FB2];
	_ =	sdelay $0x3  }
0x34: {  	[smem:$0x3FB2] =	sst s10  }
0x35: {  	s10 =	sld [smem:$0x3FB1];
	_ =	sdelay $0x3  }
0x36: {  	p1 =	seq.s32 s10, $0x1;
	s10 =	sld [smem:$0x3FB2];
	_ =	sdelay $0x3  }
0x37: {  	[smem:$0x3FB2] =	sst s10  }
0x38: {  	s10 =	sld [smem:$0x3FB3]  }
0x39: {  	_ = 	snop;
	(pc) =	sbr.ind lr, $3  }
0x3a: {  	_ = 	snop  }
0x3b: {  	_ = 	snop  }
0x3c: {  	p2 =	seq.s32 s10, $0x1;
	s10 =	sld [smem:$0x3FB2]  }
0x3d: {  	_ =	shalt  }
0x3e: {  	_ =	shalt  }
0x3f: {  	_ =	shalt  }
0x40: {  	_ =	shalt  }
0x41: {  	_ =	shalt  }
0x42: {  	_ =	shalt  }
0x43: {  	_ =	shalt  }
0x44: {  	_ =	shalt  }
0x45: {  	_ =	shalt  }
0x46: {  	_ =	shalt  }
0x47: {  	_ =	shalt  }
0x48: {  	_ =	shalt  }
0x49: {  	_ =	shalt  }
0x4a: {  	_ =	shalt  }
0x4b: {  	_ =	shalt  }
0x4c: {  	_ =	shalt  }
0x4d: {  	_ =	shalt  }
0x4e: {  	_ =	shalt  }
0x4f: {  	_ =	shalt  }
0x50: {  	_ =	shalt  }
0x51: {  	_ =	shalt  }
0x52: {  	_ =	shalt  }
0x53: {  	_ =	shalt  }
0x54: {  	_ =	shalt  }
0x55: {  	_ =	shalt  }
0x56: {  	_ =	shalt  }
0x57: {  	_ =	shalt  }
0x58: {  	_ =	shalt  }
0x59: {  	_ =	shalt  }
0x5a: {  	_ =	shalt  }
0x5b: {  	_ =	shalt  }
0x5c: {  	_ =	shalt  }
0x5d: {  	_ =	shalt  }
0x5e: {  	_ =	shalt  }
0x5f: {  	_ =	shalt  }
0x60: {  	_ =	shalt  }
0x61: {  	_ =	shalt  }
0x62: {  	_ =	shalt  }
0x63: {  	_ =	shalt  }
0x64: {  	_ =	shalt  }
0x65: {  	_ =	shalt  }
0x66: {  	_ =	shalt  }
0x67: {  	_ =	shalt  }
0x68: {  	_ =	shalt  }
0x69: {  	_ =	shalt  }
0x6a: {  	_ =	shalt  }
0x6b: {  	_ =	shalt  }
0x6c: {  	_ =	shalt  }
0x6d: {  	_ =	shalt  }
0x6e: {  	_ =	shalt  }
0x6f: {  	_ =	shalt  }
0x70: {  	_ =	shalt  }
0x71: {  	_ =	shalt  }
0x72: {  	_ =	shalt  }
0x73: {  	_ =	shalt  }
0x74: {  	_ =	shalt  }
0x75: {  	_ =	shalt  }
0x76: {  	_ =	shalt  }
0x77: {  	_ =	shalt  }
0x78: {  	_ =	shalt  }
0x79: {  	_ =	shalt  }
0x7a: {  	_ =	shalt  }
0x7b: {  	_ =	shalt  }
0x7c: {  	_ =	shalt  }
0x7d: {  	_ =	shalt  }
0x7e: {  	_ =	shalt  }
0x7f: {  	_ =	shalt  }
0x80: {  	_ =	shalt  }
0x81: {  	_ =	shalt  }
0x82: {  	_ =	shalt  }
0x83: {  	_ =	shalt  }
0x84: {  	_ =	shalt  }
0x85: {  	_ =	shalt  }
0x86: {  	_ =	shalt  }
0x87: {  	_ =	shalt  }
.Lfunc_end0:
.L_simem_size_0:
called_computation.3_lowered:
.L_overlay_start_0:
0x88: {  	s2 =	sld [smem:$0x3FD9]  }
0x89: {  	s3 =	sld [smem:$0x3FFE];
	_ =	sdelay $0x1  }
0x8a: {  	s1 =	srdreg.scid  }
0x8b: {  	s0 =	sand.u32 $0x1, s1  }
0x8c: {  	s16 =	sshll.u32 s0, $0xA;
	s2 =	sadd.s32 s3, s2  }
0x8d: {  	s2 =	sadd.s32 s2, s16  }
0x8e: {  	[smem:$0x3FBE] =	sst s2  }
0x8f: {  	_ = 	snop  }
0x90: {  	(tm) =	ssettm $0x1  }
0x91: {  	s17 =	sld [smem:$0x3FFB];
	_ =	sdelay $0x3  }
0x92: {  	_ =	strace s17  }
0x93: {  	s2 =	sld [smem:$0x3FFC];
	_ =	sdelay $0x3  }
0x94: {  	_ =	strace s2  }
0x95: {  	s2 =	sld [smem:$0x3FFD];
	_ =	sdelay $0x3  }
0x96: {  	_ =	strace s2  }
0x97: {  	_ =	strace $0x8FFFFFFF  }
0x98: {  	s18 =	sld [smem:$0x3FDB];
	_ =	sdelay $0x1  }
0x99: {  	s19 =	simm.s32 $_scs_section_size  }
0x9a: {  	s4 =	simm.s32 $_size__tile_overlayer_lowered;
	s5 =	simm.s32 $_tile_overlayer_lowered  }
0x9b: {  	s22 =	simm.s32 $0x1BFF;
	s21 =	sshll.u32 s5, $0x1;
	s2 =	sadd.s32 s19, s18  }
0x9c: {  	s6 =	simm.s32 $0x0;
	s20 =	sshll.u32 s4, $0x1;
	s4 =	sadd.s32 s21, s2  }
0x9d: {  	[timem:s6], [sflag:s22] =	dma.local [hbm:s4], s20  }
0x9e: {  	_ =	swait.ge [sflag:s22], s20  }
0x9f: {  	s3 =	ssub.s32 $0x0, s20;
	[sflag:s22] =	ssyncset.done $0x0  }
0xa0: {  	[sflag:s22] =	ssyncadd.s32 s3;
	_ =	sdelay $0x1  }
0xa1: {  	s23 =	simm.s32 $0x1B8B  }
0xa2: {  	_ =	swait.ge [sflag:s23], $0x1  }
0xa3: {  	[sflag:s23] =	ssyncset.done $0x0  }
0xa4: {  	s25 =	simm.s32 $0x1B8E;
	s24 =	sld [smem:$0x3FFE];
	[sflag:s23] =	ssyncadd.s32 $0xFFFFFFFF  }
0xa5: {  	s26 =	simm.s32 $execute0_lowered;
	[smem:$0x3FD2] =	sst s25  }
0xa6: {  	s4 =	sshll.u32 s26, $0x1;
	_ =	strace $0x8000004F;
	[dreg:$0x1] =	wrdreg $0xFFFFFFFF  }
0xa7: {  	s28 =	simm.s32 $_size_execute0_lowered;
	s2 =	sadd.s32 s2, s4;
	[dreg:$0x0] =	wrdreg $0x0  }
0xa8: {  	s4 =	sshll.u32 s28, $0x1;
	[dreg:$0x2] =	wrdreg s2  }
0xa9: {  	[dreg:$0x3] =	wrdreg s4  }
0xaa: {  	[dreg:$0x4] =	wrdreg $0xC0  }
0xab: {  	_ =	task [dreg:s6], $0x5FFFF  }
0xac: {  	[dreg:$0x1] =	wrdreg $0xFFFFFFFF  }
0xad: {  	[dreg:$0x0] =	wrdreg $0x60  }
0xae: {  	[dreg:$0x2] =	wrdreg s24  }
0xaf: {  	[dreg:$0x3] =	wrdreg $0xD0000  }
0xb0: {  	[dreg:$0x4] =	wrdreg $0x120000  }
0xb1: {  	[dreg:$0x5] =	wrdreg $0x9  }
0xb2: {  	_ =	task.clear_ibuf [dreg:s6], $0x6FFFF;
	_ =	strace $0x9000004F  }
0xb3: {  	s29 =	simm.s32 $0x9;
	_ =	strace $0x80000051  }
0xb4: {  	_ =	swait.ge [sflag:s29], $0x1  }
0xb5: {  	[sflag:s29] =	ssyncadd.s32 $0xFFFFFFFF  }
0xb6: {  	_ =	strace $0x90000051  }
0xb7: {  	_ =	sfence  }
0xb8: {  	s30 =	sld [smem:$0x0];
	_ =	sdelay $0x2  }
0xb9: {  	s31 =	sshll.u32 s1, $0xD;
	s1 =	sshrl.u32 s1, $0x2  }
0xba: {  	s3 =	sand.u32 $0x4000, s31;
	s1 =	sadd.s32 s1, s30  }
0xbb: {  	s0 =	sor.u32 s3, s0;
	s1 =	sshll.u32 s1, $0x11  }
0xbc: {  	s0 =	sor.u32 s1, s0  }
0xbd: {  	s0 =	sadd.s32 $0x8F2B, s0  }
0xbe: {  	[sflag:s0] =	ssyncadd.remote.s32 $0x1  }
0xbf: {  	_ =	sfence.sel $0xFFFF  }
0xc0: {  	[dreg:$0x0] =	wrdreg $0xFFFFFFFF;
	(pc) =	sbr.abs _section_cstart, $3  }
0xc1: {  	[dreg:$0x1] =	wrdreg $0xFFFFFFFF  }
0xc2: {  	_ =	task.clear_ibuf [dreg:s6], $0x2FFFF;
	_ =	strace $0x9FFFFFFF  }
0xc3: {  	(tm) =	ssettm $0x7FFFFFFF  }
tec
execute0_lowered:
.L_overlay_start_1:
0x0: {  	(tag) =	ssettag $0x1  }
0x1: {  	s0 =	rddreg [dreg:$0x0]  }
0x2: {  	s2 =	rddreg [dreg:$0x1]  }
0x3: {  	s3 =	rddreg [dreg:$0x2]  }
0x4: {  	s1 =	srdreg.scid;
	s11 =	stileid.u32;
	s5 =	simm.s32 $0x0  }
0x5: {  	s16 =	simm.s32 $0x1;
	s17 =	simm.s32 $0x2;
	s18 =	simm.s32 $0x3  }
0x6: {  	s19 =	simm.s32 $0x4;
	s28 =	simm.s32 $0x8000;
	s29 =	simm.s32 $0x9000  }
0x7: {  	s30 =	simm.s32 $0xA000;
	s31 =	simm.s32 $0xB000;
	s15 =	simm.s32 $0x9  }
0x8: {  	s13 =	simm.s32 $0x11;
	s14 =	simm.s32 $0x0;
	s1 =	sand.u32 $0x1, s1  }
0x9: {  	s4 =	sshll.u32 s11, $0x1;
	[smem:$0x7FF] =	sst s5;
	s20 =	smul.u32 $0x5000, s11  }
0xa: {  	s12 =	sshll.u32 s11, $0x6;
	s4 =	sor.u32 s1, s4;
	_ =	strace $0x80000050  }
0xb: {  	s7 =	smul.u32 $0xA000, s1;
	s1 =	ssub.s32 $0x2, s1;
	s23 =	sor.u32 $0x1C01, s12  }
0xc: {  	[dreg:$0x4] =	wrdreg s12;
	s24 =	sor.u32 $0x1C02, s12;
	s12 =	simm.s32 $0x10  }
0xd: {  	s4 =	smul.u32 $0x500, s4;
	s6 =	sshrl.u32 s20, $0x3;
	s10 =	sshrl.u32 s1, $0x1  }
0xe: {  	s21 =	sadd.s32 s20, s2;
	[dreg:$0x6] =	wrdreg s23;
	s5 =	sadd.s32 s20, s3  }
0xf: {  	[dreg:$0xa] =	wrdreg s24;
	s20 =	simm.s32 $0x80;
	s23 =	simm.s32 $0x7  }
0x10: {  	s9 =	sadd.s32 s6, s0;
	s7 =	sadd.s32 s7, s0;
	s1 =	ssub.s32 s1, s10  }
0x11: {  	s11 =	sshrl.u32 s21, $0x3;
	s25 =	sshrl.u32 s5, $0x3;
	s21 =	simm.s32 $0x5000  }
0x12: {  	s8 =	sadd.s32 s4, s0;
	s22 =	sadd.s32 $0x22E00, s9;
	s9 =	sadd.s32 $0x18E00, s9  }
0x13: {  	s0 =	sadd.s32 $0xEE00, s0;
	s7 =	sadd.s32 $0x2CE00, s7;
	[dreg:$0xb] =	wrdreg s25  }
0x14: {  	s1 =	smax.u32 s1, $0x1;
	s25 =	simm.s32 $0x7000;
	[dreg:$0x5] =	wrdreg s22  }
.Ltmp0:
0x15: {  	[dreg:$0x7] =	wrdreg s9;
	s8 =	sadd.s32 $0x4E00, s8;
	(pc) =	sbr.rel .LBB2_1-.Ltmp0, $4  }
0x16: {  	[dreg:$0x9] =	wrdreg s1;
	s0 =	sadd.s32 s4, s0;
	s22 =	simm.s32 $0x6000  }
0x17: {  	s26 =	sadd.s32 s6, s7;
	s1 =	simm.s32 $0x5;
	[dreg:$0x8] =	wrdreg s8  }
0x18: {  	s6 =	simm.s32 $0x8;
	s7 =	simm.s32 $0xC;
	[dreg:$0xc] =	wrdreg s0  }
0x19: {  	[dreg:$0xd] =	wrdreg s26;
	s0 =	simm.s32 $0xC000;
	s26 =	simm.s32 $0xB  }
.LBB2_4:
0x1a: {  	_ =	swait.ge [sflag:s6], $0x1000  }
0x1b: {  	[sflag:s6] =	ssyncset.done $0x0  }
0x1c: {  	[sflag:s6] =	ssyncadd.s32 $0xFFFFF000  }
0x1d: {  	[spmem:s2] =	stream.indirect.scatter.add.f32 [tilespmem:s0], [sflag:$0x10], $0x20, s4, s20, $0xb8;
	[tilespmem:$0x17000] =	vst v63  }
0x1e: {  	_ =	swait.ge [sflag:s7], $0x1000  }
0x1f: {  	[sflag:s7] =	ssyncset.done $0x0  }
0x20: {  	s5 =	simm.s32 $0xD;
	[sflag:s7] =	ssyncadd.s32 $0xFFFFF000  }
0x21: {  	_ =	swait.ge [sflag:s5], $0x1000  }
0x22: {  	[sflag:s5] =	ssyncset.done $0x0  }
0x23: {  	s8 =	simm.s32 $0xE;
	[sflag:s5] =	ssyncadd.s32 $0xFFFFF000  }
0x24: {  	_ =	swait.ge [sflag:s8], $0x1000  }
0x25: {  	[sflag:s8] =	ssyncset.done $0x0  }
0x26: {  	s9 =	simm.s32 $0xF;
	[sflag:s8] =	ssyncadd.s32 $0xFFFFF000  }
0x27: {  	_ =	swait.ge [sflag:s9], $0x1000  }
0x28: {  	[sflag:s9] =	ssyncset.done $0x0  }
0x29: {  	[sflag:s9] =	ssyncadd.s32 $0xFFFFF000  }
0x2a: {  	_ =	swait.ge [sflag:s12], $0x1000  }
0x2b: {  	[sflag:s12] =	ssyncset.done $0x0  }
0x2c: {  	[sflag:s12] =	ssyncadd.s32 $0xFFFFF000  }
0x2d: {  	[bflag:$0x0] =	sbarrier.arrive $0xFFFF  }
0x2e: {  	s10 =	rddreg [dreg:$0x4]  }
0x2f: {  	s5 =	rddreg [dreg:$0xd];
	s4 =	sor.u32 $0x1C11, s10  }
0x30: {  	[hbm:s5], [sflag:s4] =	dma.local [spmem:s11], $0xA00  }
0x31: {  	_ =	swait.ge [sflag:s13], $0xA00  }
0x32: {  	s14 =	sadd.s32 $0x1, s14;
	s24 =	rddreg [dreg:$0x9]  }
0x33: {  	p0 =	sne.s32 s14, s24  }
.Ltmp1:
0x34: {  	_ = 	snop;
	(pc) =	sbr.rel @!p0 .LBB2_5-.Ltmp1, $3  }
0x35: {  	_ =	sdelay $0x1  }
0x36: {  	[sflag:s13] =	ssyncset.done $0x0  }
0x37: {  	[sflag:s13] =	ssyncadd.s32 $0xFFFFF600  }
.LBB2_1:
0x38: {  	s4 =	rddreg [dreg:$0x5]  }
0x39: {  	s5 =	rddreg [dreg:$0x6]  }
0x3a: {  	[spmem:s11], [sflag:s5] =	dma.local [hbm:s4], $0xA00  }
0x3b: {  	s4 =	rddreg [dreg:$0x7]  }
0x3c: {  	s5 =	rddreg [dreg:$0xa]  }
0x3d: {  	s8 =	rddreg [dreg:$0xb]  }
0x3e: {  	[spmem:s8], [sflag:s5] =	dma.local [hbm:s4], $0xA00  }
0x3f: {  	s24 =	simm.s32 $0x0;
	s5 =	rddreg [dreg:$0x8]  }
0x40: {  	[tilespmem:s24], [sflag:$0x3] =	stream.linear.gather [hbm4b:s5+s24], $0x2800, $0x38;
	[tilespmem:$0x17000] =	vst v63  }
0x41: {  	s9 =	simm.s32 $0x2800;
	s8 =	rddreg [dreg:$0xc]  }
0x42: {  	[tilespmem:s9], [sflag:$0x4] =	stream.linear.gather [hbm4b:s8+s24], $0x2800, $0x38;
	[tilespmem:$0x17000] =	vst v63  }
0x43: {  	_ =	swait.ge [sflag:s16], $0xA00  }
0x44: {  	[sflag:s16] =	ssyncset.done $0x0  }
0x45: {  	[sflag:s16] =	ssyncadd.s32 $0xFFFFF600  }
0x46: {  	_ =	swait.ge [sflag:s17], $0xA00  }
0x47: {  	[sflag:s17] =	ssyncset.done $0x0  }
0x48: {  	[sflag:s17] =	ssyncadd.s32 $0xFFFFF600  }
0x49: {  	_ =	swait.ge [sflag:s18], $0x2800  }
0x4a: {  	[sflag:s18] =	ssyncset.done $0x0  }
0x4b: {  	[sflag:s18] =	ssyncadd.s32 $0xFFFFD800  }
0x4c: {  	_ =	swait.ge [sflag:s19], $0x2800  }
0x4d: {  	[sflag:s19] =	ssyncset.done $0x0  }
0x4e: {  	[sflag:s19] =	ssyncadd.s32 $0xFFFFD800  }
0x4f: {  	[bflag:$0x0] =	sbarrier.arrive $0xFFFF  }
0x50: {  	[tilespmem:s21], [sflag:$0x1] =	stream.indirect.gather [spmem:s3], $0x20, s24, s20, $0xb8;
	[tilespmem:$0x17000] =	vst v63  }
0x51: {  	_ = 	snop  }
0x52: {  	[tilespmem:s22], [sflag:$0x2] =	stream.indirect.gather [spmem:s3], $0x20, s20, s20, $0xb8;
	[tilespmem:$0x17000] =	vst v63  }
0x53: {  	s10 =	simm.s32 $0x100  }
0x54: {  	[tilespmem:s25], [sflag:$0x3] =	stream.indirect.gather [spmem:s3], $0x20, s10, s20, $0xb8;
	[tilespmem:$0x17000] =	vst v63  }
0x55: {  	s5 =	simm.s32 $0x0;
	s24 =	simm.s32 $0x180  }
0x56: {  	[tilespmem:s28], [sflag:$0x4] =	stream.indirect.gather [spmem:s3], $0x20, s24, s20, $0xb8;
	[tilespmem:$0x17000] =	vst v63  }
.LBB2_2:
0x57: {  	_ =	swait.ge [sflag:s16], $0x1000  }
0x58: {  	s24 =	sshra.s32 s5, $0x2;
	[sflag:s16] =	ssyncset.done $0x0  }
0x59: {  	p0 =	seq.s32 s5, $0x0;
	s4 =	sadd.s32 $0x2800, s24;
	[sflag:s16] =	ssyncadd.s32 $0xFFFFF000  }
0x5a: {  	[spmem:s2] =	stream.indirect.scatter.add.f32 [tilespmem:s21], [sflag:$0x9], $0x20, s4, s20, $0xb8;
	[tilespmem:$0x17000] =	vst v63  }
0x5b: {  	s4 =	simm.s32 @!p0 $0xD  }
0x5c: {  	_ =	swait.ge @!p0 [sflag:s4], $0x1000  }
0x5d: {  	[sflag:s4] =	ssyncset.done @!p0 $0x0  }
0x5e: {  	s8 =	sadd.s32 $0x200, s24;
	[sflag:s4] =	ssyncadd.s32 @!p0 $0xFFFFF000  }
0x5f: {  	[tilespmem:s29], [sflag:$0x5] =	stream.indirect.gather [spmem:s3], $0x20, s8, s20, $0xb8;
	[tilespmem:$0x17000] =	vst v63  }
0x60: {  	_ =	swait.ge [sflag:s17], $0x1000  }
0x61: {  	[sflag:s17] =	ssyncset.done $0x0  }
0x62: {  	s9 =	sadd.s32 $0x2880, s24;
	s4 =	simm.s32 @!p0 $0xE;
	[sflag:s17] =	ssyncadd.s32 $0xFFFFF000  }
0x63: {  	[spmem:s2] =	stream.indirect.scatter.add.f32 [tilespmem:s22], [sflag:$0xA], $0x20, s9, s20, $0xb8;
	[tilespmem:$0x17000] =	vst v63  }
0x64: {  	_ =	swait.ge @!p0 [sflag:s4], $0x1000  }
0x65: {  	[sflag:s4] =	ssyncset.done @!p0 $0x0  }
0x66: {  	s10 =	sadd.s32 $0x280, s24;
	[sflag:s4] =	ssyncadd.s32 @!p0 $0xFFFFF000  }
0x67: {  	[tilespmem:s30], [sflag:$0x6] =	stream.indirect.gather [spmem:s3], $0x20, s10, s20, $0xb8;
	[tilespmem:$0x17000] =	vst v63  }
0x68: {  	_ =	swait.ge [sflag:s18], $0x1000  }
0x69: {  	[sflag:s18] =	ssyncset.done $0x0  }
0x6a: {  	s8 =	sadd.s32 $0x2900, s24;
	s4 =	simm.s32 @!p0 $0xF;
	[sflag:s18] =	ssyncadd.s32 $0xFFFFF000  }
0x6b: {  	[spmem:s2] =	stream.indirect.scatter.add.f32 [tilespmem:s25], [sflag:$0xB], $0x20, s8, s20, $0xb8;
	[tilespmem:$0x17000] =	vst v63  }
0x6c: {  	_ =	swait.ge @!p0 [sflag:s4], $0x1000  }
0x6d: {  	[sflag:s4] =	ssyncset.done @!p0 $0x0  }
0x6e: {  	s9 =	sadd.s32 $0x300, s24;
	[sflag:s4] =	ssyncadd.s32 @!p0 $0xFFFFF000  }
0x6f: {  	[tilespmem:s31], [sflag:$0x7] =	stream.indirect.gather [spmem:s3], $0x20, s9, s20, $0xb8;
	[tilespmem:$0x17000] =	vst v63  }
0x70: {  	_ =	swait.ge [sflag:s19], $0x1000  }
0x71: {  	[sflag:s19] =	ssyncset.done $0x0  }
0x72: {  	s10 =	sadd.s32 $0x2980, s24;
	s4 =	simm.s32 @!p0 $0x10;
	[sflag:s19] =	ssyncadd.s32 $0xFFFFF000  }
0x73: {  	[spmem:s2] =	stream.indirect.scatter.add.f32 [tilespmem:s28], [sflag:$0xC], $0x20, s10, s20, $0xb8;
	[tilespmem:$0x17000] =	vst v63  }
0x74: {  	_ =	swait.ge @!p0 [sflag:s4], $0x1000  }
0x75: {  	[sflag:s4] =	ssyncset.done @!p0 $0x0  }
0x76: {  	s8 =	sadd.s32 $0x380, s24;
	[sflag:s4] =	ssyncadd.s32 @!p0 $0xFFFFF000  }
0x77: {  	[tilespmem:s0], [sflag:$0x8] =	stream.indirect.gather [spmem:s3], $0x20, s8, s20, $0xb8;
	[tilespmem:$0x17000] =	vst v63  }
0x78: {  	_ =	swait.ge [sflag:s1], $0x1000  }
0x79: {  	[sflag:s1] =	ssyncset.done $0x0  }
0x7a: {  	s9 =	sadd.s32 $0x2A00, s24;
	[sflag:s1] =	ssyncadd.s32 $0xFFFFF000  }
0x7b: {  	[spmem:s2] =	stream.indirect.scatter.add.f32 [tilespmem:s29], [sflag:$0xD], $0x20, s9, s20, $0xb8;
	[tilespmem:$0x17000] =	vst v63  }
0x7c: {  	_ =	swait.ge [sflag:s15], $0x1000  }
0x7d: {  	p0 =	seq.s32 s5, $0x9000;
	[sflag:s15] =	ssyncset.done $0x0  }
0x7e: {  	s4 =	simm.s32 @p0 $0x6;
	[sflag:s15] =	ssyncadd.s32 $0xFFFFF000  }
0x7f: {  	_ =	swait.ge @p0 [sflag:s4], $0x1000  }
0x80: {  	[sflag:s4] =	ssyncset.done @p0 $0x0  }
0x81: {  	[sflag:s4] =	ssyncadd.s32 @p0 $0xFFFFF000;
	s4 =	sshra.s32 @p0 s5, $0x2  }
0x82: {  	s8 =	simm.s32 @p0 $0x80;
	s9 =	simm.s32 @p0 $0xA000;
	s4 =	sadd.s32 @p0 $0x2A80, s4  }
0x83: {  	[spmem:s2] =	stream.indirect.scatter.add.f32 @p0 [tilespmem:s9], [sflag:$0xE], $0x20, s4, s8, $0xb8;
	[tilespmem:$0x17000] =	vst v63  }
0x84: {  	s4 =	simm.s32 @p0 $0xA  }
0x85: {  	_ =	swait.ge @p0 [sflag:s4], $0x1000  }
0x86: {  	[sflag:s4] =	ssyncset.done @p0 $0x0  }
0x87: {  	[sflag:s4] =	ssyncadd.s32 @p0 $0xFFFFF000;
	s4 =	sshra.s32 @!p0 s5, $0x2  }
0x88: {  	s10 =	simm.s32 @!p0 $0x5000;
	s9 =	simm.s32 @!p0 $0x80;
	s8 =	sadd.s32 @!p0 $0x400, s4  }
0x89: {  	[tilespmem:s10], [sflag:$0x1] =	stream.indirect.gather @!p0 [spmem:s3], $0x20, s8, s9, $0xb8;
	[tilespmem:$0x17000] =	vst v63  }
0x8a: {  	s8 =	simm.s32 @!p0 $0x6  }
0x8b: {  	_ =	swait.ge @!p0 [sflag:s8], $0x1000  }
0x8c: {  	[sflag:s8] =	ssyncset.done @!p0 $0x0  }
0x8d: {  	s10 =	simm.s32 @!p0 $0xA000;
	[sflag:s8] =	ssyncadd.s32 @!p0 $0xFFFFF000;
	s8 =	sadd.s32 @!p0 $0x2A80, s4  }
0x8e: {  	[spmem:s2] =	stream.indirect.scatter.add.f32 @!p0 [tilespmem:s10], [sflag:$0xE], $0x20, s8, s9, $0xb8;
	[tilespmem:$0x17000] =	vst v63  }
0x8f: {  	s8 =	simm.s32 @!p0 $0xA  }
0x90: {  	_ =	swait.ge @!p0 [sflag:s8], $0x1000  }
0x91: {  	[sflag:s8] =	ssyncset.done @!p0 $0x0  }
0x92: {  	s4 =	sadd.s32 @!p0 $0x480, s4;
	[sflag:s8] =	ssyncadd.s32 @!p0 $0xFFFFF000;
	s8 =	simm.s32 @!p0 $0x6000  }
0x93: {  	[tilespmem:s8], [sflag:$0x2] =	stream.indirect.gather @!p0 [spmem:s3], $0x20, s4, s9, $0xb8;
	[tilespmem:$0x17000] =	vst v63  }
0x94: {  	_ =	swait.ge [sflag:s23], $0x1000  }
0x95: {  	[sflag:s23] =	ssyncset.done $0x0  }
.Ltmp2:
0x96: {  	s10 =	sadd.s32 $0x2B00, s24;
	[sflag:s23] =	ssyncadd.s32 $0xFFFFF000;
	(pc) =	sbr.rel @p0 .LBB2_4-.Ltmp2, $4  }
0x97: {  	[spmem:s2] =	stream.indirect.scatter.add.f32 [tilespmem:s31], [sflag:$0xF], $0x20, s10, s20, $0xb8;
	[tilespmem:$0x17000] =	vst v63  }
0x98: {  	_ =	swait.ge [sflag:s26], $0x1000  }
0x99: {  	[sflag:s26] =	ssyncset.done $0x0  }
0x9a: {  	s4 =	sadd.s32 $0x2B80, s24;
	[sflag:s26] =	ssyncadd.s32 $0xFFFFF000  }
0x9b: {  	s8 =	sadd.s32 $0x500, s24  }
0x9c: {  	[tilespmem:s25], [sflag:$0x3] =	stream.indirect.gather [spmem:s3], $0x20, s8, s20, $0xb8;
	[tilespmem:$0x17000] =	vst v63  }
0x9d: {  	_ =	swait.ge [sflag:s6], $0x1000  }
0x9e: {  	[sflag:s6] =	ssyncset.done $0x0  }
0x9f: {  	[sflag:s6] =	ssyncadd.s32 $0xFFFFF000  }
0xa0: {  	[spmem:s2] =	stream.indirect.scatter.add.f32 [tilespmem:s0], [sflag:$0x10], $0x20, s4, s20, $0xb8;
	[tilespmem:$0x17000] =	vst v63  }
.Ltmp3:
0xa1: {  	_ = 	snop;
	(pc) =	sbr.rel .LBB2_2-.Ltmp3, $4  }
0xa2: {  	_ =	swait.ge [sflag:s7], $0x1000  }
0xa3: {  	[sflag:s7] =	ssyncset.done $0x0  }
0xa4: {  	s24 =	sadd.s32 $0x580, s24;
	s5 =	sadd.s32 $0x1000, s5;
	[sflag:s7] =	ssyncadd.s32 $0xFFFFF000  }
0xa5: {  	[tilespmem:s28], [sflag:$0x4] =	stream.indirect.gather [spmem:s3], $0x20, s24, s20, $0xb8;
	[tilespmem:$0x17000] =	vst v63  }
.LBB2_5:
0xa6: {  	_ =	sfence.sel $0x180000  }
0xa7: {  	[bflag:$0x0] =	sbarrier.arrive $0xFFFF  }
0xa8: {  	_ =	strace $0x90000050  }
0xa9: {  	s0 =	stileid.u32;
	[bflag:$0x2] =	sbarrier.arrive $0xFFFF  }
0xaa: {  	p0 =	sne.s32 s0, $0x0;
	s0 =	rddreg [dreg:$0x3]  }
0xab: {  	s0 =	sadd.s32 @!p0 $0x100000, s0  }
0xac: {  	[sflag:s0] =	ssyncadd.tile.s32 @!p0 $0x1;
	_ =	shalt  }
.Lfunc_end2:
_tile_overlayer_lowered:
.L_overlay_start_2:
0xad: {  	(tag) =	ssettag $0x2  }
0xae: {  	s0 =	rddreg [dreg:$0x0];
	s2 =	stileid.u32  }
0xaf: {  	s1 =	rddreg [dreg:$0x1];
	p0 =	sne.s32 s2, $0x0  }
0xb0: {  	s3 =	rddreg [dreg:$0x2];
	[bflag:$0x3] =	sbarrier.arrive $0xFFFF;
	s2 =	simm.s32 @!p0 $0x1C11  }
0xb1: {  	[timem:s3], [sflag:s2] =	dma.local @!p0 [hbm:s0], s1  }
0xb2: {  	s0 =	simm.s32 @!p0 $0x11  }
0xb3: {  	_ =	swait.ge @!p0 [sflag:s0], s1  }
0xb4: {  	s1 =	ssub.s32 @!p0 $0x0, s1;
	[sflag:s0] =	ssyncset.done @!p0 $0x0  }
0xb5: {  	[sflag:s0] =	ssyncadd.s32 @!p0 s1  }
0xb6: {  	[bflag:$0x3] =	sbarrier.arrive $0xFFFF  }
0xb7: {  	_ =	shalt  }

</sc_bundles>
